<compile_context>
chip_gen: v7x
topology: tpu7x:2x2x1
jax: 0.10.2.dev20260603
libtpu: 0.0.44.dev20260713+nightly
codegen_flags: <defaults>
</compile_context>

<pallas_src>
import functools

import jax
import jax.numpy as jnp
from jax import lax
from jax.experimental import pallas as pl
from jax.experimental.pallas import tpu as pltpu
from jax.experimental.pallas import tpu_sc as plsc

N = 10000
NP = 10240
E = 320000
GQ = 128
NCORES = 2
NSUB = 16
TILES = NCORES * NSUB
KSTEP = 128
NSTEP = NP // KSTEP // 1 * 1
EPT = NP
NSTEP = EPT // KSTEP
EP = TILES * EPT
BR = 256
GRID = NP // BR
RPT = NP // NSUB



def _sc_scatter_fn(w):
    mesh = plsc.VectorSubcoreMesh(core_axis_name="c", subcore_axis_name="s", num_cores=NCORES, num_subcores=NSUB)

    @functools.partial(
        pl.kernel,
        out_type=jax.ShapeDtypeStruct((NCORES, NP, w), jnp.float32),
        mesh=mesh,
        scratch_types=[
            pltpu.VMEM((KSTEP,), jnp.int32),
            pltpu.VMEM((KSTEP,), jnp.int32),
            pltpu.VMEM((KSTEP, w), jnp.float32),
            pltpu.VMEM_SHARED((NP, w), jnp.float32),
            pltpu.SemaphoreType.DMA,
        ],
    )
    def body(t_hbm, src_hbm, dst_hbm, zeros_hbm, out_hbm, idx_s, idx_d, rows,
             acc, sem):
        cid = lax.axis_index("c")
        sid = lax.axis_index("s")
        tid = cid * NSUB + sid
        pltpu.sync_copy(zeros_hbm, acc.at[pl.ds(sid * RPT, RPT)])
        plsc.subcore_barrier()

        def step(k, carry):
            pltpu.sync_copy(src_hbm.at[tid, k], idx_s)
            pltpu.async_copy(t_hbm.at[idx_s], rows, sem).wait()
            pltpu.sync_copy(dst_hbm.at[tid, k], idx_d)
            pltpu.sync_copy(rows, acc.at[idx_d], add=True)
            return carry

        lax.fori_loop(0, NSTEP, step, 0)
        plsc.subcore_barrier()
        r0 = sid * RPT
        pltpu.sync_copy(acc.at[pl.ds(r0, RPT)], out_hbm.at[cid, pl.ds(r0, RPT)])

    return body


def _sc_deg_fn():
    w = 128
    mesh = plsc.VectorSubcoreMesh(core_axis_name="c", subcore_axis_name="s", num_cores=NCORES, num_subcores=NSUB)

    @functools.partial(
        pl.kernel,
        out_type=jax.ShapeDtypeStruct((NCORES, NP, w), jnp.float32),
        mesh=mesh,
        scratch_types=[
            pltpu.VMEM((KSTEP,), jnp.int32),
            pltpu.VMEM((KSTEP, w), jnp.float32),
            pltpu.VMEM_SHARED((NP, w), jnp.float32),
        ],
    )
    def body(ones_hbm, dst_hbm, zeros_hbm, out_hbm, idx_d, ones_v, acc):
        cid = lax.axis_index("c")
        sid = lax.axis_index("s")
        tid = cid * NSUB + sid
        pltpu.sync_copy(ones_hbm, ones_v)
        pltpu.sync_copy(zeros_hbm, acc.at[pl.ds(sid * RPT, RPT)])
        plsc.subcore_barrier()

        def step(k, carry):
            pltpu.sync_copy(dst_hbm.at[tid, k], idx_d)
            pltpu.sync_copy(ones_v, acc.at[idx_d], add=True)
            return carry

        lax.fori_loop(0, NSTEP, step, 0)
        plsc.subcore_barrier()
        r0 = sid * RPT
        pltpu.sync_copy(acc.at[pl.ds(r0, RPT)], out_hbm.at[cid, pl.ds(r0, RPT)])

    return body


_sc_scatter128 = _sc_scatter_fn(128)
_sc_deg = _sc_deg_fn()



def _row_spec(shape_tail):
    return pl.BlockSpec((BR,) + shape_tail, lambda i: (i,) + (0,) * len(shape_tail))


def _full_spec(shape):
    nd = len(shape)
    return pl.BlockSpec(shape, lambda i: (0,) * nd)


def _tc1(xp, W1, degp):
    def body(x_ref, w_ref, dp_ref, t_ref, u_ref):
        deg = dp_ref[0, :, 0:1] + dp_ref[1, :, 0:1] + 1.0
        u = lax.rsqrt(deg)
        u_ref[...] = u
        t_ref[...] = u * jnp.dot(x_ref[...], w_ref[...],
                                 preferred_element_type=jnp.float32)

    return pl.pallas_call(
        body,
        grid=(GRID,),
        in_specs=[_row_spec((128,)), _full_spec((128, 128)),
                  pl.BlockSpec((2, BR, 128), lambda i: (0, i, 0))],
        out_specs=[_row_spec((128,)), _row_spec((1,))],
        out_shape=[jax.ShapeDtypeStruct((NP, 128), jnp.float32),
                   jax.ShapeDtypeStruct((NP, 1), jnp.float32)],
    )(xp, W1, degp)


def _tc2(rawp, t1, u, b1):
    def body(r_ref, t_ref, u_ref, b_ref, o_ref):
        u = u_ref[...]
        h = jnp.maximum(u * (r_ref[0] + r_ref[1] + t_ref[...]) + b_ref[...], 0.0)
        o_ref[...] = u * h

    return pl.pallas_call(
        body,
        grid=(GRID,),
        in_specs=[pl.BlockSpec((2, BR, 128), lambda i: (0, i, 0)),
                  _row_spec((128,)), _row_spec((1,)), _full_spec((1, 128))],
        out_specs=_row_spec((128,)),
        out_shape=jax.ShapeDtypeStruct((NP, 128), jnp.float32),
    )(rawp, t1, u, b1)


def _tc3(rawp, t2, u, W2, b2):
    def body(r_ref, t_ref, u_ref, w_ref, b_ref, o_ref):
        u = u_ref[...]
        agg = u * (r_ref[0] + r_ref[1] + t_ref[...])
        y = jnp.dot(agg, w_ref[...], preferred_element_type=jnp.float32)
        o_ref[...] = u * jnp.maximum(y + b_ref[...], 0.0)

    return pl.pallas_call(
        body,
        grid=(GRID,),
        in_specs=[pl.BlockSpec((2, BR, 128), lambda i: (0, i, 0)),
                  _row_spec((128,)), _row_spec((1,)), _full_spec((128, 128)),
                  _full_spec((1, 128))],
        out_specs=_row_spec((128,)),
        out_shape=jax.ShapeDtypeStruct((NP, 128), jnp.float32),
    )(rawp, t2, u, W2, b2)


def _tc4(rawp, t3, u, W3, b3):
    def body(r_ref, t_ref, u_ref, w_ref, b_ref, o_ref):
        u = u_ref[...]
        agg = u * (r_ref[0] + r_ref[1] + t_ref[...])
        y = jnp.dot(agg, w_ref[...], preferred_element_type=jnp.float32)
        y = u * jnp.maximum(y + b_ref[...], 0.0)
        o_ref[0] = y[:, :128]
        o_ref[1] = y[:, 128:]

    return pl.pallas_call(
        body,
        grid=(GRID,),
        in_specs=[pl.BlockSpec((2, BR, 128), lambda i: (0, i, 0)),
                  _row_spec((128,)), _row_spec((1,)), _full_spec((128, 256)),
                  _full_spec((1, 256))],
        out_specs=pl.BlockSpec((2, BR, 128), lambda i: (0, i, 0)),
        out_shape=jax.ShapeDtypeStruct((2, NP, 128), jnp.float32),
    )(rawp, t3, u, W3, b3)


def _tc5(r4a, r4b, t4, u, W4, b4):
    def body(ra_ref, rb_ref, t_ref, u_ref, w_ref, b_ref, o_ref):
        u = u_ref[...]
        agg0 = u * (ra_ref[0] + ra_ref[1] + t_ref[0])
        agg1 = u * (rb_ref[0] + rb_ref[1] + t_ref[1])
        y = (jnp.dot(agg0, w_ref[:128, :], preferred_element_type=jnp.float32)
             + jnp.dot(agg1, w_ref[128:, :], preferred_element_type=jnp.float32))
        y = u * jnp.maximum(y + b_ref[...], 0.0)
        for s in range(4):
            o_ref[s] = y[:, s * 128:(s + 1) * 128]

    sl = pl.BlockSpec((2, BR, 128), lambda i: (0, i, 0))
    return pl.pallas_call(
        body,
        grid=(GRID,),
        in_specs=[sl, sl, sl, _row_spec((1,)), _full_spec((256, 512)),
                  _full_spec((1, 512))],
        out_specs=pl.BlockSpec((4, BR, 128), lambda i: (0, i, 0)),
        out_shape=jax.ShapeDtypeStruct((4, NP, 128), jnp.float32),
    )(r4a, r4b, t4, u, W4, b4)


def _tc6(r5a, r5b, r5c, r5d, t5, u, W5, b5):
    def body(ra, rb, rc, rd, t_ref, u_ref, w_ref, b_ref, o_ref):
        u = u_ref[...]
        rs = (ra, rb, rc, rd)
        y = b_ref[...]
        for s in range(4):
            agg = u * (rs[s][0] + rs[s][1] + t_ref[s])
            y = y + jnp.dot(agg, w_ref[s * 128:(s + 1) * 128, :],
                            preferred_element_type=jnp.float32)
        o_ref[...] = jnp.maximum(y, 0.0)

    sl = pl.BlockSpec((2, BR, 128), lambda i: (0, i, 0))
    return pl.pallas_call(
        body,
        grid=(GRID,),
        in_specs=[sl, sl, sl, sl,
                  pl.BlockSpec((4, BR, 128), lambda i: (0, i, 0)),
                  _row_spec((1,)), _full_spec((512, 1024)),
                  _full_spec((1, 1024))],
        out_specs=_row_spec((1024,)),
        out_shape=jax.ShapeDtypeStruct((NP, 1024), jnp.float32),
    )(r5a, r5b, r5c, r5d, t5, u, W5, b5)


CH = 128


def _tc_pool(batchp, h5):
    def body(b_ref, h_hbm, z_ref, scr, sem):
        g = pl.program_id(0)
        b = b_ref[...]
        start = jnp.sum((b < g).astype(jnp.int32))
        cnt = jnp.sum((b == g).astype(jnp.int32))
        start8 = pl.multiple_of((start // 8) * 8, 8)
        end = start + cnt
        ninf = jnp.float32(-jnp.inf)

        def cond(c):
            return start8 + c[0] < end

        def step(c):
            i, s, m = c
            off = pl.multiple_of(start8 + i, 8)
            cp = pltpu.make_async_copy(h_hbm.at[pl.ds(off, CH)], scr, sem)
            cp.start()
            cp.wait()
            gidx = lax.broadcasted_iota(jnp.int32, (CH, 1), 0) + (start8 + i)
            valid = (gidx >= start) & (gidx < end)
            chunk = scr[...]
            s = s + jnp.sum(jnp.where(valid, chunk, 0.0), axis=0, keepdims=True)
            m = jnp.maximum(m, jnp.max(jnp.where(valid, chunk, ninf), axis=0,
                                       keepdims=True))
            return i + CH, s, m

        z0 = jnp.zeros((1, 1024), jnp.float32)
        _, ssum, smax = lax.while_loop(cond, step, (0, z0, z0 + ninf))
        cntf = cnt.astype(jnp.float32)
        mean = ssum / jnp.maximum(cntf, 1.0)
        mx = jnp.where(cnt > 0, smax, 0.0)
        z_ref[...] = jnp.concatenate([mean, mx], axis=1)[None]

    return pl.pallas_call(
        body,
        grid=(GQ,),
        in_specs=[pl.BlockSpec((NP // 128, 128), lambda g: (0, 0)),
                  pl.BlockSpec(memory_space=pl.ANY)],
        out_specs=pl.BlockSpec((1, 1, 2048), lambda g: (g, 0, 0)),
        out_shape=jax.ShapeDtypeStruct((GQ, 1, 2048), jnp.float32),
        scratch_shapes=[pltpu.VMEM((CH, 1024), jnp.float32),
                        pltpu.SemaphoreType.DMA],
    )(batchp, h5)


def _tc_mlp(z, fcW1, fcb1, fcW2, fcb2, fcW3, fcb3):
    def body(z_ref, w1, b1, w2, b2, w3, b3, o_ref):
        a = jnp.maximum(jnp.dot(z_ref[...], w1[...],
                                preferred_element_type=jnp.float32) + b1[...], 0.0)
        a = jnp.maximum(jnp.dot(a, w2[...],
                                preferred_element_type=jnp.float32) + b2[...], 0.0)
        o_ref[...] = jnp.dot(a, w3[...],
                             preferred_element_type=jnp.float32) + b3[...]

    return pl.pallas_call(
        body,
        out_shape=jax.ShapeDtypeStruct((GQ, 7), jnp.float32),
    )(z, fcW1, fcb1, fcW2, fcb2, fcW3, fcb3)



def kernel(x, edge_index, batch, W1, b1, W2, b2, W3, b3, W4, b4, W5, b5,
           fcW1, fcb1, fcW2, fcb2, fcW3, fcb3):
    src, dst = edge_index[0], edge_index[1]
    xp = jnp.pad(x, ((0, NP - N), (0, 0)))
    src3 = jnp.pad(src, (0, EP - E)).reshape(TILES, NSTEP, KSTEP)
    dst3 = jnp.pad(dst, (0, EP - E),
                   constant_values=NP - 1).reshape(TILES, NSTEP, KSTEP)
    batchp = jnp.pad(batch, (0, NP - N),
                     constant_values=GQ).reshape(NP // 128, 128)
    z128 = jnp.zeros((RPT, 128), jnp.float32)
    ones128 = jnp.ones((KSTEP, 128), jnp.float32)
    W1p = jnp.pad(W1, ((0, 0), (0, 64)))
    W2p = jnp.pad(W2, ((0, 64), (0, 0)))
    b1p = jnp.pad(b1, (0, 64)).reshape(1, -1)

    degp = _sc_deg(ones128, dst3, z128)
    t1, u = _tc1(xp, W1p, degp)
    r1 = _sc_scatter128(t1, src3, dst3, z128)
    t2 = _tc2(r1, t1, u, b1p)
    r2 = _sc_scatter128(t2, src3, dst3, z128)
    t3 = _tc3(r2, t2, u, W2p, b2.reshape(1, -1))
    r3 = _sc_scatter128(t3, src3, dst3, z128)
    t4 = _tc4(r3, t3, u, W3, b3.reshape(1, -1))
    r4a = _sc_scatter128(t4[0], src3, dst3, z128)
    r4b = _sc_scatter128(t4[1], src3, dst3, z128)
    t5 = _tc5(r4a, r4b, t4, u, W4, b4.reshape(1, -1))
    r5 = [_sc_scatter128(t5[s], src3, dst3, z128) for s in range(4)]
    h5 = _tc6(r5[0], r5[1], r5[2], r5[3], t5, u, W5,
              b5.reshape(1, -1))
    z = _tc_pool(batchp, h5).reshape(GQ, 2048)
    return _tc_mlp(z, fcW1, fcb1.reshape(1, -1), fcW2, fcb2.reshape(1, -1),
                   fcW3, fcb3.reshape(1, -1))

# --- scband reference (transcript-rebuilt; emitter-appended) ---
"""Pipeline reference for scband-gcnmodel-773094113611 (READ-ONLY COPY).

The authoritative reference and input builder live on the scoring server;
editing this copy changes nothing except your own understanding.
"""

import jax, jax.numpy as jnp
import numpy as np

N = 10000
E = 320000
G = 128


def setup_inputs(seed: int = 0):
    key = jax.random.key(seed)
    ks = jax.random.split(key, 24)
    inp = {}
    inp["x"] = jax.random.normal(ks[0], (N, 128), dtype=jnp.float32)
    inp["edge_index"] = jax.random.randint(ks[1], (2, E), 0, N, dtype=jnp.int32)
    inp["batch"] = jnp.sort(jax.random.randint(ks[2], (N,), 0, G, dtype=jnp.int32))
    dims = [128, 64, 128, 256, 512, 1024]
    for i in range(5):
        fi, fo = dims[i], dims[i + 1]
        inp["W%d" % (i + 1)] = jax.random.normal(ks[3 + i], (fi, fo), dtype=jnp.float32) / np.sqrt(fi)
        inp["b%d" % (i + 1)] = jnp.zeros((fo,), dtype=jnp.float32)
    fc = [(2048, 512), (512, 256), (256, 7)]
    for i, (fi, fo) in enumerate(fc):
        inp["fcW%d" % (i + 1)] = jax.random.normal(ks[10 + i], (fi, fo), dtype=jnp.float32) / np.sqrt(fi)
        inp["fcb%d" % (i + 1)] = jnp.zeros((fo,), dtype=jnp.float32)
    return inp


def _gcn(x, W, b, src, dst, n):
    # PyG GCNConv: add self-loops, symmetric normalization, scatter-add aggregation
    h = x @ W
    loop = jnp.arange(n, dtype=src.dtype)
    s2 = jnp.concatenate([src, loop])
    d2 = jnp.concatenate([dst, loop])
    deg = jax.ops.segment_sum(jnp.ones(s2.shape[0], dtype=h.dtype), d2, num_segments=n)
    dis = jnp.where(deg > 0, 1.0 / jnp.sqrt(deg), 0.0)
    norm = dis[s2] * dis[d2]
    out = jax.ops.segment_sum(h[s2] * norm[:, None], d2, num_segments=n)
    return out + b


def reference(x, edge_index, batch, W1, b1, W2, b2, W3, b3, W4, b4, W5, b5, fcW1, fcb1, fcW2, fcb2, fcW3, fcb3):
    n = x.shape[0]
    src, dst = edge_index[0], edge_index[1]
    h = jax.nn.relu(_gcn(x, W1, b1, src, dst, n))
    h = jax.nn.relu(_gcn(h, W2, b2, src, dst, n))
    h = jax.nn.relu(_gcn(h, W3, b3, src, dst, n))
    h = jax.nn.relu(_gcn(h, W4, b4, src, dst, n))
    h = jax.nn.relu(_gcn(h, W5, b5, src, dst, n))
    counts = jax.ops.segment_sum(jnp.ones((n,), dtype=h.dtype), batch, num_segments=G)
    mean = jax.ops.segment_sum(h, batch, num_segments=G) / jnp.maximum(counts, 1.0)[:, None]
    mx = jax.ops.segment_max(h, batch, num_segments=G)
    mx = jnp.where(counts[:, None] > 0, mx, 0.0)
    z = jnp.concatenate([mean, mx], axis=1)
    z = jax.nn.relu(z @ fcW1 + fcb1)
    z = jax.nn.relu(z @ fcW2 + fcb2)
    return z @ fcW3 + fcb3

if __name__ == "__main__":
    import jax
    _d = setup_inputs()
    print(jax.jit(kernel)(*tuple(_d.values())))

</pallas_src>

<mosaic_0001>
#map = affine_map<(d0, d1) -> (0, 0)>
#map1 = affine_map<(d0, d1) -> (0, 0, 0)>
module attributes {stable_mosaic.version = 14 : i64} {
  func.func @body(%arg0: i32, %arg1: i32, %arg2: memref<10240x128xf32, #tpu.memory_space<hbm>>, %arg3: memref<32x80x128xi32, #tpu.memory_space<hbm>>, %arg4: memref<32x80x128xi32, #tpu.memory_space<hbm>>, %arg5: memref<640x128xf32, #tpu.memory_space<hbm>>, %arg6: memref<2x10240x128xf32, #tpu.memory_space<hbm>>, %arg7: memref<128xi32, #tpu.memory_space<vmem>>, %arg8: memref<128xi32, #tpu.memory_space<vmem>>, %arg9: memref<128x128xf32, #tpu.memory_space<vmem>>, %arg10: memref<10240x128xf32, #tpu.memory_space<vmem_shared>>, %arg11: memref<!tpu.dma_semaphore, #tpu.memory_space<semaphore_mem>>) attributes {dimension_semantics = [#tpu.dimension_semantics<core_parallel>, #tpu.dimension_semantics<subcore_parallel>], iteration_bounds = array<i64: 2, 16>, scalar_prefetch = 0 : i64, scratch_operands = 5 : i64, tpu.core_type = #tpu.core_type<sc_vector_subcore>, window_params = [{transform_indices = #map}, {transform_indices = #map1}, {transform_indices = #map1}, {transform_indices = #map}, {transform_indices = #map1}]} {
    %mul3A = arith.constant 16 : i32
    %mul3A_0 = arith.muli %arg0, %mul3A : i32
    %add3A = arith.addi %mul3A_0, %arg1 : i32
    %mul3A_1 = arith.constant 640 : i32
    %mul3A_2 = arith.muli %arg1, %mul3A_1 : i32
    "tpu.region"() ({
      %run_scoped3A = tpu.sem_alloc : memref<!tpu.dma_semaphore, #tpu.memory_space<semaphore_mem>>
      %dma_start3A = arith.constant 0 : i32
      %dma_start3A_11 = tpu.memref_slice %arg10[%mul3A_2, %dma_start3A] : memref<10240x128xf32, #tpu.memory_space<vmem_shared>> -> memref<640x128xf32, #tpu.memory_space<vmem_shared>>
      tpu.enqueue_dma source(%arg5 : memref<640x128xf32, #tpu.memory_space<hbm>>) target(%dma_start3A_11 : memref<640x128xf32, #tpu.memory_space<vmem_shared>>) target_semaphore(%run_scoped3A : memref<!tpu.dma_semaphore, #tpu.memory_space<semaphore_mem>>)
      %dma_wait3A = arith.constant 0 : i32
      %dma_wait3A_12 = tpu.memref_slice %arg10[%mul3A_2, %dma_wait3A] : memref<10240x128xf32, #tpu.memory_space<vmem_shared>> -> memref<640x128xf32, #tpu.memory_space<vmem_shared>>
      tpu.wait_dma2 semaphore(%run_scoped3A : memref<!tpu.dma_semaphore, #tpu.memory_space<semaphore_mem>>) src(%arg5 : memref<640x128xf32, #tpu.memory_space<hbm>>) dst(%dma_wait3A_12 : memref<640x128xf32, #tpu.memory_space<vmem_shared>>)
      tpu.yield
    }) : () -> ()
    %barrier3A = arith.constant 0 : index
    tpu.barrier barrier_id(%barrier3A)
    %scan3A = arith.constant 0 : i32
    %scan3A_3 = arith.constant 0 : i32
    %scan3A_4 = arith.constant 80 : i32
    %scan3A_5 = arith.addi %scan3A_3, %scan3A_4 : i32
    %scan3A_6 = arith.constant 1 : i32
    scf.for %scan3A_11 = %scan3A_3 to %scan3A_5 step %scan3A_6  : i32 {
      "tpu.region"() ({
        %run_scoped3A = tpu.sem_alloc : memref<!tpu.dma_semaphore, #tpu.memory_space<semaphore_mem>>
        %dma_start3A_16 = arith.constant 0 : i32
        %dma_start3A_17 = tpu.memref_slice %arg3[%add3A, %scan3A_11, %dma_start3A_16] : memref<32x80x128xi32, #tpu.memory_space<hbm>> -> memref<1x1x128xi32, #tpu.memory_space<hbm>>
        %dma_start3A_18 = tpu.memref_squeeze %dma_start3A_17 : memref<1x1x128xi32, #tpu.memory_space<hbm>> -> memref<128xi32, #tpu.memory_space<hbm>>
        %dma_start3A_19 = arith.constant 0 : i32
        %dma_start3A_20 = tpu.memref_slice %arg3[%add3A, %scan3A_11, %dma_start3A_19] : memref<32x80x128xi32, #tpu.memory_space<hbm>> -> memref<1x1x128xi32, #tpu.memory_space<hbm>>
        %dma_start3A_21 = tpu.memref_squeeze %dma_start3A_20 : memref<1x1x128xi32, #tpu.memory_space<hbm>> -> memref<128xi32, #tpu.memory_space<hbm>>
        tpu.enqueue_dma source(%dma_start3A_21 : memref<128xi32, #tpu.memory_space<hbm>>) target(%arg7 : memref<128xi32, #tpu.memory_space<vmem>>) target_semaphore(%run_scoped3A : memref<!tpu.dma_semaphore, #tpu.memory_space<semaphore_mem>>)
        %dma_wait3A_22 = arith.constant 0 : i32
        %dma_wait3A_23 = tpu.memref_slice %arg3[%add3A, %scan3A_11, %dma_wait3A_22] : memref<32x80x128xi32, #tpu.memory_space<hbm>> -> memref<1x1x128xi32, #tpu.memory_space<hbm>>
        %dma_wait3A_24 = tpu.memref_squeeze %dma_wait3A_23 : memref<1x1x128xi32, #tpu.memory_space<hbm>> -> memref<128xi32, #tpu.memory_space<hbm>>
        %dma_wait3A_25 = arith.constant 0 : i32
        %dma_wait3A_26 = tpu.memref_slice %arg3[%add3A, %scan3A_11, %dma_wait3A_25] : memref<32x80x128xi32, #tpu.memory_space<hbm>> -> memref<1x1x128xi32, #tpu.memory_space<hbm>>
        %dma_wait3A_27 = tpu.memref_squeeze %dma_wait3A_26 : memref<1x1x128xi32, #tpu.memory_space<hbm>> -> memref<128xi32, #tpu.memory_space<hbm>>
        tpu.wait_dma2 semaphore(%run_scoped3A : memref<!tpu.dma_semaphore, #tpu.memory_space<semaphore_mem>>) src(%dma_wait3A_27 : memref<128xi32, #tpu.memory_space<hbm>>) dst(%arg7 : memref<128xi32, #tpu.memory_space<vmem>>)
        tpu.yield
      }) : () -> ()
      %dma_start3A = arith.constant 0 : i32
      %dma_start3A_12 = arith.constant 0 : i32
      %dma_start3A_13 = tpu.memref_slice %arg2[%dma_start3A, %dma_start3A_12] : memref<10240x128xf32, #tpu.memory_space<hbm>> -> memref<10240x128xf32, #tpu.memory_space<hbm>>
      tpu.enqueue_indirect_dma source(%dma_start3A_13 : memref<10240x128xf32, #tpu.memory_space<hbm>>) target(%arg9 : memref<128x128xf32, #tpu.memory_space<vmem>>) offsets(%arg7 : memref<128xi32, #tpu.memory_space<vmem>>) semaphore(%arg11 : memref<!tpu.dma_semaphore, #tpu.memory_space<semaphore_mem>>)
      %dma_wait3A = arith.constant 0 : i32
      %dma_wait3A_14 = arith.constant 0 : i32
      %dma_wait3A_15 = tpu.memref_slice %arg2[%dma_wait3A, %dma_wait3A_14] : memref<10240x128xf32, #tpu.memory_space<hbm>> -> memref<10240x128xf32, #tpu.memory_space<hbm>>
      tpu.wait_indirect_dma semaphore(%arg11 : memref<!tpu.dma_semaphore, #tpu.memory_space<semaphore_mem>>) src(%dma_wait3A_15 : memref<10240x128xf32, #tpu.memory_space<hbm>>) dst(%arg9 : memref<128x128xf32, #tpu.memory_space<vmem>>)
      "tpu.region"() ({
        %run_scoped3A = tpu.sem_alloc : memref<!tpu.dma_semaphore, #tpu.memory_space<semaphore_mem>>
        %dma_start3A_16 = arith.constant 0 : i32
        %dma_start3A_17 = tpu.memref_slice %arg4[%add3A, %scan3A_11, %dma_start3A_16] : memref<32x80x128xi32, #tpu.memory_space<hbm>> -> memref<1x1x128xi32, #tpu.memory_space<hbm>>
        %dma_start3A_18 = tpu.memref_squeeze %dma_start3A_17 : memref<1x1x128xi32, #tpu.memory_space<hbm>> -> memref<128xi32, #tpu.memory_space<hbm>>
        %dma_start3A_19 = arith.constant 0 : i32
        %dma_start3A_20 = tpu.memref_slice %arg4[%add3A, %scan3A_11, %dma_start3A_19] : memref<32x80x128xi32, #tpu.memory_space<hbm>> -> memref<1x1x128xi32, #tpu.memory_space<hbm>>
        %dma_start3A_21 = tpu.memref_squeeze %dma_start3A_20 : memref<1x1x128xi32, #tpu.memory_space<hbm>> -> memref<128xi32, #tpu.memory_space<hbm>>
        tpu.enqueue_dma source(%dma_start3A_21 : memref<128xi32, #tpu.memory_space<hbm>>) target(%arg8 : memref<128xi32, #tpu.memory_space<vmem>>) target_semaphore(%run_scoped3A : memref<!tpu.dma_semaphore, #tpu.memory_space<semaphore_mem>>)
        %dma_wait3A_22 = arith.constant 0 : i32
        %dma_wait3A_23 = tpu.memref_slice %arg4[%add3A, %scan3A_11, %dma_wait3A_22] : memref<32x80x128xi32, #tpu.memory_space<hbm>> -> memref<1x1x128xi32, #tpu.memory_space<hbm>>
        %dma_wait3A_24 = tpu.memref_squeeze %dma_wait3A_23 : memref<1x1x128xi32, #tpu.memory_space<hbm>> -> memref<128xi32, #tpu.memory_space<hbm>>
        %dma_wait3A_25 = arith.constant 0 : i32
        %dma_wait3A_26 = tpu.memref_slice %arg4[%add3A, %scan3A_11, %dma_wait3A_25] : memref<32x80x128xi32, #tpu.memory_space<hbm>> -> memref<1x1x128xi32, #tpu.memory_space<hbm>>
        %dma_wait3A_27 = tpu.memref_squeeze %dma_wait3A_26 : memref<1x1x128xi32, #tpu.memory_space<hbm>> -> memref<128xi32, #tpu.memory_space<hbm>>
        tpu.wait_dma2 semaphore(%run_scoped3A : memref<!tpu.dma_semaphore, #tpu.memory_space<semaphore_mem>>) src(%dma_wait3A_27 : memref<128xi32, #tpu.memory_space<hbm>>) dst(%arg8 : memref<128xi32, #tpu.memory_space<vmem>>)
        tpu.yield
      }) : () -> ()
      "tpu.region"() ({
        %run_scoped3A = tpu.sem_alloc : memref<!tpu.dma_semaphore, #tpu.memory_space<semaphore_mem>>
        %dma_start3A_16 = arith.constant 0 : i32
        %dma_start3A_17 = arith.constant 0 : i32
        %dma_start3A_18 = tpu.memref_slice %arg10[%dma_start3A_16, %dma_start3A_17] : memref<10240x128xf32, #tpu.memory_space<vmem_shared>> -> memref<10240x128xf32, #tpu.memory_space<vmem_shared>>
        tpu.enqueue_indirect_dma source(%arg9 : memref<128x128xf32, #tpu.memory_space<vmem>>) target(%dma_start3A_18 : memref<10240x128xf32, #tpu.memory_space<vmem_shared>>) offsets(%arg8 : memref<128xi32, #tpu.memory_space<vmem>>) semaphore(%run_scoped3A : memref<!tpu.dma_semaphore, #tpu.memory_space<semaphore_mem>>) {add = true}
        %dma_wait3A_19 = arith.constant 0 : i32
        %dma_wait3A_20 = arith.constant 0 : i32
        %dma_wait3A_21 = tpu.memref_slice %arg10[%dma_wait3A_19, %dma_wait3A_20] : memref<10240x128xf32, #tpu.memory_space<vmem_shared>> -> memref<10240x128xf32, #tpu.memory_space<vmem_shared>>
        tpu.wait_indirect_dma semaphore(%run_scoped3A : memref<!tpu.dma_semaphore, #tpu.memory_space<semaphore_mem>>) src(%arg9 : memref<128x128xf32, #tpu.memory_space<vmem>>) dst(%dma_wait3A_21 : memref<10240x128xf32, #tpu.memory_space<vmem_shared>>)
        tpu.yield
      }) : () -> ()
    }
    %scan3A_7 = arith.constant 80 : i32
    %barrier3A_8 = arith.constant 0 : index
    tpu.barrier barrier_id(%barrier3A_8)
    %mul3A_9 = arith.constant 640 : i32
    %mul3A_10 = arith.muli %arg1, %mul3A_9 : i32
    "tpu.region"() ({
      %run_scoped3A = tpu.sem_alloc : memref<!tpu.dma_semaphore, #tpu.memory_space<semaphore_mem>>
      %dma_start3A = arith.constant 0 : i32
      %dma_start3A_11 = tpu.memref_slice %arg6[%arg0, %mul3A_10, %dma_start3A] : memref<2x10240x128xf32, #tpu.memory_space<hbm>> -> memref<1x640x128xf32, #tpu.memory_space<hbm>>
      %dma_start3A_12 = tpu.memref_squeeze %dma_start3A_11 : memref<1x640x128xf32, #tpu.memory_space<hbm>> -> memref<640x128xf32, #tpu.memory_space<hbm>>
      %dma_start3A_13 = arith.constant 0 : i32
      %dma_start3A_14 = tpu.memref_slice %arg10[%mul3A_10, %dma_start3A_13] : memref<10240x128xf32, #tpu.memory_space<vmem_shared>> -> memref<640x128xf32, #tpu.memory_space<vmem_shared>>
      tpu.enqueue_dma source(%dma_start3A_14 : memref<640x128xf32, #tpu.memory_space<vmem_shared>>) target(%dma_start3A_12 : memref<640x128xf32, #tpu.memory_space<hbm>>) target_semaphore(%run_scoped3A : memref<!tpu.dma_semaphore, #tpu.memory_space<semaphore_mem>>)
      %dma_wait3A = arith.constant 0 : i32
      %dma_wait3A_15 = tpu.memref_slice %arg6[%arg0, %mul3A_10, %dma_wait3A] : memref<2x10240x128xf32, #tpu.memory_space<hbm>> -> memref<1x640x128xf32, #tpu.memory_space<hbm>>
      %dma_wait3A_16 = tpu.memref_squeeze %dma_wait3A_15 : memref<1x640x128xf32, #tpu.memory_space<hbm>> -> memref<640x128xf32, #tpu.memory_space<hbm>>
      %dma_wait3A_17 = arith.constant 0 : i32
      %dma_wait3A_18 = tpu.memref_slice %arg10[%mul3A_10, %dma_wait3A_17] : memref<10240x128xf32, #tpu.memory_space<vmem_shared>> -> memref<640x128xf32, #tpu.memory_space<vmem_shared>>
      tpu.wait_dma2 semaphore(%run_scoped3A : memref<!tpu.dma_semaphore, #tpu.memory_space<semaphore_mem>>) src(%dma_wait3A_18 : memref<640x128xf32, #tpu.memory_space<vmem_shared>>) dst(%dma_wait3A_16 : memref<640x128xf32, #tpu.memory_space<hbm>>)
      tpu.yield
    }) : () -> ()
    return
  }
}

#map = affine_map<(d0, d1) -> (0, 0)>
#map1 = affine_map<(d0, d1) -> (0, 0, 0)>
module attributes {stable_mosaic.version = 14 : i64} {
  func.func @body(%arg0: i32, %arg1: i32, %arg2: memref<128x128xf32, #tpu.memory_space<hbm>>, %arg3: memref<32x80x128xi32, #tpu.memory_space<hbm>>, %arg4: memref<640x128xf32, #tpu.memory_space<hbm>>, %arg5: memref<2x10240x128xf32, #tpu.memory_space<hbm>>, %arg6: memref<128xi32, #tpu.memory_space<vmem>>, %arg7: memref<128x128xf32, #tpu.memory_space<vmem>>, %arg8: memref<10240x128xf32, #tpu.memory_space<vmem_shared>>) attributes {dimension_semantics = [#tpu.dimension_semantics<core_parallel>, #tpu.dimension_semantics<subcore_parallel>], iteration_bounds = array<i64: 2, 16>, scalar_prefetch = 0 : i64, scratch_operands = 3 : i64, tpu.core_type = #tpu.core_type<sc_vector_subcore>, window_params = [{transform_indices = #map}, {transform_indices = #map1}, {transform_indices = #map}, {transform_indices = #map1}]} {
    %mul3A = arith.constant 16 : i32
    %mul3A_0 = arith.muli %arg0, %mul3A : i32
    %add3A = arith.addi %mul3A_0, %arg1 : i32
    "tpu.region"() ({
      %run_scoped3A = tpu.sem_alloc : memref<!tpu.dma_semaphore, #tpu.memory_space<semaphore_mem>>
      tpu.enqueue_dma source(%arg2 : memref<128x128xf32, #tpu.memory_space<hbm>>) target(%arg7 : memref<128x128xf32, #tpu.memory_space<vmem>>) target_semaphore(%run_scoped3A : memref<!tpu.dma_semaphore, #tpu.memory_space<semaphore_mem>>)
      tpu.wait_dma2 semaphore(%run_scoped3A : memref<!tpu.dma_semaphore, #tpu.memory_space<semaphore_mem>>) src(%arg2 : memref<128x128xf32, #tpu.memory_space<hbm>>) dst(%arg7 : memref<128x128xf32, #tpu.memory_space<vmem>>)
      tpu.yield
    }) : () -> ()
    %mul3A_1 = arith.constant 640 : i32
    %mul3A_2 = arith.muli %arg1, %mul3A_1 : i32
    "tpu.region"() ({
      %run_scoped3A = tpu.sem_alloc : memref<!tpu.dma_semaphore, #tpu.memory_space<semaphore_mem>>
      %dma_start3A = arith.constant 0 : i32
      %dma_start3A_11 = tpu.memref_slice %arg8[%mul3A_2, %dma_start3A] : memref<10240x128xf32, #tpu.memory_space<vmem_shared>> -> memref<640x128xf32, #tpu.memory_space<vmem_shared>>
      tpu.enqueue_dma source(%arg4 : memref<640x128xf32, #tpu.memory_space<hbm>>) target(%dma_start3A_11 : memref<640x128xf32, #tpu.memory_space<vmem_shared>>) target_semaphore(%run_scoped3A : memref<!tpu.dma_semaphore, #tpu.memory_space<semaphore_mem>>)
      %dma_wait3A = arith.constant 0 : i32
      %dma_wait3A_12 = tpu.memref_slice %arg8[%mul3A_2, %dma_wait3A] : memref<10240x128xf32, #tpu.memory_space<vmem_shared>> -> memref<640x128xf32, #tpu.memory_space<vmem_shared>>
      tpu.wait_dma2 semaphore(%run_scoped3A : memref<!tpu.dma_semaphore, #tpu.memory_space<semaphore_mem>>) src(%arg4 : memref<640x128xf32, #tpu.memory_space<hbm>>) dst(%dma_wait3A_12 : memref<640x128xf32, #tpu.memory_space<vmem_shared>>)
      tpu.yield
    }) : () -> ()
    %barrier3A = arith.constant 0 : index
    tpu.barrier barrier_id(%barrier3A)
    %scan3A = arith.constant 0 : i32
    %scan3A_3 = arith.constant 0 : i32
    %scan3A_4 = arith.constant 80 : i32
    %scan3A_5 = arith.addi %scan3A_3, %scan3A_4 : i32
    %scan3A_6 = arith.constant 1 : i32
    scf.for %scan3A_11 = %scan3A_3 to %scan3A_5 step %scan3A_6  : i32 {
      "tpu.region"() ({
        %run_scoped3A = tpu.sem_alloc : memref<!tpu.dma_semaphore, #tpu.memory_space<semaphore_mem>>
        %dma_start3A = arith.constant 0 : i32
        %dma_start3A_12 = tpu.memref_slice %arg3[%add3A, %scan3A_11, %dma_start3A] : memref<32x80x128xi32, #tpu.memory_space<hbm>> -> memref<1x1x128xi32, #tpu.memory_space<hbm>>
        %dma_start3A_13 = tpu.memref_squeeze %dma_start3A_12 : memref<1x1x128xi32, #tpu.memory_space<hbm>> -> memref<128xi32, #tpu.memory_space<hbm>>
        %dma_start3A_14 = arith.constant 0 : i32
        %dma_start3A_15 = tpu.memref_slice %arg3[%add3A, %scan3A_11, %dma_start3A_14] : memref<32x80x128xi32, #tpu.memory_space<hbm>> -> memref<1x1x128xi32, #tpu.memory_space<hbm>>
        %dma_start3A_16 = tpu.memref_squeeze %dma_start3A_15 : memref<1x1x128xi32, #tpu.memory_space<hbm>> -> memref<128xi32, #tpu.memory_space<hbm>>
        tpu.enqueue_dma source(%dma_start3A_16 : memref<128xi32, #tpu.memory_space<hbm>>) target(%arg6 : memref<128xi32, #tpu.memory_space<vmem>>) target_semaphore(%run_scoped3A : memref<!tpu.dma_semaphore, #tpu.memory_space<semaphore_mem>>)
        %dma_wait3A = arith.constant 0 : i32
        %dma_wait3A_17 = tpu.memref_slice %arg3[%add3A, %scan3A_11, %dma_wait3A] : memref<32x80x128xi32, #tpu.memory_space<hbm>> -> memref<1x1x128xi32, #tpu.memory_space<hbm>>
        %dma_wait3A_18 = tpu.memref_squeeze %dma_wait3A_17 : memref<1x1x128xi32, #tpu.memory_space<hbm>> -> memref<128xi32, #tpu.memory_space<hbm>>
        %dma_wait3A_19 = arith.constant 0 : i32
        %dma_wait3A_20 = tpu.memref_slice %arg3[%add3A, %scan3A_11, %dma_wait3A_19] : memref<32x80x128xi32, #tpu.memory_space<hbm>> -> memref<1x1x128xi32, #tpu.memory_space<hbm>>
        %dma_wait3A_21 = tpu.memref_squeeze %dma_wait3A_20 : memref<1x1x128xi32, #tpu.memory_space<hbm>> -> memref<128xi32, #tpu.memory_space<hbm>>
        tpu.wait_dma2 semaphore(%run_scoped3A : memref<!tpu.dma_semaphore, #tpu.memory_space<semaphore_mem>>) src(%dma_wait3A_21 : memref<128xi32, #tpu.memory_space<hbm>>) dst(%arg6 : memref<128xi32, #tpu.memory_space<vmem>>)
        tpu.yield
      }) : () -> ()
      "tpu.region"() ({
        %run_scoped3A = tpu.sem_alloc : memref<!tpu.dma_semaphore, #tpu.memory_space<semaphore_mem>>
        %dma_start3A = arith.constant 0 : i32
        %dma_start3A_12 = arith.constant 0 : i32
        %dma_start3A_13 = tpu.memref_slice %arg8[%dma_start3A, %dma_start3A_12] : memref<10240x128xf32, #tpu.memory_space<vmem_shared>> -> memref<10240x128xf32, #tpu.memory_space<vmem_shared>>
        tpu.enqueue_indirect_dma source(%arg7 : memref<128x128xf32, #tpu.memory_space<vmem>>) target(%dma_start3A_13 : memref<10240x128xf32, #tpu.memory_space<vmem_shared>>) offsets(%arg6 : memref<128xi32, #tpu.memory_space<vmem>>) semaphore(%run_scoped3A : memref<!tpu.dma_semaphore, #tpu.memory_space<semaphore_mem>>) {add = true}
        %dma_wait3A = arith.constant 0 : i32
        %dma_wait3A_14 = arith.constant 0 : i32
        %dma_wait3A_15 = tpu.memref_slice %arg8[%dma_wait3A, %dma_wait3A_14] : memref<10240x128xf32, #tpu.memory_space<vmem_shared>> -> memref<10240x128xf32, #tpu.memory_space<vmem_shared>>
        tpu.wait_indirect_dma semaphore(%run_scoped3A : memref<!tpu.dma_semaphore, #tpu.memory_space<semaphore_mem>>) src(%arg7 : memref<128x128xf32, #tpu.memory_space<vmem>>) dst(%dma_wait3A_15 : memref<10240x128xf32, #tpu.memory_space<vmem_shared>>)
        tpu.yield
      }) : () -> ()
    }
    %scan3A_7 = arith.constant 80 : i32
    %barrier3A_8 = arith.constant 0 : index
    tpu.barrier barrier_id(%barrier3A_8)
    %mul3A_9 = arith.constant 640 : i32
    %mul3A_10 = arith.muli %arg1, %mul3A_9 : i32
    "tpu.region"() ({
      %run_scoped3A = tpu.sem_alloc : memref<!tpu.dma_semaphore, #tpu.memory_space<semaphore_mem>>
      %dma_start3A = arith.constant 0 : i32
      %dma_start3A_11 = tpu.memref_slice %arg5[%arg0, %mul3A_10, %dma_start3A] : memref<2x10240x128xf32, #tpu.memory_space<hbm>> -> memref<1x640x128xf32, #tpu.memory_space<hbm>>
      %dma_start3A_12 = tpu.memref_squeeze %dma_start3A_11 : memref<1x640x128xf32, #tpu.memory_space<hbm>> -> memref<640x128xf32, #tpu.memory_space<hbm>>
      %dma_start3A_13 = arith.constant 0 : i32
      %dma_start3A_14 = tpu.memref_slice %arg8[%mul3A_10, %dma_start3A_13] : memref<10240x128xf32, #tpu.memory_space<vmem_shared>> -> memref<640x128xf32, #tpu.memory_space<vmem_shared>>
      tpu.enqueue_dma source(%dma_start3A_14 : memref<640x128xf32, #tpu.memory_space<vmem_shared>>) target(%dma_start3A_12 : memref<640x128xf32, #tpu.memory_space<hbm>>) target_semaphore(%run_scoped3A : memref<!tpu.dma_semaphore, #tpu.memory_space<semaphore_mem>>)
      %dma_wait3A = arith.constant 0 : i32
      %dma_wait3A_15 = tpu.memref_slice %arg5[%arg0, %mul3A_10, %dma_wait3A] : memref<2x10240x128xf32, #tpu.memory_space<hbm>> -> memref<1x640x128xf32, #tpu.memory_space<hbm>>
      %dma_wait3A_16 = tpu.memref_squeeze %dma_wait3A_15 : memref<1x640x128xf32, #tpu.memory_space<hbm>> -> memref<640x128xf32, #tpu.memory_space<hbm>>
      %dma_wait3A_17 = arith.constant 0 : i32
      %dma_wait3A_18 = tpu.memref_slice %arg8[%mul3A_10, %dma_wait3A_17] : memref<10240x128xf32, #tpu.memory_space<vmem_shared>> -> memref<640x128xf32, #tpu.memory_space<vmem_shared>>
      tpu.wait_dma2 semaphore(%run_scoped3A : memref<!tpu.dma_semaphore, #tpu.memory_space<semaphore_mem>>) src(%dma_wait3A_18 : memref<640x128xf32, #tpu.memory_space<vmem_shared>>) dst(%dma_wait3A_16 : memref<640x128xf32, #tpu.memory_space<hbm>>)
      tpu.yield
    }) : () -> ()
    return
  }
}

#map = affine_map<(d0, d1) -> (0, 0)>
#map1 = affine_map<(d0, d1) -> (0, 0, 0)>
module attributes {stable_mosaic.version = 14 : i64} {
  func.func @body(%arg0: i32, %arg1: i32, %arg2: memref<10240x128xf32, #tpu.memory_space<hbm>>, %arg3: memref<32x80x128xi32, #tpu.memory_space<hbm>>, %arg4: memref<32x80x128xi32, #tpu.memory_space<hbm>>, %arg5: memref<640x128xf32, #tpu.memory_space<hbm>>, %arg6: memref<2x10240x128xf32, #tpu.memory_space<hbm>>, %arg7: memref<128xi32, #tpu.memory_space<vmem>>, %arg8: memref<128xi32, #tpu.memory_space<vmem>>, %arg9: memref<128x128xf32, #tpu.memory_space<vmem>>, %arg10: memref<10240x128xf32, #tpu.memory_space<vmem_shared>>, %arg11: memref<!tpu.dma_semaphore, #tpu.memory_space<semaphore_mem>>) attributes {dimension_semantics = [#tpu.dimension_semantics<core_parallel>, #tpu.dimension_semantics<subcore_parallel>], iteration_bounds = array<i64: 2, 16>, scalar_prefetch = 0 : i64, scratch_operands = 5 : i64, tpu.core_type = #tpu.core_type<sc_vector_subcore>, window_params = [{transform_indices = #map}, {transform_indices = #map1}, {transform_indices = #map1}, {transform_indices = #map}, {transform_indices = #map1}]} {
    %mul3A = arith.constant 16 : i32
    %mul3A_0 = arith.muli %arg0, %mul3A : i32
    %add3A = arith.addi %mul3A_0, %arg1 : i32
    %mul3A_1 = arith.constant 640 : i32
    %mul3A_2 = arith.muli %arg1, %mul3A_1 : i32
    "tpu.region"() ({
      %run_scoped3A = tpu.sem_alloc : memref<!tpu.dma_semaphore, #tpu.memory_space<semaphore_mem>>
      %dma_start3A = arith.constant 0 : i32
      %dma_start3A_11 = tpu.memref_slice %arg10[%mul3A_2, %dma_start3A] : memref<10240x128xf32, #tpu.memory_space<vmem_shared>> -> memref<640x128xf32, #tpu.memory_space<vmem_shared>>
      tpu.enqueue_dma source(%arg5 : memref<640x128xf32, #tpu.memory_space<hbm>>) target(%dma_start3A_11 : memref<640x128xf32, #tpu.memory_space<vmem_shared>>) target_semaphore(%run_scoped3A : memref<!tpu.dma_semaphore, #tpu.memory_space<semaphore_mem>>)
      %dma_wait3A = arith.constant 0 : i32
      %dma_wait3A_12 = tpu.memref_slice %arg10[%mul3A_2, %dma_wait3A] : memref<10240x128xf32, #tpu.memory_space<vmem_shared>> -> memref<640x128xf32, #tpu.memory_space<vmem_shared>>
      tpu.wait_dma2 semaphore(%run_scoped3A : memref<!tpu.dma_semaphore, #tpu.memory_space<semaphore_mem>>) src(%arg5 : memref<640x128xf32, #tpu.memory_space<hbm>>) dst(%dma_wait3A_12 : memref<640x128xf32, #tpu.memory_space<vmem_shared>>)
      tpu.yield
    }) : () -> ()
    %barrier3A = arith.constant 0 : index
    tpu.barrier barrier_id(%barrier3A)
    %scan3A = arith.constant 0 : i32
    %scan3A_3 = arith.constant 0 : i32
    %scan3A_4 = arith.constant 80 : i32
    %scan3A_5 = arith.addi %scan3A_3, %scan3A_4 : i32
    %scan3A_6 = arith.constant 1 : i32
    scf.for %scan3A_11 = %scan3A_3 to %scan3A_5 step %scan3A_6  : i32 {
      "tpu.region"() ({
        %run_scoped3A = tpu.sem_alloc : memref<!tpu.dma_semaphore, #tpu.memory_space<semaphore_mem>>
        %dma_start3A_16 = arith.constant 0 : i32
        %dma_start3A_17 = tpu.memref_slice %arg3[%add3A, %scan3A_11, %dma_start3A_16] : memref<32x80x128xi32, #tpu.memory_space<hbm>> -> memref<1x1x128xi32, #tpu.memory_space<hbm>>
        %dma_start3A_18 = tpu.memref_squeeze %dma_start3A_17 : memref<1x1x128xi32, #tpu.memory_space<hbm>> -> memref<128xi32, #tpu.memory_space<hbm>>
        %dma_start3A_19 = arith.constant 0 : i32
        %dma_start3A_20 = tpu.memref_slice %arg3[%add3A, %scan3A_11, %dma_start3A_19] : memref<32x80x128xi32, #tpu.memory_space<hbm>> -> memref<1x1x128xi32, #tpu.memory_space<hbm>>
        %dma_start3A_21 = tpu.memref_squeeze %dma_start3A_20 : memref<1x1x128xi32, #tpu.memory_space<hbm>> -> memref<128xi32, #tpu.memory_space<hbm>>
        tpu.enqueue_dma source(%dma_start3A_21 : memref<128xi32, #tpu.memory_space<hbm>>) target(%arg7 : memref<128xi32, #tpu.memory_space<vmem>>) target_semaphore(%run_scoped3A : memref<!tpu.dma_semaphore, #tpu.memory_space<semaphore_mem>>)
        %dma_wait3A_22 = arith.constant 0 : i32
        %dma_wait3A_23 = tpu.memref_slice %arg3[%add3A, %scan3A_11, %dma_wait3A_22] : memref<32x80x128xi32, #tpu.memory_space<hbm>> -> memref<1x1x128xi32, #tpu.memory_space<hbm>>
        %dma_wait3A_24 = tpu.memref_squeeze %dma_wait3A_23 : memref<1x1x128xi32, #tpu.memory_space<hbm>> -> memref<128xi32, #tpu.memory_space<hbm>>
        %dma_wait3A_25 = arith.constant 0 : i32
        %dma_wait3A_26 = tpu.memref_slice %arg3[%add3A, %scan3A_11, %dma_wait3A_25] : memref<32x80x128xi32, #tpu.memory_space<hbm>> -> memref<1x1x128xi32, #tpu.memory_space<hbm>>
        %dma_wait3A_27 = tpu.memref_squeeze %dma_wait3A_26 : memref<1x1x128xi32, #tpu.memory_space<hbm>> -> memref<128xi32, #tpu.memory_space<hbm>>
        tpu.wait_dma2 semaphore(%run_scoped3A : memref<!tpu.dma_semaphore, #tpu.memory_space<semaphore_mem>>) src(%dma_wait3A_27 : memref<128xi32, #tpu.memory_space<hbm>>) dst(%arg7 : memref<128xi32, #tpu.memory_space<vmem>>)
        tpu.yield
      }) : () -> ()
      %dma_start3A = arith.constant 0 : i32
      %dma_start3A_12 = arith.constant 0 : i32
      %dma_start3A_13 = tpu.memref_slice %arg2[%dma_start3A, %dma_start3A_12] : memref<10240x128xf32, #tpu.memory_space<hbm>> -> memref<10240x128xf32, #tpu.memory_space<hbm>>
      tpu.enqueue_indirect_dma source(%dma_start3A_13 : memref<10240x128xf32, #tpu.memory_space<hbm>>) target(%arg9 : memref<128x128xf32, #tpu.memory_space<vmem>>) offsets(%arg7 : memref<128xi32, #tpu.memory_space<vmem>>) semaphore(%arg11 : memref<!tpu.dma_semaphore, #tpu.memory_space<semaphore_mem>>)
      %dma_wait3A = arith.constant 0 : i32
      %dma_wait3A_14 = arith.constant 0 : i32
      %dma_wait3A_15 = tpu.memref_slice %arg2[%dma_wait3A, %dma_wait3A_14] : memref<10240x128xf32, #tpu.memory_space<hbm>> -> memref<10240x128xf32, #tpu.memory_space<hbm>>
      tpu.wait_indirect_dma semaphore(%arg11 : memref<!tpu.dma_semaphore, #tpu.memory_space<semaphore_mem>>) src(%dma_wait3A_15 : memref<10240x128xf32, #tpu.memory_space<hbm>>) dst(%arg9 : memref<128x128xf32, #tpu.memory_space<vmem>>)
      "tpu.region"() ({
        %run_scoped3A = tpu.sem_alloc : memref<!tpu.dma_semaphore, #tpu.memory_space<semaphore_mem>>
        %dma_start3A_16 = arith.constant 0 : i32
        %dma_start3A_17 = tpu.memref_slice %arg4[%add3A, %scan3A_11, %dma_start3A_16] : memref<32x80x128xi32, #tpu.memory_space<hbm>> -> memref<1x1x128xi32, #tpu.memory_space<hbm>>
        %dma_start3A_18 = tpu.memref_squeeze %dma_start3A_17 : memref<1x1x128xi32, #tpu.memory_space<hbm>> -> memref<128xi32, #tpu.memory_space<hbm>>
        %dma_start3A_19 = arith.constant 0 : i32
        %dma_start3A_20 = tpu.memref_slice %arg4[%add3A, %scan3A_11, %dma_start3A_19] : memref<32x80x128xi32, #tpu.memory_space<hbm>> -> memref<1x1x128xi32, #tpu.memory_space<hbm>>
        %dma_start3A_21 = tpu.memref_squeeze %dma_start3A_20 : memref<1x1x128xi32, #tpu.memory_space<hbm>> -> memref<128xi32, #tpu.memory_space<hbm>>
        tpu.enqueue_dma source(%dma_start3A_21 : memref<128xi32, #tpu.memory_space<hbm>>) target(%arg8 : memref<128xi32, #tpu.memory_space<vmem>>) target_semaphore(%run_scoped3A : memref<!tpu.dma_semaphore, #tpu.memory_space<semaphore_mem>>)
        %dma_wait3A_22 = arith.constant 0 : i32
        %dma_wait3A_23 = tpu.memref_slice %arg4[%add3A, %scan3A_11, %dma_wait3A_22] : memref<32x80x128xi32, #tpu.memory_space<hbm>> -> memref<1x1x128xi32, #tpu.memory_space<hbm>>
        %dma_wait3A_24 = tpu.memref_squeeze %dma_wait3A_23 : memref<1x1x128xi32, #tpu.memory_space<hbm>> -> memref<128xi32, #tpu.memory_space<hbm>>
        %dma_wait3A_25 = arith.constant 0 : i32
        %dma_wait3A_26 = tpu.memref_slice %arg4[%add3A, %scan3A_11, %dma_wait3A_25] : memref<32x80x128xi32, #tpu.memory_space<hbm>> -> memref<1x1x128xi32, #tpu.memory_space<hbm>>
        %dma_wait3A_27 = tpu.memref_squeeze %dma_wait3A_26 : memref<1x1x128xi32, #tpu.memory_space<hbm>> -> memref<128xi32, #tpu.memory_space<hbm>>
        tpu.wait_dma2 semaphore(%run_scoped3A : memref<!tpu.dma_semaphore, #tpu.memory_space<semaphore_mem>>) src(%dma_wait3A_27 : memref<128xi32, #tpu.memory_space<hbm>>) dst(%arg8 : memref<128xi32, #tpu.memory_space<vmem>>)
        tpu.yield
      }) : () -> ()
      "tpu.region"() ({
        %run_scoped3A = tpu.sem_alloc : memref<!tpu.dma_semaphore, #tpu.memory_space<semaphore_mem>>
        %dma_start3A_16 = arith.constant 0 : i32
        %dma_start3A_17 = arith.constant 0 : i32
        %dma_start3A_18 = tpu.memref_slice %arg10[%dma_start3A_16, %dma_start3A_17] : memref<10240x128xf32, #tpu.memory_space<vmem_shared>> -> memref<10240x128xf32, #tpu.memory_space<vmem_shared>>
        tpu.enqueue_indirect_dma source(%arg9 : memref<128x128xf32, #tpu.memory_space<vmem>>) target(%dma_start3A_18 : memref<10240x128xf32, #tpu.memory_space<vmem_shared>>) offsets(%arg8 : memref<128xi32, #tpu.memory_space<vmem>>) semaphore(%run_scoped3A : memref<!tpu.dma_semaphore, #tpu.memory_space<semaphore_mem>>) {add = true}
        %dma_wait3A_19 = arith.constant 0 : i32
        %dma_wait3A_20 = arith.constant 0 : i32
        %dma_wait3A_21 = tpu.memref_slice %arg10[%dma_wait3A_19, %dma_wait3A_20] : memref<10240x128xf32, #tpu.memory_space<vmem_shared>> -> memref<10240x128xf32, #tpu.memory_space<vmem_shared>>
        tpu.wait_indirect_dma semaphore(%run_scoped3A : memref<!tpu.dma_semaphore, #tpu.memory_space<semaphore_mem>>) src(%arg9 : memref<128x128xf32, #tpu.memory_space<vmem>>) dst(%dma_wait3A_21 : memref<10240x128xf32, #tpu.memory_space<vmem_shared>>)
        tpu.yield
      }) : () -> ()
    }
    %scan3A_7 = arith.constant 80 : i32
    %barrier3A_8 = arith.constant 0 : index
    tpu.barrier barrier_id(%barrier3A_8)
    %mul3A_9 = arith.constant 640 : i32
    %mul3A_10 = arith.muli %arg1, %mul3A_9 : i32
    "tpu.region"() ({
      %run_scoped3A = tpu.sem_alloc : memref<!tpu.dma_semaphore, #tpu.memory_space<semaphore_mem>>
      %dma_start3A = arith.constant 0 : i32
      %dma_start3A_11 = tpu.memref_slice %arg6[%arg0, %mul3A_10, %dma_start3A] : memref<2x10240x128xf32, #tpu.memory_space<hbm>> -> memref<1x640x128xf32, #tpu.memory_space<hbm>>
      %dma_start3A_12 = tpu.memref_squeeze %dma_start3A_11 : memref<1x640x128xf32, #tpu.memory_space<hbm>> -> memref<640x128xf32, #tpu.memory_space<hbm>>
      %dma_start3A_13 = arith.constant 0 : i32
      %dma_start3A_14 = tpu.memref_slice %arg10[%mul3A_10, %dma_start3A_13] : memref<10240x128xf32, #tpu.memory_space<vmem_shared>> -> memref<640x128xf32, #tpu.memory_space<vmem_shared>>
      tpu.enqueue_dma source(%dma_start3A_14 : memref<640x128xf32, #tpu.memory_space<vmem_shared>>) target(%dma_start3A_12 : memref<640x128xf32, #tpu.memory_space<hbm>>) target_semaphore(%run_scoped3A : memref<!tpu.dma_semaphore, #tpu.memory_space<semaphore_mem>>)
      %dma_wait3A = arith.constant 0 : i32
      %dma_wait3A_15 = tpu.memref_slice %arg6[%arg0, %mul3A_10, %dma_wait3A] : memref<2x10240x128xf32, #tpu.memory_space<hbm>> -> memref<1x640x128xf32, #tpu.memory_space<hbm>>
      %dma_wait3A_16 = tpu.memref_squeeze %dma_wait3A_15 : memref<1x640x128xf32, #tpu.memory_space<hbm>> -> memref<640x128xf32, #tpu.memory_space<hbm>>
      %dma_wait3A_17 = arith.constant 0 : i32
      %dma_wait3A_18 = tpu.memref_slice %arg10[%mul3A_10, %dma_wait3A_17] : memref<10240x128xf32, #tpu.memory_space<vmem_shared>> -> memref<640x128xf32, #tpu.memory_space<vmem_shared>>
      tpu.wait_dma2 semaphore(%run_scoped3A : memref<!tpu.dma_semaphore, #tpu.memory_space<semaphore_mem>>) src(%dma_wait3A_18 : memref<640x128xf32, #tpu.memory_space<vmem_shared>>) dst(%dma_wait3A_16 : memref<640x128xf32, #tpu.memory_space<hbm>>)
      tpu.yield
    }) : () -> ()
    return
  }
}

#map = affine_map<(d0, d1) -> (0, 0)>
#map1 = affine_map<(d0, d1) -> (0, 0, 0)>
module attributes {stable_mosaic.version = 14 : i64} {
  func.func @body(%arg0: i32, %arg1: i32, %arg2: memref<10240x128xf32, #tpu.memory_space<hbm>>, %arg3: memref<32x80x128xi32, #tpu.memory_space<hbm>>, %arg4: memref<32x80x128xi32, #tpu.memory_space<hbm>>, %arg5: memref<640x128xf32, #tpu.memory_space<hbm>>, %arg6: memref<2x10240x128xf32, #tpu.memory_space<hbm>>, %arg7: memref<128xi32, #tpu.memory_space<vmem>>, %arg8: memref<128xi32, #tpu.memory_space<vmem>>, %arg9: memref<128x128xf32, #tpu.memory_space<vmem>>, %arg10: memref<10240x128xf32, #tpu.memory_space<vmem_shared>>, %arg11: memref<!tpu.dma_semaphore, #tpu.memory_space<semaphore_mem>>) attributes {dimension_semantics = [#tpu.dimension_semantics<core_parallel>, #tpu.dimension_semantics<subcore_parallel>], iteration_bounds = array<i64: 2, 16>, scalar_prefetch = 0 : i64, scratch_operands = 5 : i64, tpu.core_type = #tpu.core_type<sc_vector_subcore>, window_params = [{transform_indices = #map}, {transform_indices = #map1}, {transform_indices = #map1}, {transform_indices = #map}, {transform_indices = #map1}]} {
    %mul3A = arith.constant 16 : i32
    %mul3A_0 = arith.muli %arg0, %mul3A : i32
    %add3A = arith.addi %mul3A_0, %arg1 : i32
    %mul3A_1 = arith.constant 640 : i32
    %mul3A_2 = arith.muli %arg1, %mul3A_1 : i32
    "tpu.region"() ({
      %run_scoped3A = tpu.sem_alloc : memref<!tpu.dma_semaphore, #tpu.memory_space<semaphore_mem>>
      %dma_start3A = arith.constant 0 : i32
      %dma_start3A_11 = tpu.memref_slice %arg10[%mul3A_2, %dma_start3A] : memref<10240x128xf32, #tpu.memory_space<vmem_shared>> -> memref<640x128xf32, #tpu.memory_space<vmem_shared>>
      tpu.enqueue_dma source(%arg5 : memref<640x128xf32, #tpu.memory_space<hbm>>) target(%dma_start3A_11 : memref<640x128xf32, #tpu.memory_space<vmem_shared>>) target_semaphore(%run_scoped3A : memref<!tpu.dma_semaphore, #tpu.memory_space<semaphore_mem>>)
      %dma_wait3A = arith.constant 0 : i32
      %dma_wait3A_12 = tpu.memref_slice %arg10[%mul3A_2, %dma_wait3A] : memref<10240x128xf32, #tpu.memory_space<vmem_shared>> -> memref<640x128xf32, #tpu.memory_space<vmem_shared>>
      tpu.wait_dma2 semaphore(%run_scoped3A : memref<!tpu.dma_semaphore, #tpu.memory_space<semaphore_mem>>) src(%arg5 : memref<640x128xf32, #tpu.memory_space<hbm>>) dst(%dma_wait3A_12 : memref<640x128xf32, #tpu.memory_space<vmem_shared>>)
      tpu.yield
    }) : () -> ()
    %barrier3A = arith.constant 0 : index
    tpu.barrier barrier_id(%barrier3A)
    %scan3A = arith.constant 0 : i32
    %scan3A_3 = arith.constant 0 : i32
    %scan3A_4 = arith.constant 80 : i32
    %scan3A_5 = arith.addi %scan3A_3, %scan3A_4 : i32
    %scan3A_6 = arith.constant 1 : i32
    scf.for %scan3A_11 = %scan3A_3 to %scan3A_5 step %scan3A_6  : i32 {
      "tpu.region"() ({
        %run_scoped3A = tpu.sem_alloc : memref<!tpu.dma_semaphore, #tpu.memory_space<semaphore_mem>>
        %dma_start3A_16 = arith.constant 0 : i32
        %dma_start3A_17 = tpu.memref_slice %arg3[%add3A, %scan3A_11, %dma_start3A_16] : memref<32x80x128xi32, #tpu.memory_space<hbm>> -> memref<1x1x128xi32, #tpu.memory_space<hbm>>
        %dma_start3A_18 = tpu.memref_squeeze %dma_start3A_17 : memref<1x1x128xi32, #tpu.memory_space<hbm>> -> memref<128xi32, #tpu.memory_space<hbm>>
        %dma_start3A_19 = arith.constant 0 : i32
        %dma_start3A_20 = tpu.memref_slice %arg3[%add3A, %scan3A_11, %dma_start3A_19] : memref<32x80x128xi32, #tpu.memory_space<hbm>> -> memref<1x1x128xi32, #tpu.memory_space<hbm>>
        %dma_start3A_21 = tpu.memref_squeeze %dma_start3A_20 : memref<1x1x128xi32, #tpu.memory_space<hbm>> -> memref<128xi32, #tpu.memory_space<hbm>>
        tpu.enqueue_dma source(%dma_start3A_21 : memref<128xi32, #tpu.memory_space<hbm>>) target(%arg7 : memref<128xi32, #tpu.memory_space<vmem>>) target_semaphore(%run_scoped3A : memref<!tpu.dma_semaphore, #tpu.memory_space<semaphore_mem>>)
        %dma_wait3A_22 = arith.constant 0 : i32
        %dma_wait3A_23 = tpu.memref_slice %arg3[%add3A, %scan3A_11, %dma_wait3A_22] : memref<32x80x128xi32, #tpu.memory_space<hbm>> -> memref<1x1x128xi32, #tpu.memory_space<hbm>>
        %dma_wait3A_24 = tpu.memref_squeeze %dma_wait3A_23 : memref<1x1x128xi32, #tpu.memory_space<hbm>> -> memref<128xi32, #tpu.memory_space<hbm>>
        %dma_wait3A_25 = arith.constant 0 : i32
        %dma_wait3A_26 = tpu.memref_slice %arg3[%add3A, %scan3A_11, %dma_wait3A_25] : memref<32x80x128xi32, #tpu.memory_space<hbm>> -> memref<1x1x128xi32, #tpu.memory_space<hbm>>
        %dma_wait3A_27 = tpu.memref_squeeze %dma_wait3A_26 : memref<1x1x128xi32, #tpu.memory_space<hbm>> -> memref<128xi32, #tpu.memory_space<hbm>>
        tpu.wait_dma2 semaphore(%run_scoped3A : memref<!tpu.dma_semaphore, #tpu.memory_space<semaphore_mem>>) src(%dma_wait3A_27 : memref<128xi32, #tpu.memory_space<hbm>>) dst(%arg7 : memref<128xi32, #tpu.memory_space<vmem>>)
        tpu.yield
      }) : () -> ()
      %dma_start3A = arith.constant 0 : i32
      %dma_start3A_12 = arith.constant 0 : i32
      %dma_start3A_13 = tpu.memref_slice %arg2[%dma_start3A, %dma_start3A_12] : memref<10240x128xf32, #tpu.memory_space<hbm>> -> memref<10240x128xf32, #tpu.memory_space<hbm>>
      tpu.enqueue_indirect_dma source(%dma_start3A_13 : memref<10240x128xf32, #tpu.memory_space<hbm>>) target(%arg9 : memref<128x128xf32, #tpu.memory_space<vmem>>) offsets(%arg7 : memref<128xi32, #tpu.memory_space<vmem>>) semaphore(%arg11 : memref<!tpu.dma_semaphore, #tpu.memory_space<semaphore_mem>>)
      %dma_wait3A = arith.constant 0 : i32
      %dma_wait3A_14 = arith.constant 0 : i32
      %dma_wait3A_15 = tpu.memref_slice %arg2[%dma_wait3A, %dma_wait3A_14] : memref<10240x128xf32, #tpu.memory_space<hbm>> -> memref<10240x128xf32, #tpu.memory_space<hbm>>
      tpu.wait_indirect_dma semaphore(%arg11 : memref<!tpu.dma_semaphore, #tpu.memory_space<semaphore_mem>>) src(%dma_wait3A_15 : memref<10240x128xf32, #tpu.memory_space<hbm>>) dst(%arg9 : memref<128x128xf32, #tpu.memory_space<vmem>>)
      "tpu.region"() ({
        %run_scoped3A = tpu.sem_alloc : memref<!tpu.dma_semaphore, #tpu.memory_space<semaphore_mem>>
        %dma_start3A_16 = arith.constant 0 : i32
        %dma_start3A_17 = tpu.memref_slice %arg4[%add3A, %scan3A_11, %dma_start3A_16] : memref<32x80x128xi32, #tpu.memory_space<hbm>> -> memref<1x1x128xi32, #tpu.memory_space<hbm>>
        %dma_start3A_18 = tpu.memref_squeeze %dma_start3A_17 : memref<1x1x128xi32, #tpu.memory_space<hbm>> -> memref<128xi32, #tpu.memory_space<hbm>>
        %dma_start3A_19 = arith.constant 0 : i32
        %dma_start3A_20 = tpu.memref_slice %arg4[%add3A, %scan3A_11, %dma_start3A_19] : memref<32x80x128xi32, #tpu.memory_space<hbm>> -> memref<1x1x128xi32, #tpu.memory_space<hbm>>
        %dma_start3A_21 = tpu.memref_squeeze %dma_start3A_20 : memref<1x1x128xi32, #tpu.memory_space<hbm>> -> memref<128xi32, #tpu.memory_space<hbm>>
        tpu.enqueue_dma source(%dma_start3A_21 : memref<128xi32, #tpu.memory_space<hbm>>) target(%arg8 : memref<128xi32, #tpu.memory_space<vmem>>) target_semaphore(%run_scoped3A : memref<!tpu.dma_semaphore, #tpu.memory_space<semaphore_mem>>)
        %dma_wait3A_22 = arith.constant 0 : i32
        %dma_wait3A_23 = tpu.memref_slice %arg4[%add3A, %scan3A_11, %dma_wait3A_22] : memref<32x80x128xi32, #tpu.memory_space<hbm>> -> memref<1x1x128xi32, #tpu.memory_space<hbm>>
        %dma_wait3A_24 = tpu.memref_squeeze %dma_wait3A_23 : memref<1x1x128xi32, #tpu.memory_space<hbm>> -> memref<128xi32, #tpu.memory_space<hbm>>
        %dma_wait3A_25 = arith.constant 0 : i32
        %dma_wait3A_26 = tpu.memref_slice %arg4[%add3A, %scan3A_11, %dma_wait3A_25] : memref<32x80x128xi32, #tpu.memory_space<hbm>> -> memref<1x1x128xi32, #tpu.memory_space<hbm>>
        %dma_wait3A_27 = tpu.memref_squeeze %dma_wait3A_26 : memref<1x1x128xi32, #tpu.memory_space<hbm>> -> memref<128xi32, #tpu.memory_space<hbm>>
        tpu.wait_dma2 semaphore(%run_scoped3A : memref<!tpu.dma_semaphore, #tpu.memory_space<semaphore_mem>>) src(%dma_wait3A_27 : memref<128xi32, #tpu.memory_space<hbm>>) dst(%arg8 : memref<128xi32, #tpu.memory_space<vmem>>)
        tpu.yield
      }) : () -> ()
      "tpu.region"() ({
        %run_scoped3A = tpu.sem_alloc : memref<!tpu.dma_semaphore, #tpu.memory_space<semaphore_mem>>
        %dma_start3A_16 = arith.constant 0 : i32
        %dma_start3A_17 = arith.constant 0 : i32
        %dma_start3A_18 = tpu.memref_slice %arg10[%dma_start3A_16, %dma_start3A_17] : memref<10240x128xf32, #tpu.memory_space<vmem_shared>> -> memref<10240x128xf32, #tpu.memory_space<vmem_shared>>
        tpu.enqueue_indirect_dma source(%arg9 : memref<128x128xf32, #tpu.memory_space<vmem>>) target(%dma_start3A_18 : memref<10240x128xf32, #tpu.memory_space<vmem_shared>>) offsets(%arg8 : memref<128xi32, #tpu.memory_space<vmem>>) semaphore(%run_scoped3A : memref<!tpu.dma_semaphore, #tpu.memory_space<semaphore_mem>>) {add = true}
        %dma_wait3A_19 = arith.constant 0 : i32
        %dma_wait3A_20 = arith.constant 0 : i32
        %dma_wait3A_21 = tpu.memref_slice %arg10[%dma_wait3A_19, %dma_wait3A_20] : memref<10240x128xf32, #tpu.memory_space<vmem_shared>> -> memref<10240x128xf32, #tpu.memory_space<vmem_shared>>
        tpu.wait_indirect_dma semaphore(%run_scoped3A : memref<!tpu.dma_semaphore, #tpu.memory_space<semaphore_mem>>) src(%arg9 : memref<128x128xf32, #tpu.memory_space<vmem>>) dst(%dma_wait3A_21 : memref<10240x128xf32, #tpu.memory_space<vmem_shared>>)
        tpu.yield
      }) : () -> ()
    }
    %scan3A_7 = arith.constant 80 : i32
    %barrier3A_8 = arith.constant 0 : index
    tpu.barrier barrier_id(%barrier3A_8)
    %mul3A_9 = arith.constant 640 : i32
    %mul3A_10 = arith.muli %arg1, %mul3A_9 : i32
    "tpu.region"() ({
      %run_scoped3A = tpu.sem_alloc : memref<!tpu.dma_semaphore, #tpu.memory_space<semaphore_mem>>
      %dma_start3A = arith.constant 0 : i32
      %dma_start3A_11 = tpu.memref_slice %arg6[%arg0, %mul3A_10, %dma_start3A] : memref<2x10240x128xf32, #tpu.memory_space<hbm>> -> memref<1x640x128xf32, #tpu.memory_space<hbm>>
      %dma_start3A_12 = tpu.memref_squeeze %dma_start3A_11 : memref<1x640x128xf32, #tpu.memory_space<hbm>> -> memref<640x128xf32, #tpu.memory_space<hbm>>
      %dma_start3A_13 = arith.constant 0 : i32
      %dma_start3A_14 = tpu.memref_slice %arg10[%mul3A_10, %dma_start3A_13] : memref<10240x128xf32, #tpu.memory_space<vmem_shared>> -> memref<640x128xf32, #tpu.memory_space<vmem_shared>>
      tpu.enqueue_dma source(%dma_start3A_14 : memref<640x128xf32, #tpu.memory_space<vmem_shared>>) target(%dma_start3A_12 : memref<640x128xf32, #tpu.memory_space<hbm>>) target_semaphore(%run_scoped3A : memref<!tpu.dma_semaphore, #tpu.memory_space<semaphore_mem>>)
      %dma_wait3A = arith.constant 0 : i32
      %dma_wait3A_15 = tpu.memref_slice %arg6[%arg0, %mul3A_10, %dma_wait3A] : memref<2x10240x128xf32, #tpu.memory_space<hbm>> -> memref<1x640x128xf32, #tpu.memory_space<hbm>>
      %dma_wait3A_16 = tpu.memref_squeeze %dma_wait3A_15 : memref<1x640x128xf32, #tpu.memory_space<hbm>> -> memref<640x128xf32, #tpu.memory_space<hbm>>
      %dma_wait3A_17 = arith.constant 0 : i32
      %dma_wait3A_18 = tpu.memref_slice %arg10[%mul3A_10, %dma_wait3A_17] : memref<10240x128xf32, #tpu.memory_space<vmem_shared>> -> memref<640x128xf32, #tpu.memory_space<vmem_shared>>
      tpu.wait_dma2 semaphore(%run_scoped3A : memref<!tpu.dma_semaphore, #tpu.memory_space<semaphore_mem>>) src(%dma_wait3A_18 : memref<640x128xf32, #tpu.memory_space<vmem_shared>>) dst(%dma_wait3A_16 : memref<640x128xf32, #tpu.memory_space<hbm>>)
      tpu.yield
    }) : () -> ()
    return
  }
}

#map = affine_map<(d0, d1) -> (0, 0)>
#map1 = affine_map<(d0, d1) -> (0, 0, 0)>
module attributes {stable_mosaic.version = 14 : i64} {
  func.func @body(%arg0: i32, %arg1: i32, %arg2: memref<10240x128xf32, #tpu.memory_space<hbm>>, %arg3: memref<32x80x128xi32, #tpu.memory_space<hbm>>, %arg4: memref<32x80x128xi32, #tpu.memory_space<hbm>>, %arg5: memref<640x128xf32, #tpu.memory_space<hbm>>, %arg6: memref<2x10240x128xf32, #tpu.memory_space<hbm>>, %arg7: memref<128xi32, #tpu.memory_space<vmem>>, %arg8: memref<128xi32, #tpu.memory_space<vmem>>, %arg9: memref<128x128xf32, #tpu.memory_space<vmem>>, %arg10: memref<10240x128xf32, #tpu.memory_space<vmem_shared>>, %arg11: memref<!tpu.dma_semaphore, #tpu.memory_space<semaphore_mem>>) attributes {dimension_semantics = [#tpu.dimension_semantics<core_parallel>, #tpu.dimension_semantics<subcore_parallel>], iteration_bounds = array<i64: 2, 16>, scalar_prefetch = 0 : i64, scratch_operands = 5 : i64, tpu.core_type = #tpu.core_type<sc_vector_subcore>, window_params = [{transform_indices = #map}, {transform_indices = #map1}, {transform_indices = #map1}, {transform_indices = #map}, {transform_indices = #map1}]} {
    %mul3A = arith.constant 16 : i32
    %mul3A_0 = arith.muli %arg0, %mul3A : i32
    %add3A = arith.addi %mul3A_0, %arg1 : i32
    %mul3A_1 = arith.constant 640 : i32
    %mul3A_2 = arith.muli %arg1, %mul3A_1 : i32
    "tpu.region"() ({
      %run_scoped3A = tpu.sem_alloc : memref<!tpu.dma_semaphore, #tpu.memory_space<semaphore_mem>>
      %dma_start3A = arith.constant 0 : i32
      %dma_start3A_11 = tpu.memref_slice %arg10[%mul3A_2, %dma_start3A] : memref<10240x128xf32, #tpu.memory_space<vmem_shared>> -> memref<640x128xf32, #tpu.memory_space<vmem_shared>>
      tpu.enqueue_dma source(%arg5 : memref<640x128xf32, #tpu.memory_space<hbm>>) target(%dma_start3A_11 : memref<640x128xf32, #tpu.memory_space<vmem_shared>>) target_semaphore(%run_scoped3A : memref<!tpu.dma_semaphore, #tpu.memory_space<semaphore_mem>>)
      %dma_wait3A = arith.constant 0 : i32
      %dma_wait3A_12 = tpu.memref_slice %arg10[%mul3A_2, %dma_wait3A] : memref<10240x128xf32, #tpu.memory_space<vmem_shared>> -> memref<640x128xf32, #tpu.memory_space<vmem_shared>>
      tpu.wait_dma2 semaphore(%run_scoped3A : memref<!tpu.dma_semaphore, #tpu.memory_space<semaphore_mem>>) src(%arg5 : memref<640x128xf32, #tpu.memory_space<hbm>>) dst(%dma_wait3A_12 : memref<640x128xf32, #tpu.memory_space<vmem_shared>>)
      tpu.yield
    }) : () -> ()
    %barrier3A = arith.constant 0 : index
    tpu.barrier barrier_id(%barrier3A)
    %scan3A = arith.constant 0 : i32
    %scan3A_3 = arith.constant 0 : i32
    %scan3A_4 = arith.constant 80 : i32
    %scan3A_5 = arith.addi %scan3A_3, %scan3A_4 : i32
    %scan3A_6 = arith.constant 1 : i32
    scf.for %scan3A_11 = %scan3A_3 to %scan3A_5 step %scan3A_6  : i32 {
      "tpu.region"() ({
        %run_scoped3A = tpu.sem_alloc : memref<!tpu.dma_semaphore, #tpu.memory_space<semaphore_mem>>
        %dma_start3A_16 = arith.constant 0 : i32
        %dma_start3A_17 = tpu.memref_slice %arg3[%add3A, %scan3A_11, %dma_start3A_16] : memref<32x80x128xi32, #tpu.memory_space<hbm>> -> memref<1x1x128xi32, #tpu.memory_space<hbm>>
        %dma_start3A_18 = tpu.memref_squeeze %dma_start3A_17 : memref<1x1x128xi32, #tpu.memory_space<hbm>> -> memref<128xi32, #tpu.memory_space<hbm>>
        %dma_start3A_19 = arith.constant 0 : i32
        %dma_start3A_20 = tpu.memref_slice %arg3[%add3A, %scan3A_11, %dma_start3A_19] : memref<32x80x128xi32, #tpu.memory_space<hbm>> -> memref<1x1x128xi32, #tpu.memory_space<hbm>>
        %dma_start3A_21 = tpu.memref_squeeze %dma_start3A_20 : memref<1x1x128xi32, #tpu.memory_space<hbm>> -> memref<128xi32, #tpu.memory_space<hbm>>
        tpu.enqueue_dma source(%dma_start3A_21 : memref<128xi32, #tpu.memory_space<hbm>>) target(%arg7 : memref<128xi32, #tpu.memory_space<vmem>>) target_semaphore(%run_scoped3A : memref<!tpu.dma_semaphore, #tpu.memory_space<semaphore_mem>>)
        %dma_wait3A_22 = arith.constant 0 : i32
        %dma_wait3A_23 = tpu.memref_slice %arg3[%add3A, %scan3A_11, %dma_wait3A_22] : memref<32x80x128xi32, #tpu.memory_space<hbm>> -> memref<1x1x128xi32, #tpu.memory_space<hbm>>
        %dma_wait3A_24 = tpu.memref_squeeze %dma_wait3A_23 : memref<1x1x128xi32, #tpu.memory_space<hbm>> -> memref<128xi32, #tpu.memory_space<hbm>>
        %dma_wait3A_25 = arith.constant 0 : i32
        %dma_wait3A_26 = tpu.memref_slice %arg3[%add3A, %scan3A_11, %dma_wait3A_25] : memref<32x80x128xi32, #tpu.memory_space<hbm>> -> memref<1x1x128xi32, #tpu.memory_space<hbm>>
        %dma_wait3A_27 = tpu.memref_squeeze %dma_wait3A_26 : memref<1x1x128xi32, #tpu.memory_space<hbm>> -> memref<128xi32, #tpu.memory_space<hbm>>
        tpu.wait_dma2 semaphore(%run_scoped3A : memref<!tpu.dma_semaphore, #tpu.memory_space<semaphore_mem>>) src(%dma_wait3A_27 : memref<128xi32, #tpu.memory_space<hbm>>) dst(%arg7 : memref<128xi32, #tpu.memory_space<vmem>>)
        tpu.yield
      }) : () -> ()
      %dma_start3A = arith.constant 0 : i32
      %dma_start3A_12 = arith.constant 0 : i32
      %dma_start3A_13 = tpu.memref_slice %arg2[%dma_start3A, %dma_start3A_12] : memref<10240x128xf32, #tpu.memory_space<hbm>> -> memref<10240x128xf32, #tpu.memory_space<hbm>>
      tpu.enqueue_indirect_dma source(%dma_start3A_13 : memref<10240x128xf32, #tpu.memory_space<hbm>>) target(%arg9 : memref<128x128xf32, #tpu.memory_space<vmem>>) offsets(%arg7 : memref<128xi32, #tpu.memory_space<vmem>>) semaphore(%arg11 : memref<!tpu.dma_semaphore, #tpu.memory_space<semaphore_mem>>)
      %dma_wait3A = arith.constant 0 : i32
      %dma_wait3A_14 = arith.constant 0 : i32
      %dma_wait3A_15 = tpu.memref_slice %arg2[%dma_wait3A, %dma_wait3A_14] : memref<10240x128xf32, #tpu.memory_space<hbm>> -> memref<10240x128xf32, #tpu.memory_space<hbm>>
      tpu.wait_indirect_dma semaphore(%arg11 : memref<!tpu.dma_semaphore, #tpu.memory_space<semaphore_mem>>) src(%dma_wait3A_15 : memref<10240x128xf32, #tpu.memory_space<hbm>>) dst(%arg9 : memref<128x128xf32, #tpu.memory_space<vmem>>)
      "tpu.region"() ({
        %run_scoped3A = tpu.sem_alloc : memref<!tpu.dma_semaphore, #tpu.memory_space<semaphore_mem>>
        %dma_start3A_16 = arith.constant 0 : i32
        %dma_start3A_17 = tpu.memref_slice %arg4[%add3A, %scan3A_11, %dma_start3A_16] : memref<32x80x128xi32, #tpu.memory_space<hbm>> -> memref<1x1x128xi32, #tpu.memory_space<hbm>>
        %dma_start3A_18 = tpu.memref_squeeze %dma_start3A_17 : memref<1x1x128xi32, #tpu.memory_space<hbm>> -> memref<128xi32, #tpu.memory_space<hbm>>
        %dma_start3A_19 = arith.constant 0 : i32
        %dma_start3A_20 = tpu.memref_slice %arg4[%add3A, %scan3A_11, %dma_start3A_19] : memref<32x80x128xi32, #tpu.memory_space<hbm>> -> memref<1x1x128xi32, #tpu.memory_space<hbm>>
        %dma_start3A_21 = tpu.memref_squeeze %dma_start3A_20 : memref<1x1x128xi32, #tpu.memory_space<hbm>> -> memref<128xi32, #tpu.memory_space<hbm>>
        tpu.enqueue_dma source(%dma_start3A_21 : memref<128xi32, #tpu.memory_space<hbm>>) target(%arg8 : memref<128xi32, #tpu.memory_space<vmem>>) target_semaphore(%run_scoped3A : memref<!tpu.dma_semaphore, #tpu.memory_space<semaphore_mem>>)
        %dma_wait3A_22 = arith.constant 0 : i32
        %dma_wait3A_23 = tpu.memref_slice %arg4[%add3A, %scan3A_11, %dma_wait3A_22] : memref<32x80x128xi32, #tpu.memory_space<hbm>> -> memref<1x1x128xi32, #tpu.memory_space<hbm>>
        %dma_wait3A_24 = tpu.memref_squeeze %dma_wait3A_23 : memref<1x1x128xi32, #tpu.memory_space<hbm>> -> memref<128xi32, #tpu.memory_space<hbm>>
        %dma_wait3A_25 = arith.constant 0 : i32
        %dma_wait3A_26 = tpu.memref_slice %arg4[%add3A, %scan3A_11, %dma_wait3A_25] : memref<32x80x128xi32, #tpu.memory_space<hbm>> -> memref<1x1x128xi32, #tpu.memory_space<hbm>>
        %dma_wait3A_27 = tpu.memref_squeeze %dma_wait3A_26 : memref<1x1x128xi32, #tpu.memory_space<hbm>> -> memref<128xi32, #tpu.memory_space<hbm>>
        tpu.wait_dma2 semaphore(%run_scoped3A : memref<!tpu.dma_semaphore, #tpu.memory_space<semaphore_mem>>) src(%dma_wait3A_27 : memref<128xi32, #tpu.memory_space<hbm>>) dst(%arg8 : memref<128xi32, #tpu.memory_space<vmem>>)
        tpu.yield
      }) : () -> ()
      "tpu.region"() ({
        %run_scoped3A = tpu.sem_alloc : memref<!tpu.dma_semaphore, #tpu.memory_space<semaphore_mem>>
        %dma_start3A_16 = arith.constant 0 : i32
        %dma_start3A_17 = arith.constant 0 : i32
        %dma_start3A_18 = tpu.memref_slice %arg10[%dma_start3A_16, %dma_start3A_17] : memref<10240x128xf32, #tpu.memory_space<vmem_shared>> -> memref<10240x128xf32, #tpu.memory_space<vmem_shared>>
        tpu.enqueue_indirect_dma source(%arg9 : memref<128x128xf32, #tpu.memory_space<vmem>>) target(%dma_start3A_18 : memref<10240x128xf32, #tpu.memory_space<vmem_shared>>) offsets(%arg8 : memref<128xi32, #tpu.memory_space<vmem>>) semaphore(%run_scoped3A : memref<!tpu.dma_semaphore, #tpu.memory_space<semaphore_mem>>) {add = true}
        %dma_wait3A_19 = arith.constant 0 : i32
        %dma_wait3A_20 = arith.constant 0 : i32
        %dma_wait3A_21 = tpu.memref_slice %arg10[%dma_wait3A_19, %dma_wait3A_20] : memref<10240x128xf32, #tpu.memory_space<vmem_shared>> -> memref<10240x128xf32, #tpu.memory_space<vmem_shared>>
        tpu.wait_indirect_dma semaphore(%run_scoped3A : memref<!tpu.dma_semaphore, #tpu.memory_space<semaphore_mem>>) src(%arg9 : memref<128x128xf32, #tpu.memory_space<vmem>>) dst(%dma_wait3A_21 : memref<10240x128xf32, #tpu.memory_space<vmem_shared>>)
        tpu.yield
      }) : () -> ()
    }
    %scan3A_7 = arith.constant 80 : i32
    %barrier3A_8 = arith.constant 0 : index
    tpu.barrier barrier_id(%barrier3A_8)
    %mul3A_9 = arith.constant 640 : i32
    %mul3A_10 = arith.muli %arg1, %mul3A_9 : i32
    "tpu.region"() ({
      %run_scoped3A = tpu.sem_alloc : memref<!tpu.dma_semaphore, #tpu.memory_space<semaphore_mem>>
      %dma_start3A = arith.constant 0 : i32
      %dma_start3A_11 = tpu.memref_slice %arg6[%arg0, %mul3A_10, %dma_start3A] : memref<2x10240x128xf32, #tpu.memory_space<hbm>> -> memref<1x640x128xf32, #tpu.memory_space<hbm>>
      %dma_start3A_12 = tpu.memref_squeeze %dma_start3A_11 : memref<1x640x128xf32, #tpu.memory_space<hbm>> -> memref<640x128xf32, #tpu.memory_space<hbm>>
      %dma_start3A_13 = arith.constant 0 : i32
      %dma_start3A_14 = tpu.memref_slice %arg10[%mul3A_10, %dma_start3A_13] : memref<10240x128xf32, #tpu.memory_space<vmem_shared>> -> memref<640x128xf32, #tpu.memory_space<vmem_shared>>
      tpu.enqueue_dma source(%dma_start3A_14 : memref<640x128xf32, #tpu.memory_space<vmem_shared>>) target(%dma_start3A_12 : memref<640x128xf32, #tpu.memory_space<hbm>>) target_semaphore(%run_scoped3A : memref<!tpu.dma_semaphore, #tpu.memory_space<semaphore_mem>>)
      %dma_wait3A = arith.constant 0 : i32
      %dma_wait3A_15 = tpu.memref_slice %arg6[%arg0, %mul3A_10, %dma_wait3A] : memref<2x10240x128xf32, #tpu.memory_space<hbm>> -> memref<1x640x128xf32, #tpu.memory_space<hbm>>
      %dma_wait3A_16 = tpu.memref_squeeze %dma_wait3A_15 : memref<1x640x128xf32, #tpu.memory_space<hbm>> -> memref<640x128xf32, #tpu.memory_space<hbm>>
      %dma_wait3A_17 = arith.constant 0 : i32
      %dma_wait3A_18 = tpu.memref_slice %arg10[%mul3A_10, %dma_wait3A_17] : memref<10240x128xf32, #tpu.memory_space<vmem_shared>> -> memref<640x128xf32, #tpu.memory_space<vmem_shared>>
      tpu.wait_dma2 semaphore(%run_scoped3A : memref<!tpu.dma_semaphore, #tpu.memory_space<semaphore_mem>>) src(%dma_wait3A_18 : memref<640x128xf32, #tpu.memory_space<vmem_shared>>) dst(%dma_wait3A_16 : memref<640x128xf32, #tpu.memory_space<hbm>>)
      tpu.yield
    }) : () -> ()
    return
  }
}

#map = affine_map<(d0, d1) -> (0, 0)>
#map1 = affine_map<(d0, d1) -> (0, 0, 0)>
module attributes {stable_mosaic.version = 14 : i64} {
  func.func @body(%arg0: i32, %arg1: i32, %arg2: memref<10240x128xf32, #tpu.memory_space<hbm>>, %arg3: memref<32x80x128xi32, #tpu.memory_space<hbm>>, %arg4: memref<32x80x128xi32, #tpu.memory_space<hbm>>, %arg5: memref<640x128xf32, #tpu.memory_space<hbm>>, %arg6: memref<2x10240x128xf32, #tpu.memory_space<hbm>>, %arg7: memref<128xi32, #tpu.memory_space<vmem>>, %arg8: memref<128xi32, #tpu.memory_space<vmem>>, %arg9: memref<128x128xf32, #tpu.memory_space<vmem>>, %arg10: memref<10240x128xf32, #tpu.memory_space<vmem_shared>>, %arg11: memref<!tpu.dma_semaphore, #tpu.memory_space<semaphore_mem>>) attributes {dimension_semantics = [#tpu.dimension_semantics<core_parallel>, #tpu.dimension_semantics<subcore_parallel>], iteration_bounds = array<i64: 2, 16>, scalar_prefetch = 0 : i64, scratch_operands = 5 : i64, tpu.core_type = #tpu.core_type<sc_vector_subcore>, window_params = [{transform_indices = #map}, {transform_indices = #map1}, {transform_indices = #map1}, {transform_indices = #map}, {transform_indices = #map1}]} {
    %mul3A = arith.constant 16 : i32
    %mul3A_0 = arith.muli %arg0, %mul3A : i32
    %add3A = arith.addi %mul3A_0, %arg1 : i32
    %mul3A_1 = arith.constant 640 : i32
    %mul3A_2 = arith.muli %arg1, %mul3A_1 : i32
    "tpu.region"() ({
      %run_scoped3A = tpu.sem_alloc : memref<!tpu.dma_semaphore, #tpu.memory_space<semaphore_mem>>
      %dma_start3A = arith.constant 0 : i32
      %dma_start3A_11 = tpu.memref_slice %arg10[%mul3A_2, %dma_start3A] : memref<10240x128xf32, #tpu.memory_space<vmem_shared>> -> memref<640x128xf32, #tpu.memory_space<vmem_shared>>
      tpu.enqueue_dma source(%arg5 : memref<640x128xf32, #tpu.memory_space<hbm>>) target(%dma_start3A_11 : memref<640x128xf32, #tpu.memory_space<vmem_shared>>) target_semaphore(%run_scoped3A : memref<!tpu.dma_semaphore, #tpu.memory_space<semaphore_mem>>)
      %dma_wait3A = arith.constant 0 : i32
      %dma_wait3A_12 = tpu.memref_slice %arg10[%mul3A_2, %dma_wait3A] : memref<10240x128xf32, #tpu.memory_space<vmem_shared>> -> memref<640x128xf32, #tpu.memory_space<vmem_shared>>
      tpu.wait_dma2 semaphore(%run_scoped3A : memref<!tpu.dma_semaphore, #tpu.memory_space<semaphore_mem>>) src(%arg5 : memref<640x128xf32, #tpu.memory_space<hbm>>) dst(%dma_wait3A_12 : memref<640x128xf32, #tpu.memory_space<vmem_shared>>)
      tpu.yield
    }) : () -> ()
    %barrier3A = arith.constant 0 : index
    tpu.barrier barrier_id(%barrier3A)
    %scan3A = arith.constant 0 : i32
    %scan3A_3 = arith.constant 0 : i32
    %scan3A_4 = arith.constant 80 : i32
    %scan3A_5 = arith.addi %scan3A_3, %scan3A_4 : i32
    %scan3A_6 = arith.constant 1 : i32
    scf.for %scan3A_11 = %scan3A_3 to %scan3A_5 step %scan3A_6  : i32 {
      "tpu.region"() ({
        %run_scoped3A = tpu.sem_alloc : memref<!tpu.dma_semaphore, #tpu.memory_space<semaphore_mem>>
        %dma_start3A_16 = arith.constant 0 : i32
        %dma_start3A_17 = tpu.memref_slice %arg3[%add3A, %scan3A_11, %dma_start3A_16] : memref<32x80x128xi32, #tpu.memory_space<hbm>> -> memref<1x1x128xi32, #tpu.memory_space<hbm>>
        %dma_start3A_18 = tpu.memref_squeeze %dma_start3A_17 : memref<1x1x128xi32, #tpu.memory_space<hbm>> -> memref<128xi32, #tpu.memory_space<hbm>>
        %dma_start3A_19 = arith.constant 0 : i32
        %dma_start3A_20 = tpu.memref_slice %arg3[%add3A, %scan3A_11, %dma_start3A_19] : memref<32x80x128xi32, #tpu.memory_space<hbm>> -> memref<1x1x128xi32, #tpu.memory_space<hbm>>
        %dma_start3A_21 = tpu.memref_squeeze %dma_start3A_20 : memref<1x1x128xi32, #tpu.memory_space<hbm>> -> memref<128xi32, #tpu.memory_space<hbm>>
        tpu.enqueue_dma source(%dma_start3A_21 : memref<128xi32, #tpu.memory_space<hbm>>) target(%arg7 : memref<128xi32, #tpu.memory_space<vmem>>) target_semaphore(%run_scoped3A : memref<!tpu.dma_semaphore, #tpu.memory_space<semaphore_mem>>)
        %dma_wait3A_22 = arith.constant 0 : i32
        %dma_wait3A_23 = tpu.memref_slice %arg3[%add3A, %scan3A_11, %dma_wait3A_22] : memref<32x80x128xi32, #tpu.memory_space<hbm>> -> memref<1x1x128xi32, #tpu.memory_space<hbm>>
        %dma_wait3A_24 = tpu.memref_squeeze %dma_wait3A_23 : memref<1x1x128xi32, #tpu.memory_space<hbm>> -> memref<128xi32, #tpu.memory_space<hbm>>
        %dma_wait3A_25 = arith.constant 0 : i32
        %dma_wait3A_26 = tpu.memref_slice %arg3[%add3A, %scan3A_11, %dma_wait3A_25] : memref<32x80x128xi32, #tpu.memory_space<hbm>> -> memref<1x1x128xi32, #tpu.memory_space<hbm>>
        %dma_wait3A_27 = tpu.memref_squeeze %dma_wait3A_26 : memref<1x1x128xi32, #tpu.memory_space<hbm>> -> memref<128xi32, #tpu.memory_space<hbm>>
        tpu.wait_dma2 semaphore(%run_scoped3A : memref<!tpu.dma_semaphore, #tpu.memory_space<semaphore_mem>>) src(%dma_wait3A_27 : memref<128xi32, #tpu.memory_space<hbm>>) dst(%arg7 : memref<128xi32, #tpu.memory_space<vmem>>)
        tpu.yield
      }) : () -> ()
      %dma_start3A = arith.constant 0 : i32
      %dma_start3A_12 = arith.constant 0 : i32
      %dma_start3A_13 = tpu.memref_slice %arg2[%dma_start3A, %dma_start3A_12] : memref<10240x128xf32, #tpu.memory_space<hbm>> -> memref<10240x128xf32, #tpu.memory_space<hbm>>
      tpu.enqueue_indirect_dma source(%dma_start3A_13 : memref<10240x128xf32, #tpu.memory_space<hbm>>) target(%arg9 : memref<128x128xf32, #tpu.memory_space<vmem>>) offsets(%arg7 : memref<128xi32, #tpu.memory_space<vmem>>) semaphore(%arg11 : memref<!tpu.dma_semaphore, #tpu.memory_space<semaphore_mem>>)
      %dma_wait3A = arith.constant 0 : i32
      %dma_wait3A_14 = arith.constant 0 : i32
      %dma_wait3A_15 = tpu.memref_slice %arg2[%dma_wait3A, %dma_wait3A_14] : memref<10240x128xf32, #tpu.memory_space<hbm>> -> memref<10240x128xf32, #tpu.memory_space<hbm>>
      tpu.wait_indirect_dma semaphore(%arg11 : memref<!tpu.dma_semaphore, #tpu.memory_space<semaphore_mem>>) src(%dma_wait3A_15 : memref<10240x128xf32, #tpu.memory_space<hbm>>) dst(%arg9 : memref<128x128xf32, #tpu.memory_space<vmem>>)
      "tpu.region"() ({
        %run_scoped3A = tpu.sem_alloc : memref<!tpu.dma_semaphore, #tpu.memory_space<semaphore_mem>>
        %dma_start3A_16 = arith.constant 0 : i32
        %dma_start3A_17 = tpu.memref_slice %arg4[%add3A, %scan3A_11, %dma_start3A_16] : memref<32x80x128xi32, #tpu.memory_space<hbm>> -> memref<1x1x128xi32, #tpu.memory_space<hbm>>
        %dma_start3A_18 = tpu.memref_squeeze %dma_start3A_17 : memref<1x1x128xi32, #tpu.memory_space<hbm>> -> memref<128xi32, #tpu.memory_space<hbm>>
        %dma_start3A_19 = arith.constant 0 : i32
        %dma_start3A_20 = tpu.memref_slice %arg4[%add3A, %scan3A_11, %dma_start3A_19] : memref<32x80x128xi32, #tpu.memory_space<hbm>> -> memref<1x1x128xi32, #tpu.memory_space<hbm>>
        %dma_start3A_21 = tpu.memref_squeeze %dma_start3A_20 : memref<1x1x128xi32, #tpu.memory_space<hbm>> -> memref<128xi32, #tpu.memory_space<hbm>>
        tpu.enqueue_dma source(%dma_start3A_21 : memref<128xi32, #tpu.memory_space<hbm>>) target(%arg8 : memref<128xi32, #tpu.memory_space<vmem>>) target_semaphore(%run_scoped3A : memref<!tpu.dma_semaphore, #tpu.memory_space<semaphore_mem>>)
        %dma_wait3A_22 = arith.constant 0 : i32
        %dma_wait3A_23 = tpu.memref_slice %arg4[%add3A, %scan3A_11, %dma_wait3A_22] : memref<32x80x128xi32, #tpu.memory_space<hbm>> -> memref<1x1x128xi32, #tpu.memory_space<hbm>>
        %dma_wait3A_24 = tpu.memref_squeeze %dma_wait3A_23 : memref<1x1x128xi32, #tpu.memory_space<hbm>> -> memref<128xi32, #tpu.memory_space<hbm>>
        %dma_wait3A_25 = arith.constant 0 : i32
        %dma_wait3A_26 = tpu.memref_slice %arg4[%add3A, %scan3A_11, %dma_wait3A_25] : memref<32x80x128xi32, #tpu.memory_space<hbm>> -> memref<1x1x128xi32, #tpu.memory_space<hbm>>
        %dma_wait3A_27 = tpu.memref_squeeze %dma_wait3A_26 : memref<1x1x128xi32, #tpu.memory_space<hbm>> -> memref<128xi32, #tpu.memory_space<hbm>>
        tpu.wait_dma2 semaphore(%run_scoped3A : memref<!tpu.dma_semaphore, #tpu.memory_space<semaphore_mem>>) src(%dma_wait3A_27 : memref<128xi32, #tpu.memory_space<hbm>>) dst(%arg8 : memref<128xi32, #tpu.memory_space<vmem>>)
        tpu.yield
      }) : () -> ()
      "tpu.region"() ({
        %run_scoped3A = tpu.sem_alloc : memref<!tpu.dma_semaphore, #tpu.memory_space<semaphore_mem>>
        %dma_start3A_16 = arith.constant 0 : i32
        %dma_start3A_17 = arith.constant 0 : i32
        %dma_start3A_18 = tpu.memref_slice %arg10[%dma_start3A_16, %dma_start3A_17] : memref<10240x128xf32, #tpu.memory_space<vmem_shared>> -> memref<10240x128xf32, #tpu.memory_space<vmem_shared>>
        tpu.enqueue_indirect_dma source(%arg9 : memref<128x128xf32, #tpu.memory_space<vmem>>) target(%dma_start3A_18 : memref<10240x128xf32, #tpu.memory_space<vmem_shared>>) offsets(%arg8 : memref<128xi32, #tpu.memory_space<vmem>>) semaphore(%run_scoped3A : memref<!tpu.dma_semaphore, #tpu.memory_space<semaphore_mem>>) {add = true}
        %dma_wait3A_19 = arith.constant 0 : i32
        %dma_wait3A_20 = arith.constant 0 : i32
        %dma_wait3A_21 = tpu.memref_slice %arg10[%dma_wait3A_19, %dma_wait3A_20] : memref<10240x128xf32, #tpu.memory_space<vmem_shared>> -> memref<10240x128xf32, #tpu.memory_space<vmem_shared>>
        tpu.wait_indirect_dma semaphore(%run_scoped3A : memref<!tpu.dma_semaphore, #tpu.memory_space<semaphore_mem>>) src(%arg9 : memref<128x128xf32, #tpu.memory_space<vmem>>) dst(%dma_wait3A_21 : memref<10240x128xf32, #tpu.memory_space<vmem_shared>>)
        tpu.yield
      }) : () -> ()
    }
    %scan3A_7 = arith.constant 80 : i32
    %barrier3A_8 = arith.constant 0 : index
    tpu.barrier barrier_id(%barrier3A_8)
    %mul3A_9 = arith.constant 640 : i32
    %mul3A_10 = arith.muli %arg1, %mul3A_9 : i32
    "tpu.region"() ({
      %run_scoped3A = tpu.sem_alloc : memref<!tpu.dma_semaphore, #tpu.memory_space<semaphore_mem>>
      %dma_start3A = arith.constant 0 : i32
      %dma_start3A_11 = tpu.memref_slice %arg6[%arg0, %mul3A_10, %dma_start3A] : memref<2x10240x128xf32, #tpu.memory_space<hbm>> -> memref<1x640x128xf32, #tpu.memory_space<hbm>>
      %dma_start3A_12 = tpu.memref_squeeze %dma_start3A_11 : memref<1x640x128xf32, #tpu.memory_space<hbm>> -> memref<640x128xf32, #tpu.memory_space<hbm>>
      %dma_start3A_13 = arith.constant 0 : i32
      %dma_start3A_14 = tpu.memref_slice %arg10[%mul3A_10, %dma_start3A_13] : memref<10240x128xf32, #tpu.memory_space<vmem_shared>> -> memref<640x128xf32, #tpu.memory_space<vmem_shared>>
      tpu.enqueue_dma source(%dma_start3A_14 : memref<640x128xf32, #tpu.memory_space<vmem_shared>>) target(%dma_start3A_12 : memref<640x128xf32, #tpu.memory_space<hbm>>) target_semaphore(%run_scoped3A : memref<!tpu.dma_semaphore, #tpu.memory_space<semaphore_mem>>)
      %dma_wait3A = arith.constant 0 : i32
      %dma_wait3A_15 = tpu.memref_slice %arg6[%arg0, %mul3A_10, %dma_wait3A] : memref<2x10240x128xf32, #tpu.memory_space<hbm>> -> memref<1x640x128xf32, #tpu.memory_space<hbm>>
      %dma_wait3A_16 = tpu.memref_squeeze %dma_wait3A_15 : memref<1x640x128xf32, #tpu.memory_space<hbm>> -> memref<640x128xf32, #tpu.memory_space<hbm>>
      %dma_wait3A_17 = arith.constant 0 : i32
      %dma_wait3A_18 = tpu.memref_slice %arg10[%mul3A_10, %dma_wait3A_17] : memref<10240x128xf32, #tpu.memory_space<vmem_shared>> -> memref<640x128xf32, #tpu.memory_space<vmem_shared>>
      tpu.wait_dma2 semaphore(%run_scoped3A : memref<!tpu.dma_semaphore, #tpu.memory_space<semaphore_mem>>) src(%dma_wait3A_18 : memref<640x128xf32, #tpu.memory_space<vmem_shared>>) dst(%dma_wait3A_16 : memref<640x128xf32, #tpu.memory_space<hbm>>)
      tpu.yield
    }) : () -> ()
    return
  }
}

#map = affine_map<(d0, d1) -> (0, 0)>
#map1 = affine_map<(d0, d1) -> (0, 0, 0)>
module attributes {stable_mosaic.version = 14 : i64} {
  func.func @body(%arg0: i32, %arg1: i32, %arg2: memref<10240x128xf32, #tpu.memory_space<hbm>>, %arg3: memref<32x80x128xi32, #tpu.memory_space<hbm>>, %arg4: memref<32x80x128xi32, #tpu.memory_space<hbm>>, %arg5: memref<640x128xf32, #tpu.memory_space<hbm>>, %arg6: memref<2x10240x128xf32, #tpu.memory_space<hbm>>, %arg7: memref<128xi32, #tpu.memory_space<vmem>>, %arg8: memref<128xi32, #tpu.memory_space<vmem>>, %arg9: memref<128x128xf32, #tpu.memory_space<vmem>>, %arg10: memref<10240x128xf32, #tpu.memory_space<vmem_shared>>, %arg11: memref<!tpu.dma_semaphore, #tpu.memory_space<semaphore_mem>>) attributes {dimension_semantics = [#tpu.dimension_semantics<core_parallel>, #tpu.dimension_semantics<subcore_parallel>], iteration_bounds = array<i64: 2, 16>, scalar_prefetch = 0 : i64, scratch_operands = 5 : i64, tpu.core_type = #tpu.core_type<sc_vector_subcore>, window_params = [{transform_indices = #map}, {transform_indices = #map1}, {transform_indices = #map1}, {transform_indices = #map}, {transform_indices = #map1}]} {
    %mul3A = arith.constant 16 : i32
    %mul3A_0 = arith.muli %arg0, %mul3A : i32
    %add3A = arith.addi %mul3A_0, %arg1 : i32
    %mul3A_1 = arith.constant 640 : i32
    %mul3A_2 = arith.muli %arg1, %mul3A_1 : i32
    "tpu.region"() ({
      %run_scoped3A = tpu.sem_alloc : memref<!tpu.dma_semaphore, #tpu.memory_space<semaphore_mem>>
      %dma_start3A = arith.constant 0 : i32
      %dma_start3A_11 = tpu.memref_slice %arg10[%mul3A_2, %dma_start3A] : memref<10240x128xf32, #tpu.memory_space<vmem_shared>> -> memref<640x128xf32, #tpu.memory_space<vmem_shared>>
      tpu.enqueue_dma source(%arg5 : memref<640x128xf32, #tpu.memory_space<hbm>>) target(%dma_start3A_11 : memref<640x128xf32, #tpu.memory_space<vmem_shared>>) target_semaphore(%run_scoped3A : memref<!tpu.dma_semaphore, #tpu.memory_space<semaphore_mem>>)
      %dma_wait3A = arith.constant 0 : i32
      %dma_wait3A_12 = tpu.memref_slice %arg10[%mul3A_2, %dma_wait3A] : memref<10240x128xf32, #tpu.memory_space<vmem_shared>> -> memref<640x128xf32, #tpu.memory_space<vmem_shared>>
      tpu.wait_dma2 semaphore(%run_scoped3A : memref<!tpu.dma_semaphore, #tpu.memory_space<semaphore_mem>>) src(%arg5 : memref<640x128xf32, #tpu.memory_space<hbm>>) dst(%dma_wait3A_12 : memref<640x128xf32, #tpu.memory_space<vmem_shared>>)
      tpu.yield
    }) : () -> ()
    %barrier3A = arith.constant 0 : index
    tpu.barrier barrier_id(%barrier3A)
    %scan3A = arith.constant 0 : i32
    %scan3A_3 = arith.constant 0 : i32
    %scan3A_4 = arith.constant 80 : i32
    %scan3A_5 = arith.addi %scan3A_3, %scan3A_4 : i32
    %scan3A_6 = arith.constant 1 : i32
    scf.for %scan3A_11 = %scan3A_3 to %scan3A_5 step %scan3A_6  : i32 {
      "tpu.region"() ({
        %run_scoped3A = tpu.sem_alloc : memref<!tpu.dma_semaphore, #tpu.memory_space<semaphore_mem>>
        %dma_start3A_16 = arith.constant 0 : i32
        %dma_start3A_17 = tpu.memref_slice %arg3[%add3A, %scan3A_11, %dma_start3A_16] : memref<32x80x128xi32, #tpu.memory_space<hbm>> -> memref<1x1x128xi32, #tpu.memory_space<hbm>>
        %dma_start3A_18 = tpu.memref_squeeze %dma_start3A_17 : memref<1x1x128xi32, #tpu.memory_space<hbm>> -> memref<128xi32, #tpu.memory_space<hbm>>
        %dma_start3A_19 = arith.constant 0 : i32
        %dma_start3A_20 = tpu.memref_slice %arg3[%add3A, %scan3A_11, %dma_start3A_19] : memref<32x80x128xi32, #tpu.memory_space<hbm>> -> memref<1x1x128xi32, #tpu.memory_space<hbm>>
        %dma_start3A_21 = tpu.memref_squeeze %dma_start3A_20 : memref<1x1x128xi32, #tpu.memory_space<hbm>> -> memref<128xi32, #tpu.memory_space<hbm>>
        tpu.enqueue_dma source(%dma_start3A_21 : memref<128xi32, #tpu.memory_space<hbm>>) target(%arg7 : memref<128xi32, #tpu.memory_space<vmem>>) target_semaphore(%run_scoped3A : memref<!tpu.dma_semaphore, #tpu.memory_space<semaphore_mem>>)
        %dma_wait3A_22 = arith.constant 0 : i32
        %dma_wait3A_23 = tpu.memref_slice %arg3[%add3A, %scan3A_11, %dma_wait3A_22] : memref<32x80x128xi32, #tpu.memory_space<hbm>> -> memref<1x1x128xi32, #tpu.memory_space<hbm>>
        %dma_wait3A_24 = tpu.memref_squeeze %dma_wait3A_23 : memref<1x1x128xi32, #tpu.memory_space<hbm>> -> memref<128xi32, #tpu.memory_space<hbm>>
        %dma_wait3A_25 = arith.constant 0 : i32
        %dma_wait3A_26 = tpu.memref_slice %arg3[%add3A, %scan3A_11, %dma_wait3A_25] : memref<32x80x128xi32, #tpu.memory_space<hbm>> -> memref<1x1x128xi32, #tpu.memory_space<hbm>>
        %dma_wait3A_27 = tpu.memref_squeeze %dma_wait3A_26 : memref<1x1x128xi32, #tpu.memory_space<hbm>> -> memref<128xi32, #tpu.memory_space<hbm>>
        tpu.wait_dma2 semaphore(%run_scoped3A : memref<!tpu.dma_semaphore, #tpu.memory_space<semaphore_mem>>) src(%dma_wait3A_27 : memref<128xi32, #tpu.memory_space<hbm>>) dst(%arg7 : memref<128xi32, #tpu.memory_space<vmem>>)
        tpu.yield
      }) : () -> ()
      %dma_start3A = arith.constant 0 : i32
      %dma_start3A_12 = arith.constant 0 : i32
      %dma_start3A_13 = tpu.memref_slice %arg2[%dma_start3A, %dma_start3A_12] : memref<10240x128xf32, #tpu.memory_space<hbm>> -> memref<10240x128xf32, #tpu.memory_space<hbm>>
      tpu.enqueue_indirect_dma source(%dma_start3A_13 : memref<10240x128xf32, #tpu.memory_space<hbm>>) target(%arg9 : memref<128x128xf32, #tpu.memory_space<vmem>>) offsets(%arg7 : memref<128xi32, #tpu.memory_space<vmem>>) semaphore(%arg11 : memref<!tpu.dma_semaphore, #tpu.memory_space<semaphore_mem>>)
      %dma_wait3A = arith.constant 0 : i32
      %dma_wait3A_14 = arith.constant 0 : i32
      %dma_wait3A_15 = tpu.memref_slice %arg2[%dma_wait3A, %dma_wait3A_14] : memref<10240x128xf32, #tpu.memory_space<hbm>> -> memref<10240x128xf32, #tpu.memory_space<hbm>>
      tpu.wait_indirect_dma semaphore(%arg11 : memref<!tpu.dma_semaphore, #tpu.memory_space<semaphore_mem>>) src(%dma_wait3A_15 : memref<10240x128xf32, #tpu.memory_space<hbm>>) dst(%arg9 : memref<128x128xf32, #tpu.memory_space<vmem>>)
      "tpu.region"() ({
        %run_scoped3A = tpu.sem_alloc : memref<!tpu.dma_semaphore, #tpu.memory_space<semaphore_mem>>
        %dma_start3A_16 = arith.constant 0 : i32
        %dma_start3A_17 = tpu.memref_slice %arg4[%add3A, %scan3A_11, %dma_start3A_16] : memref<32x80x128xi32, #tpu.memory_space<hbm>> -> memref<1x1x128xi32, #tpu.memory_space<hbm>>
        %dma_start3A_18 = tpu.memref_squeeze %dma_start3A_17 : memref<1x1x128xi32, #tpu.memory_space<hbm>> -> memref<128xi32, #tpu.memory_space<hbm>>
        %dma_start3A_19 = arith.constant 0 : i32
        %dma_start3A_20 = tpu.memref_slice %arg4[%add3A, %scan3A_11, %dma_start3A_19] : memref<32x80x128xi32, #tpu.memory_space<hbm>> -> memref<1x1x128xi32, #tpu.memory_space<hbm>>
        %dma_start3A_21 = tpu.memref_squeeze %dma_start3A_20 : memref<1x1x128xi32, #tpu.memory_space<hbm>> -> memref<128xi32, #tpu.memory_space<hbm>>
        tpu.enqueue_dma source(%dma_start3A_21 : memref<128xi32, #tpu.memory_space<hbm>>) target(%arg8 : memref<128xi32, #tpu.memory_space<vmem>>) target_semaphore(%run_scoped3A : memref<!tpu.dma_semaphore, #tpu.memory_space<semaphore_mem>>)
        %dma_wait3A_22 = arith.constant 0 : i32
        %dma_wait3A_23 = tpu.memref_slice %arg4[%add3A, %scan3A_11, %dma_wait3A_22] : memref<32x80x128xi32, #tpu.memory_space<hbm>> -> memref<1x1x128xi32, #tpu.memory_space<hbm>>
        %dma_wait3A_24 = tpu.memref_squeeze %dma_wait3A_23 : memref<1x1x128xi32, #tpu.memory_space<hbm>> -> memref<128xi32, #tpu.memory_space<hbm>>
        %dma_wait3A_25 = arith.constant 0 : i32
        %dma_wait3A_26 = tpu.memref_slice %arg4[%add3A, %scan3A_11, %dma_wait3A_25] : memref<32x80x128xi32, #tpu.memory_space<hbm>> -> memref<1x1x128xi32, #tpu.memory_space<hbm>>
        %dma_wait3A_27 = tpu.memref_squeeze %dma_wait3A_26 : memref<1x1x128xi32, #tpu.memory_space<hbm>> -> memref<128xi32, #tpu.memory_space<hbm>>
        tpu.wait_dma2 semaphore(%run_scoped3A : memref<!tpu.dma_semaphore, #tpu.memory_space<semaphore_mem>>) src(%dma_wait3A_27 : memref<128xi32, #tpu.memory_space<hbm>>) dst(%arg8 : memref<128xi32, #tpu.memory_space<vmem>>)
        tpu.yield
      }) : () -> ()
      "tpu.region"() ({
        %run_scoped3A = tpu.sem_alloc : memref<!tpu.dma_semaphore, #tpu.memory_space<semaphore_mem>>
        %dma_start3A_16 = arith.constant 0 : i32
        %dma_start3A_17 = arith.constant 0 : i32
        %dma_start3A_18 = tpu.memref_slice %arg10[%dma_start3A_16, %dma_start3A_17] : memref<10240x128xf32, #tpu.memory_space<vmem_shared>> -> memref<10240x128xf32, #tpu.memory_space<vmem_shared>>
        tpu.enqueue_indirect_dma source(%arg9 : memref<128x128xf32, #tpu.memory_space<vmem>>) target(%dma_start3A_18 : memref<10240x128xf32, #tpu.memory_space<vmem_shared>>) offsets(%arg8 : memref<128xi32, #tpu.memory_space<vmem>>) semaphore(%run_scoped3A : memref<!tpu.dma_semaphore, #tpu.memory_space<semaphore_mem>>) {add = true}
        %dma_wait3A_19 = arith.constant 0 : i32
        %dma_wait3A_20 = arith.constant 0 : i32
        %dma_wait3A_21 = tpu.memref_slice %arg10[%dma_wait3A_19, %dma_wait3A_20] : memref<10240x128xf32, #tpu.memory_space<vmem_shared>> -> memref<10240x128xf32, #tpu.memory_space<vmem_shared>>
        tpu.wait_indirect_dma semaphore(%run_scoped3A : memref<!tpu.dma_semaphore, #tpu.memory_space<semaphore_mem>>) src(%arg9 : memref<128x128xf32, #tpu.memory_space<vmem>>) dst(%dma_wait3A_21 : memref<10240x128xf32, #tpu.memory_space<vmem_shared>>)
        tpu.yield
      }) : () -> ()
    }
    %scan3A_7 = arith.constant 80 : i32
    %barrier3A_8 = arith.constant 0 : index
    tpu.barrier barrier_id(%barrier3A_8)
    %mul3A_9 = arith.constant 640 : i32
    %mul3A_10 = arith.muli %arg1, %mul3A_9 : i32
    "tpu.region"() ({
      %run_scoped3A = tpu.sem_alloc : memref<!tpu.dma_semaphore, #tpu.memory_space<semaphore_mem>>
      %dma_start3A = arith.constant 0 : i32
      %dma_start3A_11 = tpu.memref_slice %arg6[%arg0, %mul3A_10, %dma_start3A] : memref<2x10240x128xf32, #tpu.memory_space<hbm>> -> memref<1x640x128xf32, #tpu.memory_space<hbm>>
      %dma_start3A_12 = tpu.memref_squeeze %dma_start3A_11 : memref<1x640x128xf32, #tpu.memory_space<hbm>> -> memref<640x128xf32, #tpu.memory_space<hbm>>
      %dma_start3A_13 = arith.constant 0 : i32
      %dma_start3A_14 = tpu.memref_slice %arg10[%mul3A_10, %dma_start3A_13] : memref<10240x128xf32, #tpu.memory_space<vmem_shared>> -> memref<640x128xf32, #tpu.memory_space<vmem_shared>>
      tpu.enqueue_dma source(%dma_start3A_14 : memref<640x128xf32, #tpu.memory_space<vmem_shared>>) target(%dma_start3A_12 : memref<640x128xf32, #tpu.memory_space<hbm>>) target_semaphore(%run_scoped3A : memref<!tpu.dma_semaphore, #tpu.memory_space<semaphore_mem>>)
      %dma_wait3A = arith.constant 0 : i32
      %dma_wait3A_15 = tpu.memref_slice %arg6[%arg0, %mul3A_10, %dma_wait3A] : memref<2x10240x128xf32, #tpu.memory_space<hbm>> -> memref<1x640x128xf32, #tpu.memory_space<hbm>>
      %dma_wait3A_16 = tpu.memref_squeeze %dma_wait3A_15 : memref<1x640x128xf32, #tpu.memory_space<hbm>> -> memref<640x128xf32, #tpu.memory_space<hbm>>
      %dma_wait3A_17 = arith.constant 0 : i32
      %dma_wait3A_18 = tpu.memref_slice %arg10[%mul3A_10, %dma_wait3A_17] : memref<10240x128xf32, #tpu.memory_space<vmem_shared>> -> memref<640x128xf32, #tpu.memory_space<vmem_shared>>
      tpu.wait_dma2 semaphore(%run_scoped3A : memref<!tpu.dma_semaphore, #tpu.memory_space<semaphore_mem>>) src(%dma_wait3A_18 : memref<640x128xf32, #tpu.memory_space<vmem_shared>>) dst(%dma_wait3A_16 : memref<640x128xf32, #tpu.memory_space<hbm>>)
      tpu.yield
    }) : () -> ()
    return
  }
}

#map = affine_map<(d0, d1) -> (0, 0)>
#map1 = affine_map<(d0, d1) -> (0, 0, 0)>
module attributes {stable_mosaic.version = 14 : i64} {
  func.func @body(%arg0: i32, %arg1: i32, %arg2: memref<10240x128xf32, #tpu.memory_space<hbm>>, %arg3: memref<32x80x128xi32, #tpu.memory_space<hbm>>, %arg4: memref<32x80x128xi32, #tpu.memory_space<hbm>>, %arg5: memref<640x128xf32, #tpu.memory_space<hbm>>, %arg6: memref<2x10240x128xf32, #tpu.memory_space<hbm>>, %arg7: memref<128xi32, #tpu.memory_space<vmem>>, %arg8: memref<128xi32, #tpu.memory_space<vmem>>, %arg9: memref<128x128xf32, #tpu.memory_space<vmem>>, %arg10: memref<10240x128xf32, #tpu.memory_space<vmem_shared>>, %arg11: memref<!tpu.dma_semaphore, #tpu.memory_space<semaphore_mem>>) attributes {dimension_semantics = [#tpu.dimension_semantics<core_parallel>, #tpu.dimension_semantics<subcore_parallel>], iteration_bounds = array<i64: 2, 16>, scalar_prefetch = 0 : i64, scratch_operands = 5 : i64, tpu.core_type = #tpu.core_type<sc_vector_subcore>, window_params = [{transform_indices = #map}, {transform_indices = #map1}, {transform_indices = #map1}, {transform_indices = #map}, {transform_indices = #map1}]} {
    %mul3A = arith.constant 16 : i32
    %mul3A_0 = arith.muli %arg0, %mul3A : i32
    %add3A = arith.addi %mul3A_0, %arg1 : i32
    %mul3A_1 = arith.constant 640 : i32
    %mul3A_2 = arith.muli %arg1, %mul3A_1 : i32
    "tpu.region"() ({
      %run_scoped3A = tpu.sem_alloc : memref<!tpu.dma_semaphore, #tpu.memory_space<semaphore_mem>>
      %dma_start3A = arith.constant 0 : i32
      %dma_start3A_11 = tpu.memref_slice %arg10[%mul3A_2, %dma_start3A] : memref<10240x128xf32, #tpu.memory_space<vmem_shared>> -> memref<640x128xf32, #tpu.memory_space<vmem_shared>>
      tpu.enqueue_dma source(%arg5 : memref<640x128xf32, #tpu.memory_space<hbm>>) target(%dma_start3A_11 : memref<640x128xf32, #tpu.memory_space<vmem_shared>>) target_semaphore(%run_scoped3A : memref<!tpu.dma_semaphore, #tpu.memory_space<semaphore_mem>>)
      %dma_wait3A = arith.constant 0 : i32
      %dma_wait3A_12 = tpu.memref_slice %arg10[%mul3A_2, %dma_wait3A] : memref<10240x128xf32, #tpu.memory_space<vmem_shared>> -> memref<640x128xf32, #tpu.memory_space<vmem_shared>>
      tpu.wait_dma2 semaphore(%run_scoped3A : memref<!tpu.dma_semaphore, #tpu.memory_space<semaphore_mem>>) src(%arg5 : memref<640x128xf32, #tpu.memory_space<hbm>>) dst(%dma_wait3A_12 : memref<640x128xf32, #tpu.memory_space<vmem_shared>>)
      tpu.yield
    }) : () -> ()
    %barrier3A = arith.constant 0 : index
    tpu.barrier barrier_id(%barrier3A)
    %scan3A = arith.constant 0 : i32
    %scan3A_3 = arith.constant 0 : i32
    %scan3A_4 = arith.constant 80 : i32
    %scan3A_5 = arith.addi %scan3A_3, %scan3A_4 : i32
    %scan3A_6 = arith.constant 1 : i32
    scf.for %scan3A_11 = %scan3A_3 to %scan3A_5 step %scan3A_6  : i32 {
      "tpu.region"() ({
        %run_scoped3A = tpu.sem_alloc : memref<!tpu.dma_semaphore, #tpu.memory_space<semaphore_mem>>
        %dma_start3A_16 = arith.constant 0 : i32
        %dma_start3A_17 = tpu.memref_slice %arg3[%add3A, %scan3A_11, %dma_start3A_16] : memref<32x80x128xi32, #tpu.memory_space<hbm>> -> memref<1x1x128xi32, #tpu.memory_space<hbm>>
        %dma_start3A_18 = tpu.memref_squeeze %dma_start3A_17 : memref<1x1x128xi32, #tpu.memory_space<hbm>> -> memref<128xi32, #tpu.memory_space<hbm>>
        %dma_start3A_19 = arith.constant 0 : i32
        %dma_start3A_20 = tpu.memref_slice %arg3[%add3A, %scan3A_11, %dma_start3A_19] : memref<32x80x128xi32, #tpu.memory_space<hbm>> -> memref<1x1x128xi32, #tpu.memory_space<hbm>>
        %dma_start3A_21 = tpu.memref_squeeze %dma_start3A_20 : memref<1x1x128xi32, #tpu.memory_space<hbm>> -> memref<128xi32, #tpu.memory_space<hbm>>
        tpu.enqueue_dma source(%dma_start3A_21 : memref<128xi32, #tpu.memory_space<hbm>>) target(%arg7 : memref<128xi32, #tpu.memory_space<vmem>>) target_semaphore(%run_scoped3A : memref<!tpu.dma_semaphore, #tpu.memory_space<semaphore_mem>>)
        %dma_wait3A_22 = arith.constant 0 : i32
        %dma_wait3A_23 = tpu.memref_slice %arg3[%add3A, %scan3A_11, %dma_wait3A_22] : memref<32x80x128xi32, #tpu.memory_space<hbm>> -> memref<1x1x128xi32, #tpu.memory_space<hbm>>
        %dma_wait3A_24 = tpu.memref_squeeze %dma_wait3A_23 : memref<1x1x128xi32, #tpu.memory_space<hbm>> -> memref<128xi32, #tpu.memory_space<hbm>>
        %dma_wait3A_25 = arith.constant 0 : i32
        %dma_wait3A_26 = tpu.memref_slice %arg3[%add3A, %scan3A_11, %dma_wait3A_25] : memref<32x80x128xi32, #tpu.memory_space<hbm>> -> memref<1x1x128xi32, #tpu.memory_space<hbm>>
        %dma_wait3A_27 = tpu.memref_squeeze %dma_wait3A_26 : memref<1x1x128xi32, #tpu.memory_space<hbm>> -> memref<128xi32, #tpu.memory_space<hbm>>
        tpu.wait_dma2 semaphore(%run_scoped3A : memref<!tpu.dma_semaphore, #tpu.memory_space<semaphore_mem>>) src(%dma_wait3A_27 : memref<128xi32, #tpu.memory_space<hbm>>) dst(%arg7 : memref<128xi32, #tpu.memory_space<vmem>>)
        tpu.yield
      }) : () -> ()
      %dma_start3A = arith.constant 0 : i32
      %dma_start3A_12 = arith.constant 0 : i32
      %dma_start3A_13 = tpu.memref_slice %arg2[%dma_start3A, %dma_start3A_12] : memref<10240x128xf32, #tpu.memory_space<hbm>> -> memref<10240x128xf32, #tpu.memory_space<hbm>>
      tpu.enqueue_indirect_dma source(%dma_start3A_13 : memref<10240x128xf32, #tpu.memory_space<hbm>>) target(%arg9 : memref<128x128xf32, #tpu.memory_space<vmem>>) offsets(%arg7 : memref<128xi32, #tpu.memory_space<vmem>>) semaphore(%arg11 : memref<!tpu.dma_semaphore, #tpu.memory_space<semaphore_mem>>)
      %dma_wait3A = arith.constant 0 : i32
      %dma_wait3A_14 = arith.constant 0 : i32
      %dma_wait3A_15 = tpu.memref_slice %arg2[%dma_wait3A, %dma_wait3A_14] : memref<10240x128xf32, #tpu.memory_space<hbm>> -> memref<10240x128xf32, #tpu.memory_space<hbm>>
      tpu.wait_indirect_dma semaphore(%arg11 : memref<!tpu.dma_semaphore, #tpu.memory_space<semaphore_mem>>) src(%dma_wait3A_15 : memref<10240x128xf32, #tpu.memory_space<hbm>>) dst(%arg9 : memref<128x128xf32, #tpu.memory_space<vmem>>)
      "tpu.region"() ({
        %run_scoped3A = tpu.sem_alloc : memref<!tpu.dma_semaphore, #tpu.memory_space<semaphore_mem>>
        %dma_start3A_16 = arith.constant 0 : i32
        %dma_start3A_17 = tpu.memref_slice %arg4[%add3A, %scan3A_11, %dma_start3A_16] : memref<32x80x128xi32, #tpu.memory_space<hbm>> -> memref<1x1x128xi32, #tpu.memory_space<hbm>>
        %dma_start3A_18 = tpu.memref_squeeze %dma_start3A_17 : memref<1x1x128xi32, #tpu.memory_space<hbm>> -> memref<128xi32, #tpu.memory_space<hbm>>
        %dma_start3A_19 = arith.constant 0 : i32
        %dma_start3A_20 = tpu.memref_slice %arg4[%add3A, %scan3A_11, %dma_start3A_19] : memref<32x80x128xi32, #tpu.memory_space<hbm>> -> memref<1x1x128xi32, #tpu.memory_space<hbm>>
        %dma_start3A_21 = tpu.memref_squeeze %dma_start3A_20 : memref<1x1x128xi32, #tpu.memory_space<hbm>> -> memref<128xi32, #tpu.memory_space<hbm>>
        tpu.enqueue_dma source(%dma_start3A_21 : memref<128xi32, #tpu.memory_space<hbm>>) target(%arg8 : memref<128xi32, #tpu.memory_space<vmem>>) target_semaphore(%run_scoped3A : memref<!tpu.dma_semaphore, #tpu.memory_space<semaphore_mem>>)
        %dma_wait3A_22 = arith.constant 0 : i32
        %dma_wait3A_23 = tpu.memref_slice %arg4[%add3A, %scan3A_11, %dma_wait3A_22] : memref<32x80x128xi32, #tpu.memory_space<hbm>> -> memref<1x1x128xi32, #tpu.memory_space<hbm>>
        %dma_wait3A_24 = tpu.memref_squeeze %dma_wait3A_23 : memref<1x1x128xi32, #tpu.memory_space<hbm>> -> memref<128xi32, #tpu.memory_space<hbm>>
        %dma_wait3A_25 = arith.constant 0 : i32
        %dma_wait3A_26 = tpu.memref_slice %arg4[%add3A, %scan3A_11, %dma_wait3A_25] : memref<32x80x128xi32, #tpu.memory_space<hbm>> -> memref<1x1x128xi32, #tpu.memory_space<hbm>>
        %dma_wait3A_27 = tpu.memref_squeeze %dma_wait3A_26 : memref<1x1x128xi32, #tpu.memory_space<hbm>> -> memref<128xi32, #tpu.memory_space<hbm>>
        tpu.wait_dma2 semaphore(%run_scoped3A : memref<!tpu.dma_semaphore, #tpu.memory_space<semaphore_mem>>) src(%dma_wait3A_27 : memref<128xi32, #tpu.memory_space<hbm>>) dst(%arg8 : memref<128xi32, #tpu.memory_space<vmem>>)
        tpu.yield
      }) : () -> ()
      "tpu.region"() ({
        %run_scoped3A = tpu.sem_alloc : memref<!tpu.dma_semaphore, #tpu.memory_space<semaphore_mem>>
        %dma_start3A_16 = arith.constant 0 : i32
        %dma_start3A_17 = arith.constant 0 : i32
        %dma_start3A_18 = tpu.memref_slice %arg10[%dma_start3A_16, %dma_start3A_17] : memref<10240x128xf32, #tpu.memory_space<vmem_shared>> -> memref<10240x128xf32, #tpu.memory_space<vmem_shared>>
        tpu.enqueue_indirect_dma source(%arg9 : memref<128x128xf32, #tpu.memory_space<vmem>>) target(%dma_start3A_18 : memref<10240x128xf32, #tpu.memory_space<vmem_shared>>) offsets(%arg8 : memref<128xi32, #tpu.memory_space<vmem>>) semaphore(%run_scoped3A : memref<!tpu.dma_semaphore, #tpu.memory_space<semaphore_mem>>) {add = true}
        %dma_wait3A_19 = arith.constant 0 : i32
        %dma_wait3A_20 = arith.constant 0 : i32
        %dma_wait3A_21 = tpu.memref_slice %arg10[%dma_wait3A_19, %dma_wait3A_20] : memref<10240x128xf32, #tpu.memory_space<vmem_shared>> -> memref<10240x128xf32, #tpu.memory_space<vmem_shared>>
        tpu.wait_indirect_dma semaphore(%run_scoped3A : memref<!tpu.dma_semaphore, #tpu.memory_space<semaphore_mem>>) src(%arg9 : memref<128x128xf32, #tpu.memory_space<vmem>>) dst(%dma_wait3A_21 : memref<10240x128xf32, #tpu.memory_space<vmem_shared>>)
        tpu.yield
      }) : () -> ()
    }
    %scan3A_7 = arith.constant 80 : i32
    %barrier3A_8 = arith.constant 0 : index
    tpu.barrier barrier_id(%barrier3A_8)
    %mul3A_9 = arith.constant 640 : i32
    %mul3A_10 = arith.muli %arg1, %mul3A_9 : i32
    "tpu.region"() ({
      %run_scoped3A = tpu.sem_alloc : memref<!tpu.dma_semaphore, #tpu.memory_space<semaphore_mem>>
      %dma_start3A = arith.constant 0 : i32
      %dma_start3A_11 = tpu.memref_slice %arg6[%arg0, %mul3A_10, %dma_start3A] : memref<2x10240x128xf32, #tpu.memory_space<hbm>> -> memref<1x640x128xf32, #tpu.memory_space<hbm>>
      %dma_start3A_12 = tpu.memref_squeeze %dma_start3A_11 : memref<1x640x128xf32, #tpu.memory_space<hbm>> -> memref<640x128xf32, #tpu.memory_space<hbm>>
      %dma_start3A_13 = arith.constant 0 : i32
      %dma_start3A_14 = tpu.memref_slice %arg10[%mul3A_10, %dma_start3A_13] : memref<10240x128xf32, #tpu.memory_space<vmem_shared>> -> memref<640x128xf32, #tpu.memory_space<vmem_shared>>
      tpu.enqueue_dma source(%dma_start3A_14 : memref<640x128xf32, #tpu.memory_space<vmem_shared>>) target(%dma_start3A_12 : memref<640x128xf32, #tpu.memory_space<hbm>>) target_semaphore(%run_scoped3A : memref<!tpu.dma_semaphore, #tpu.memory_space<semaphore_mem>>)
      %dma_wait3A = arith.constant 0 : i32
      %dma_wait3A_15 = tpu.memref_slice %arg6[%arg0, %mul3A_10, %dma_wait3A] : memref<2x10240x128xf32, #tpu.memory_space<hbm>> -> memref<1x640x128xf32, #tpu.memory_space<hbm>>
      %dma_wait3A_16 = tpu.memref_squeeze %dma_wait3A_15 : memref<1x640x128xf32, #tpu.memory_space<hbm>> -> memref<640x128xf32, #tpu.memory_space<hbm>>
      %dma_wait3A_17 = arith.constant 0 : i32
      %dma_wait3A_18 = tpu.memref_slice %arg10[%mul3A_10, %dma_wait3A_17] : memref<10240x128xf32, #tpu.memory_space<vmem_shared>> -> memref<640x128xf32, #tpu.memory_space<vmem_shared>>
      tpu.wait_dma2 semaphore(%run_scoped3A : memref<!tpu.dma_semaphore, #tpu.memory_space<semaphore_mem>>) src(%dma_wait3A_18 : memref<640x128xf32, #tpu.memory_space<vmem_shared>>) dst(%dma_wait3A_16 : memref<640x128xf32, #tpu.memory_space<hbm>>)
      tpu.yield
    }) : () -> ()
    return
  }
}

#map = affine_map<(d0, d1) -> (0, 0)>
#map1 = affine_map<(d0, d1) -> (0, 0, 0)>
module attributes {stable_mosaic.version = 14 : i64} {
  func.func @body(%arg0: i32, %arg1: i32, %arg2: memref<10240x128xf32, #tpu.memory_space<hbm>>, %arg3: memref<32x80x128xi32, #tpu.memory_space<hbm>>, %arg4: memref<32x80x128xi32, #tpu.memory_space<hbm>>, %arg5: memref<640x128xf32, #tpu.memory_space<hbm>>, %arg6: memref<2x10240x128xf32, #tpu.memory_space<hbm>>, %arg7: memref<128xi32, #tpu.memory_space<vmem>>, %arg8: memref<128xi32, #tpu.memory_space<vmem>>, %arg9: memref<128x128xf32, #tpu.memory_space<vmem>>, %arg10: memref<10240x128xf32, #tpu.memory_space<vmem_shared>>, %arg11: memref<!tpu.dma_semaphore, #tpu.memory_space<semaphore_mem>>) attributes {dimension_semantics = [#tpu.dimension_semantics<core_parallel>, #tpu.dimension_semantics<subcore_parallel>], iteration_bounds = array<i64: 2, 16>, scalar_prefetch = 0 : i64, scratch_operands = 5 : i64, tpu.core_type = #tpu.core_type<sc_vector_subcore>, window_params = [{transform_indices = #map}, {transform_indices = #map1}, {transform_indices = #map1}, {transform_indices = #map}, {transform_indices = #map1}]} {
    %mul3A = arith.constant 16 : i32
    %mul3A_0 = arith.muli %arg0, %mul3A : i32
    %add3A = arith.addi %mul3A_0, %arg1 : i32
    %mul3A_1 = arith.constant 640 : i32
    %mul3A_2 = arith.muli %arg1, %mul3A_1 : i32
    "tpu.region"() ({
      %run_scoped3A = tpu.sem_alloc : memref<!tpu.dma_semaphore, #tpu.memory_space<semaphore_mem>>
      %dma_start3A = arith.constant 0 : i32
      %dma_start3A_11 = tpu.memref_slice %arg10[%mul3A_2, %dma_start3A] : memref<10240x128xf32, #tpu.memory_space<vmem_shared>> -> memref<640x128xf32, #tpu.memory_space<vmem_shared>>
      tpu.enqueue_dma source(%arg5 : memref<640x128xf32, #tpu.memory_space<hbm>>) target(%dma_start3A_11 : memref<640x128xf32, #tpu.memory_space<vmem_shared>>) target_semaphore(%run_scoped3A : memref<!tpu.dma_semaphore, #tpu.memory_space<semaphore_mem>>)
      %dma_wait3A = arith.constant 0 : i32
      %dma_wait3A_12 = tpu.memref_slice %arg10[%mul3A_2, %dma_wait3A] : memref<10240x128xf32, #tpu.memory_space<vmem_shared>> -> memref<640x128xf32, #tpu.memory_space<vmem_shared>>
      tpu.wait_dma2 semaphore(%run_scoped3A : memref<!tpu.dma_semaphore, #tpu.memory_space<semaphore_mem>>) src(%arg5 : memref<640x128xf32, #tpu.memory_space<hbm>>) dst(%dma_wait3A_12 : memref<640x128xf32, #tpu.memory_space<vmem_shared>>)
      tpu.yield
    }) : () -> ()
    %barrier3A = arith.constant 0 : index
    tpu.barrier barrier_id(%barrier3A)
    %scan3A = arith.constant 0 : i32
    %scan3A_3 = arith.constant 0 : i32
    %scan3A_4 = arith.constant 80 : i32
    %scan3A_5 = arith.addi %scan3A_3, %scan3A_4 : i32
    %scan3A_6 = arith.constant 1 : i32
    scf.for %scan3A_11 = %scan3A_3 to %scan3A_5 step %scan3A_6  : i32 {
      "tpu.region"() ({
        %run_scoped3A = tpu.sem_alloc : memref<!tpu.dma_semaphore, #tpu.memory_space<semaphore_mem>>
        %dma_start3A_16 = arith.constant 0 : i32
        %dma_start3A_17 = tpu.memref_slice %arg3[%add3A, %scan3A_11, %dma_start3A_16] : memref<32x80x128xi32, #tpu.memory_space<hbm>> -> memref<1x1x128xi32, #tpu.memory_space<hbm>>
        %dma_start3A_18 = tpu.memref_squeeze %dma_start3A_17 : memref<1x1x128xi32, #tpu.memory_space<hbm>> -> memref<128xi32, #tpu.memory_space<hbm>>
        %dma_start3A_19 = arith.constant 0 : i32
        %dma_start3A_20 = tpu.memref_slice %arg3[%add3A, %scan3A_11, %dma_start3A_19] : memref<32x80x128xi32, #tpu.memory_space<hbm>> -> memref<1x1x128xi32, #tpu.memory_space<hbm>>
        %dma_start3A_21 = tpu.memref_squeeze %dma_start3A_20 : memref<1x1x128xi32, #tpu.memory_space<hbm>> -> memref<128xi32, #tpu.memory_space<hbm>>
        tpu.enqueue_dma source(%dma_start3A_21 : memref<128xi32, #tpu.memory_space<hbm>>) target(%arg7 : memref<128xi32, #tpu.memory_space<vmem>>) target_semaphore(%run_scoped3A : memref<!tpu.dma_semaphore, #tpu.memory_space<semaphore_mem>>)
        %dma_wait3A_22 = arith.constant 0 : i32
        %dma_wait3A_23 = tpu.memref_slice %arg3[%add3A, %scan3A_11, %dma_wait3A_22] : memref<32x80x128xi32, #tpu.memory_space<hbm>> -> memref<1x1x128xi32, #tpu.memory_space<hbm>>
        %dma_wait3A_24 = tpu.memref_squeeze %dma_wait3A_23 : memref<1x1x128xi32, #tpu.memory_space<hbm>> -> memref<128xi32, #tpu.memory_space<hbm>>
        %dma_wait3A_25 = arith.constant 0 : i32
        %dma_wait3A_26 = tpu.memref_slice %arg3[%add3A, %scan3A_11, %dma_wait3A_25] : memref<32x80x128xi32, #tpu.memory_space<hbm>> -> memref<1x1x128xi32, #tpu.memory_space<hbm>>
        %dma_wait3A_27 = tpu.memref_squeeze %dma_wait3A_26 : memref<1x1x128xi32, #tpu.memory_space<hbm>> -> memref<128xi32, #tpu.memory_space<hbm>>
        tpu.wait_dma2 semaphore(%run_scoped3A : memref<!tpu.dma_semaphore, #tpu.memory_space<semaphore_mem>>) src(%dma_wait3A_27 : memref<128xi32, #tpu.memory_space<hbm>>) dst(%arg7 : memref<128xi32, #tpu.memory_space<vmem>>)
        tpu.yield
      }) : () -> ()
      %dma_start3A = arith.constant 0 : i32
      %dma_start3A_12 = arith.constant 0 : i32
      %dma_start3A_13 = tpu.memref_slice %arg2[%dma_start3A, %dma_start3A_12] : memref<10240x128xf32, #tpu.memory_space<hbm>> -> memref<10240x128xf32, #tpu.memory_space<hbm>>
      tpu.enqueue_indirect_dma source(%dma_start3A_13 : memref<10240x128xf32, #tpu.memory_space<hbm>>) target(%arg9 : memref<128x128xf32, #tpu.memory_space<vmem>>) offsets(%arg7 : memref<128xi32, #tpu.memory_space<vmem>>) semaphore(%arg11 : memref<!tpu.dma_semaphore, #tpu.memory_space<semaphore_mem>>)
      %dma_wait3A = arith.constant 0 : i32
      %dma_wait3A_14 = arith.constant 0 : i32
      %dma_wait3A_15 = tpu.memref_slice %arg2[%dma_wait3A, %dma_wait3A_14] : memref<10240x128xf32, #tpu.memory_space<hbm>> -> memref<10240x128xf32, #tpu.memory_space<hbm>>
      tpu.wait_indirect_dma semaphore(%arg11 : memref<!tpu.dma_semaphore, #tpu.memory_space<semaphore_mem>>) src(%dma_wait3A_15 : memref<10240x128xf32, #tpu.memory_space<hbm>>) dst(%arg9 : memref<128x128xf32, #tpu.memory_space<vmem>>)
      "tpu.region"() ({
        %run_scoped3A = tpu.sem_alloc : memref<!tpu.dma_semaphore, #tpu.memory_space<semaphore_mem>>
        %dma_start3A_16 = arith.constant 0 : i32
        %dma_start3A_17 = tpu.memref_slice %arg4[%add3A, %scan3A_11, %dma_start3A_16] : memref<32x80x128xi32, #tpu.memory_space<hbm>> -> memref<1x1x128xi32, #tpu.memory_space<hbm>>
        %dma_start3A_18 = tpu.memref_squeeze %dma_start3A_17 : memref<1x1x128xi32, #tpu.memory_space<hbm>> -> memref<128xi32, #tpu.memory_space<hbm>>
        %dma_start3A_19 = arith.constant 0 : i32
        %dma_start3A_20 = tpu.memref_slice %arg4[%add3A, %scan3A_11, %dma_start3A_19] : memref<32x80x128xi32, #tpu.memory_space<hbm>> -> memref<1x1x128xi32, #tpu.memory_space<hbm>>
        %dma_start3A_21 = tpu.memref_squeeze %dma_start3A_20 : memref<1x1x128xi32, #tpu.memory_space<hbm>> -> memref<128xi32, #tpu.memory_space<hbm>>
        tpu.enqueue_dma source(%dma_start3A_21 : memref<128xi32, #tpu.memory_space<hbm>>) target(%arg8 : memref<128xi32, #tpu.memory_space<vmem>>) target_semaphore(%run_scoped3A : memref<!tpu.dma_semaphore, #tpu.memory_space<semaphore_mem>>)
        %dma_wait3A_22 = arith.constant 0 : i32
        %dma_wait3A_23 = tpu.memref_slice %arg4[%add3A, %scan3A_11, %dma_wait3A_22] : memref<32x80x128xi32, #tpu.memory_space<hbm>> -> memref<1x1x128xi32, #tpu.memory_space<hbm>>
        %dma_wait3A_24 = tpu.memref_squeeze %dma_wait3A_23 : memref<1x1x128xi32, #tpu.memory_space<hbm>> -> memref<128xi32, #tpu.memory_space<hbm>>
        %dma_wait3A_25 = arith.constant 0 : i32
        %dma_wait3A_26 = tpu.memref_slice %arg4[%add3A, %scan3A_11, %dma_wait3A_25] : memref<32x80x128xi32, #tpu.memory_space<hbm>> -> memref<1x1x128xi32, #tpu.memory_space<hbm>>
        %dma_wait3A_27 = tpu.memref_squeeze %dma_wait3A_26 : memref<1x1x128xi32, #tpu.memory_space<hbm>> -> memref<128xi32, #tpu.memory_space<hbm>>
        tpu.wait_dma2 semaphore(%run_scoped3A : memref<!tpu.dma_semaphore, #tpu.memory_space<semaphore_mem>>) src(%dma_wait3A_27 : memref<128xi32, #tpu.memory_space<hbm>>) dst(%arg8 : memref<128xi32, #tpu.memory_space<vmem>>)
        tpu.yield
      }) : () -> ()
      "tpu.region"() ({
        %run_scoped3A = tpu.sem_alloc : memref<!tpu.dma_semaphore, #tpu.memory_space<semaphore_mem>>
        %dma_start3A_16 = arith.constant 0 : i32
        %dma_start3A_17 = arith.constant 0 : i32
        %dma_start3A_18 = tpu.memref_slice %arg10[%dma_start3A_16, %dma_start3A_17] : memref<10240x128xf32, #tpu.memory_space<vmem_shared>> -> memref<10240x128xf32, #tpu.memory_space<vmem_shared>>
        tpu.enqueue_indirect_dma source(%arg9 : memref<128x128xf32, #tpu.memory_space<vmem>>) target(%dma_start3A_18 : memref<10240x128xf32, #tpu.memory_space<vmem_shared>>) offsets(%arg8 : memref<128xi32, #tpu.memory_space<vmem>>) semaphore(%run_scoped3A : memref<!tpu.dma_semaphore, #tpu.memory_space<semaphore_mem>>) {add = true}
        %dma_wait3A_19 = arith.constant 0 : i32
        %dma_wait3A_20 = arith.constant 0 : i32
        %dma_wait3A_21 = tpu.memref_slice %arg10[%dma_wait3A_19, %dma_wait3A_20] : memref<10240x128xf32, #tpu.memory_space<vmem_shared>> -> memref<10240x128xf32, #tpu.memory_space<vmem_shared>>
        tpu.wait_indirect_dma semaphore(%run_scoped3A : memref<!tpu.dma_semaphore, #tpu.memory_space<semaphore_mem>>) src(%arg9 : memref<128x128xf32, #tpu.memory_space<vmem>>) dst(%dma_wait3A_21 : memref<10240x128xf32, #tpu.memory_space<vmem_shared>>)
        tpu.yield
      }) : () -> ()
    }
    %scan3A_7 = arith.constant 80 : i32
    %barrier3A_8 = arith.constant 0 : index
    tpu.barrier barrier_id(%barrier3A_8)
    %mul3A_9 = arith.constant 640 : i32
    %mul3A_10 = arith.muli %arg1, %mul3A_9 : i32
    "tpu.region"() ({
      %run_scoped3A = tpu.sem_alloc : memref<!tpu.dma_semaphore, #tpu.memory_space<semaphore_mem>>
      %dma_start3A = arith.constant 0 : i32
      %dma_start3A_11 = tpu.memref_slice %arg6[%arg0, %mul3A_10, %dma_start3A] : memref<2x10240x128xf32, #tpu.memory_space<hbm>> -> memref<1x640x128xf32, #tpu.memory_space<hbm>>
      %dma_start3A_12 = tpu.memref_squeeze %dma_start3A_11 : memref<1x640x128xf32, #tpu.memory_space<hbm>> -> memref<640x128xf32, #tpu.memory_space<hbm>>
      %dma_start3A_13 = arith.constant 0 : i32
      %dma_start3A_14 = tpu.memref_slice %arg10[%mul3A_10, %dma_start3A_13] : memref<10240x128xf32, #tpu.memory_space<vmem_shared>> -> memref<640x128xf32, #tpu.memory_space<vmem_shared>>
      tpu.enqueue_dma source(%dma_start3A_14 : memref<640x128xf32, #tpu.memory_space<vmem_shared>>) target(%dma_start3A_12 : memref<640x128xf32, #tpu.memory_space<hbm>>) target_semaphore(%run_scoped3A : memref<!tpu.dma_semaphore, #tpu.memory_space<semaphore_mem>>)
      %dma_wait3A = arith.constant 0 : i32
      %dma_wait3A_15 = tpu.memref_slice %arg6[%arg0, %mul3A_10, %dma_wait3A] : memref<2x10240x128xf32, #tpu.memory_space<hbm>> -> memref<1x640x128xf32, #tpu.memory_space<hbm>>
      %dma_wait3A_16 = tpu.memref_squeeze %dma_wait3A_15 : memref<1x640x128xf32, #tpu.memory_space<hbm>> -> memref<640x128xf32, #tpu.memory_space<hbm>>
      %dma_wait3A_17 = arith.constant 0 : i32
      %dma_wait3A_18 = tpu.memref_slice %arg10[%mul3A_10, %dma_wait3A_17] : memref<10240x128xf32, #tpu.memory_space<vmem_shared>> -> memref<640x128xf32, #tpu.memory_space<vmem_shared>>
      tpu.wait_dma2 semaphore(%run_scoped3A : memref<!tpu.dma_semaphore, #tpu.memory_space<semaphore_mem>>) src(%dma_wait3A_18 : memref<640x128xf32, #tpu.memory_space<vmem_shared>>) dst(%dma_wait3A_16 : memref<640x128xf32, #tpu.memory_space<hbm>>)
      tpu.yield
    }) : () -> ()
    return
  }
}

#map = affine_map<(d0, d1) -> (0, 0)>
#map1 = affine_map<(d0, d1) -> (0, 0, 0)>
module attributes {stable_mosaic.version = 14 : i64} {
  func.func @body(%arg0: i32, %arg1: i32, %arg2: memref<10240x128xf32, #tpu.memory_space<hbm>>, %arg3: memref<32x80x128xi32, #tpu.memory_space<hbm>>, %arg4: memref<32x80x128xi32, #tpu.memory_space<hbm>>, %arg5: memref<640x128xf32, #tpu.memory_space<hbm>>, %arg6: memref<2x10240x128xf32, #tpu.memory_space<hbm>>, %arg7: memref<128xi32, #tpu.memory_space<vmem>>, %arg8: memref<128xi32, #tpu.memory_space<vmem>>, %arg9: memref<128x128xf32, #tpu.memory_space<vmem>>, %arg10: memref<10240x128xf32, #tpu.memory_space<vmem_shared>>, %arg11: memref<!tpu.dma_semaphore, #tpu.memory_space<semaphore_mem>>) attributes {dimension_semantics = [#tpu.dimension_semantics<core_parallel>, #tpu.dimension_semantics<subcore_parallel>], iteration_bounds = array<i64: 2, 16>, scalar_prefetch = 0 : i64, scratch_operands = 5 : i64, tpu.core_type = #tpu.core_type<sc_vector_subcore>, window_params = [{transform_indices = #map}, {transform_indices = #map1}, {transform_indices = #map1}, {transform_indices = #map}, {transform_indices = #map1}]} {
    %mul3A = arith.constant 16 : i32
    %mul3A_0 = arith.muli %arg0, %mul3A : i32
    %add3A = arith.addi %mul3A_0, %arg1 : i32
    %mul3A_1 = arith.constant 640 : i32
    %mul3A_2 = arith.muli %arg1, %mul3A_1 : i32
    "tpu.region"() ({
      %run_scoped3A = tpu.sem_alloc : memref<!tpu.dma_semaphore, #tpu.memory_space<semaphore_mem>>
      %dma_start3A = arith.constant 0 : i32
      %dma_start3A_11 = tpu.memref_slice %arg10[%mul3A_2, %dma_start3A] : memref<10240x128xf32, #tpu.memory_space<vmem_shared>> -> memref<640x128xf32, #tpu.memory_space<vmem_shared>>
      tpu.enqueue_dma source(%arg5 : memref<640x128xf32, #tpu.memory_space<hbm>>) target(%dma_start3A_11 : memref<640x128xf32, #tpu.memory_space<vmem_shared>>) target_semaphore(%run_scoped3A : memref<!tpu.dma_semaphore, #tpu.memory_space<semaphore_mem>>)
      %dma_wait3A = arith.constant 0 : i32
      %dma_wait3A_12 = tpu.memref_slice %arg10[%mul3A_2, %dma_wait3A] : memref<10240x128xf32, #tpu.memory_space<vmem_shared>> -> memref<640x128xf32, #tpu.memory_space<vmem_shared>>
      tpu.wait_dma2 semaphore(%run_scoped3A : memref<!tpu.dma_semaphore, #tpu.memory_space<semaphore_mem>>) src(%arg5 : memref<640x128xf32, #tpu.memory_space<hbm>>) dst(%dma_wait3A_12 : memref<640x128xf32, #tpu.memory_space<vmem_shared>>)
      tpu.yield
    }) : () -> ()
    %barrier3A = arith.constant 0 : index
    tpu.barrier barrier_id(%barrier3A)
    %scan3A = arith.constant 0 : i32
    %scan3A_3 = arith.constant 0 : i32
    %scan3A_4 = arith.constant 80 : i32
    %scan3A_5 = arith.addi %scan3A_3, %scan3A_4 : i32
    %scan3A_6 = arith.constant 1 : i32
    scf.for %scan3A_11 = %scan3A_3 to %scan3A_5 step %scan3A_6  : i32 {
      "tpu.region"() ({
        %run_scoped3A = tpu.sem_alloc : memref<!tpu.dma_semaphore, #tpu.memory_space<semaphore_mem>>
        %dma_start3A_16 = arith.constant 0 : i32
        %dma_start3A_17 = tpu.memref_slice %arg3[%add3A, %scan3A_11, %dma_start3A_16] : memref<32x80x128xi32, #tpu.memory_space<hbm>> -> memref<1x1x128xi32, #tpu.memory_space<hbm>>
        %dma_start3A_18 = tpu.memref_squeeze %dma_start3A_17 : memref<1x1x128xi32, #tpu.memory_space<hbm>> -> memref<128xi32, #tpu.memory_space<hbm>>
        %dma_start3A_19 = arith.constant 0 : i32
        %dma_start3A_20 = tpu.memref_slice %arg3[%add3A, %scan3A_11, %dma_start3A_19] : memref<32x80x128xi32, #tpu.memory_space<hbm>> -> memref<1x1x128xi32, #tpu.memory_space<hbm>>
        %dma_start3A_21 = tpu.memref_squeeze %dma_start3A_20 : memref<1x1x128xi32, #tpu.memory_space<hbm>> -> memref<128xi32, #tpu.memory_space<hbm>>
        tpu.enqueue_dma source(%dma_start3A_21 : memref<128xi32, #tpu.memory_space<hbm>>) target(%arg7 : memref<128xi32, #tpu.memory_space<vmem>>) target_semaphore(%run_scoped3A : memref<!tpu.dma_semaphore, #tpu.memory_space<semaphore_mem>>)
        %dma_wait3A_22 = arith.constant 0 : i32
        %dma_wait3A_23 = tpu.memref_slice %arg3[%add3A, %scan3A_11, %dma_wait3A_22] : memref<32x80x128xi32, #tpu.memory_space<hbm>> -> memref<1x1x128xi32, #tpu.memory_space<hbm>>
        %dma_wait3A_24 = tpu.memref_squeeze %dma_wait3A_23 : memref<1x1x128xi32, #tpu.memory_space<hbm>> -> memref<128xi32, #tpu.memory_space<hbm>>
        %dma_wait3A_25 = arith.constant 0 : i32
        %dma_wait3A_26 = tpu.memref_slice %arg3[%add3A, %scan3A_11, %dma_wait3A_25] : memref<32x80x128xi32, #tpu.memory_space<hbm>> -> memref<1x1x128xi32, #tpu.memory_space<hbm>>
        %dma_wait3A_27 = tpu.memref_squeeze %dma_wait3A_26 : memref<1x1x128xi32, #tpu.memory_space<hbm>> -> memref<128xi32, #tpu.memory_space<hbm>>
        tpu.wait_dma2 semaphore(%run_scoped3A : memref<!tpu.dma_semaphore, #tpu.memory_space<semaphore_mem>>) src(%dma_wait3A_27 : memref<128xi32, #tpu.memory_space<hbm>>) dst(%arg7 : memref<128xi32, #tpu.memory_space<vmem>>)
        tpu.yield
      }) : () -> ()
      %dma_start3A = arith.constant 0 : i32
      %dma_start3A_12 = arith.constant 0 : i32
      %dma_start3A_13 = tpu.memref_slice %arg2[%dma_start3A, %dma_start3A_12] : memref<10240x128xf32, #tpu.memory_space<hbm>> -> memref<10240x128xf32, #tpu.memory_space<hbm>>
      tpu.enqueue_indirect_dma source(%dma_start3A_13 : memref<10240x128xf32, #tpu.memory_space<hbm>>) target(%arg9 : memref<128x128xf32, #tpu.memory_space<vmem>>) offsets(%arg7 : memref<128xi32, #tpu.memory_space<vmem>>) semaphore(%arg11 : memref<!tpu.dma_semaphore, #tpu.memory_space<semaphore_mem>>)
      %dma_wait3A = arith.constant 0 : i32
      %dma_wait3A_14 = arith.constant 0 : i32
      %dma_wait3A_15 = tpu.memref_slice %arg2[%dma_wait3A, %dma_wait3A_14] : memref<10240x128xf32, #tpu.memory_space<hbm>> -> memref<10240x128xf32, #tpu.memory_space<hbm>>
      tpu.wait_indirect_dma semaphore(%arg11 : memref<!tpu.dma_semaphore, #tpu.memory_space<semaphore_mem>>) src(%dma_wait3A_15 : memref<10240x128xf32, #tpu.memory_space<hbm>>) dst(%arg9 : memref<128x128xf32, #tpu.memory_space<vmem>>)
      "tpu.region"() ({
        %run_scoped3A = tpu.sem_alloc : memref<!tpu.dma_semaphore, #tpu.memory_space<semaphore_mem>>
        %dma_start3A_16 = arith.constant 0 : i32
        %dma_start3A_17 = tpu.memref_slice %arg4[%add3A, %scan3A_11, %dma_start3A_16] : memref<32x80x128xi32, #tpu.memory_space<hbm>> -> memref<1x1x128xi32, #tpu.memory_space<hbm>>
        %dma_start3A_18 = tpu.memref_squeeze %dma_start3A_17 : memref<1x1x128xi32, #tpu.memory_space<hbm>> -> memref<128xi32, #tpu.memory_space<hbm>>
        %dma_start3A_19 = arith.constant 0 : i32
        %dma_start3A_20 = tpu.memref_slice %arg4[%add3A, %scan3A_11, %dma_start3A_19] : memref<32x80x128xi32, #tpu.memory_space<hbm>> -> memref<1x1x128xi32, #tpu.memory_space<hbm>>
        %dma_start3A_21 = tpu.memref_squeeze %dma_start3A_20 : memref<1x1x128xi32, #tpu.memory_space<hbm>> -> memref<128xi32, #tpu.memory_space<hbm>>
        tpu.enqueue_dma source(%dma_start3A_21 : memref<128xi32, #tpu.memory_space<hbm>>) target(%arg8 : memref<128xi32, #tpu.memory_space<vmem>>) target_semaphore(%run_scoped3A : memref<!tpu.dma_semaphore, #tpu.memory_space<semaphore_mem>>)
        %dma_wait3A_22 = arith.constant 0 : i32
        %dma_wait3A_23 = tpu.memref_slice %arg4[%add3A, %scan3A_11, %dma_wait3A_22] : memref<32x80x128xi32, #tpu.memory_space<hbm>> -> memref<1x1x128xi32, #tpu.memory_space<hbm>>
        %dma_wait3A_24 = tpu.memref_squeeze %dma_wait3A_23 : memref<1x1x128xi32, #tpu.memory_space<hbm>> -> memref<128xi32, #tpu.memory_space<hbm>>
        %dma_wait3A_25 = arith.constant 0 : i32
        %dma_wait3A_26 = tpu.memref_slice %arg4[%add3A, %scan3A_11, %dma_wait3A_25] : memref<32x80x128xi32, #tpu.memory_space<hbm>> -> memref<1x1x128xi32, #tpu.memory_space<hbm>>
        %dma_wait3A_27 = tpu.memref_squeeze %dma_wait3A_26 : memref<1x1x128xi32, #tpu.memory_space<hbm>> -> memref<128xi32, #tpu.memory_space<hbm>>
        tpu.wait_dma2 semaphore(%run_scoped3A : memref<!tpu.dma_semaphore, #tpu.memory_space<semaphore_mem>>) src(%dma_wait3A_27 : memref<128xi32, #tpu.memory_space<hbm>>) dst(%arg8 : memref<128xi32, #tpu.memory_space<vmem>>)
        tpu.yield
      }) : () -> ()
      "tpu.region"() ({
        %run_scoped3A = tpu.sem_alloc : memref<!tpu.dma_semaphore, #tpu.memory_space<semaphore_mem>>
        %dma_start3A_16 = arith.constant 0 : i32
        %dma_start3A_17 = arith.constant 0 : i32
        %dma_start3A_18 = tpu.memref_slice %arg10[%dma_start3A_16, %dma_start3A_17] : memref<10240x128xf32, #tpu.memory_space<vmem_shared>> -> memref<10240x128xf32, #tpu.memory_space<vmem_shared>>
        tpu.enqueue_indirect_dma source(%arg9 : memref<128x128xf32, #tpu.memory_space<vmem>>) target(%dma_start3A_18 : memref<10240x128xf32, #tpu.memory_space<vmem_shared>>) offsets(%arg8 : memref<128xi32, #tpu.memory_space<vmem>>) semaphore(%run_scoped3A : memref<!tpu.dma_semaphore, #tpu.memory_space<semaphore_mem>>) {add = true}
        %dma_wait3A_19 = arith.constant 0 : i32
        %dma_wait3A_20 = arith.constant 0 : i32
        %dma_wait3A_21 = tpu.memref_slice %arg10[%dma_wait3A_19, %dma_wait3A_20] : memref<10240x128xf32, #tpu.memory_space<vmem_shared>> -> memref<10240x128xf32, #tpu.memory_space<vmem_shared>>
        tpu.wait_indirect_dma semaphore(%run_scoped3A : memref<!tpu.dma_semaphore, #tpu.memory_space<semaphore_mem>>) src(%arg9 : memref<128x128xf32, #tpu.memory_space<vmem>>) dst(%dma_wait3A_21 : memref<10240x128xf32, #tpu.memory_space<vmem_shared>>)
        tpu.yield
      }) : () -> ()
    }
    %scan3A_7 = arith.constant 80 : i32
    %barrier3A_8 = arith.constant 0 : index
    tpu.barrier barrier_id(%barrier3A_8)
    %mul3A_9 = arith.constant 640 : i32
    %mul3A_10 = arith.muli %arg1, %mul3A_9 : i32
    "tpu.region"() ({
      %run_scoped3A = tpu.sem_alloc : memref<!tpu.dma_semaphore, #tpu.memory_space<semaphore_mem>>
      %dma_start3A = arith.constant 0 : i32
      %dma_start3A_11 = tpu.memref_slice %arg6[%arg0, %mul3A_10, %dma_start3A] : memref<2x10240x128xf32, #tpu.memory_space<hbm>> -> memref<1x640x128xf32, #tpu.memory_space<hbm>>
      %dma_start3A_12 = tpu.memref_squeeze %dma_start3A_11 : memref<1x640x128xf32, #tpu.memory_space<hbm>> -> memref<640x128xf32, #tpu.memory_space<hbm>>
      %dma_start3A_13 = arith.constant 0 : i32
      %dma_start3A_14 = tpu.memref_slice %arg10[%mul3A_10, %dma_start3A_13] : memref<10240x128xf32, #tpu.memory_space<vmem_shared>> -> memref<640x128xf32, #tpu.memory_space<vmem_shared>>
      tpu.enqueue_dma source(%dma_start3A_14 : memref<640x128xf32, #tpu.memory_space<vmem_shared>>) target(%dma_start3A_12 : memref<640x128xf32, #tpu.memory_space<hbm>>) target_semaphore(%run_scoped3A : memref<!tpu.dma_semaphore, #tpu.memory_space<semaphore_mem>>)
      %dma_wait3A = arith.constant 0 : i32
      %dma_wait3A_15 = tpu.memref_slice %arg6[%arg0, %mul3A_10, %dma_wait3A] : memref<2x10240x128xf32, #tpu.memory_space<hbm>> -> memref<1x640x128xf32, #tpu.memory_space<hbm>>
      %dma_wait3A_16 = tpu.memref_squeeze %dma_wait3A_15 : memref<1x640x128xf32, #tpu.memory_space<hbm>> -> memref<640x128xf32, #tpu.memory_space<hbm>>
      %dma_wait3A_17 = arith.constant 0 : i32
      %dma_wait3A_18 = tpu.memref_slice %arg10[%mul3A_10, %dma_wait3A_17] : memref<10240x128xf32, #tpu.memory_space<vmem_shared>> -> memref<640x128xf32, #tpu.memory_space<vmem_shared>>
      tpu.wait_dma2 semaphore(%run_scoped3A : memref<!tpu.dma_semaphore, #tpu.memory_space<semaphore_mem>>) src(%dma_wait3A_18 : memref<640x128xf32, #tpu.memory_space<vmem_shared>>) dst(%dma_wait3A_16 : memref<640x128xf32, #tpu.memory_space<hbm>>)
      tpu.yield
    }) : () -> ()
    return
  }
}

module attributes {stable_mosaic.version = 14 : i64} {
  func.func @body(%arg0: i32, %arg1: memref<256x128xf32, #tpu.memory_space<vmem>>, %arg2: memref<128x128xf32, #tpu.memory_space<vmem>>, %arg3: memref<2x256x128xf32, #tpu.memory_space<vmem>>, %arg4: memref<256x128xf32, #tpu.memory_space<vmem>>, %arg5: memref<256x1xf32, #tpu.memory_space<vmem>>) attributes {dimension_semantics = [#tpu.dimension_semantics<arbitrary>], iteration_bounds = array<i64: 40>, scalar_prefetch = 0 : i64, scratch_operands = 0 : i64, tpu.core_type = #tpu.core_type<tc>, window_params = [{transform_indices = @transform_0, window_bounds = array<i64: 256, 128>}, {pipeline_mode = #tpu.pipeline_mode<synchronous>, transform_indices = @transform_1, window_bounds = array<i64: 128, 128>}, {transform_indices = @transform_2, window_bounds = array<i64: 2, 256, 128>}, {transform_indices = @transform_3, window_bounds = array<i64: 256, 128>}, {transform_indices = @transform_4, window_bounds = array<i64: 256, 1>}]} {
    %get3A = arith.constant 0 : index
    %get3A_0 = arith.constant 0 : index
    %get3A_1 = arith.constant 0 : index
    %get3A_2 = vector.load %arg3[%get3A, %get3A_0, %get3A_1] : memref<2x256x128xf32, #tpu.memory_space<vmem>>, vector<1x256x1xf32>
    %get3A_3 = vector.shape_cast %get3A_2 : vector<1x256x1xf32> to vector<256x1xf32>
    %get3A_4 = arith.constant 1 : index
    %get3A_5 = arith.constant 0 : index
    %get3A_6 = arith.constant 0 : index
    %get3A_7 = vector.load %arg3[%get3A_4, %get3A_5, %get3A_6] : memref<2x256x128xf32, #tpu.memory_space<vmem>>, vector<1x256x1xf32>
    %get3A_8 = vector.shape_cast %get3A_7 : vector<1x256x1xf32> to vector<256x1xf32>
    %add3A = arith.addf %get3A_3, %get3A_8 : vector<256x1xf32>
    %add3A_9 = arith.constant 1.000000e+00 : f32
    %add3A_10 = vector.broadcast %add3A_9 : f32 to vector<256x1xf32>
    %add3A_11 = arith.addf %add3A, %add3A_10 : vector<256x1xf32>
    %rsqrt3A = math.rsqrt %add3A_11 : vector<256x1xf32>
    %swap3A = arith.constant 0 : index
    %swap3A_12 = arith.constant 0 : index
    %swap3A_13 = vector.load %arg5[%swap3A, %swap3A_12] : memref<256x1xf32, #tpu.memory_space<vmem>>, vector<256x1xf32>
    tpu.vector_store %arg5[%swap3A, %swap3A_12], %rsqrt3A {strides = array<i32>} : memref<256x1xf32, #tpu.memory_space<vmem>>, vector<256x1xf32>,
    %get3A_14 = arith.constant 0 : index
    %get3A_15 = arith.constant 0 : index
    %get3A_16 = vector.load %arg1[%get3A_14, %get3A_15] : memref<256x128xf32, #tpu.memory_space<vmem>>, vector<256x128xf32>
    %get3A_17 = arith.constant 0 : index
    %get3A_18 = arith.constant 0 : index
    %get3A_19 = vector.load %arg2[%get3A_17, %get3A_18] : memref<128x128xf32, #tpu.memory_space<vmem>>, vector<128x128xf32>
    %dot_general3A = arith.constant dense<0.000000e+00> : vector<256x128xf32>
    %dot_general3A_20 = tpu.matmul %get3A_16, %get3A_19, %dot_general3A {dimension_numbers = #tpu.dot_dimension_numbers<[1], [0], [0], [1], [0, 0, 1, 1], [], []>, transpose_lhs_hint = false} : vector<256x128xf32>, vector<128x128xf32>, vector<256x128xf32> -> vector<256x128xf32>
    %mul3A = vector.broadcast %rsqrt3A : vector<256x1xf32> to vector<256x128xf32>
    %mul3A_21 = arith.mulf %mul3A, %dot_general3A_20 : vector<256x128xf32>
    %swap3A_22 = arith.constant 0 : index
    %swap3A_23 = arith.constant 0 : index
    %swap3A_24 = vector.load %arg4[%swap3A_22, %swap3A_23] : memref<256x128xf32, #tpu.memory_space<vmem>>, vector<256x128xf32>
    tpu.vector_store %arg4[%swap3A_22, %swap3A_23], %mul3A_21 {strides = array<i32>} : memref<256x128xf32, #tpu.memory_space<vmem>>, vector<256x128xf32>,
    return
  }
  func.func @transform_0(%arg0: i32) -> (i32, i32) {
    %c0_i32 = arith.constant 0 : i32
    %c0_i32_0 = arith.constant 0 : i32
    return %arg0, %c0_i32 : i32, i32
  }
  func.func @transform_1(%arg0: i32) -> (i32, i32) {
    %c0_i32 = arith.constant 0 : i32
    %c0_i32_0 = arith.constant 0 : i32
    %c0_i32_1 = arith.constant 0 : i32
    return %c0_i32, %c0_i32_0 : i32, i32
  }
  func.func @transform_2(%arg0: i32) -> (i32, i32, i32) {
    %c0_i32 = arith.constant 0 : i32
    %c0_i32_0 = arith.constant 0 : i32
    %c0_i32_1 = arith.constant 0 : i32
    return %c0_i32, %arg0, %c0_i32_0 : i32, i32, i32
  }
  func.func @transform_3(%arg0: i32) -> (i32, i32) {
    %c0_i32 = arith.constant 0 : i32
    %c0_i32_0 = arith.constant 0 : i32
    return %arg0, %c0_i32 : i32, i32
  }
  func.func @transform_4(%arg0: i32) -> (i32, i32) {
    %c0_i32 = arith.constant 0 : i32
    %c0_i32_0 = arith.constant 0 : i32
    return %arg0, %c0_i32 : i32, i32
  }
}

module attributes {stable_mosaic.version = 14 : i64} {
  func.func @body(%arg0: i32, %arg1: memref<2x256x128xf32, #tpu.memory_space<vmem>>, %arg2: memref<256x128xf32, #tpu.memory_space<vmem>>, %arg3: memref<256x1xf32, #tpu.memory_space<vmem>>, %arg4: memref<128x128xf32, #tpu.memory_space<vmem>>, %arg5: memref<1x128xf32, #tpu.memory_space<vmem>>, %arg6: memref<256x128xf32, #tpu.memory_space<vmem>>) attributes {dimension_semantics = [#tpu.dimension_semantics<arbitrary>], iteration_bounds = array<i64: 40>, scalar_prefetch = 0 : i64, scratch_operands = 0 : i64, tpu.core_type = #tpu.core_type<tc>, window_params = [{transform_indices = @transform_0, window_bounds = array<i64: 2, 256, 128>}, {transform_indices = @transform_1, window_bounds = array<i64: 256, 128>}, {transform_indices = @transform_2, window_bounds = array<i64: 256, 1>}, {pipeline_mode = #tpu.pipeline_mode<synchronous>, transform_indices = @transform_3, window_bounds = array<i64: 128, 128>}, {pipeline_mode = #tpu.pipeline_mode<synchronous>, transform_indices = @transform_4, window_bounds = array<i64: 1, 128>}, {transform_indices = @transform_5, window_bounds = array<i64: 256, 128>}]} {
    %get3A = arith.constant 0 : index
    %get3A_0 = arith.constant 0 : index
    %get3A_1 = vector.load %arg3[%get3A, %get3A_0] : memref<256x1xf32, #tpu.memory_space<vmem>>, vector<256x1xf32>
    %get3A_2 = arith.constant 0 : index
    %get3A_3 = arith.constant 0 : index
    %get3A_4 = arith.constant 0 : index
    %get3A_5 = vector.load %arg1[%get3A_2, %get3A_3, %get3A_4] : memref<2x256x128xf32, #tpu.memory_space<vmem>>, vector<1x256x128xf32>
    %get3A_6 = vector.shape_cast %get3A_5 : vector<1x256x128xf32> to vector<256x128xf32>
    %get3A_7 = arith.constant 1 : index
    %get3A_8 = arith.constant 0 : index
    %get3A_9 = arith.constant 0 : index
    %get3A_10 = vector.load %arg1[%get3A_7, %get3A_8, %get3A_9] : memref<2x256x128xf32, #tpu.memory_space<vmem>>, vector<1x256x128xf32>
    %get3A_11 = vector.shape_cast %get3A_10 : vector<1x256x128xf32> to vector<256x128xf32>
    %add3A = arith.addf %get3A_6, %get3A_11 : vector<256x128xf32>
    %get3A_12 = arith.constant 0 : index
    %get3A_13 = arith.constant 0 : index
    %get3A_14 = vector.load %arg2[%get3A_12, %get3A_13] : memref<256x128xf32, #tpu.memory_space<vmem>>, vector<256x128xf32>
    %add3A_15 = arith.addf %add3A, %get3A_14 : vector<256x128xf32>
    %mul3A = vector.broadcast %get3A_1 : vector<256x1xf32> to vector<256x128xf32>
    %mul3A_16 = arith.mulf %mul3A, %add3A_15 : vector<256x128xf32>
    %get3A_17 = arith.constant 0 : index
    %get3A_18 = arith.constant 0 : index
    %get3A_19 = vector.load %arg4[%get3A_17, %get3A_18] : memref<128x128xf32, #tpu.memory_space<vmem>>, vector<128x128xf32>
    %dot_general3A = arith.constant dense<0.000000e+00> : vector<256x128xf32>
    %dot_general3A_20 = tpu.matmul %mul3A_16, %get3A_19, %dot_general3A {dimension_numbers = #tpu.dot_dimension_numbers<[1], [0], [0], [1], [0, 0, 1, 1], [], []>, transpose_lhs_hint = false} : vector<256x128xf32>, vector<128x128xf32>, vector<256x128xf32> -> vector<256x128xf32>
    %get3A_21 = arith.constant 0 : index
    %get3A_22 = arith.constant 0 : index
    %get3A_23 = vector.load %arg5[%get3A_21, %get3A_22] : memref<1x128xf32, #tpu.memory_space<vmem>>, vector<1x128xf32>
    %add3A_24 = vector.broadcast %get3A_23 : vector<1x128xf32> to vector<256x128xf32>
    %add3A_25 = arith.addf %dot_general3A_20, %add3A_24 : vector<256x128xf32>
    %max3A = arith.constant 0.000000e+00 : f32
    %max3A_26 = vector.broadcast %max3A : f32 to vector<256x128xf32>
    %max3A_27 = arith.maximumf %add3A_25, %max3A_26 : vector<256x128xf32>
    %mul3A_28 = vector.broadcast %get3A_1 : vector<256x1xf32> to vector<256x128xf32>
    %mul3A_29 = arith.mulf %mul3A_28, %max3A_27 : vector<256x128xf32>
    %swap3A = arith.constant 0 : index
    %swap3A_30 = arith.constant 0 : index
    %swap3A_31 = vector.load %arg6[%swap3A, %swap3A_30] : memref<256x128xf32, #tpu.memory_space<vmem>>, vector<256x128xf32>
    tpu.vector_store %arg6[%swap3A, %swap3A_30], %mul3A_29 {strides = array<i32>} : memref<256x128xf32, #tpu.memory_space<vmem>>, vector<256x128xf32>,
    return
  }
  func.func @transform_0(%arg0: i32) -> (i32, i32, i32) {
    %c0_i32 = arith.constant 0 : i32
    %c0_i32_0 = arith.constant 0 : i32
    %c0_i32_1 = arith.constant 0 : i32
    return %c0_i32, %arg0, %c0_i32_0 : i32, i32, i32
  }
  func.func @transform_1(%arg0: i32) -> (i32, i32) {
    %c0_i32 = arith.constant 0 : i32
    %c0_i32_0 = arith.constant 0 : i32
    return %arg0, %c0_i32 : i32, i32
  }
  func.func @transform_2(%arg0: i32) -> (i32, i32) {
    %c0_i32 = arith.constant 0 : i32
    %c0_i32_0 = arith.constant 0 : i32
    return %arg0, %c0_i32 : i32, i32
  }
  func.func @transform_3(%arg0: i32) -> (i32, i32) {
    %c0_i32 = arith.constant 0 : i32
    %c0_i32_0 = arith.constant 0 : i32
    %c0_i32_1 = arith.constant 0 : i32
    return %c0_i32, %c0_i32_0 : i32, i32
  }
  func.func @transform_4(%arg0: i32) -> (i32, i32) {
    %c0_i32 = arith.constant 0 : i32
    %c0_i32_0 = arith.constant 0 : i32
    %c0_i32_1 = arith.constant 0 : i32
    return %c0_i32, %c0_i32_0 : i32, i32
  }
  func.func @transform_5(%arg0: i32) -> (i32, i32) {
    %c0_i32 = arith.constant 0 : i32
    %c0_i32_0 = arith.constant 0 : i32
    return %arg0, %c0_i32 : i32, i32
  }
}

module attributes {stable_mosaic.version = 14 : i64} {
  func.func @body(%arg0: i32, %arg1: memref<2x256x128xf32, #tpu.memory_space<vmem>>, %arg2: memref<256x128xf32, #tpu.memory_space<vmem>>, %arg3: memref<256x1xf32, #tpu.memory_space<vmem>>, %arg4: memref<128x256xf32, #tpu.memory_space<vmem>>, %arg5: memref<1x256xf32, #tpu.memory_space<vmem>>, %arg6: memref<2x256x128xf32, #tpu.memory_space<vmem>>) attributes {dimension_semantics = [#tpu.dimension_semantics<arbitrary>], iteration_bounds = array<i64: 40>, scalar_prefetch = 0 : i64, scratch_operands = 0 : i64, tpu.core_type = #tpu.core_type<tc>, window_params = [{transform_indices = @transform_0, window_bounds = array<i64: 2, 256, 128>}, {transform_indices = @transform_1, window_bounds = array<i64: 256, 128>}, {transform_indices = @transform_2, window_bounds = array<i64: 256, 1>}, {pipeline_mode = #tpu.pipeline_mode<synchronous>, transform_indices = @transform_3, window_bounds = array<i64: 128, 256>}, {pipeline_mode = #tpu.pipeline_mode<synchronous>, transform_indices = @transform_4, window_bounds = array<i64: 1, 256>}, {transform_indices = @transform_5, window_bounds = array<i64: 2, 256, 128>}]} {
    %get3A = arith.constant 0 : index
    %get3A_0 = arith.constant 0 : index
    %get3A_1 = vector.load %arg3[%get3A, %get3A_0] : memref<256x1xf32, #tpu.memory_space<vmem>>, vector<256x1xf32>
    %get3A_2 = arith.constant 0 : index
    %get3A_3 = arith.constant 0 : index
    %get3A_4 = arith.constant 0 : index
    %get3A_5 = vector.load %arg1[%get3A_2, %get3A_3, %get3A_4] : memref<2x256x128xf32, #tpu.memory_space<vmem>>, vector<1x256x128xf32>
    %get3A_6 = vector.shape_cast %get3A_5 : vector<1x256x128xf32> to vector<256x128xf32>
    %get3A_7 = arith.constant 1 : index
    %get3A_8 = arith.constant 0 : index
    %get3A_9 = arith.constant 0 : index
    %get3A_10 = vector.load %arg1[%get3A_7, %get3A_8, %get3A_9] : memref<2x256x128xf32, #tpu.memory_space<vmem>>, vector<1x256x128xf32>
    %get3A_11 = vector.shape_cast %get3A_10 : vector<1x256x128xf32> to vector<256x128xf32>
    %add3A = arith.addf %get3A_6, %get3A_11 : vector<256x128xf32>
    %get3A_12 = arith.constant 0 : index
    %get3A_13 = arith.constant 0 : index
    %get3A_14 = vector.load %arg2[%get3A_12, %get3A_13] : memref<256x128xf32, #tpu.memory_space<vmem>>, vector<256x128xf32>
    %add3A_15 = arith.addf %add3A, %get3A_14 : vector<256x128xf32>
    %mul3A = vector.broadcast %get3A_1 : vector<256x1xf32> to vector<256x128xf32>
    %mul3A_16 = arith.mulf %mul3A, %add3A_15 : vector<256x128xf32>
    %get3A_17 = arith.constant 0 : index
    %get3A_18 = arith.constant 0 : index
    %get3A_19 = vector.load %arg4[%get3A_17, %get3A_18] : memref<128x256xf32, #tpu.memory_space<vmem>>, vector<128x256xf32>
    %dot_general3A = arith.constant dense<0.000000e+00> : vector<256x256xf32>
    %dot_general3A_20 = tpu.matmul %mul3A_16, %get3A_19, %dot_general3A {dimension_numbers = #tpu.dot_dimension_numbers<[1], [0], [0], [1], [0, 0, 1, 1], [], []>, transpose_lhs_hint = false} : vector<256x128xf32>, vector<128x256xf32>, vector<256x256xf32> -> vector<256x256xf32>
    %get3A_21 = arith.constant 0 : index
    %get3A_22 = arith.constant 0 : index
    %get3A_23 = vector.load %arg5[%get3A_21, %get3A_22] : memref<1x256xf32, #tpu.memory_space<vmem>>, vector<1x256xf32>
    %add3A_24 = vector.broadcast %get3A_23 : vector<1x256xf32> to vector<256x256xf32>
    %add3A_25 = arith.addf %dot_general3A_20, %add3A_24 : vector<256x256xf32>
    %max3A = arith.constant 0.000000e+00 : f32
    %max3A_26 = vector.broadcast %max3A : f32 to vector<256x256xf32>
    %max3A_27 = arith.maximumf %add3A_25, %max3A_26 : vector<256x256xf32>
    %mul3A_28 = vector.broadcast %get3A_1 : vector<256x1xf32> to vector<256x256xf32>
    %mul3A_29 = arith.mulf %mul3A_28, %max3A_27 : vector<256x256xf32>
    %slice3A = vector.extract_strided_slice %mul3A_29 {offsets = [0, 0], sizes = [256, 128], strides = [1, 1]} : vector<256x256xf32> to vector<256x128xf32>
    %swap3A = arith.constant 0 : index
    %swap3A_30 = arith.constant 0 : index
    %swap3A_31 = arith.constant 0 : index
    %swap3A_32 = vector.load %arg6[%swap3A, %swap3A_30, %swap3A_31] : memref<2x256x128xf32, #tpu.memory_space<vmem>>, vector<1x256x128xf32>
    %swap3A_33 = vector.shape_cast %swap3A_32 : vector<1x256x128xf32> to vector<256x128xf32>
    %swap3A_34 = vector.shape_cast %slice3A : vector<256x128xf32> to vector<1x256x128xf32>
    tpu.vector_store %arg6[%swap3A, %swap3A_30, %swap3A_31], %swap3A_34 {strides = array<i32>} : memref<2x256x128xf32, #tpu.memory_space<vmem>>, vector<1x256x128xf32>,
    %slice3A_35 = vector.extract_strided_slice %mul3A_29 {offsets = [0, 128], sizes = [256, 128], strides = [1, 1]} : vector<256x256xf32> to vector<256x128xf32>
    %swap3A_36 = arith.constant 1 : index
    %swap3A_37 = arith.constant 0 : index
    %swap3A_38 = arith.constant 0 : index
    %swap3A_39 = vector.load %arg6[%swap3A_36, %swap3A_37, %swap3A_38] : memref<2x256x128xf32, #tpu.memory_space<vmem>>, vector<1x256x128xf32>
    %swap3A_40 = vector.shape_cast %swap3A_39 : vector<1x256x128xf32> to vector<256x128xf32>
    %swap3A_41 = vector.shape_cast %slice3A_35 : vector<256x128xf32> to vector<1x256x128xf32>
    tpu.vector_store %arg6[%swap3A_36, %swap3A_37, %swap3A_38], %swap3A_41 {strides = array<i32>} : memref<2x256x128xf32, #tpu.memory_space<vmem>>, vector<1x256x128xf32>,
    return
  }
  func.func @transform_0(%arg0: i32) -> (i32, i32, i32) {
    %c0_i32 = arith.constant 0 : i32
    %c0_i32_0 = arith.constant 0 : i32
    %c0_i32_1 = arith.constant 0 : i32
    return %c0_i32, %arg0, %c0_i32_0 : i32, i32, i32
  }
  func.func @transform_1(%arg0: i32) -> (i32, i32) {
    %c0_i32 = arith.constant 0 : i32
    %c0_i32_0 = arith.constant 0 : i32
    return %arg0, %c0_i32 : i32, i32
  }
  func.func @transform_2(%arg0: i32) -> (i32, i32) {
    %c0_i32 = arith.constant 0 : i32
    %c0_i32_0 = arith.constant 0 : i32
    return %arg0, %c0_i32 : i32, i32
  }
  func.func @transform_3(%arg0: i32) -> (i32, i32) {
    %c0_i32 = arith.constant 0 : i32
    %c0_i32_0 = arith.constant 0 : i32
    %c0_i32_1 = arith.constant 0 : i32
    return %c0_i32, %c0_i32_0 : i32, i32
  }
  func.func @transform_4(%arg0: i32) -> (i32, i32) {
    %c0_i32 = arith.constant 0 : i32
    %c0_i32_0 = arith.constant 0 : i32
    %c0_i32_1 = arith.constant 0 : i32
    return %c0_i32, %c0_i32_0 : i32, i32
  }
  func.func @transform_5(%arg0: i32) -> (i32, i32, i32) {
    %c0_i32 = arith.constant 0 : i32
    %c0_i32_0 = arith.constant 0 : i32
    %c0_i32_1 = arith.constant 0 : i32
    return %c0_i32, %arg0, %c0_i32_0 : i32, i32, i32
  }
}

module attributes {stable_mosaic.version = 14 : i64} {
  func.func @body(%arg0: i32, %arg1: memref<2x256x128xf32, #tpu.memory_space<vmem>>, %arg2: memref<256x128xf32, #tpu.memory_space<vmem>>, %arg3: memref<256x1xf32, #tpu.memory_space<vmem>>, %arg4: memref<1x128xf32, #tpu.memory_space<vmem>>, %arg5: memref<256x128xf32, #tpu.memory_space<vmem>>) attributes {dimension_semantics = [#tpu.dimension_semantics<arbitrary>], iteration_bounds = array<i64: 40>, scalar_prefetch = 0 : i64, scratch_operands = 0 : i64, tpu.core_type = #tpu.core_type<tc>, window_params = [{transform_indices = @transform_0, window_bounds = array<i64: 2, 256, 128>}, {transform_indices = @transform_1, window_bounds = array<i64: 256, 128>}, {transform_indices = @transform_2, window_bounds = array<i64: 256, 1>}, {pipeline_mode = #tpu.pipeline_mode<synchronous>, transform_indices = @transform_3, window_bounds = array<i64: 1, 128>}, {transform_indices = @transform_4, window_bounds = array<i64: 256, 128>}]} {
    %get3A = arith.constant 0 : index
    %get3A_0 = arith.constant 0 : index
    %get3A_1 = vector.load %arg3[%get3A, %get3A_0] : memref<256x1xf32, #tpu.memory_space<vmem>>, vector<256x1xf32>
    %get3A_2 = arith.constant 0 : index
    %get3A_3 = arith.constant 0 : index
    %get3A_4 = arith.constant 0 : index
    %get3A_5 = vector.load %arg1[%get3A_2, %get3A_3, %get3A_4] : memref<2x256x128xf32, #tpu.memory_space<vmem>>, vector<1x256x128xf32>
    %get3A_6 = vector.shape_cast %get3A_5 : vector<1x256x128xf32> to vector<256x128xf32>
    %get3A_7 = arith.constant 1 : index
    %get3A_8 = arith.constant 0 : index
    %get3A_9 = arith.constant 0 : index
    %get3A_10 = vector.load %arg1[%get3A_7, %get3A_8, %get3A_9] : memref<2x256x128xf32, #tpu.memory_space<vmem>>, vector<1x256x128xf32>
    %get3A_11 = vector.shape_cast %get3A_10 : vector<1x256x128xf32> to vector<256x128xf32>
    %add3A = arith.addf %get3A_6, %get3A_11 : vector<256x128xf32>
    %get3A_12 = arith.constant 0 : index
    %get3A_13 = arith.constant 0 : index
    %get3A_14 = vector.load %arg2[%get3A_12, %get3A_13] : memref<256x128xf32, #tpu.memory_space<vmem>>, vector<256x128xf32>
    %add3A_15 = arith.addf %add3A, %get3A_14 : vector<256x128xf32>
    %mul3A = vector.broadcast %get3A_1 : vector<256x1xf32> to vector<256x128xf32>
    %mul3A_16 = arith.mulf %mul3A, %add3A_15 : vector<256x128xf32>
    %get3A_17 = arith.constant 0 : index
    %get3A_18 = arith.constant 0 : index
    %get3A_19 = vector.load %arg4[%get3A_17, %get3A_18] : memref<1x128xf32, #tpu.memory_space<vmem>>, vector<1x128xf32>
    %add3A_20 = vector.broadcast %get3A_19 : vector<1x128xf32> to vector<256x128xf32>
    %add3A_21 = arith.addf %mul3A_16, %add3A_20 : vector<256x128xf32>
    %max3A = arith.constant 0.000000e+00 : f32
    %max3A_22 = vector.broadcast %max3A : f32 to vector<256x128xf32>
    %max3A_23 = arith.maximumf %add3A_21, %max3A_22 : vector<256x128xf32>
    %mul3A_24 = vector.broadcast %get3A_1 : vector<256x1xf32> to vector<256x128xf32>
    %mul3A_25 = arith.mulf %mul3A_24, %max3A_23 : vector<256x128xf32>
    %swap3A = arith.constant 0 : index
    %swap3A_26 = arith.constant 0 : index
    %swap3A_27 = vector.load %arg5[%swap3A, %swap3A_26] : memref<256x128xf32, #tpu.memory_space<vmem>>, vector<256x128xf32>
    tpu.vector_store %arg5[%swap3A, %swap3A_26], %mul3A_25 {strides = array<i32>} : memref<256x128xf32, #tpu.memory_space<vmem>>, vector<256x128xf32>,
    return
  }
  func.func @transform_0(%arg0: i32) -> (i32, i32, i32) {
    %c0_i32 = arith.constant 0 : i32
    %c0_i32_0 = arith.constant 0 : i32
    %c0_i32_1 = arith.constant 0 : i32
    return %c0_i32, %arg0, %c0_i32_0 : i32, i32, i32
  }
  func.func @transform_1(%arg0: i32) -> (i32, i32) {
    %c0_i32 = arith.constant 0 : i32
    %c0_i32_0 = arith.constant 0 : i32
    return %arg0, %c0_i32 : i32, i32
  }
  func.func @transform_2(%arg0: i32) -> (i32, i32) {
    %c0_i32 = arith.constant 0 : i32
    %c0_i32_0 = arith.constant 0 : i32
    return %arg0, %c0_i32 : i32, i32
  }
  func.func @transform_3(%arg0: i32) -> (i32, i32) {
    %c0_i32 = arith.constant 0 : i32
    %c0_i32_0 = arith.constant 0 : i32
    %c0_i32_1 = arith.constant 0 : i32
    return %c0_i32, %c0_i32_0 : i32, i32
  }
  func.func @transform_4(%arg0: i32) -> (i32, i32) {
    %c0_i32 = arith.constant 0 : i32
    %c0_i32_0 = arith.constant 0 : i32
    return %arg0, %c0_i32 : i32, i32
  }
}

module attributes {stable_mosaic.version = 14 : i64} {
  func.func @body(%arg0: i32, %arg1: memref<2x256x128xf32, #tpu.memory_space<vmem>>, %arg2: memref<2x256x128xf32, #tpu.memory_space<vmem>>, %arg3: memref<2x256x128xf32, #tpu.memory_space<vmem>>, %arg4: memref<256x1xf32, #tpu.memory_space<vmem>>, %arg5: memref<256x512xf32, #tpu.memory_space<vmem>>, %arg6: memref<1x512xf32, #tpu.memory_space<vmem>>, %arg7: memref<4x256x128xf32, #tpu.memory_space<vmem>>) attributes {dimension_semantics = [#tpu.dimension_semantics<arbitrary>], iteration_bounds = array<i64: 40>, scalar_prefetch = 0 : i64, scratch_operands = 0 : i64, tpu.core_type = #tpu.core_type<tc>, window_params = [{transform_indices = @transform_0, window_bounds = array<i64: 2, 256, 128>}, {transform_indices = @transform_1, window_bounds = array<i64: 2, 256, 128>}, {transform_indices = @transform_2, window_bounds = array<i64: 2, 256, 128>}, {transform_indices = @transform_3, window_bounds = array<i64: 256, 1>}, {pipeline_mode = #tpu.pipeline_mode<synchronous>, transform_indices = @transform_4, window_bounds = array<i64: 256, 512>}, {pipeline_mode = #tpu.pipeline_mode<synchronous>, transform_indices = @transform_5, window_bounds = array<i64: 1, 512>}, {transform_indices = @transform_6, window_bounds = array<i64: 4, 256, 128>}]} {
    %get3A = arith.constant 0 : index
    %get3A_0 = arith.constant 0 : index
    %get3A_1 = vector.load %arg4[%get3A, %get3A_0] : memref<256x1xf32, #tpu.memory_space<vmem>>, vector<256x1xf32>
    %get3A_2 = arith.constant 0 : index
    %get3A_3 = arith.constant 0 : index
    %get3A_4 = arith.constant 0 : index
    %get3A_5 = vector.load %arg1[%get3A_2, %get3A_3, %get3A_4] : memref<2x256x128xf32, #tpu.memory_space<vmem>>, vector<1x256x128xf32>
    %get3A_6 = vector.shape_cast %get3A_5 : vector<1x256x128xf32> to vector<256x128xf32>
    %get3A_7 = arith.constant 1 : index
    %get3A_8 = arith.constant 0 : index
    %get3A_9 = arith.constant 0 : index
    %get3A_10 = vector.load %arg1[%get3A_7, %get3A_8, %get3A_9] : memref<2x256x128xf32, #tpu.memory_space<vmem>>, vector<1x256x128xf32>
    %get3A_11 = vector.shape_cast %get3A_10 : vector<1x256x128xf32> to vector<256x128xf32>
    %add3A = arith.addf %get3A_6, %get3A_11 : vector<256x128xf32>
    %get3A_12 = arith.constant 0 : index
    %get3A_13 = arith.constant 0 : index
    %get3A_14 = arith.constant 0 : index
    %get3A_15 = vector.load %arg3[%get3A_12, %get3A_13, %get3A_14] : memref<2x256x128xf32, #tpu.memory_space<vmem>>, vector<1x256x128xf32>
    %get3A_16 = vector.shape_cast %get3A_15 : vector<1x256x128xf32> to vector<256x128xf32>
    %add3A_17 = arith.addf %add3A, %get3A_16 : vector<256x128xf32>
    %mul3A = vector.broadcast %get3A_1 : vector<256x1xf32> to vector<256x128xf32>
    %mul3A_18 = arith.mulf %mul3A, %add3A_17 : vector<256x128xf32>
    %get3A_19 = arith.constant 0 : index
    %get3A_20 = arith.constant 0 : index
    %get3A_21 = arith.constant 0 : index
    %get3A_22 = vector.load %arg2[%get3A_19, %get3A_20, %get3A_21] : memref<2x256x128xf32, #tpu.memory_space<vmem>>, vector<1x256x128xf32>
    %get3A_23 = vector.shape_cast %get3A_22 : vector<1x256x128xf32> to vector<256x128xf32>
    %get3A_24 = arith.constant 1 : index
    %get3A_25 = arith.constant 0 : index
    %get3A_26 = arith.constant 0 : index
    %get3A_27 = vector.load %arg2[%get3A_24, %get3A_25, %get3A_26] : memref<2x256x128xf32, #tpu.memory_space<vmem>>, vector<1x256x128xf32>
    %get3A_28 = vector.shape_cast %get3A_27 : vector<1x256x128xf32> to vector<256x128xf32>
    %add3A_29 = arith.addf %get3A_23, %get3A_28 : vector<256x128xf32>
    %get3A_30 = arith.constant 1 : index
    %get3A_31 = arith.constant 0 : index
    %get3A_32 = arith.constant 0 : index
    %get3A_33 = vector.load %arg3[%get3A_30, %get3A_31, %get3A_32] : memref<2x256x128xf32, #tpu.memory_space<vmem>>, vector<1x256x128xf32>
    %get3A_34 = vector.shape_cast %get3A_33 : vector<1x256x128xf32> to vector<256x128xf32>
    %add3A_35 = arith.addf %add3A_29, %get3A_34 : vector<256x128xf32>
    %mul3A_36 = vector.broadcast %get3A_1 : vector<256x1xf32> to vector<256x128xf32>
    %mul3A_37 = arith.mulf %mul3A_36, %add3A_35 : vector<256x128xf32>
    %get3A_38 = arith.constant 0 : index
    %get3A_39 = arith.constant 0 : index
    %get3A_40 = vector.load %arg5[%get3A_38, %get3A_39] : memref<256x512xf32, #tpu.memory_space<vmem>>, vector<128x512xf32>
    %dot_general3A = arith.constant dense<0.000000e+00> : vector<256x512xf32>
    %dot_general3A_41 = tpu.matmul %mul3A_18, %get3A_40, %dot_general3A {dimension_numbers = #tpu.dot_dimension_numbers<[1], [0], [0], [1], [0, 0, 1, 1], [], []>, transpose_lhs_hint = false} : vector<256x128xf32>, vector<128x512xf32>, vector<256x512xf32> -> vector<256x512xf32>
    %get3A_42 = arith.constant 128 : index
    %get3A_43 = arith.constant 0 : index
    %get3A_44 = vector.load %arg5[%get3A_42, %get3A_43] : memref<256x512xf32, #tpu.memory_space<vmem>>, vector<128x512xf32>
    %dot_general3A_45 = arith.constant dense<0.000000e+00> : vector<256x512xf32>
    %dot_general3A_46 = tpu.matmul %mul3A_37, %get3A_44, %dot_general3A_45 {dimension_numbers = #tpu.dot_dimension_numbers<[1], [0], [0], [1], [0, 0, 1, 1], [], []>, transpose_lhs_hint = false} : vector<256x128xf32>, vector<128x512xf32>, vector<256x512xf32> -> vector<256x512xf32>
    %add3A_47 = arith.addf %dot_general3A_41, %dot_general3A_46 : vector<256x512xf32>
    %get3A_48 = arith.constant 0 : index
    %get3A_49 = arith.constant 0 : index
    %get3A_50 = vector.load %arg6[%get3A_48, %get3A_49] : memref<1x512xf32, #tpu.memory_space<vmem>>, vector<1x512xf32>
    %add3A_51 = vector.broadcast %get3A_50 : vector<1x512xf32> to vector<256x512xf32>
    %add3A_52 = arith.addf %add3A_47, %add3A_51 : vector<256x512xf32>
    %max3A = arith.constant 0.000000e+00 : f32
    %max3A_53 = vector.broadcast %max3A : f32 to vector<256x512xf32>
    %max3A_54 = arith.maximumf %add3A_52, %max3A_53 : vector<256x512xf32>
    %mul3A_55 = vector.broadcast %get3A_1 : vector<256x1xf32> to vector<256x512xf32>
    %mul3A_56 = arith.mulf %mul3A_55, %max3A_54 : vector<256x512xf32>
    %slice3A = vector.extract_strided_slice %mul3A_56 {offsets = [0, 0], sizes = [256, 128], strides = [1, 1]} : vector<256x512xf32> to vector<256x128xf32>
    %swap3A = arith.constant 0 : index
    %swap3A_57 = arith.constant 0 : index
    %swap3A_58 = arith.constant 0 : index
    %swap3A_59 = vector.load %arg7[%swap3A, %swap3A_57, %swap3A_58] : memref<4x256x128xf32, #tpu.memory_space<vmem>>, vector<1x256x128xf32>
    %swap3A_60 = vector.shape_cast %swap3A_59 : vector<1x256x128xf32> to vector<256x128xf32>
    %swap3A_61 = vector.shape_cast %slice3A : vector<256x128xf32> to vector<1x256x128xf32>
    tpu.vector_store %arg7[%swap3A, %swap3A_57, %swap3A_58], %swap3A_61 {strides = array<i32>} : memref<4x256x128xf32, #tpu.memory_space<vmem>>, vector<1x256x128xf32>,
    %slice3A_62 = vector.extract_strided_slice %mul3A_56 {offsets = [0, 128], sizes = [256, 128], strides = [1, 1]} : vector<256x512xf32> to vector<256x128xf32>
    %swap3A_63 = arith.constant 1 : index
    %swap3A_64 = arith.constant 0 : index
    %swap3A_65 = arith.constant 0 : index
    %swap3A_66 = vector.load %arg7[%swap3A_63, %swap3A_64, %swap3A_65] : memref<4x256x128xf32, #tpu.memory_space<vmem>>, vector<1x256x128xf32>
    %swap3A_67 = vector.shape_cast %swap3A_66 : vector<1x256x128xf32> to vector<256x128xf32>
    %swap3A_68 = vector.shape_cast %slice3A_62 : vector<256x128xf32> to vector<1x256x128xf32>
    tpu.vector_store %arg7[%swap3A_63, %swap3A_64, %swap3A_65], %swap3A_68 {strides = array<i32>} : memref<4x256x128xf32, #tpu.memory_space<vmem>>, vector<1x256x128xf32>,
    %slice3A_69 = vector.extract_strided_slice %mul3A_56 {offsets = [0, 256], sizes = [256, 128], strides = [1, 1]} : vector<256x512xf32> to vector<256x128xf32>
    %swap3A_70 = arith.constant 2 : index
    %swap3A_71 = arith.constant 0 : index
    %swap3A_72 = arith.constant 0 : index
    %swap3A_73 = vector.load %arg7[%swap3A_70, %swap3A_71, %swap3A_72] : memref<4x256x128xf32, #tpu.memory_space<vmem>>, vector<1x256x128xf32>
    %swap3A_74 = vector.shape_cast %swap3A_73 : vector<1x256x128xf32> to vector<256x128xf32>
    %swap3A_75 = vector.shape_cast %slice3A_69 : vector<256x128xf32> to vector<1x256x128xf32>
    tpu.vector_store %arg7[%swap3A_70, %swap3A_71, %swap3A_72], %swap3A_75 {strides = array<i32>} : memref<4x256x128xf32, #tpu.memory_space<vmem>>, vector<1x256x128xf32>,
    %slice3A_76 = vector.extract_strided_slice %mul3A_56 {offsets = [0, 384], sizes = [256, 128], strides = [1, 1]} : vector<256x512xf32> to vector<256x128xf32>
    %swap3A_77 = arith.constant 3 : index
    %swap3A_78 = arith.constant 0 : index
    %swap3A_79 = arith.constant 0 : index
    %swap3A_80 = vector.load %arg7[%swap3A_77, %swap3A_78, %swap3A_79] : memref<4x256x128xf32, #tpu.memory_space<vmem>>, vector<1x256x128xf32>
    %swap3A_81 = vector.shape_cast %swap3A_80 : vector<1x256x128xf32> to vector<256x128xf32>
    %swap3A_82 = vector.shape_cast %slice3A_76 : vector<256x128xf32> to vector<1x256x128xf32>
    tpu.vector_store %arg7[%swap3A_77, %swap3A_78, %swap3A_79], %swap3A_82 {strides = array<i32>} : memref<4x256x128xf32, #tpu.memory_space<vmem>>, vector<1x256x128xf32>,
    return
  }
  func.func @transform_0(%arg0: i32) -> (i32, i32, i32) {
    %c0_i32 = arith.constant 0 : i32
    %c0_i32_0 = arith.constant 0 : i32
    %c0_i32_1 = arith.constant 0 : i32
    return %c0_i32, %arg0, %c0_i32_0 : i32, i32, i32
  }
  func.func @transform_1(%arg0: i32) -> (i32, i32, i32) {
    %c0_i32 = arith.constant 0 : i32
    %c0_i32_0 = arith.constant 0 : i32
    %c0_i32_1 = arith.constant 0 : i32
    return %c0_i32, %arg0, %c0_i32_0 : i32, i32, i32
  }
  func.func @transform_2(%arg0: i32) -> (i32, i32, i32) {
    %c0_i32 = arith.constant 0 : i32
    %c0_i32_0 = arith.constant 0 : i32
    %c0_i32_1 = arith.constant 0 : i32
    return %c0_i32, %arg0, %c0_i32_0 : i32, i32, i32
  }
  func.func @transform_3(%arg0: i32) -> (i32, i32) {
    %c0_i32 = arith.constant 0 : i32
    %c0_i32_0 = arith.constant 0 : i32
    return %arg0, %c0_i32 : i32, i32
  }
  func.func @transform_4(%arg0: i32) -> (i32, i32) {
    %c0_i32 = arith.constant 0 : i32
    %c0_i32_0 = arith.constant 0 : i32
    %c0_i32_1 = arith.constant 0 : i32
    return %c0_i32, %c0_i32_0 : i32, i32
  }
  func.func @transform_5(%arg0: i32) -> (i32, i32) {
    %c0_i32 = arith.constant 0 : i32
    %c0_i32_0 = arith.constant 0 : i32
    %c0_i32_1 = arith.constant 0 : i32
    return %c0_i32, %c0_i32_0 : i32, i32
  }
  func.func @transform_6(%arg0: i32) -> (i32, i32, i32) {
    %c0_i32 = arith.constant 0 : i32
    %c0_i32_0 = arith.constant 0 : i32
    %c0_i32_1 = arith.constant 0 : i32
    return %c0_i32, %arg0, %c0_i32_0 : i32, i32, i32
  }
}

module attributes {stable_mosaic.version = 14 : i64} {
  func.func @body(%arg0: i32, %arg1: memref<2x256x128xf32, #tpu.memory_space<vmem>>, %arg2: memref<2x256x128xf32, #tpu.memory_space<vmem>>, %arg3: memref<2x256x128xf32, #tpu.memory_space<vmem>>, %arg4: memref<2x256x128xf32, #tpu.memory_space<vmem>>, %arg5: memref<4x256x128xf32, #tpu.memory_space<vmem>>, %arg6: memref<256x1xf32, #tpu.memory_space<vmem>>, %arg7: memref<512x1024xf32, #tpu.memory_space<vmem>>, %arg8: memref<1x1024xf32, #tpu.memory_space<vmem>>, %arg9: memref<256x1024xf32, #tpu.memory_space<vmem>>) attributes {dimension_semantics = [#tpu.dimension_semantics<arbitrary>], iteration_bounds = array<i64: 40>, scalar_prefetch = 0 : i64, scratch_operands = 0 : i64, tpu.core_type = #tpu.core_type<tc>, window_params = [{transform_indices = @transform_0, window_bounds = array<i64: 2, 256, 128>}, {transform_indices = @transform_1, window_bounds = array<i64: 2, 256, 128>}, {transform_indices = @transform_2, window_bounds = array<i64: 2, 256, 128>}, {transform_indices = @transform_3, window_bounds = array<i64: 2, 256, 128>}, {transform_indices = @transform_4, window_bounds = array<i64: 4, 256, 128>}, {transform_indices = @transform_5, window_bounds = array<i64: 256, 1>}, {pipeline_mode = #tpu.pipeline_mode<synchronous>, transform_indices = @transform_6, window_bounds = array<i64: 512, 1024>}, {pipeline_mode = #tpu.pipeline_mode<synchronous>, transform_indices = @transform_7, window_bounds = array<i64: 1, 1024>}, {transform_indices = @transform_8, window_bounds = array<i64: 256, 1024>}]} {
    %get3A = arith.constant 0 : index
    %get3A_0 = arith.constant 0 : index
    %get3A_1 = vector.load %arg6[%get3A, %get3A_0] : memref<256x1xf32, #tpu.memory_space<vmem>>, vector<256x1xf32>
    %get3A_2 = arith.constant 0 : index
    %get3A_3 = arith.constant 0 : index
    %get3A_4 = vector.load %arg8[%get3A_2, %get3A_3] : memref<1x1024xf32, #tpu.memory_space<vmem>>, vector<1x1024xf32>
    %get3A_5 = arith.constant 0 : index
    %get3A_6 = arith.constant 0 : index
    %get3A_7 = arith.constant 0 : index
    %get3A_8 = vector.load %arg1[%get3A_5, %get3A_6, %get3A_7] : memref<2x256x128xf32, #tpu.memory_space<vmem>>, vector<1x256x128xf32>
    %get3A_9 = vector.shape_cast %get3A_8 : vector<1x256x128xf32> to vector<256x128xf32>
    %get3A_10 = arith.constant 1 : index
    %get3A_11 = arith.constant 0 : index
    %get3A_12 = arith.constant 0 : index
    %get3A_13 = vector.load %arg1[%get3A_10, %get3A_11, %get3A_12] : memref<2x256x128xf32, #tpu.memory_space<vmem>>, vector<1x256x128xf32>
    %get3A_14 = vector.shape_cast %get3A_13 : vector<1x256x128xf32> to vector<256x128xf32>
    %add3A = arith.addf %get3A_9, %get3A_14 : vector<256x128xf32>
    %get3A_15 = arith.constant 0 : index
    %get3A_16 = arith.constant 0 : index
    %get3A_17 = arith.constant 0 : index
    %get3A_18 = vector.load %arg5[%get3A_15, %get3A_16, %get3A_17] : memref<4x256x128xf32, #tpu.memory_space<vmem>>, vector<1x256x128xf32>
    %get3A_19 = vector.shape_cast %get3A_18 : vector<1x256x128xf32> to vector<256x128xf32>
    %add3A_20 = arith.addf %add3A, %get3A_19 : vector<256x128xf32>
    %mul3A = vector.broadcast %get3A_1 : vector<256x1xf32> to vector<256x128xf32>
    %mul3A_21 = arith.mulf %mul3A, %add3A_20 : vector<256x128xf32>
    %get3A_22 = arith.constant 0 : index
    %get3A_23 = arith.constant 0 : index
    %get3A_24 = vector.load %arg7[%get3A_22, %get3A_23] : memref<512x1024xf32, #tpu.memory_space<vmem>>, vector<128x1024xf32>
    %dot_general3A = arith.constant dense<0.000000e+00> : vector<256x1024xf32>
    %dot_general3A_25 = tpu.matmul %mul3A_21, %get3A_24, %dot_general3A {dimension_numbers = #tpu.dot_dimension_numbers<[1], [0], [0], [1], [0, 0, 1, 1], [], []>, transpose_lhs_hint = false} : vector<256x128xf32>, vector<128x1024xf32>, vector<256x1024xf32> -> vector<256x1024xf32>
    %add3A_26 = vector.broadcast %get3A_4 : vector<1x1024xf32> to vector<256x1024xf32>
    %add3A_27 = arith.addf %add3A_26, %dot_general3A_25 : vector<256x1024xf32>
    %get3A_28 = arith.constant 0 : index
    %get3A_29 = arith.constant 0 : index
    %get3A_30 = arith.constant 0 : index
    %get3A_31 = vector.load %arg2[%get3A_28, %get3A_29, %get3A_30] : memref<2x256x128xf32, #tpu.memory_space<vmem>>, vector<1x256x128xf32>
    %get3A_32 = vector.shape_cast %get3A_31 : vector<1x256x128xf32> to vector<256x128xf32>
    %get3A_33 = arith.constant 1 : index
    %get3A_34 = arith.constant 0 : index
    %get3A_35 = arith.constant 0 : index
    %get3A_36 = vector.load %arg2[%get3A_33, %get3A_34, %get3A_35] : memref<2x256x128xf32, #tpu.memory_space<vmem>>, vector<1x256x128xf32>
    %get3A_37 = vector.shape_cast %get3A_36 : vector<1x256x128xf32> to vector<256x128xf32>
    %add3A_38 = arith.addf %get3A_32, %get3A_37 : vector<256x128xf32>
    %get3A_39 = arith.constant 1 : index
    %get3A_40 = arith.constant 0 : index
    %get3A_41 = arith.constant 0 : index
    %get3A_42 = vector.load %arg5[%get3A_39, %get3A_40, %get3A_41] : memref<4x256x128xf32, #tpu.memory_space<vmem>>, vector<1x256x128xf32>
    %get3A_43 = vector.shape_cast %get3A_42 : vector<1x256x128xf32> to vector<256x128xf32>
    %add3A_44 = arith.addf %add3A_38, %get3A_43 : vector<256x128xf32>
    %mul3A_45 = vector.broadcast %get3A_1 : vector<256x1xf32> to vector<256x128xf32>
    %mul3A_46 = arith.mulf %mul3A_45, %add3A_44 : vector<256x128xf32>
    %get3A_47 = arith.constant 128 : index
    %get3A_48 = arith.constant 0 : index
    %get3A_49 = vector.load %arg7[%get3A_47, %get3A_48] : memref<512x1024xf32, #tpu.memory_space<vmem>>, vector<128x1024xf32>
    %dot_general3A_50 = arith.constant dense<0.000000e+00> : vector<256x1024xf32>
    %dot_general3A_51 = tpu.matmul %mul3A_46, %get3A_49, %dot_general3A_50 {dimension_numbers = #tpu.dot_dimension_numbers<[1], [0], [0], [1], [0, 0, 1, 1], [], []>, transpose_lhs_hint = false} : vector<256x128xf32>, vector<128x1024xf32>, vector<256x1024xf32> -> vector<256x1024xf32>
    %add3A_52 = arith.addf %add3A_27, %dot_general3A_51 : vector<256x1024xf32>
    %get3A_53 = arith.constant 0 : index
    %get3A_54 = arith.constant 0 : index
    %get3A_55 = arith.constant 0 : index
    %get3A_56 = vector.load %arg3[%get3A_53, %get3A_54, %get3A_55] : memref<2x256x128xf32, #tpu.memory_space<vmem>>, vector<1x256x128xf32>
    %get3A_57 = vector.shape_cast %get3A_56 : vector<1x256x128xf32> to vector<256x128xf32>
    %get3A_58 = arith.constant 1 : index
    %get3A_59 = arith.constant 0 : index
    %get3A_60 = arith.constant 0 : index
    %get3A_61 = vector.load %arg3[%get3A_58, %get3A_59, %get3A_60] : memref<2x256x128xf32, #tpu.memory_space<vmem>>, vector<1x256x128xf32>
    %get3A_62 = vector.shape_cast %get3A_61 : vector<1x256x128xf32> to vector<256x128xf32>
    %add3A_63 = arith.addf %get3A_57, %get3A_62 : vector<256x128xf32>
    %get3A_64 = arith.constant 2 : index
    %get3A_65 = arith.constant 0 : index
    %get3A_66 = arith.constant 0 : index
    %get3A_67 = vector.load %arg5[%get3A_64, %get3A_65, %get3A_66] : memref<4x256x128xf32, #tpu.memory_space<vmem>>, vector<1x256x128xf32>
    %get3A_68 = vector.shape_cast %get3A_67 : vector<1x256x128xf32> to vector<256x128xf32>
    %add3A_69 = arith.addf %add3A_63, %get3A_68 : vector<256x128xf32>
    %mul3A_70 = vector.broadcast %get3A_1 : vector<256x1xf32> to vector<256x128xf32>
    %mul3A_71 = arith.mulf %mul3A_70, %add3A_69 : vector<256x128xf32>
    %get3A_72 = arith.constant 256 : index
    %get3A_73 = arith.constant 0 : index
    %get3A_74 = vector.load %arg7[%get3A_72, %get3A_73] : memref<512x1024xf32, #tpu.memory_space<vmem>>, vector<128x1024xf32>
    %dot_general3A_75 = arith.constant dense<0.000000e+00> : vector<256x1024xf32>
    %dot_general3A_76 = tpu.matmul %mul3A_71, %get3A_74, %dot_general3A_75 {dimension_numbers = #tpu.dot_dimension_numbers<[1], [0], [0], [1], [0, 0, 1, 1], [], []>, transpose_lhs_hint = false} : vector<256x128xf32>, vector<128x1024xf32>, vector<256x1024xf32> -> vector<256x1024xf32>
    %add3A_77 = arith.addf %add3A_52, %dot_general3A_76 : vector<256x1024xf32>
    %get3A_78 = arith.constant 0 : index
    %get3A_79 = arith.constant 0 : index
    %get3A_80 = arith.constant 0 : index
    %get3A_81 = vector.load %arg4[%get3A_78, %get3A_79, %get3A_80] : memref<2x256x128xf32, #tpu.memory_space<vmem>>, vector<1x256x128xf32>
    %get3A_82 = vector.shape_cast %get3A_81 : vector<1x256x128xf32> to vector<256x128xf32>
    %get3A_83 = arith.constant 1 : index
    %get3A_84 = arith.constant 0 : index
    %get3A_85 = arith.constant 0 : index
    %get3A_86 = vector.load %arg4[%get3A_83, %get3A_84, %get3A_85] : memref<2x256x128xf32, #tpu.memory_space<vmem>>, vector<1x256x128xf32>
    %get3A_87 = vector.shape_cast %get3A_86 : vector<1x256x128xf32> to vector<256x128xf32>
    %add3A_88 = arith.addf %get3A_82, %get3A_87 : vector<256x128xf32>
    %get3A_89 = arith.constant 3 : index
    %get3A_90 = arith.constant 0 : index
    %get3A_91 = arith.constant 0 : index
    %get3A_92 = vector.load %arg5[%get3A_89, %get3A_90, %get3A_91] : memref<4x256x128xf32, #tpu.memory_space<vmem>>, vector<1x256x128xf32>
    %get3A_93 = vector.shape_cast %get3A_92 : vector<1x256x128xf32> to vector<256x128xf32>
    %add3A_94 = arith.addf %add3A_88, %get3A_93 : vector<256x128xf32>
    %mul3A_95 = vector.broadcast %get3A_1 : vector<256x1xf32> to vector<256x128xf32>
    %mul3A_96 = arith.mulf %mul3A_95, %add3A_94 : vector<256x128xf32>
    %get3A_97 = arith.constant 384 : index
    %get3A_98 = arith.constant 0 : index
    %get3A_99 = vector.load %arg7[%get3A_97, %get3A_98] : memref<512x1024xf32, #tpu.memory_space<vmem>>, vector<128x1024xf32>
    %dot_general3A_100 = arith.constant dense<0.000000e+00> : vector<256x1024xf32>
    %dot_general3A_101 = tpu.matmul %mul3A_96, %get3A_99, %dot_general3A_100 {dimension_numbers = #tpu.dot_dimension_numbers<[1], [0], [0], [1], [0, 0, 1, 1], [], []>, transpose_lhs_hint = false} : vector<256x128xf32>, vector<128x1024xf32>, vector<256x1024xf32> -> vector<256x1024xf32>
    %add3A_102 = arith.addf %add3A_77, %dot_general3A_101 : vector<256x1024xf32>
    %max3A = arith.constant 0.000000e+00 : f32
    %max3A_103 = vector.broadcast %max3A : f32 to vector<256x1024xf32>
    %max3A_104 = arith.maximumf %add3A_102, %max3A_103 : vector<256x1024xf32>
    %swap3A = arith.constant 0 : index
    %swap3A_105 = arith.constant 0 : index
    %swap3A_106 = vector.load %arg9[%swap3A, %swap3A_105] : memref<256x1024xf32, #tpu.memory_space<vmem>>, vector<256x1024xf32>
    tpu.vector_store %arg9[%swap3A, %swap3A_105], %max3A_104 {strides = array<i32>} : memref<256x1024xf32, #tpu.memory_space<vmem>>, vector<256x1024xf32>,
    return
  }
  func.func @transform_0(%arg0: i32) -> (i32, i32, i32) {
    %c0_i32 = arith.constant 0 : i32
    %c0_i32_0 = arith.constant 0 : i32
    %c0_i32_1 = arith.constant 0 : i32
    return %c0_i32, %arg0, %c0_i32_0 : i32, i32, i32
  }
  func.func @transform_1(%arg0: i32) -> (i32, i32, i32) {
    %c0_i32 = arith.constant 0 : i32
    %c0_i32_0 = arith.constant 0 : i32
    %c0_i32_1 = arith.constant 0 : i32
    return %c0_i32, %arg0, %c0_i32_0 : i32, i32, i32
  }
  func.func @transform_2(%arg0: i32) -> (i32, i32, i32) {
    %c0_i32 = arith.constant 0 : i32
    %c0_i32_0 = arith.constant 0 : i32
    %c0_i32_1 = arith.constant 0 : i32
    return %c0_i32, %arg0, %c0_i32_0 : i32, i32, i32
  }
  func.func @transform_3(%arg0: i32) -> (i32, i32, i32) {
    %c0_i32 = arith.constant 0 : i32
    %c0_i32_0 = arith.constant 0 : i32
    %c0_i32_1 = arith.constant 0 : i32
    return %c0_i32, %arg0, %c0_i32_0 : i32, i32, i32
  }
  func.func @transform_4(%arg0: i32) -> (i32, i32, i32) {
    %c0_i32 = arith.constant 0 : i32
    %c0_i32_0 = arith.constant 0 : i32
    %c0_i32_1 = arith.constant 0 : i32
    return %c0_i32, %arg0, %c0_i32_0 : i32, i32, i32
  }
  func.func @transform_5(%arg0: i32) -> (i32, i32) {
    %c0_i32 = arith.constant 0 : i32
    %c0_i32_0 = arith.constant 0 : i32
    return %arg0, %c0_i32 : i32, i32
  }
  func.func @transform_6(%arg0: i32) -> (i32, i32) {
    %c0_i32 = arith.constant 0 : i32
    %c0_i32_0 = arith.constant 0 : i32
    %c0_i32_1 = arith.constant 0 : i32
    return %c0_i32, %c0_i32_0 : i32, i32
  }
  func.func @transform_7(%arg0: i32) -> (i32, i32) {
    %c0_i32 = arith.constant 0 : i32
    %c0_i32_0 = arith.constant 0 : i32
    %c0_i32_1 = arith.constant 0 : i32
    return %c0_i32, %c0_i32_0 : i32, i32
  }
  func.func @transform_8(%arg0: i32) -> (i32, i32) {
    %c0_i32 = arith.constant 0 : i32
    %c0_i32_0 = arith.constant 0 : i32
    return %arg0, %c0_i32 : i32, i32
  }
}

module attributes {stable_mosaic.version = 14 : i64} {
  func.func @body(%arg0: i32, %arg1: memref<80x128xi32, #tpu.memory_space<vmem>>, %arg2: memref<10240x1024xf32, #tpu.memory_space<any>>, %arg3: memref<1x1x2048xf32, #tpu.memory_space<vmem>>, %arg4: memref<128x1024xf32, #tpu.memory_space<vmem>>, %arg5: memref<!tpu.dma_semaphore, #tpu.memory_space<semaphore_mem>>) attributes {dimension_semantics = [#tpu.dimension_semantics<arbitrary>], iteration_bounds = array<i64: 128>, scalar_prefetch = 0 : i64, scratch_operands = 2 : i64, tpu.core_type = #tpu.core_type<tc>, window_params = [{pipeline_mode = #tpu.pipeline_mode<synchronous>, transform_indices = @transform_0, window_bounds = array<i64: 80, 128>}, {}, {transform_indices = @transform_2, window_bounds = array<i64: 1, 1, 2048>}]} {
    %get3A = arith.constant 0 : index
    %get3A_0 = arith.constant 0 : index
    %get3A_1 = vector.load %arg1[%get3A, %get3A_0] : memref<80x128xi32, #tpu.memory_space<vmem>>, vector<80x128xi32>
    %lt3A = vector.broadcast %arg0 : i32 to vector<80x128xi32>
    %lt3A_2 = arith.cmpi slt, %get3A_1, %lt3A : vector<80x128xi32>
    %convert_element_type3A = arith.extui %lt3A_2 : vector<80x128xi1> to vector<80x128xi32>
    %reduce_sum3A = vector.shape_cast %convert_element_type3A : vector<80x128xi32> to vector<1x80x128xi32>
    %reduce_sum3A_3 = arith.constant dense<0> : vector<1xi32>
    %reduce_sum3A_4 = vector.multi_reduction <add>, %reduce_sum3A, %reduce_sum3A_3 [1, 2] : vector<1x80x128xi32> to vector<1xi32>
    %reduce_sum3A_5 = vector.shape_cast %reduce_sum3A_4 : vector<1xi32> to vector<1x1x1xi32>
    %reduce_sum3A_6 = vector.extract %reduce_sum3A_5[0, 0, 0] : i32 from vector<1x1x1xi32>
    %eq3A = vector.broadcast %arg0 : i32 to vector<80x128xi32>
    %eq3A_7 = arith.cmpi eq, %get3A_1, %eq3A : vector<80x128xi32>
    %convert_element_type3A_8 = arith.extui %eq3A_7 : vector<80x128xi1> to vector<80x128xi32>
    %reduce_sum3A_9 = vector.shape_cast %convert_element_type3A_8 : vector<80x128xi32> to vector<1x80x128xi32>
    %reduce_sum3A_10 = arith.constant dense<0> : vector<1xi32>
    %reduce_sum3A_11 = vector.multi_reduction <add>, %reduce_sum3A_9, %reduce_sum3A_10 [1, 2] : vector<1x80x128xi32> to vector<1xi32>
    %reduce_sum3A_12 = vector.shape_cast %reduce_sum3A_11 : vector<1xi32> to vector<1x1x1xi32>
    %reduce_sum3A_13 = vector.extract %reduce_sum3A_12[0, 0, 0] : i32 from vector<1x1x1xi32>
    %jit3A = arith.constant 8 : i32
    %div3A = arith.divsi %reduce_sum3A_6, %jit3A : i32
    %sign3A = arith.constant 0 : i32
    %sign3A_14 = arith.cmpi sgt, %reduce_sum3A_6, %sign3A : i32
    %sign3A_15 = arith.extui %sign3A_14 : i1 to i32
    %sign3A_16 = arith.constant 0 : i32
    %sign3A_17 = arith.cmpi slt, %reduce_sum3A_6, %sign3A_16 : i32
    %sign3A_18 = arith.extui %sign3A_17 : i1 to i32
    %sign3A_19 = arith.subi %sign3A_15, %sign3A_18 : i32
    %sign3A_20 = arith.constant 0 : i32
    %sign3A_21 = arith.cmpi sgt, %jit3A, %sign3A_20 : i32
    %sign3A_22 = arith.extui %sign3A_21 : i1 to i32
    %sign3A_23 = arith.constant 0 : i32
    %sign3A_24 = arith.cmpi slt, %jit3A, %sign3A_23 : i32
    %sign3A_25 = arith.extui %sign3A_24 : i1 to i32
    %sign3A_26 = arith.subi %sign3A_22, %sign3A_25 : i32
    %ne3A = arith.cmpi ne, %sign3A_19, %sign3A_26 : i32
    %rem3A = arith.remsi %reduce_sum3A_6, %jit3A : i32
    %ne3A_27 = arith.constant 0 : i32
    %ne3A_28 = arith.cmpi ne, %rem3A, %ne3A_27 : i32
    %and3A = arith.andi %ne3A, %ne3A_28 : i1
    %sub3A = arith.constant 1 : i32
    %sub3A_29 = arith.subi %div3A, %sub3A : i32
    %select_n3A = arith.select %and3A, %sub3A_29, %div3A : i32
    %mul3A = arith.constant 8 : i32
    %mul3A_30 = arith.muli %select_n3A, %mul3A : i32
    %multiple_of3A = tpu.assume_multiple %mul3A_30, 8 : i32
    %add3A = arith.addi %reduce_sum3A_6, %reduce_sum3A_13 : i32
    %broadcast_in_dim3A = arith.constant 0.000000e+00 : f32
    %broadcast_in_dim3A_31 = vector.broadcast %broadcast_in_dim3A : f32 to vector<1x1024xf32>
    %add3A_32 = arith.constant 0xFF800000 : f32
    %add3A_33 = vector.broadcast %add3A_32 : f32 to vector<1x1024xf32>
    %add3A_34 = arith.addf %broadcast_in_dim3A_31, %add3A_33 : vector<1x1024xf32>
    %while3A = arith.constant 0xFF800000 : f32
    %while3A_35 = arith.constant 0 : i32
    %while3A_36:3 = scf.while (%while3A_49 = %while3A_35, %while3A_50 = %broadcast_in_dim3A_31, %while3A_51 = %add3A_34) : (i32, vector<1x1024xf32>, vector<1x1024xf32>) -> (i32, vector<1x1024xf32>, vector<1x1024xf32>) {
      %add3A_52 = arith.addi %multiple_of3A, %while3A_49 : i32
      %lt3A_53 = arith.cmpi slt, %add3A_52, %add3A : i32
      scf.condition(%lt3A_53) %while3A_49, %while3A_50, %while3A_51 : i32, vector<1x1024xf32>, vector<1x1024xf32>
    } do {
    ^bb0(%while3A_49: i32, %while3A_50: vector<1x1024xf32>, %while3A_51: vector<1x1024xf32>):
      %add3A_52 = arith.addi %multiple_of3A, %while3A_49 : i32
      %multiple_of3A_53 = tpu.assume_multiple %add3A_52, 8 : i32
      %dma_start3A = arith.constant 0 : i32
      %dma_start3A_54 = tpu.memref_slice %arg2[%multiple_of3A_53, %dma_start3A] : memref<10240x1024xf32, #tpu.memory_space<any>> -> memref<128x1024xf32, #tpu.memory_space<any>>
      tpu.enqueue_dma source(%dma_start3A_54 : memref<128x1024xf32, #tpu.memory_space<any>>) target(%arg4 : memref<128x1024xf32, #tpu.memory_space<vmem>>) target_semaphore(%arg5 : memref<!tpu.dma_semaphore, #tpu.memory_space<semaphore_mem>>)
      %dma_wait3A = arith.constant 0 : i32
      %dma_wait3A_55 = tpu.memref_slice %arg2[%multiple_of3A_53, %dma_wait3A] : memref<10240x1024xf32, #tpu.memory_space<any>> -> memref<128x1024xf32, #tpu.memory_space<any>>
      tpu.wait_dma2 semaphore(%arg5 : memref<!tpu.dma_semaphore, #tpu.memory_space<semaphore_mem>>) src(%dma_wait3A_55 : memref<128x1024xf32, #tpu.memory_space<any>>) dst(%arg4 : memref<128x1024xf32, #tpu.memory_space<vmem>>)
      %iota3A = tpu.iota {dimensions = array<i32: 0>} : vector<128x1xi32>
      %add3A_56 = arith.addi %multiple_of3A, %while3A_49 : i32
      %add3A_57 = vector.broadcast %add3A_56 : i32 to vector<128x1xi32>
      %add3A_58 = arith.addi %iota3A, %add3A_57 : vector<128x1xi32>
      %ge3A = vector.broadcast %reduce_sum3A_6 : i32 to vector<128x1xi32>
      %ge3A_59 = arith.cmpi sge, %add3A_58, %ge3A : vector<128x1xi32>
      %lt3A_60 = vector.broadcast %add3A : i32 to vector<128x1xi32>
      %lt3A_61 = arith.cmpi slt, %add3A_58, %lt3A_60 : vector<128x1xi32>
      %and3A_62 = arith.andi %ge3A_59, %lt3A_61 : vector<128x1xi1>
      %get3A_63 = arith.constant 0 : index
      %get3A_64 = arith.constant 0 : index
      %get3A_65 = vector.load %arg4[%get3A_63, %get3A_64] : memref<128x1024xf32, #tpu.memory_space<vmem>>, vector<128x1024xf32>
      %jit3A_66 = arith.constant 0.000000e+00 : f32
      %broadcast_in_dim3A_67 = vector.shape_cast %and3A_62 : vector<128x1xi1> to vector<128x1xi1>
      %broadcast_in_dim3A_68 = vector.broadcast %broadcast_in_dim3A_67 : vector<128x1xi1> to vector<128x1024xi1>
      %broadcast_in_dim3A_69 = vector.broadcast %jit3A_66 : f32 to vector<128x1024xf32>
      %select_n3A_70 = arith.select %broadcast_in_dim3A_68, %get3A_65, %broadcast_in_dim3A_69 : vector<128x1024xi1>, vector<128x1024xf32>
      %reduce_sum3A_71 = arith.constant dense<0.000000e+00> : vector<1024xf32>
      %reduce_sum3A_72 = vector.multi_reduction <add>, %select_n3A_70, %reduce_sum3A_71 [0] : vector<128x1024xf32> to vector<1024xf32>
      %broadcast_in_dim3A_73 = vector.shape_cast %reduce_sum3A_72 : vector<1024xf32> to vector<1x1024xf32>
      %add3A_74 = arith.addf %while3A_50, %broadcast_in_dim3A_73 : vector<1x1024xf32>
      %broadcast_in_dim3A_75 = vector.shape_cast %and3A_62 : vector<128x1xi1> to vector<128x1xi1>
      %broadcast_in_dim3A_76 = vector.broadcast %broadcast_in_dim3A_75 : vector<128x1xi1> to vector<128x1024xi1>
      %broadcast_in_dim3A_77 = vector.broadcast %while3A : f32 to vector<128x1024xf32>
      %select_n3A_78 = arith.select %broadcast_in_dim3A_76, %get3A_65, %broadcast_in_dim3A_77 : vector<128x1024xi1>, vector<128x1024xf32>
      %reduce_max3A = arith.constant dense<0xFF800000> : vector<1024xf32>
      %reduce_max3A_79 = vector.multi_reduction <maximumf>, %select_n3A_78, %reduce_max3A [0] : vector<128x1024xf32> to vector<1024xf32>
      %broadcast_in_dim3A_80 = vector.shape_cast %reduce_max3A_79 : vector<1024xf32> to vector<1x1024xf32>
      %max3A_81 = arith.maximumf %while3A_51, %broadcast_in_dim3A_80 : vector<1x1024xf32>
      %add3A_82 = arith.constant 128 : i32
      %add3A_83 = arith.addi %while3A_49, %add3A_82 : i32
      scf.yield %add3A_83, %add3A_74, %max3A_81 : i32, vector<1x1024xf32>, vector<1x1024xf32>
    }
    %convert_element_type3A_37 = arith.sitofp %reduce_sum3A_13 : i32 to f32
    %max3A = arith.constant 1.000000e+00 : f32
    %max3A_38 = arith.maximumf %convert_element_type3A_37, %max3A : f32
    %div3A_39 = vector.broadcast %max3A_38 : f32 to vector<1x1024xf32>
    %div3A_40 = arith.divf %while3A_36#1, %div3A_39 : vector<1x1024xf32>
    %gt3A = arith.constant 0 : i32
    %gt3A_41 = arith.cmpi sgt, %reduce_sum3A_13, %gt3A : i32
    %jit3A_42 = arith.constant 0.000000e+00 : f32
    %broadcast_in_dim3A_43 = vector.broadcast %jit3A_42 : f32 to vector<1x1024xf32>
    %select_n3A_44 = arith.select %gt3A_41, %while3A_36#2, %broadcast_in_dim3A_43 : vector<1x1024xf32>
    %concatenate3A = tpu.concatenate %div3A_40, %select_n3A_44 in 1 : vector<1x1024xf32>, vector<1x1024xf32> -> vector<1x2048xf32>
    %broadcast_in_dim3A_45 = vector.shape_cast %concatenate3A : vector<1x2048xf32> to vector<1x1x2048xf32>
    %swap3A = arith.constant 0 : index
    %swap3A_46 = arith.constant 0 : index
    %swap3A_47 = arith.constant 0 : index
    %swap3A_48 = vector.load %arg3[%swap3A, %swap3A_46, %swap3A_47] : memref<1x1x2048xf32, #tpu.memory_space<vmem>>, vector<1x1x2048xf32>
    tpu.vector_store %arg3[%swap3A, %swap3A_46, %swap3A_47], %broadcast_in_dim3A_45 {strides = array<i32>} : memref<1x1x2048xf32, #tpu.memory_space<vmem>>, vector<1x1x2048xf32>,
    return
  }
  func.func @transform_0(%arg0: i32) -> (i32, i32) {
    %c0_i32 = arith.constant 0 : i32
    %c0_i32_0 = arith.constant 0 : i32
    %c0_i32_1 = arith.constant 0 : i32
    return %c0_i32, %c0_i32_0 : i32, i32
  }
  func.func @transform_2(%arg0: i32) -> (i32, i32, i32) {
    %c0_i32 = arith.constant 0 : i32
    %c0_i32_0 = arith.constant 0 : i32
    %c0_i32_1 = arith.constant 0 : i32
    return %arg0, %c0_i32, %c0_i32_0 : i32, i32, i32
  }
}

module attributes {stable_mosaic.version = 14 : i64} {
  func.func @body(%arg0: memref<128x2048xf32, #tpu.memory_space<vmem>>, %arg1: memref<2048x512xf32, #tpu.memory_space<vmem>>, %arg2: memref<1x512xf32, #tpu.memory_space<vmem>>, %arg3: memref<512x256xf32, #tpu.memory_space<vmem>>, %arg4: memref<1x256xf32, #tpu.memory_space<vmem>>, %arg5: memref<256x7xf32, #tpu.memory_space<vmem>>, %arg6: memref<1x7xf32, #tpu.memory_space<vmem>>, %arg7: memref<128x7xf32, #tpu.memory_space<vmem>>) attributes {dimension_semantics = [], scalar_prefetch = 0 : i64, scratch_operands = 0 : i64, tpu.core_type = #tpu.core_type<tc>} {
    %get3A = arith.constant 0 : index
    %get3A_0 = arith.constant 0 : index
    %get3A_1 = vector.load %arg0[%get3A, %get3A_0] : memref<128x2048xf32, #tpu.memory_space<vmem>>, vector<128x2048xf32>
    %get3A_2 = arith.constant 0 : index
    %get3A_3 = arith.constant 0 : index
    %get3A_4 = vector.load %arg1[%get3A_2, %get3A_3] : memref<2048x512xf32, #tpu.memory_space<vmem>>, vector<2048x512xf32>
    %dot_general3A = arith.constant dense<0.000000e+00> : vector<128x512xf32>
    %dot_general3A_5 = tpu.matmul %get3A_1, %get3A_4, %dot_general3A {dimension_numbers = #tpu.dot_dimension_numbers<[1], [0], [0], [1], [0, 0, 1, 1], [], []>, transpose_lhs_hint = false} : vector<128x2048xf32>, vector<2048x512xf32>, vector<128x512xf32> -> vector<128x512xf32>
    %get3A_6 = arith.constant 0 : index
    %get3A_7 = arith.constant 0 : index
    %get3A_8 = vector.load %arg2[%get3A_6, %get3A_7] : memref<1x512xf32, #tpu.memory_space<vmem>>, vector<1x512xf32>
    %add3A = vector.broadcast %get3A_8 : vector<1x512xf32> to vector<128x512xf32>
    %add3A_9 = arith.addf %dot_general3A_5, %add3A : vector<128x512xf32>
    %max3A = arith.constant 0.000000e+00 : f32
    %max3A_10 = vector.broadcast %max3A : f32 to vector<128x512xf32>
    %max3A_11 = arith.maximumf %add3A_9, %max3A_10 : vector<128x512xf32>
    %get3A_12 = arith.constant 0 : index
    %get3A_13 = arith.constant 0 : index
    %get3A_14 = vector.load %arg3[%get3A_12, %get3A_13] : memref<512x256xf32, #tpu.memory_space<vmem>>, vector<512x256xf32>
    %dot_general3A_15 = arith.constant dense<0.000000e+00> : vector<128x256xf32>
    %dot_general3A_16 = tpu.matmul %max3A_11, %get3A_14, %dot_general3A_15 {dimension_numbers = #tpu.dot_dimension_numbers<[1], [0], [0], [1], [0, 0, 1, 1], [], []>, transpose_lhs_hint = false} : vector<128x512xf32>, vector<512x256xf32>, vector<128x256xf32> -> vector<128x256xf32>
    %get3A_17 = arith.constant 0 : index
    %get3A_18 = arith.constant 0 : index
    %get3A_19 = vector.load %arg4[%get3A_17, %get3A_18] : memref<1x256xf32, #tpu.memory_space<vmem>>, vector<1x256xf32>
    %add3A_20 = vector.broadcast %get3A_19 : vector<1x256xf32> to vector<128x256xf32>
    %add3A_21 = arith.addf %dot_general3A_16, %add3A_20 : vector<128x256xf32>
    %max3A_22 = arith.constant 0.000000e+00 : f32
    %max3A_23 = vector.broadcast %max3A_22 : f32 to vector<128x256xf32>
    %max3A_24 = arith.maximumf %add3A_21, %max3A_23 : vector<128x256xf32>
    %get3A_25 = arith.constant 0 : index
    %get3A_26 = arith.constant 0 : index
    %get3A_27 = vector.load %arg5[%get3A_25, %get3A_26] : memref<256x7xf32, #tpu.memory_space<vmem>>, vector<256x7xf32>
    %dot_general3A_28 = arith.constant dense<0.000000e+00> : vector<128x7xf32>
    %dot_general3A_29 = tpu.matmul %max3A_24, %get3A_27, %dot_general3A_28 {dimension_numbers = #tpu.dot_dimension_numbers<[1], [0], [0], [1], [0, 0, 1, 1], [], []>, transpose_lhs_hint = false} : vector<128x256xf32>, vector<256x7xf32>, vector<128x7xf32> -> vector<128x7xf32>
    %get3A_30 = arith.constant 0 : index
    %get3A_31 = arith.constant 0 : index
    %get3A_32 = vector.load %arg6[%get3A_30, %get3A_31] : memref<1x7xf32, #tpu.memory_space<vmem>>, vector<1x7xf32>
    %add3A_33 = vector.broadcast %get3A_32 : vector<1x7xf32> to vector<128x7xf32>
    %add3A_34 = arith.addf %dot_general3A_29, %add3A_33 : vector<128x7xf32>
    %swap3A = arith.constant 0 : index
    %swap3A_35 = arith.constant 0 : index
    %swap3A_36 = vector.load %arg7[%swap3A, %swap3A_35] : memref<128x7xf32, #tpu.memory_space<vmem>>, vector<128x7xf32>
    tpu.vector_store %arg7[%swap3A, %swap3A_35], %add3A_34 {strides = array<i32>} : memref<128x7xf32, #tpu.memory_space<vmem>>, vector<128x7xf32>,
    return
  }
}

</mosaic_0001>

<sc_bundles>
// kernel: kernel.20.cloned.1.call-start
scs
__scs_entry_jumppad:
0x0: {  	(pc) =	sbr.rel $0x88, $3  }
0x1: {  	(tag) =	ssettag $0x0;
	lr =	simm.s32 $0x1  }
0x2: {  	[smem:$0x3F8E] =	sst lr;
	_ =	strace $0xD0000000  }
0x3: {  	_ = 	snop  }
0x4: {  	_ = 	snop  }
0x5: {  	_ = 	snop  }
0x6: {  	_ = 	snop  }
0x7: {  	_ = 	snop  }
__scs_overlays_trampoline_lowered:
0x8: {  	[smem:$0x3F9D] =	sst s0  }
0x9: {  	[smem:$0x3F9E] =	sst s1  }
0xa: {  	[smem:$0x3F9F] =	sst s2  }
0xb: {  	[smem:$0x3FA0] =	sst s3  }
0xc: {  	[smem:$0x3FA1] =	sst s4  }
0xd: {  	[smem:$0x3FA2] =	sst s5  }
0xe: {  	[smem:$0x3FA3] =	sst s6  }
0xf: {  	[smem:$0x3FA4] =	sst s7  }
0x10: {  	[smem:$0x3FA5] =	sst s8  }
0x11: {  	[smem:$0x3FA6] =	sst s9;
	s0 =	simm.s32 @!p0 $0x0  }
0x12: {  	s1 =	sld [smem:$0x3F8C];
	s0 =	simm.s32 @p0 $0x1  }
0x13: {  	[smem:$0x3FA7] =	sst s0;
	s0 =	simm.s32 @!p1 $0x0  }
0x14: {  	s2 =	sld [smem:$0x3F8B];
	s0 =	simm.s32 @p1 $0x1  }
0x15: {  	[smem:$0x3FA8] =	sst s0;
	s0 =	simm.s32 @!p2 $0x0  }
0x16: {  	s3 =	sld [smem:$0x3FDB];
	s0 =	simm.s32 @p2 $0x1  }
0x17: {  	s4 =	simm.s32 $0x1BF5;
	[smem:$0x3FAA] =	sst s0  }
0x18: {  	s0 =	sld [smem:$0x3F8D];
	_ =	swait.ge [sflag:s4], $0x0  }
0x19: {  	s7 =	sld [smem:$0x3F8E]  }
0x1a: {  	s8 =	sadd.s32 $0xFFFFE003, lr  }
0x1b: {  	s9 =	sadd.s32 $0xFFFFFEF7, lr;
	s5 =	simm.s32 $0xFFFFFFFF;
	p2 =	slt.u32 s8, $0xFFFFF086  }
0x1c: {  	p1 =	slt.u32 s9, $0xF7A;
	s5 =	simm.s32 @!p2 $0x0  }
0x1d: {  	s5 =	simm.s32 @p1 $0x1;
	p0 =	seq.s32 s7, s2  }
0x1e: {  	s7 =	smul.u32 @!p0 $0xF7A, s2;
	p2 =	seq.s32 @!p0 s5, $0x0  }
0x1f: {  	s9 =	smul.u32 $0xF7A, s1;
	s8 =	simm.s32 @!p0 $0x1BF5;
	p2 =	por !p2, p0  }
0x20: {  	[sflag:s8] =	ssyncset.s32 @!p0 $0xFFFFF086;
	s6 =	sadd.s32 @!p0 s3, s7;
	s7 =	simm.s32 @!p0 $0x108  }
0x21: {  	s3 =	sadd.s32 s3, s9;
	s6 =	sadd.s32 @!p0 $0x88, s6;
	s7 =	simm.s32 @p2 $0x1082  }
0x22: {  	[simem:s7], [sflag:s8] =	dma.local @!p0 [hbm:s6], $0xF7A  }
0x23: {  	s9 =	sor.u32 $0xD0000000, s2;
	s6 =	simm.s32 $0x108;
	_ =	swait.ge @!p0 [sflag:s8], $0x0  }
0x24: {  	s3 =	sadd.s32 $0x88, s3;
	s6 =	simm.s32 @!p1 $0x1082;
	[sflag:s4] =	ssyncset.s32 $0xFFFFF086  }
0x25: {  	[simem:s6], [sflag:s4] =	dma.local [hbm:s3], $0xF7A  }
0x26: {  	[smem:$0x3F8E] =	sst s1;
	(tag) =	ssettag s2;
	_ =	strace s9  }
0x27: {  	s1 =	sld [smem:$0x3F9E]  }
0x28: {  	s2 =	sld [smem:$0x3F9F]  }
0x29: {  	s4 =	sld [smem:$0x3FA1]  }
0x2a: {  	p0 =	seq.s32 s5, $0x0;
	s5 =	sld [smem:$0x3FA2]  }
0x2b: {  	s6 =	sld [smem:$0x3FA3]  }
0x2c: {  	s7 =	sld [smem:$0x3FA4]  }
0x2d: {  	s3 =	simm.s32 $0x108;
	s8 =	sld [smem:$0x3FA5]  }
0x2e: {  	s3 =	simm.s32 @!p0 $0x1082;
	s9 =	sld [smem:$0x3FA6]  }
0x2f: {  	lr =	sadd.s32 s0, s3;
	s0 =	sld [smem:$0x3F9D]  }
0x30: {  	s3 =	sld [smem:$0x3FA0]  }
0x31: {  	[smem:$0x3FA9] =	sst s10  }
0x32: {  	s10 =	sld [smem:$0x3FA7];
	_ =	sdelay $0x3  }
0x33: {  	p0 =	seq.s32 s10, $0x1;
	s10 =	sld [smem:$0x3FA9];
	_ =	sdelay $0x3  }
0x34: {  	[smem:$0x3FA9] =	sst s10  }
0x35: {  	s10 =	sld [smem:$0x3FA8];
	_ =	sdelay $0x3  }
0x36: {  	p1 =	seq.s32 s10, $0x1;
	s10 =	sld [smem:$0x3FA9];
	_ =	sdelay $0x3  }
0x37: {  	[smem:$0x3FA9] =	sst s10  }
0x38: {  	s10 =	sld [smem:$0x3FAA]  }
0x39: {  	_ = 	snop;
	(pc) =	sbr.ind lr, $3  }
0x3a: {  	_ = 	snop  }
0x3b: {  	_ = 	snop  }
0x3c: {  	p2 =	seq.s32 s10, $0x1;
	s10 =	sld [smem:$0x3FA9]  }
0x3d: {  	_ =	shalt  }
0x3e: {  	_ =	shalt  }
0x3f: {  	_ =	shalt  }
0x40: {  	_ =	shalt  }
0x41: {  	_ =	shalt  }
0x42: {  	_ =	shalt  }
0x43: {  	_ =	shalt  }
0x44: {  	_ =	shalt  }
0x45: {  	_ =	shalt  }
0x46: {  	_ =	shalt  }
0x47: {  	_ =	shalt  }
0x48: {  	_ =	shalt  }
0x49: {  	_ =	shalt  }
0x4a: {  	_ =	shalt  }
0x4b: {  	_ =	shalt  }
0x4c: {  	_ =	shalt  }
0x4d: {  	_ =	shalt  }
0x4e: {  	_ =	shalt  }
0x4f: {  	_ =	shalt  }
0x50: {  	_ =	shalt  }
0x51: {  	_ =	shalt  }
0x52: {  	_ =	shalt  }
0x53: {  	_ =	shalt  }
0x54: {  	_ =	shalt  }
0x55: {  	_ =	shalt  }
0x56: {  	_ =	shalt  }
0x57: {  	_ =	shalt  }
0x58: {  	_ =	shalt  }
0x59: {  	_ =	shalt  }
0x5a: {  	_ =	shalt  }
0x5b: {  	_ =	shalt  }
0x5c: {  	_ =	shalt  }
0x5d: {  	_ =	shalt  }
0x5e: {  	_ =	shalt  }
0x5f: {  	_ =	shalt  }
0x60: {  	_ =	shalt  }
0x61: {  	_ =	shalt  }
0x62: {  	_ =	shalt  }
0x63: {  	_ =	shalt  }
0x64: {  	_ =	shalt  }
0x65: {  	_ =	shalt  }
0x66: {  	_ =	shalt  }
0x67: {  	_ =	shalt  }
0x68: {  	_ =	shalt  }
0x69: {  	_ =	shalt  }
0x6a: {  	_ =	shalt  }
0x6b: {  	_ =	shalt  }
0x6c: {  	_ =	shalt  }
0x6d: {  	_ =	shalt  }
0x6e: {  	_ =	shalt  }
0x6f: {  	_ =	shalt  }
0x70: {  	_ =	shalt  }
0x71: {  	_ =	shalt  }
0x72: {  	_ =	shalt  }
0x73: {  	_ =	shalt  }
0x74: {  	_ =	shalt  }
0x75: {  	_ =	shalt  }
0x76: {  	_ =	shalt  }
0x77: {  	_ =	shalt  }
0x78: {  	_ =	shalt  }
0x79: {  	_ =	shalt  }
0x7a: {  	_ =	shalt  }
0x7b: {  	_ =	shalt  }
0x7c: {  	_ =	shalt  }
0x7d: {  	_ =	shalt  }
0x7e: {  	_ =	shalt  }
0x7f: {  	_ =	shalt  }
0x80: {  	_ =	shalt  }
0x81: {  	_ =	shalt  }
0x82: {  	_ =	shalt  }
0x83: {  	_ =	shalt  }
0x84: {  	_ =	shalt  }
0x85: {  	_ =	shalt  }
0x86: {  	_ =	shalt  }
0x87: {  	_ =	shalt  }
.Lfunc_end0:
.L_simem_size_0:
called_computation_lowered:
.L_overlay_start_0:
0x88: {  	s2 =	sld [smem:$0x3FD9]  }
0x89: {  	s3 =	sld [smem:$0x3FFE];
	_ =	sdelay $0x1  }
0x8a: {  	s1 =	srdreg.scid  }
0x8b: {  	s0 =	sand.u32 $0x1, s1  }
0x8c: {  	s16 =	sshll.u32 s0, $0xA;
	s2 =	sadd.s32 s3, s2  }
0x8d: {  	s2 =	sadd.s32 s2, s16  }
0x8e: {  	[smem:$0x3FB5] =	sst s2  }
0x8f: {  	_ = 	snop  }
0x90: {  	(tm) =	ssettm $0x1  }
0x91: {  	s17 =	sld [smem:$0x3FFB];
	_ =	sdelay $0x3  }
0x92: {  	_ =	strace s17  }
0x93: {  	s2 =	sld [smem:$0x3FFC];
	_ =	sdelay $0x3  }
0x94: {  	_ =	strace s2  }
0x95: {  	s2 =	sld [smem:$0x3FFD];
	_ =	sdelay $0x3  }
0x96: {  	_ =	strace s2  }
0x97: {  	_ =	strace $0x8FFFFFFF  }
0x98: {  	s18 =	sld [smem:$0x3FDB];
	_ =	sdelay $0x1  }
0x99: {  	s19 =	simm.s32 $_scs_section_size  }
0x9a: {  	s4 =	simm.s32 $_size__tile_overlayer_lowered;
	s5 =	simm.s32 $_tile_overlayer_lowered  }
0x9b: {  	s22 =	simm.s32 $0x1BFF;
	s21 =	sshll.u32 s5, $0x1;
	s2 =	sadd.s32 s19, s18  }
0x9c: {  	s6 =	simm.s32 $0x0;
	s20 =	sshll.u32 s4, $0x1;
	s4 =	sadd.s32 s21, s2  }
0x9d: {  	[timem:s6], [sflag:s22] =	dma.local [hbm:s4], s20  }
0x9e: {  	_ =	swait.ge [sflag:s22], s20  }
0x9f: {  	s3 =	ssub.s32 $0x0, s20;
	[sflag:s22] =	ssyncset.done $0x0  }
0xa0: {  	[sflag:s22] =	ssyncadd.s32 s3;
	_ =	sdelay $0x1  }
0xa1: {  	s23 =	simm.s32 $0x1B8B  }
0xa2: {  	_ =	swait.ge [sflag:s23], $0x1  }
0xa3: {  	[sflag:s23] =	ssyncset.done $0x0  }
0xa4: {  	s25 =	simm.s32 $0x1B8E;
	s24 =	sld [smem:$0x3FFE];
	[sflag:s23] =	ssyncadd.s32 $0xFFFFFFFF  }
0xa5: {  	s26 =	simm.s32 $execute0_lowered;
	[smem:$0x3FD2] =	sst s25  }
0xa6: {  	s4 =	sshll.u32 s26, $0x1;
	_ =	strace $0x80000046;
	[dreg:$0x1] =	wrdreg $0xFFFFFFFF  }
0xa7: {  	s28 =	simm.s32 $_size_execute0_lowered;
	s2 =	sadd.s32 s2, s4;
	[dreg:$0x0] =	wrdreg $0x0  }
0xa8: {  	s4 =	sshll.u32 s28, $0x1;
	[dreg:$0x2] =	wrdreg s2  }
0xa9: {  	[dreg:$0x3] =	wrdreg s4  }
0xaa: {  	[dreg:$0x4] =	wrdreg $0xC0  }
0xab: {  	_ =	task [dreg:s6], $0x5FFFF  }
0xac: {  	[dreg:$0x1] =	wrdreg $0xFFFFFFFF  }
0xad: {  	[dreg:$0x0] =	wrdreg $0x60  }
0xae: {  	[dreg:$0x2] =	wrdreg s24  }
0xaf: {  	[dreg:$0x3] =	wrdreg $0x40800  }
0xb0: {  	[dreg:$0x4] =	wrdreg $0x9  }
0xb1: {  	_ =	task.clear_ibuf [dreg:s6], $0x5FFFF;
	_ =	strace $0x90000046  }
0xb2: {  	s29 =	simm.s32 $0x9;
	_ =	strace $0x80000048  }
0xb3: {  	_ =	swait.ge [sflag:s29], $0x1  }
0xb4: {  	[sflag:s29] =	ssyncadd.s32 $0xFFFFFFFF  }
0xb5: {  	_ =	strace $0x90000048  }
0xb6: {  	_ =	sfence  }
0xb7: {  	s30 =	sld [smem:$0x0];
	_ =	sdelay $0x2  }
0xb8: {  	s31 =	sshll.u32 s1, $0xD;
	s1 =	sshrl.u32 s1, $0x2  }
0xb9: {  	s3 =	sand.u32 $0x4000, s31;
	s1 =	sadd.s32 s1, s30  }
0xba: {  	s0 =	sor.u32 s3, s0;
	s1 =	sshll.u32 s1, $0x11  }
0xbb: {  	s0 =	sor.u32 s1, s0  }
0xbc: {  	s0 =	sadd.s32 $0x8F2B, s0  }
0xbd: {  	[sflag:s0] =	ssyncadd.remote.s32 $0x1  }
0xbe: {  	_ =	sfence.sel $0xFFFF  }
0xbf: {  	[dreg:$0x0] =	wrdreg $0xFFFFFFFF;
	(pc) =	sbr.abs _section_cstart, $3  }
0xc0: {  	[dreg:$0x1] =	wrdreg $0xFFFFFFFF  }
0xc1: {  	_ =	task.clear_ibuf [dreg:s6], $0x2FFFF;
	_ =	strace $0x9FFFFFFF  }
0xc2: {  	(tm) =	ssettm $0x7FFFFFFF  }
0xc3: {  	_ =	shalt  }
tec
execute0_lowered:
.L_overlay_start_1:
0x0: {  	(tag) =	ssettag $0x1  }
0x1: {  	s7 =	rddreg [dreg:$0x0];
	s0 =	srdreg.scid  }
0x2: {  	s2 =	rddreg [dreg:$0x1];
	s1 =	stileid.u32  }
0x3: {  	s3 =	simm.s32 $0x0;
	s8 =	sand.u32 $0x1, s0;
	s0 =	rddreg [dreg:$0x2]  }
0x4: {  	s14 =	simm.s32 $0x0;
	s6 =	smul.u32 $0x14000, s1;
	[smem:$0x7FF] =	sst s3  }
0x5: {  	s4 =	sadd.s32 $0x12A00, s7;
	s10 =	smul.u32 $0x50000, s1;
	s12 =	sshll.u32 s1, $0x6  }
0x6: {  	s5 =	smul.u32 $0x140000, s8;
	_ =	strace $0x80000047;
	s30 =	ssub.s32 $0x2, s8  }
0x7: {  	s8 =	sshll.u32 s8, $0x4;
	s12 =	sor.u32 $0x1C01, s12;
	s11 =	sshrl.u32 s30, $0x1  }
0x8: {  	s10 =	sshrl.u32 s10, $0x2;
	s31 =	sor.u32 s1, s8;
	s6 =	sadd.s32 s6, s5  }
0x9: {  	s5 =	sadd.s32 $0x6200, s7;
	s11 =	ssub.s32 s30, s11;
	s13 =	sadd.s32 s10, s2  }
0xa: {  	s10 =	simm.s32 $0x80;
	s9 =	sshrl.u32 s6, $0x3;
	s6 =	sadd.s32 $0x10200, s7  }
0xb: {  	s13 =	sshrl.u32 s13, $0x3;
	s9 =	sadd.s32 s9, s7;
	s7 =	smul.u32 $0x2800, s31  }
0xc: {  	s8 =	sadd.s32 $0x13200, s9;
	s9 =	smax.u32 s11, $0x1;
	s11 =	simm.s32 $0x1  }
.LBB2_1:
0xd: {  	[tilespmem:s10], [sflag:$0x1] =	stream.linear.gather [hbm4b:s4+s3], $0x4000, $0x38;
	[tilespmem:$0x18080] =	vst v63  }
0xe: {  	_ =	swait.ge [sflag:s11], $0x4000  }
0xf: {  	[sflag:s11] =	ssyncset.done $0x0  }
0x10: {  	s15 =	sand.u32 $0x3C00, s3;
	[sflag:s11] =	ssyncadd.s32 $0xFFFFC000  }
0x11: {  	[spmem:s13], [sflag:s12] =	dma.local [hbm:s6], $0x2800  }
0x12: {  	s16 =	sand.u32 $0x380, s3;
	s15 =	sadd.s32 s7, s15;
	_ =	swait.ge [sflag:s11], $0x2800  }
0x13: {  	s15 =	sor.u32 s16, s15;
	[sflag:s11] =	ssyncset.done $0x0  }
0x14: {  	s15 =	sshrl.u32 s15, $0x3;
	[sflag:s11] =	ssyncadd.s32 $0xFFFFD800  }
0x15: {  	s15 =	sadd.s32 s5, s15;
	[bflag:$0x0] =	sbarrier.arrive $0xFFFF  }
0x16: {  	[tilespmem:s3], [sflag:$0x1] =	stream.linear.gather [hbm4b:s15+s3], $0x80, $0x38;
	[tilespmem:$0x18080] =	vst v63  }
0x17: {  	_ =	swait.ge [sflag:s11], $0x80  }
0x18: {  	s30 =	simm.s32 $0x80;
	[sflag:s11] =	ssyncset.done $0x0  }
0x19: {  	s31 =	sand.u32 $0x3C00, s30;
	[sflag:s11] =	ssyncadd.s32 $0xFFFFFF80  }
0x1a: {  	[spmem:s2] =	stream.indirect.scatter.add.f32 [tilespmem:s10], [sflag:$0x1], $0x80, s3, s10, $0xb8;
	[tilespmem:$0x18080] =	vst v63  }
0x1b: {  	s17 =	sand.u32 $0x380, s30;
	s16 =	sadd.s32 s7, s31;
	_ =	swait.ge [sflag:s11], $0x4000  }
0x1c: {  	s16 =	sor.u32 s17, s16;
	s15 =	simm.s32 $0x100;
	[sflag:s11] =	ssyncset.done $0x0  }
.LBB2_2:
0x1d: {  	s16 =	sshrl.u32 s16, $0x3  }
0x1e: {  	[sflag:s11] =	ssyncadd.s32 $0xFFFFC000;
	s17 =	smov.u32 s15;
	s18 =	sadd.s32 $0x80, s15  }
0x1f: {  	p0 =	sne.s32 s15, $0x2780;
	s15 =	sadd.s32 s5, s16  }
0x20: {  	[tilespmem:s3], [sflag:$0x1] =	stream.linear.gather [hbm4b:s15+s3], $0x80, $0x38;
	[tilespmem:$0x18080] =	vst v63  }
0x21: {  	_ =	swait.ge [sflag:s11], $0x80  }
.Ltmp0:
0x22: {  	[sflag:s11] =	ssyncset.done $0x0;
	(pc) =	sbr.rel @p0 .LBB2_2-.Ltmp0, $4  }
0x23: {  	s15 =	sand.u32 $0x3C00, s17;
	[sflag:s11] =	ssyncadd.s32 $0xFFFFFF80  }
0x24: {  	[spmem:s2] =	stream.indirect.scatter.add.f32 [tilespmem:s10], [sflag:$0x1], $0x80, s3, s10, $0xb8;
	[tilespmem:$0x18080] =	vst v63  }
0x25: {  	s16 =	sand.u32 $0x380, s17;
	s15 =	sadd.s32 s7, s15;
	_ =	swait.ge [sflag:s11], $0x4000  }
0x26: {  	s16 =	sor.u32 s16, s15;
	s15 =	smov.u32 s18;
	[sflag:s11] =	ssyncset.done $0x0  }
0x27: {  	s15 =	sshrl.u32 s16, $0x3  }
0x28: {  	[sflag:s11] =	ssyncadd.s32 $0xFFFFC000;
	s15 =	sadd.s32 s5, s15  }
0x29: {  	[tilespmem:s3], [sflag:$0x1] =	stream.linear.gather [hbm4b:s15+s3], $0x80, $0x38;
	[tilespmem:$0x18080] =	vst v63  }
0x2a: {  	_ =	swait.ge [sflag:s11], $0x80  }
0x2b: {  	[sflag:s11] =	ssyncset.done $0x0  }
0x2c: {  	[sflag:s11] =	ssyncadd.s32 $0xFFFFFF80  }
0x2d: {  	[spmem:s2] =	stream.indirect.scatter.add.f32 [tilespmem:s10], [sflag:$0x1], $0x80, s3, s10, $0xb8;
	[tilespmem:$0x18080] =	vst v63  }
0x2e: {  	_ =	swait.ge [sflag:s11], $0x4000  }
0x2f: {  	s14 =	sadd.s32 $0x1, s14;
	[sflag:s11] =	ssyncset.done $0x0  }
0x30: {  	p0 =	sne.s32 s14, s9;
	[sflag:s11] =	ssyncadd.s32 $0xFFFFC000  }
.Ltmp1:
0x31: {  	[bflag:$0x0] =	sbarrier.arrive $0xFFFF;
	(pc) =	sbr.rel @p0 .LBB2_1-.Ltmp1, $4  }
0x32: {  	[hbm:s8], [sflag:s12] =	dma.local [spmem:s13], $0x2800  }
0x33: {  	_ =	swait.ge [sflag:s11], $0x2800  }
0x34: {  	[sflag:s11] =	ssyncset.done $0x0  }
0x35: {  	[sflag:s11] =	ssyncadd.s32 $0xFFFFD800  }
0x36: {  	_ =	sfence.sel $0x180000  }
0x37: {  	[bflag:$0x0] =	sbarrier.arrive $0xFFFF  }
0x38: {  	p0 =	sne.s32 s1, $0x0;
	_ =	strace $0x90000047  }
0x39: {  	s0 =	sadd.s32 @!p0 $0x100000, s0;
	[bflag:$0x2] =	sbarrier.arrive $0xFFFF  }
0x3a: {  	[sflag:s0] =	ssyncadd.tile.s32 @!p0 $0x1;
	_ =	shalt  }
.Lfunc_end2:
_tile_overlayer_lowered:
.L_overlay_start_2:
0x3b: {  	(tag) =	ssettag $0x2  }
0x3c: {  	s0 =	rddreg [dreg:$0x0];
	s2 =	stileid.u32  }
0x3d: {  	s1 =	rddreg [dreg:$0x1];
	p0 =	sne.s32 s2, $0x0  }
0x3e: {  	s3 =	rddreg [dreg:$0x2];
	[bflag:$0x3] =	sbarrier.arrive $0xFFFF;
	s2 =	simm.s32 @!p0 $0x1C01  }
0x3f: {  	[timem:s3], [sflag:s2] =	dma.local @!p0 [hbm:s0], s1  }
0x40: {  	s0 =	simm.s32 @!p0 $0x1  }
0x41: {  	_ =	swait.ge @!p0 [sflag:s0], s1  }
0x42: {  	s1 =	ssub.s32 @!p0 $0x0, s1;
	[sflag:s0] =	ssyncset.done @!p0 $0x0  }
0x43: {  	[sflag:s0] =	ssyncadd.s32 @!p0 s1  }
0x44: {  	[bflag:$0x3] =	sbarrier.arrive $0xFFFF  }
0x45: {  	_ =	shalt  }

// kernel: kernel.23.cloned.1.call-start
scs
__scs_entry_jumppad:
0x0: {  	(pc) =	sbr.rel $0x88, $3  }
0x1: {  	(tag) =	ssettag $0x0;
	lr =	simm.s32 $0x1  }
0x2: {  	[smem:$0x3F8E] =	sst lr;
	_ =	strace $0xD0000000  }
0x3: {  	_ = 	snop  }
0x4: {  	_ = 	snop  }
0x5: {  	_ = 	snop  }
0x6: {  	_ = 	snop  }
0x7: {  	_ = 	snop  }
__scs_overlays_trampoline_lowered:
0x8: {  	[smem:$0x3F9D] =	sst s0  }
0x9: {  	[smem:$0x3F9E] =	sst s1  }
0xa: {  	[smem:$0x3F9F] =	sst s2  }
0xb: {  	[smem:$0x3FA0] =	sst s3  }
0xc: {  	[smem:$0x3FA1] =	sst s4  }
0xd: {  	[smem:$0x3FA2] =	sst s5  }
0xe: {  	[smem:$0x3FA3] =	sst s6  }
0xf: {  	[smem:$0x3FA4] =	sst s7  }
0x10: {  	[smem:$0x3FA5] =	sst s8  }
0x11: {  	[smem:$0x3FA6] =	sst s9;
	s0 =	simm.s32 @!p0 $0x0  }
0x12: {  	s1 =	sld [smem:$0x3F8C];
	s0 =	simm.s32 @p0 $0x1  }
0x13: {  	[smem:$0x3FA7] =	sst s0;
	s0 =	simm.s32 @!p1 $0x0  }
0x14: {  	s2 =	sld [smem:$0x3F8B];
	s0 =	simm.s32 @p1 $0x1  }
0x15: {  	[smem:$0x3FA8] =	sst s0;
	s0 =	simm.s32 @!p2 $0x0  }
0x16: {  	s3 =	sld [smem:$0x3FDB];
	s0 =	simm.s32 @p2 $0x1  }
0x17: {  	s4 =	simm.s32 $0x1BF5;
	[smem:$0x3FAA] =	sst s0  }
0x18: {  	s0 =	sld [smem:$0x3F8D];
	_ =	swait.ge [sflag:s4], $0x0  }
0x19: {  	s7 =	sld [smem:$0x3F8E]  }
0x1a: {  	s8 =	sadd.s32 $0xFFFFE003, lr  }
0x1b: {  	s9 =	sadd.s32 $0xFFFFFEF7, lr;
	s5 =	simm.s32 $0xFFFFFFFF;
	p2 =	slt.u32 s8, $0xFFFFF086  }
0x1c: {  	p1 =	slt.u32 s9, $0xF7A;
	s5 =	simm.s32 @!p2 $0x0  }
0x1d: {  	s5 =	simm.s32 @p1 $0x1;
	p0 =	seq.s32 s7, s2  }
0x1e: {  	s7 =	smul.u32 @!p0 $0xF7A, s2;
	p2 =	seq.s32 @!p0 s5, $0x0  }
0x1f: {  	s9 =	smul.u32 $0xF7A, s1;
	s8 =	simm.s32 @!p0 $0x1BF5;
	p2 =	por !p2, p0  }
0x20: {  	[sflag:s8] =	ssyncset.s32 @!p0 $0xFFFFF086;
	s6 =	sadd.s32 @!p0 s3, s7;
	s7 =	simm.s32 @!p0 $0x108  }
0x21: {  	s3 =	sadd.s32 s3, s9;
	s6 =	sadd.s32 @!p0 $0x88, s6;
	s7 =	simm.s32 @p2 $0x1082  }
0x22: {  	[simem:s7], [sflag:s8] =	dma.local @!p0 [hbm:s6], $0xF7A  }
0x23: {  	s9 =	sor.u32 $0xD0000000, s2;
	s6 =	simm.s32 $0x108;
	_ =	swait.ge @!p0 [sflag:s8], $0x0  }
0x24: {  	s3 =	sadd.s32 $0x88, s3;
	s6 =	simm.s32 @!p1 $0x1082;
	[sflag:s4] =	ssyncset.s32 $0xFFFFF086  }
0x25: {  	[simem:s6], [sflag:s4] =	dma.local [hbm:s3], $0xF7A  }
0x26: {  	[smem:$0x3F8E] =	sst s1;
	(tag) =	ssettag s2;
	_ =	strace s9  }
0x27: {  	s1 =	sld [smem:$0x3F9E]  }
0x28: {  	s2 =	sld [smem:$0x3F9F]  }
0x29: {  	s4 =	sld [smem:$0x3FA1]  }
0x2a: {  	p0 =	seq.s32 s5, $0x0;
	s5 =	sld [smem:$0x3FA2]  }
0x2b: {  	s6 =	sld [smem:$0x3FA3]  }
0x2c: {  	s7 =	sld [smem:$0x3FA4]  }
0x2d: {  	s3 =	simm.s32 $0x108;
	s8 =	sld [smem:$0x3FA5]  }
0x2e: {  	s3 =	simm.s32 @!p0 $0x1082;
	s9 =	sld [smem:$0x3FA6]  }
0x2f: {  	lr =	sadd.s32 s0, s3;
	s0 =	sld [smem:$0x3F9D]  }
0x30: {  	s3 =	sld [smem:$0x3FA0]  }
0x31: {  	[smem:$0x3FA9] =	sst s10  }
0x32: {  	s10 =	sld [smem:$0x3FA7];
	_ =	sdelay $0x3  }
0x33: {  	p0 =	seq.s32 s10, $0x1;
	s10 =	sld [smem:$0x3FA9];
	_ =	sdelay $0x3  }
0x34: {  	[smem:$0x3FA9] =	sst s10  }
0x35: {  	s10 =	sld [smem:$0x3FA8];
	_ =	sdelay $0x3  }
0x36: {  	p1 =	seq.s32 s10, $0x1;
	s10 =	sld [smem:$0x3FA9];
	_ =	sdelay $0x3  }
0x37: {  	[smem:$0x3FA9] =	sst s10  }
0x38: {  	s10 =	sld [smem:$0x3FAA]  }
0x39: {  	_ = 	snop;
	(pc) =	sbr.ind lr, $3  }
0x3a: {  	_ = 	snop  }
0x3b: {  	_ = 	snop  }
0x3c: {  	p2 =	seq.s32 s10, $0x1;
	s10 =	sld [smem:$0x3FA9]  }
0x3d: {  	_ =	shalt  }
0x3e: {  	_ =	shalt  }
0x3f: {  	_ =	shalt  }
0x40: {  	_ =	shalt  }
0x41: {  	_ =	shalt  }
0x42: {  	_ =	shalt  }
0x43: {  	_ =	shalt  }
0x44: {  	_ =	shalt  }
0x45: {  	_ =	shalt  }
0x46: {  	_ =	shalt  }
0x47: {  	_ =	shalt  }
0x48: {  	_ =	shalt  }
0x49: {  	_ =	shalt  }
0x4a: {  	_ =	shalt  }
0x4b: {  	_ =	shalt  }
0x4c: {  	_ =	shalt  }
0x4d: {  	_ =	shalt  }
0x4e: {  	_ =	shalt  }
0x4f: {  	_ =	shalt  }
0x50: {  	_ =	shalt  }
0x51: {  	_ =	shalt  }
0x52: {  	_ =	shalt  }
0x53: {  	_ =	shalt  }
0x54: {  	_ =	shalt  }
0x55: {  	_ =	shalt  }
0x56: {  	_ =	shalt  }
0x57: {  	_ =	shalt  }
0x58: {  	_ =	shalt  }
0x59: {  	_ =	shalt  }
0x5a: {  	_ =	shalt  }
0x5b: {  	_ =	shalt  }
0x5c: {  	_ =	shalt  }
0x5d: {  	_ =	shalt  }
0x5e: {  	_ =	shalt  }
0x5f: {  	_ =	shalt  }
0x60: {  	_ =	shalt  }
0x61: {  	_ =	shalt  }
0x62: {  	_ =	shalt  }
0x63: {  	_ =	shalt  }
0x64: {  	_ =	shalt  }
0x65: {  	_ =	shalt  }
0x66: {  	_ =	shalt  }
0x67: {  	_ =	shalt  }
0x68: {  	_ =	shalt  }
0x69: {  	_ =	shalt  }
0x6a: {  	_ =	shalt  }
0x6b: {  	_ =	shalt  }
0x6c: {  	_ =	shalt  }
0x6d: {  	_ =	shalt  }
0x6e: {  	_ =	shalt  }
0x6f: {  	_ =	shalt  }
0x70: {  	_ =	shalt  }
0x71: {  	_ =	shalt  }
0x72: {  	_ =	shalt  }
0x73: {  	_ =	shalt  }
0x74: {  	_ =	shalt  }
0x75: {  	_ =	shalt  }
0x76: {  	_ =	shalt  }
0x77: {  	_ =	shalt  }
0x78: {  	_ =	shalt  }
0x79: {  	_ =	shalt  }
0x7a: {  	_ =	shalt  }
0x7b: {  	_ =	shalt  }
0x7c: {  	_ =	shalt  }
0x7d: {  	_ =	shalt  }
0x7e: {  	_ =	shalt  }
0x7f: {  	_ =	shalt  }
0x80: {  	_ =	shalt  }
0x81: {  	_ =	shalt  }
0x82: {  	_ =	shalt  }
0x83: {  	_ =	shalt  }
0x84: {  	_ =	shalt  }
0x85: {  	_ =	shalt  }
0x86: {  	_ =	shalt  }
0x87: {  	_ =	shalt  }
.Lfunc_end0:
.L_simem_size_0:
called_computation.1_lowered:
.L_overlay_start_0:
0x88: {  	s2 =	sld [smem:$0x3FD9]  }
0x89: {  	s3 =	sld [smem:$0x3FFE];
	_ =	sdelay $0x1  }
0x8a: {  	s1 =	srdreg.scid  }
0x8b: {  	s0 =	sand.u32 $0x1, s1  }
0x8c: {  	s16 =	sshll.u32 s0, $0xA;
	s2 =	sadd.s32 s3, s2  }
0x8d: {  	s2 =	sadd.s32 s2, s16  }
0x8e: {  	[smem:$0x3FB5] =	sst s2  }
0x8f: {  	_ = 	snop  }
0x90: {  	(tm) =	ssettm $0x1  }
0x91: {  	s17 =	sld [smem:$0x3FFB];
	_ =	sdelay $0x3  }
0x92: {  	_ =	strace s17  }
0x93: {  	s2 =	sld [smem:$0x3FFC];
	_ =	sdelay $0x3  }
0x94: {  	_ =	strace s2  }
0x95: {  	s2 =	sld [smem:$0x3FFD];
	_ =	sdelay $0x3  }
0x96: {  	_ =	strace s2  }
0x97: {  	_ =	strace $0x8FFFFFFF  }
0x98: {  	s18 =	sld [smem:$0x3FDB];
	_ =	sdelay $0x1  }
0x99: {  	s19 =	simm.s32 $_scs_section_size  }
0x9a: {  	s4 =	simm.s32 $_size__tile_overlayer_lowered;
	s5 =	simm.s32 $_tile_overlayer_lowered  }
0x9b: {  	s22 =	simm.s32 $0x1BFF;
	s21 =	sshll.u32 s5, $0x1;
	s2 =	sadd.s32 s19, s18  }
0x9c: {  	s6 =	simm.s32 $0x0;
	s20 =	sshll.u32 s4, $0x1;
	s4 =	sadd.s32 s21, s2  }
0x9d: {  	[timem:s6], [sflag:s22] =	dma.local [hbm:s4], s20  }
0x9e: {  	_ =	swait.ge [sflag:s22], s20  }
0x9f: {  	s3 =	ssub.s32 $0x0, s20;
	[sflag:s22] =	ssyncset.done $0x0  }
0xa0: {  	[sflag:s22] =	ssyncadd.s32 s3;
	_ =	sdelay $0x1  }
0xa1: {  	s23 =	simm.s32 $0x1B8B  }
0xa2: {  	_ =	swait.ge [sflag:s23], $0x1  }
0xa3: {  	[sflag:s23] =	ssyncset.done $0x0  }
0xa4: {  	s25 =	simm.s32 $0x1B8E;
	s24 =	sld [smem:$0x3FFE];
	[sflag:s23] =	ssyncadd.s32 $0xFFFFFFFF  }
0xa5: {  	s26 =	simm.s32 $execute0_lowered;
	[smem:$0x3FD2] =	sst s25  }
0xa6: {  	s4 =	sshll.u32 s26, $0x1;
	_ =	strace $0x80000049;
	[dreg:$0x1] =	wrdreg $0xFFFFFFFF  }
0xa7: {  	s28 =	simm.s32 $_size_execute0_lowered;
	s2 =	sadd.s32 s2, s4;
	[dreg:$0x0] =	wrdreg $0x0  }
0xa8: {  	s4 =	sshll.u32 s28, $0x1;
	[dreg:$0x2] =	wrdreg s2  }
0xa9: {  	[dreg:$0x3] =	wrdreg s4  }
0xaa: {  	[dreg:$0x4] =	wrdreg $0xC0  }
0xab: {  	_ =	task [dreg:s6], $0x5FFFF  }
0xac: {  	[dreg:$0x1] =	wrdreg $0xFFFFFFFF  }
0xad: {  	[dreg:$0x0] =	wrdreg $0x60  }
0xae: {  	[dreg:$0x2] =	wrdreg s24  }
0xaf: {  	[dreg:$0x3] =	wrdreg $0x41000  }
0xb0: {  	[dreg:$0x4] =	wrdreg $0x9  }
0xb1: {  	_ =	task.clear_ibuf [dreg:s6], $0x5FFFF;
	_ =	strace $0x90000049  }
0xb2: {  	s29 =	simm.s32 $0x9;
	_ =	strace $0x8000004B  }
0xb3: {  	_ =	swait.ge [sflag:s29], $0x1  }
0xb4: {  	[sflag:s29] =	ssyncadd.s32 $0xFFFFFFFF  }
0xb5: {  	_ =	strace $0x9000004B  }
0xb6: {  	_ =	sfence  }
0xb7: {  	s30 =	sld [smem:$0x0];
	_ =	sdelay $0x2  }
0xb8: {  	s31 =	sshll.u32 s1, $0xD;
	s1 =	sshrl.u32 s1, $0x2  }
0xb9: {  	s3 =	sand.u32 $0x4000, s31;
	s1 =	sadd.s32 s1, s30  }
0xba: {  	s0 =	sor.u32 s3, s0;
	s1 =	sshll.u32 s1, $0x11  }
0xbb: {  	s0 =	sor.u32 s1, s0  }
0xbc: {  	s0 =	sadd.s32 $0x8F2B, s0  }
0xbd: {  	[sflag:s0] =	ssyncadd.remote.s32 $0x1  }
0xbe: {  	_ =	sfence.sel $0xFFFF  }
0xbf: {  	[dreg:$0x0] =	wrdreg $0xFFFFFFFF;
	(pc) =	sbr.abs _section_cstart, $3  }
0xc0: {  	[dreg:$0x1] =	wrdreg $0xFFFFFFFF  }
0xc1: {  	_ =	task.clear_ibuf [dreg:s6], $0x2FFFF;
	_ =	strace $0x9FFFFFFF  }
0xc2: {  	(tm) =	ssettm $0x7FFFFFFF  }
0xc3: {  	_ =	shalt  }
tec
execute0_lowered:
.L_overlay_start_1:
0x0: {  	(tag) =	ssettag $0x1  }
0x1: {  	s8 =	rddreg [dreg:$0x0]  }
0x2: {  	s1 =	rddreg [dreg:$0x1]  }
0x3: {  	s2 =	srdreg.scid;
	s0 =	rddreg [dreg:$0x2]  }
0x4: {  	s3 =	simm.s32 $0x0;
	s15 =	simm.s32 $0x100;
	s16 =	simm.s32 $0x1  }
0x5: {  	s17 =	simm.s32 $0x0;
	s9 =	sand.u32 $0x1, s2;
	s2 =	stileid.u32  }
0x6: {  	[smem:$0x7FF] =	sst s3;
	s4 =	sadd.s32 $0x12A00, s8;
	s7 =	smul.u32 $0x140000, s9  }
0x7: {  	s5 =	sadd.s32 $0x63200, s8;
	s6 =	sadd.s32 $0x6200, s8;
	s10 =	smul.u32 $0x14000, s2  }
0x8: {  	_ =	strace $0x8000004A;
	s26 =	ssub.s32 $0x2, s9;
	s13 =	smul.u32 $0x50000, s2  }
0x9: {  	s28 =	sshll.u32 s9, $0x4;
	s30 =	sshll.u32 s2, $0x6;
	s12 =	sshrl.u32 s26, $0x1  }
0xa: {  	s31 =	sor.u32 s2, s28;
	s7 =	sadd.s32 s10, s7;
	s12 =	ssub.s32 s26, s12  }
0xb: {  	s29 =	sshrl.u32 s13, $0x2;
	s9 =	smul.u32 $0x2800, s31;
	s11 =	sshrl.u32 s7, $0x3  }
0xc: {  	s13 =	simm.s32 $0x2;
	s7 =	sadd.s32 $0x10200, s8;
	s11 =	sadd.s32 s11, s8  }
0xd: {  	s14 =	sadd.s32 s29, s1;
	s8 =	sor.u32 $0x1C02, s30;
	s10 =	sadd.s32 $0x6D200, s11  }
0xe: {  	s11 =	smax.u32 s12, $0x1;
	s12 =	sshrl.u32 s14, $0x3;
	s14 =	simm.s32 $0x80  }
.LBB2_1:
0xf: {  	[spmem:s12], [sflag:s8] =	dma.local [hbm:s7], $0x2800  }
0x10: {  	s18 =	sand.u32 $0x3C00, s3  }
0x11: {  	s19 =	sand.u32 $0x380, s3;
	_ =	swait.ge [sflag:s13], $0x2800;
	s18 =	sadd.s32 s9, s18  }
0x12: {  	[sflag:s13] =	ssyncset.done $0x0;
	s18 =	sor.u32 s19, s18  }
0x13: {  	[sflag:s13] =	ssyncadd.s32 $0xFFFFD800;
	s18 =	sshrl.u32 s18, $0x3  }
0x14: {  	[bflag:$0x0] =	sbarrier.arrive $0xFFFF;
	s29 =	sadd.s32 s5, s18  }
0x15: {  	[tilespmem:s3], [sflag:$0x2] =	stream.linear.gather [hbm4b:s29+s3], $0x80, $0x38;
	[tilespmem:$0x18100] =	vst v63  }
0x16: {  	_ =	swait.ge [sflag:s13], $0x80  }
0x17: {  	[sflag:s13] =	ssyncset.done $0x0  }
0x18: {  	[sflag:s13] =	ssyncadd.s32 $0xFFFFFF80  }
0x19: {  	[tilespmem:s15], [sflag:$0x1] =	stream.indirect.gather [hbm4b:s4+s14], $0x80, s3, s14, $0xb8;
	[tilespmem:$0x18100] =	vst v63  }
0x1a: {  	_ =	swait.ge [sflag:s16], $0x4000  }
0x1b: {  	[sflag:s16] =	ssyncset.done $0x0  }
0x1c: {  	s18 =	sadd.s32 s6, s18;
	[sflag:s16] =	ssyncadd.s32 $0xFFFFC000  }
0x1d: {  	[tilespmem:s14], [sflag:$0x2] =	stream.linear.gather [hbm4b:s18+s3], $0x80, $0x38;
	[tilespmem:$0x18100] =	vst v63  }
0x1e: {  	_ =	swait.ge [sflag:s13], $0x80  }
0x1f: {  	s30 =	simm.s32 $0x80;
	[sflag:s13] =	ssyncset.done $0x0  }
0x20: {  	s31 =	sand.u32 $0x3C00, s30;
	[sflag:s13] =	ssyncadd.s32 $0xFFFFFF80  }
0x21: {  	[spmem:s1] =	stream.indirect.scatter.add.f32 [tilespmem:s15], [sflag:$0x2], $0x80, s14, s14, $0xb8;
	[tilespmem:$0x18100] =	vst v63  }
0x22: {  	s20 =	sand.u32 $0x380, s30;
	s19 =	sadd.s32 s9, s31;
	_ =	swait.ge [sflag:s13], $0x4000  }
0x23: {  	s19 =	sor.u32 s20, s19;
	s18 =	simm.s32 $0x100;
	[sflag:s13] =	ssyncset.done $0x0  }
.LBB2_2:
0x24: {  	s19 =	sshrl.u32 s19, $0x3  }
0x25: {  	[sflag:s13] =	ssyncadd.s32 $0xFFFFC000;
	s20 =	smov.u32 s18;
	s21 =	sadd.s32 $0x80, s18  }
0x26: {  	p0 =	sne.s32 s18, $0x2780;
	s18 =	sadd.s32 s5, s19  }
0x27: {  	[tilespmem:s3], [sflag:$0x2] =	stream.linear.gather [hbm4b:s18+s3], $0x80, $0x38;
	[tilespmem:$0x18100] =	vst v63  }
0x28: {  	_ =	swait.ge [sflag:s13], $0x80  }
0x29: {  	[sflag:s13] =	ssyncset.done $0x0  }
0x2a: {  	[sflag:s13] =	ssyncadd.s32 $0xFFFFFF80  }
0x2b: {  	[tilespmem:s15], [sflag:$0x1] =	stream.indirect.gather [hbm4b:s4+s14], $0x80, s3, s14, $0xb8;
	[tilespmem:$0x18100] =	vst v63  }
0x2c: {  	_ =	swait.ge [sflag:s16], $0x4000  }
0x2d: {  	[sflag:s16] =	ssyncset.done $0x0  }
0x2e: {  	s18 =	sadd.s32 s6, s19;
	[sflag:s16] =	ssyncadd.s32 $0xFFFFC000  }
0x2f: {  	[tilespmem:s14], [sflag:$0x2] =	stream.linear.gather [hbm4b:s18+s3], $0x80, $0x38;
	[tilespmem:$0x18100] =	vst v63  }
0x30: {  	_ =	swait.ge [sflag:s13], $0x80  }
.Ltmp0:
0x31: {  	[sflag:s13] =	ssyncset.done $0x0;
	(pc) =	sbr.rel @p0 .LBB2_2-.Ltmp0, $4  }
0x32: {  	s18 =	sand.u32 $0x3C00, s20;
	[sflag:s13] =	ssyncadd.s32 $0xFFFFFF80  }
0x33: {  	[spmem:s1] =	stream.indirect.scatter.add.f32 [tilespmem:s15], [sflag:$0x2], $0x80, s14, s14, $0xb8;
	[tilespmem:$0x18100] =	vst v63  }
0x34: {  	s19 =	sand.u32 $0x380, s20;
	s18 =	sadd.s32 s9, s18;
	_ =	swait.ge [sflag:s13], $0x4000  }
0x35: {  	s19 =	sor.u32 s19, s18;
	s18 =	smov.u32 s21;
	[sflag:s13] =	ssyncset.done $0x0  }
0x36: {  	s18 =	sshrl.u32 s19, $0x3  }
0x37: {  	[sflag:s13] =	ssyncadd.s32 $0xFFFFC000;
	s19 =	sadd.s32 s5, s18  }
0x38: {  	[tilespmem:s3], [sflag:$0x2] =	stream.linear.gather [hbm4b:s19+s3], $0x80, $0x38;
	[tilespmem:$0x18100] =	vst v63  }
0x39: {  	_ =	swait.ge [sflag:s13], $0x80  }
0x3a: {  	[sflag:s13] =	ssyncset.done $0x0  }
0x3b: {  	[sflag:s13] =	ssyncadd.s32 $0xFFFFFF80  }
0x3c: {  	[tilespmem:s15], [sflag:$0x1] =	stream.indirect.gather [hbm4b:s4+s14], $0x80, s3, s14, $0xb8;
	[tilespmem:$0x18100] =	vst v63  }
0x3d: {  	_ =	swait.ge [sflag:s16], $0x4000  }
0x3e: {  	[sflag:s16] =	ssyncset.done $0x0  }
0x3f: {  	s18 =	sadd.s32 s6, s18;
	[sflag:s16] =	ssyncadd.s32 $0xFFFFC000  }
0x40: {  	[tilespmem:s14], [sflag:$0x2] =	stream.linear.gather [hbm4b:s18+s3], $0x80, $0x38;
	[tilespmem:$0x18100] =	vst v63  }
0x41: {  	_ =	swait.ge [sflag:s13], $0x80  }
0x42: {  	[sflag:s13] =	ssyncset.done $0x0  }
0x43: {  	[sflag:s13] =	ssyncadd.s32 $0xFFFFFF80  }
0x44: {  	[spmem:s1] =	stream.indirect.scatter.add.f32 [tilespmem:s15], [sflag:$0x2], $0x80, s14, s14, $0xb8;
	[tilespmem:$0x18100] =	vst v63  }
0x45: {  	_ =	swait.ge [sflag:s13], $0x4000  }
0x46: {  	s17 =	sadd.s32 $0x1, s17;
	[sflag:s13] =	ssyncset.done $0x0  }
0x47: {  	p0 =	sne.s32 s17, s11;
	[sflag:s13] =	ssyncadd.s32 $0xFFFFC000  }
.Ltmp1:
0x48: {  	[bflag:$0x0] =	sbarrier.arrive $0xFFFF;
	(pc) =	sbr.rel @p0 .LBB2_1-.Ltmp1, $4  }
0x49: {  	[hbm:s10], [sflag:s8] =	dma.local [spmem:s12], $0x2800  }
0x4a: {  	_ =	swait.ge [sflag:s13], $0x2800  }
0x4b: {  	[sflag:s13] =	ssyncset.done $0x0  }
0x4c: {  	[sflag:s13] =	ssyncadd.s32 $0xFFFFD800  }
0x4d: {  	_ =	sfence.sel $0x180000  }
0x4e: {  	[bflag:$0x0] =	sbarrier.arrive $0xFFFF  }
0x4f: {  	p0 =	sne.s32 s2, $0x0;
	_ =	strace $0x9000004A  }
0x50: {  	s0 =	sadd.s32 @!p0 $0x100000, s0;
	[bflag:$0x2] =	sbarrier.arrive $0xFFFF  }
0x51: {  	[sflag:s0] =	ssyncadd.tile.s32 @!p0 $0x1;
	_ =	shalt  }
.Lfunc_end2:
_tile_overlayer_lowered:
.L_overlay_start_2:
0x52: {  	(tag) =	ssettag $0x2  }
0x53: {  	s0 =	rddreg [dreg:$0x0];
	s2 =	stileid.u32  }
0x54: {  	s1 =	rddreg [dreg:$0x1];
	p0 =	sne.s32 s2, $0x0  }
0x55: {  	s3 =	rddreg [dreg:$0x2];
	[bflag:$0x3] =	sbarrier.arrive $0xFFFF;
	s2 =	simm.s32 @!p0 $0x1C02  }
0x56: {  	[timem:s3], [sflag:s2] =	dma.local @!p0 [hbm:s0], s1  }
0x57: {  	s0 =	simm.s32 @!p0 $0x2  }
0x58: {  	_ =	swait.ge @!p0 [sflag:s0], s1  }
0x59: {  	s1 =	ssub.s32 @!p0 $0x0, s1;
	[sflag:s0] =	ssyncset.done @!p0 $0x0  }
0x5a: {  	[sflag:s0] =	ssyncadd.s32 @!p0 s1  }
0x5b: {  	[bflag:$0x3] =	sbarrier.arrive $0xFFFF  }
0x5c: {  	_ =	shalt  }

// kernel: kernel.26.cloned.1.call-start
scs
__scs_entry_jumppad:
0x0: {  	(pc) =	sbr.rel $0x88, $3  }
0x1: {  	(tag) =	ssettag $0x0;
	lr =	simm.s32 $0x1  }
0x2: {  	[smem:$0x3F8E] =	sst lr;
	_ =	strace $0xD0000000  }
0x3: {  	_ = 	snop  }
0x4: {  	_ = 	snop  }
0x5: {  	_ = 	snop  }
0x6: {  	_ = 	snop  }
0x7: {  	_ = 	snop  }
__scs_overlays_trampoline_lowered:
0x8: {  	[smem:$0x3F9D] =	sst s0  }
0x9: {  	[smem:$0x3F9E] =	sst s1  }
0xa: {  	[smem:$0x3F9F] =	sst s2  }
0xb: {  	[smem:$0x3FA0] =	sst s3  }
0xc: {  	[smem:$0x3FA1] =	sst s4  }
0xd: {  	[smem:$0x3FA2] =	sst s5  }
0xe: {  	[smem:$0x3FA3] =	sst s6  }
0xf: {  	[smem:$0x3FA4] =	sst s7  }
0x10: {  	[smem:$0x3FA5] =	sst s8  }
0x11: {  	[smem:$0x3FA6] =	sst s9;
	s0 =	simm.s32 @!p0 $0x0  }
0x12: {  	s1 =	sld [smem:$0x3F8C];
	s0 =	simm.s32 @p0 $0x1  }
0x13: {  	[smem:$0x3FA7] =	sst s0;
	s0 =	simm.s32 @!p1 $0x0  }
0x14: {  	s2 =	sld [smem:$0x3F8B];
	s0 =	simm.s32 @p1 $0x1  }
0x15: {  	[smem:$0x3FA8] =	sst s0;
	s0 =	simm.s32 @!p2 $0x0  }
0x16: {  	s3 =	sld [smem:$0x3FDB];
	s0 =	simm.s32 @p2 $0x1  }
0x17: {  	s4 =	simm.s32 $0x1BF5;
	[smem:$0x3FAA] =	sst s0  }
0x18: {  	s0 =	sld [smem:$0x3F8D];
	_ =	swait.ge [sflag:s4], $0x0  }
0x19: {  	s7 =	sld [smem:$0x3F8E]  }
0x1a: {  	s8 =	sadd.s32 $0xFFFFE003, lr  }
0x1b: {  	s9 =	sadd.s32 $0xFFFFFEF7, lr;
	s5 =	simm.s32 $0xFFFFFFFF;
	p2 =	slt.u32 s8, $0xFFFFF086  }
0x1c: {  	p1 =	slt.u32 s9, $0xF7A;
	s5 =	simm.s32 @!p2 $0x0  }
0x1d: {  	s5 =	simm.s32 @p1 $0x1;
	p0 =	seq.s32 s7, s2  }
0x1e: {  	s7 =	smul.u32 @!p0 $0xF7A, s2;
	p2 =	seq.s32 @!p0 s5, $0x0  }
0x1f: {  	s9 =	smul.u32 $0xF7A, s1;
	s8 =	simm.s32 @!p0 $0x1BF5;
	p2 =	por !p2, p0  }
0x20: {  	[sflag:s8] =	ssyncset.s32 @!p0 $0xFFFFF086;
	s6 =	sadd.s32 @!p0 s3, s7;
	s7 =	simm.s32 @!p0 $0x108  }
0x21: {  	s3 =	sadd.s32 s3, s9;
	s6 =	sadd.s32 @!p0 $0x88, s6;
	s7 =	simm.s32 @p2 $0x1082  }
0x22: {  	[simem:s7], [sflag:s8] =	dma.local @!p0 [hbm:s6], $0xF7A  }
0x23: {  	s9 =	sor.u32 $0xD0000000, s2;
	s6 =	simm.s32 $0x108;
	_ =	swait.ge @!p0 [sflag:s8], $0x0  }
0x24: {  	s3 =	sadd.s32 $0x88, s3;
	s6 =	simm.s32 @!p1 $0x1082;
	[sflag:s4] =	ssyncset.s32 $0xFFFFF086  }
0x25: {  	[simem:s6], [sflag:s4] =	dma.local [hbm:s3], $0xF7A  }
0x26: {  	[smem:$0x3F8E] =	sst s1;
	(tag) =	ssettag s2;
	_ =	strace s9  }
0x27: {  	s1 =	sld [smem:$0x3F9E]  }
0x28: {  	s2 =	sld [smem:$0x3F9F]  }
0x29: {  	s4 =	sld [smem:$0x3FA1]  }
0x2a: {  	p0 =	seq.s32 s5, $0x0;
	s5 =	sld [smem:$0x3FA2]  }
0x2b: {  	s6 =	sld [smem:$0x3FA3]  }
0x2c: {  	s7 =	sld [smem:$0x3FA4]  }
0x2d: {  	s3 =	simm.s32 $0x108;
	s8 =	sld [smem:$0x3FA5]  }
0x2e: {  	s3 =	simm.s32 @!p0 $0x1082;
	s9 =	sld [smem:$0x3FA6]  }
0x2f: {  	lr =	sadd.s32 s0, s3;
	s0 =	sld [smem:$0x3F9D]  }
0x30: {  	s3 =	sld [smem:$0x3FA0]  }
0x31: {  	[smem:$0x3FA9] =	sst s10  }
0x32: {  	s10 =	sld [smem:$0x3FA7];
	_ =	sdelay $0x3  }
0x33: {  	p0 =	seq.s32 s10, $0x1;
	s10 =	sld [smem:$0x3FA9];
	_ =	sdelay $0x3  }
0x34: {  	[smem:$0x3FA9] =	sst s10  }
0x35: {  	s10 =	sld [smem:$0x3FA8];
	_ =	sdelay $0x3  }
0x36: {  	p1 =	seq.s32 s10, $0x1;
	s10 =	sld [smem:$0x3FA9];
	_ =	sdelay $0x3  }
0x37: {  	[smem:$0x3FA9] =	sst s10  }
0x38: {  	s10 =	sld [smem:$0x3FAA]  }
0x39: {  	_ = 	snop;
	(pc) =	sbr.ind lr, $3  }
0x3a: {  	_ = 	snop  }
0x3b: {  	_ = 	snop  }
0x3c: {  	p2 =	seq.s32 s10, $0x1;
	s10 =	sld [smem:$0x3FA9]  }
0x3d: {  	_ =	shalt  }
0x3e: {  	_ =	shalt  }
0x3f: {  	_ =	shalt  }
0x40: {  	_ =	shalt  }
0x41: {  	_ =	shalt  }
0x42: {  	_ =	shalt  }
0x43: {  	_ =	shalt  }
0x44: {  	_ =	shalt  }
0x45: {  	_ =	shalt  }
0x46: {  	_ =	shalt  }
0x47: {  	_ =	shalt  }
0x48: {  	_ =	shalt  }
0x49: {  	_ =	shalt  }
0x4a: {  	_ =	shalt  }
0x4b: {  	_ =	shalt  }
0x4c: {  	_ =	shalt  }
0x4d: {  	_ =	shalt  }
0x4e: {  	_ =	shalt  }
0x4f: {  	_ =	shalt  }
0x50: {  	_ =	shalt  }
0x51: {  	_ =	shalt  }
0x52: {  	_ =	shalt  }
0x53: {  	_ =	shalt  }
0x54: {  	_ =	shalt  }
0x55: {  	_ =	shalt  }
0x56: {  	_ =	shalt  }
0x57: {  	_ =	shalt  }
0x58: {  	_ =	shalt  }
0x59: {  	_ =	shalt  }
0x5a: {  	_ =	shalt  }
0x5b: {  	_ =	shalt  }
0x5c: {  	_ =	shalt  }
0x5d: {  	_ =	shalt  }
0x5e: {  	_ =	shalt  }
0x5f: {  	_ =	shalt  }
0x60: {  	_ =	shalt  }
0x61: {  	_ =	shalt  }
0x62: {  	_ =	shalt  }
0x63: {  	_ =	shalt  }
0x64: {  	_ =	shalt  }
0x65: {  	_ =	shalt  }
0x66: {  	_ =	shalt  }
0x67: {  	_ =	shalt  }
0x68: {  	_ =	shalt  }
0x69: {  	_ =	shalt  }
0x6a: {  	_ =	shalt  }
0x6b: {  	_ =	shalt  }
0x6c: {  	_ =	shalt  }
0x6d: {  	_ =	shalt  }
0x6e: {  	_ =	shalt  }
0x6f: {  	_ =	shalt  }
0x70: {  	_ =	shalt  }
0x71: {  	_ =	shalt  }
0x72: {  	_ =	shalt  }
0x73: {  	_ =	shalt  }
0x74: {  	_ =	shalt  }
0x75: {  	_ =	shalt  }
0x76: {  	_ =	shalt  }
0x77: {  	_ =	shalt  }
0x78: {  	_ =	shalt  }
0x79: {  	_ =	shalt  }
0x7a: {  	_ =	shalt  }
0x7b: {  	_ =	shalt  }
0x7c: {  	_ =	shalt  }
0x7d: {  	_ =	shalt  }
0x7e: {  	_ =	shalt  }
0x7f: {  	_ =	shalt  }
0x80: {  	_ =	shalt  }
0x81: {  	_ =	shalt  }
0x82: {  	_ =	shalt  }
0x83: {  	_ =	shalt  }
0x84: {  	_ =	shalt  }
0x85: {  	_ =	shalt  }
0x86: {  	_ =	shalt  }
0x87: {  	_ =	shalt  }
.Lfunc_end0:
.L_simem_size_0:
called_computation.2_lowered:
.L_overlay_start_0:
0x88: {  	s2 =	sld [smem:$0x3FD9]  }
0x89: {  	s3 =	sld [smem:$0x3FFE];
	_ =	sdelay $0x1  }
0x8a: {  	s1 =	srdreg.scid  }
0x8b: {  	s0 =	sand.u32 $0x1, s1  }
0x8c: {  	s16 =	sshll.u32 s0, $0xA;
	s2 =	sadd.s32 s3, s2  }
0x8d: {  	s2 =	sadd.s32 s2, s16  }
0x8e: {  	[smem:$0x3FB5] =	sst s2  }
0x8f: {  	_ = 	snop  }
0x90: {  	(tm) =	ssettm $0x1  }
0x91: {  	s17 =	sld [smem:$0x3FFB];
	_ =	sdelay $0x3  }
0x92: {  	_ =	strace s17  }
0x93: {  	s2 =	sld [smem:$0x3FFC];
	_ =	sdelay $0x3  }
0x94: {  	_ =	strace s2  }
0x95: {  	s2 =	sld [smem:$0x3FFD];
	_ =	sdelay $0x3  }
0x96: {  	_ =	strace s2  }
0x97: {  	_ =	strace $0x8FFFFFFF  }
0x98: {  	s18 =	sld [smem:$0x3FDB];
	_ =	sdelay $0x1  }
0x99: {  	s19 =	simm.s32 $_scs_section_size  }
0x9a: {  	s4 =	simm.s32 $_size__tile_overlayer_lowered;
	s5 =	simm.s32 $_tile_overlayer_lowered  }
0x9b: {  	s22 =	simm.s32 $0x1BFF;
	s21 =	sshll.u32 s5, $0x1;
	s2 =	sadd.s32 s19, s18  }
0x9c: {  	s6 =	simm.s32 $0x0;
	s20 =	sshll.u32 s4, $0x1;
	s4 =	sadd.s32 s21, s2  }
0x9d: {  	[timem:s6], [sflag:s22] =	dma.local [hbm:s4], s20  }
0x9e: {  	_ =	swait.ge [sflag:s22], s20  }
0x9f: {  	s3 =	ssub.s32 $0x0, s20;
	[sflag:s22] =	ssyncset.done $0x0  }
0xa0: {  	[sflag:s22] =	ssyncadd.s32 s3;
	_ =	sdelay $0x1  }
0xa1: {  	s23 =	simm.s32 $0x1B8B  }
0xa2: {  	_ =	swait.ge [sflag:s23], $0x1  }
0xa3: {  	[sflag:s23] =	ssyncset.done $0x0  }
0xa4: {  	s25 =	simm.s32 $0x1B8E;
	s24 =	sld [smem:$0x3FFE];
	[sflag:s23] =	ssyncadd.s32 $0xFFFFFFFF  }
0xa5: {  	s26 =	simm.s32 $execute0_lowered;
	[smem:$0x3FD2] =	sst s25  }
0xa6: {  	s4 =	sshll.u32 s26, $0x1;
	_ =	strace $0x8000004C;
	[dreg:$0x1] =	wrdreg $0xFFFFFFFF  }
0xa7: {  	s28 =	simm.s32 $_size_execute0_lowered;
	s2 =	sadd.s32 s2, s4;
	[dreg:$0x0] =	wrdreg $0x0  }
0xa8: {  	s4 =	sshll.u32 s28, $0x1;
	[dreg:$0x2] =	wrdreg s2  }
0xa9: {  	[dreg:$0x3] =	wrdreg s4  }
0xaa: {  	[dreg:$0x4] =	wrdreg $0xC0  }
0xab: {  	_ =	task [dreg:s6], $0x5FFFF  }
0xac: {  	[dreg:$0x1] =	wrdreg $0xFFFFFFFF  }
0xad: {  	[dreg:$0x0] =	wrdreg $0x60  }
0xae: {  	[dreg:$0x2] =	wrdreg s24  }
0xaf: {  	[dreg:$0x3] =	wrdreg $0x41000  }
0xb0: {  	[dreg:$0x4] =	wrdreg $0x9  }
0xb1: {  	_ =	task.clear_ibuf [dreg:s6], $0x5FFFF;
	_ =	strace $0x9000004C  }
0xb2: {  	s29 =	simm.s32 $0x9;
	_ =	strace $0x8000004E  }
0xb3: {  	_ =	swait.ge [sflag:s29], $0x1  }
0xb4: {  	[sflag:s29] =	ssyncadd.s32 $0xFFFFFFFF  }
0xb5: {  	_ =	strace $0x9000004E  }
0xb6: {  	_ =	sfence  }
0xb7: {  	s30 =	sld [smem:$0x0];
	_ =	sdelay $0x2  }
0xb8: {  	s31 =	sshll.u32 s1, $0xD;
	s1 =	sshrl.u32 s1, $0x2  }
0xb9: {  	s3 =	sand.u32 $0x4000, s31;
	s1 =	sadd.s32 s1, s30  }
0xba: {  	s0 =	sor.u32 s3, s0;
	s1 =	sshll.u32 s1, $0x11  }
0xbb: {  	s0 =	sor.u32 s1, s0  }
0xbc: {  	s0 =	sadd.s32 $0x8F2B, s0  }
0xbd: {  	[sflag:s0] =	ssyncadd.remote.s32 $0x1  }
0xbe: {  	_ =	sfence.sel $0xFFFF  }
0xbf: {  	[dreg:$0x0] =	wrdreg $0xFFFFFFFF;
	(pc) =	sbr.abs _section_cstart, $3  }
0xc0: {  	[dreg:$0x1] =	wrdreg $0xFFFFFFFF  }
0xc1: {  	_ =	task.clear_ibuf [dreg:s6], $0x2FFFF;
	_ =	strace $0x9FFFFFFF  }
0xc2: {  	(tm) =	ssettm $0x7FFFFFFF  }
0xc3: {  	_ =	shalt  }
tec
execute0_lowered:
.L_overlay_start_1:
0x0: {  	(tag) =	ssettag $0x1  }
0x1: {  	s8 =	rddreg [dreg:$0x0]  }
0x2: {  	s1 =	rddreg [dreg:$0x1]  }
0x3: {  	s2 =	srdreg.scid;
	s0 =	rddreg [dreg:$0x2]  }
0x4: {  	s3 =	simm.s32 $0x0;
	s15 =	simm.s32 $0x100;
	s16 =	simm.s32 $0x1  }
0x5: {  	s17 =	simm.s32 $0x0;
	s9 =	sand.u32 $0x1, s2;
	s2 =	stileid.u32  }
0x6: {  	[smem:$0x7FF] =	sst s3;
	s4 =	sadd.s32 $0x12A00, s8;
	s7 =	smul.u32 $0x140000, s9  }
0x7: {  	s5 =	sadd.s32 $0x63200, s8;
	s6 =	sadd.s32 $0x6200, s8;
	s10 =	smul.u32 $0x14000, s2  }
0x8: {  	_ =	strace $0x8000004D;
	s26 =	ssub.s32 $0x2, s9;
	s13 =	smul.u32 $0x50000, s2  }
0x9: {  	s28 =	sshll.u32 s9, $0x4;
	s30 =	sshll.u32 s2, $0x6;
	s12 =	sshrl.u32 s26, $0x1  }
0xa: {  	s31 =	sor.u32 s2, s28;
	s7 =	sadd.s32 s10, s7;
	s12 =	ssub.s32 s26, s12  }
0xb: {  	s29 =	sshrl.u32 s13, $0x2;
	s9 =	smul.u32 $0x2800, s31;
	s11 =	sshrl.u32 s7, $0x3  }
0xc: {  	s13 =	simm.s32 $0x2;
	s7 =	sadd.s32 $0x10200, s8;
	s11 =	sadd.s32 s11, s8  }
0xd: {  	s14 =	sadd.s32 s29, s1;
	s8 =	sor.u32 $0x1C02, s30;
	s10 =	sadd.s32 $0x6D200, s11  }
0xe: {  	s11 =	smax.u32 s12, $0x1;
	s12 =	sshrl.u32 s14, $0x3;
	s14 =	simm.s32 $0x80  }
.LBB2_1:
0xf: {  	[spmem:s12], [sflag:s8] =	dma.local [hbm:s7], $0x2800  }
0x10: {  	s18 =	sand.u32 $0x3C00, s3  }
0x11: {  	s19 =	sand.u32 $0x380, s3;
	_ =	swait.ge [sflag:s13], $0x2800;
	s18 =	sadd.s32 s9, s18  }
0x12: {  	[sflag:s13] =	ssyncset.done $0x0;
	s18 =	sor.u32 s19, s18  }
0x13: {  	[sflag:s13] =	ssyncadd.s32 $0xFFFFD800;
	s18 =	sshrl.u32 s18, $0x3  }
0x14: {  	[bflag:$0x0] =	sbarrier.arrive $0xFFFF;
	s29 =	sadd.s32 s5, s18  }
0x15: {  	[tilespmem:s3], [sflag:$0x2] =	stream.linear.gather [hbm4b:s29+s3], $0x80, $0x38;
	[tilespmem:$0x18100] =	vst v63  }
0x16: {  	_ =	swait.ge [sflag:s13], $0x80  }
0x17: {  	[sflag:s13] =	ssyncset.done $0x0  }
0x18: {  	[sflag:s13] =	ssyncadd.s32 $0xFFFFFF80  }
0x19: {  	[tilespmem:s15], [sflag:$0x1] =	stream.indirect.gather [hbm4b:s4+s14], $0x80, s3, s14, $0xb8;
	[tilespmem:$0x18100] =	vst v63  }
0x1a: {  	_ =	swait.ge [sflag:s16], $0x4000  }
0x1b: {  	[sflag:s16] =	ssyncset.done $0x0  }
0x1c: {  	s18 =	sadd.s32 s6, s18;
	[sflag:s16] =	ssyncadd.s32 $0xFFFFC000  }
0x1d: {  	[tilespmem:s14], [sflag:$0x2] =	stream.linear.gather [hbm4b:s18+s3], $0x80, $0x38;
	[tilespmem:$0x18100] =	vst v63  }
0x1e: {  	_ =	swait.ge [sflag:s13], $0x80  }
0x1f: {  	s30 =	simm.s32 $0x80;
	[sflag:s13] =	ssyncset.done $0x0  }
0x20: {  	s31 =	sand.u32 $0x3C00, s30;
	[sflag:s13] =	ssyncadd.s32 $0xFFFFFF80  }
0x21: {  	[spmem:s1] =	stream.indirect.scatter.add.f32 [tilespmem:s15], [sflag:$0x2], $0x80, s14, s14, $0xb8;
	[tilespmem:$0x18100] =	vst v63  }
0x22: {  	s20 =	sand.u32 $0x380, s30;
	s19 =	sadd.s32 s9, s31;
	_ =	swait.ge [sflag:s13], $0x4000  }
0x23: {  	s19 =	sor.u32 s20, s19;
	s18 =	simm.s32 $0x100;
	[sflag:s13] =	ssyncset.done $0x0  }
.LBB2_2:
0x24: {  	s19 =	sshrl.u32 s19, $0x3  }
0x25: {  	[sflag:s13] =	ssyncadd.s32 $0xFFFFC000;
	s20 =	smov.u32 s18;
	s21 =	sadd.s32 $0x80, s18  }
0x26: {  	p0 =	sne.s32 s18, $0x2780;
	s18 =	sadd.s32 s5, s19  }
0x27: {  	[tilespmem:s3], [sflag:$0x2] =	stream.linear.gather [hbm4b:s18+s3], $0x80, $0x38;
	[tilespmem:$0x18100] =	vst v63  }
0x28: {  	_ =	swait.ge [sflag:s13], $0x80  }
0x29: {  	[sflag:s13] =	ssyncset.done $0x0  }
0x2a: {  	[sflag:s13] =	ssyncadd.s32 $0xFFFFFF80  }
0x2b: {  	[tilespmem:s15], [sflag:$0x1] =	stream.indirect.gather [hbm4b:s4+s14], $0x80, s3, s14, $0xb8;
	[tilespmem:$0x18100] =	vst v63  }
0x2c: {  	_ =	swait.ge [sflag:s16], $0x4000  }
0x2d: {  	[sflag:s16] =	ssyncset.done $0x0  }
0x2e: {  	s18 =	sadd.s32 s6, s19;
	[sflag:s16] =	ssyncadd.s32 $0xFFFFC000  }
0x2f: {  	[tilespmem:s14], [sflag:$0x2] =	stream.linear.gather [hbm4b:s18+s3], $0x80, $0x38;
	[tilespmem:$0x18100] =	vst v63  }
0x30: {  	_ =	swait.ge [sflag:s13], $0x80  }
.Ltmp0:
0x31: {  	[sflag:s13] =	ssyncset.done $0x0;
	(pc) =	sbr.rel @p0 .LBB2_2-.Ltmp0, $4  }
0x32: {  	s18 =	sand.u32 $0x3C00, s20;
	[sflag:s13] =	ssyncadd.s32 $0xFFFFFF80  }
0x33: {  	[spmem:s1] =	stream.indirect.scatter.add.f32 [tilespmem:s15], [sflag:$0x2], $0x80, s14, s14, $0xb8;
	[tilespmem:$0x18100] =	vst v63  }
0x34: {  	s19 =	sand.u32 $0x380, s20;
	s18 =	sadd.s32 s9, s18;
	_ =	swait.ge [sflag:s13], $0x4000  }
0x35: {  	s19 =	sor.u32 s19, s18;
	s18 =	smov.u32 s21;
	[sflag:s13] =	ssyncset.done $0x0  }
0x36: {  	s18 =	sshrl.u32 s19, $0x3  }
0x37: {  	[sflag:s13] =	ssyncadd.s32 $0xFFFFC000;
	s19 =	sadd.s32 s5, s18  }
0x38: {  	[tilespmem:s3], [sflag:$0x2] =	stream.linear.gather [hbm4b:s19+s3], $0x80, $0x38;
	[tilespmem:$0x18100] =	vst v63  }
0x39: {  	_ =	swait.ge [sflag:s13], $0x80  }
0x3a: {  	[sflag:s13] =	ssyncset.done $0x0  }
0x3b: {  	[sflag:s13] =	ssyncadd.s32 $0xFFFFFF80  }
0x3c: {  	[tilespmem:s15], [sflag:$0x1] =	stream.indirect.gather [hbm4b:s4+s14], $0x80, s3, s14, $0xb8;
	[tilespmem:$0x18100] =	vst v63  }
0x3d: {  	_ =	swait.ge [sflag:s16], $0x4000  }
0x3e: {  	[sflag:s16] =	ssyncset.done $0x0  }
0x3f: {  	s18 =	sadd.s32 s6, s18;
	[sflag:s16] =	ssyncadd.s32 $0xFFFFC000  }
0x40: {  	[tilespmem:s14], [sflag:$0x2] =	stream.linear.gather [hbm4b:s18+s3], $0x80, $0x38;
	[tilespmem:$0x18100] =	vst v63  }
0x41: {  	_ =	swait.ge [sflag:s13], $0x80  }
0x42: {  	[sflag:s13] =	ssyncset.done $0x0  }
0x43: {  	[sflag:s13] =	ssyncadd.s32 $0xFFFFFF80  }
0x44: {  	[spmem:s1] =	stream.indirect.scatter.add.f32 [tilespmem:s15], [sflag:$0x2], $0x80, s14, s14, $0xb8;
	[tilespmem:$0x18100] =	vst v63  }
0x45: {  	_ =	swait.ge [sflag:s13], $0x4000  }
0x46: {  	s17 =	sadd.s32 $0x1, s17;
	[sflag:s13] =	ssyncset.done $0x0  }
0x47: {  	p0 =	sne.s32 s17, s11;
	[sflag:s13] =	ssyncadd.s32 $0xFFFFC000  }
.Ltmp1:
0x48: {  	[bflag:$0x0] =	sbarrier.arrive $0xFFFF;
	(pc) =	sbr.rel @p0 .LBB2_1-.Ltmp1, $4  }
0x49: {  	[hbm:s10], [sflag:s8] =	dma.local [spmem:s12], $0x2800  }
0x4a: {  	_ =	swait.ge [sflag:s13], $0x2800  }
0x4b: {  	[sflag:s13] =	ssyncset.done $0x0  }
0x4c: {  	[sflag:s13] =	ssyncadd.s32 $0xFFFFD800  }
0x4d: {  	_ =	sfence.sel $0x180000  }
0x4e: {  	[bflag:$0x0] =	sbarrier.arrive $0xFFFF  }
0x4f: {  	p0 =	sne.s32 s2, $0x0;
	_ =	strace $0x9000004D  }
0x50: {  	s0 =	sadd.s32 @!p0 $0x100000, s0;
	[bflag:$0x2] =	sbarrier.arrive $0xFFFF  }
0x51: {  	[sflag:s0] =	ssyncadd.tile.s32 @!p0 $0x1;
	_ =	shalt  }
.Lfunc_end2:
_tile_overlayer_lowered:
.L_overlay_start_2:
0x52: {  	(tag) =	ssettag $0x2  }
0x53: {  	s0 =	rddreg [dreg:$0x0];
	s2 =	stileid.u32  }
0x54: {  	s1 =	rddreg [dreg:$0x1];
	p0 =	sne.s32 s2, $0x0  }
0x55: {  	s3 =	rddreg [dreg:$0x2];
	[bflag:$0x3] =	sbarrier.arrive $0xFFFF;
	s2 =	simm.s32 @!p0 $0x1C02  }
0x56: {  	[timem:s3], [sflag:s2] =	dma.local @!p0 [hbm:s0], s1  }
0x57: {  	s0 =	simm.s32 @!p0 $0x2  }
0x58: {  	_ =	swait.ge @!p0 [sflag:s0], s1  }
0x59: {  	s1 =	ssub.s32 @!p0 $0x0, s1;
	[sflag:s0] =	ssyncset.done @!p0 $0x0  }
0x5a: {  	[sflag:s0] =	ssyncadd.s32 @!p0 s1  }
0x5b: {  	[bflag:$0x3] =	sbarrier.arrive $0xFFFF  }
0x5c: {  	_ =	shalt  }

// kernel: kernel.29.cloned.1.call-start
scs
__scs_entry_jumppad:
0x0: {  	(pc) =	sbr.rel $0x88, $3  }
0x1: {  	(tag) =	ssettag $0x0;
	lr =	simm.s32 $0x1  }
0x2: {  	[smem:$0x3F8E] =	sst lr;
	_ =	strace $0xD0000000  }
0x3: {  	_ = 	snop  }
0x4: {  	_ = 	snop  }
0x5: {  	_ = 	snop  }
0x6: {  	_ = 	snop  }
0x7: {  	_ = 	snop  }
__scs_overlays_trampoline_lowered:
0x8: {  	[smem:$0x3F9D] =	sst s0  }
0x9: {  	[smem:$0x3F9E] =	sst s1  }
0xa: {  	[smem:$0x3F9F] =	sst s2  }
0xb: {  	[smem:$0x3FA0] =	sst s3  }
0xc: {  	[smem:$0x3FA1] =	sst s4  }
0xd: {  	[smem:$0x3FA2] =	sst s5  }
0xe: {  	[smem:$0x3FA3] =	sst s6  }
0xf: {  	[smem:$0x3FA4] =	sst s7  }
0x10: {  	[smem:$0x3FA5] =	sst s8  }
0x11: {  	[smem:$0x3FA6] =	sst s9;
	s0 =	simm.s32 @!p0 $0x0  }
0x12: {  	s1 =	sld [smem:$0x3F8C];
	s0 =	simm.s32 @p0 $0x1  }
0x13: {  	[smem:$0x3FA7] =	sst s0;
	s0 =	simm.s32 @!p1 $0x0  }
0x14: {  	s2 =	sld [smem:$0x3F8B];
	s0 =	simm.s32 @p1 $0x1  }
0x15: {  	[smem:$0x3FA8] =	sst s0;
	s0 =	simm.s32 @!p2 $0x0  }
0x16: {  	s3 =	sld [smem:$0x3FDB];
	s0 =	simm.s32 @p2 $0x1  }
0x17: {  	s4 =	simm.s32 $0x1BF5;
	[smem:$0x3FAA] =	sst s0  }
0x18: {  	s0 =	sld [smem:$0x3F8D];
	_ =	swait.ge [sflag:s4], $0x0  }
0x19: {  	s7 =	sld [smem:$0x3F8E]  }
0x1a: {  	s8 =	sadd.s32 $0xFFFFE003, lr  }
0x1b: {  	s9 =	sadd.s32 $0xFFFFFEF7, lr;
	s5 =	simm.s32 $0xFFFFFFFF;
	p2 =	slt.u32 s8, $0xFFFFF086  }
0x1c: {  	p1 =	slt.u32 s9, $0xF7A;
	s5 =	simm.s32 @!p2 $0x0  }
0x1d: {  	s5 =	simm.s32 @p1 $0x1;
	p0 =	seq.s32 s7, s2  }
0x1e: {  	s7 =	smul.u32 @!p0 $0xF7A, s2;
	p2 =	seq.s32 @!p0 s5, $0x0  }
0x1f: {  	s9 =	smul.u32 $0xF7A, s1;
	s8 =	simm.s32 @!p0 $0x1BF5;
	p2 =	por !p2, p0  }
0x20: {  	[sflag:s8] =	ssyncset.s32 @!p0 $0xFFFFF086;
	s6 =	sadd.s32 @!p0 s3, s7;
	s7 =	simm.s32 @!p0 $0x108  }
0x21: {  	s3 =	sadd.s32 s3, s9;
	s6 =	sadd.s32 @!p0 $0x88, s6;
	s7 =	simm.s32 @p2 $0x1082  }
0x22: {  	[simem:s7], [sflag:s8] =	dma.local @!p0 [hbm:s6], $0xF7A  }
0x23: {  	s9 =	sor.u32 $0xD0000000, s2;
	s6 =	simm.s32 $0x108;
	_ =	swait.ge @!p0 [sflag:s8], $0x0  }
0x24: {  	s3 =	sadd.s32 $0x88, s3;
	s6 =	simm.s32 @!p1 $0x1082;
	[sflag:s4] =	ssyncset.s32 $0xFFFFF086  }
0x25: {  	[simem:s6], [sflag:s4] =	dma.local [hbm:s3], $0xF7A  }
0x26: {  	[smem:$0x3F8E] =	sst s1;
	(tag) =	ssettag s2;
	_ =	strace s9  }
0x27: {  	s1 =	sld [smem:$0x3F9E]  }
0x28: {  	s2 =	sld [smem:$0x3F9F]  }
0x29: {  	s4 =	sld [smem:$0x3FA1]  }
0x2a: {  	p0 =	seq.s32 s5, $0x0;
	s5 =	sld [smem:$0x3FA2]  }
0x2b: {  	s6 =	sld [smem:$0x3FA3]  }
0x2c: {  	s7 =	sld [smem:$0x3FA4]  }
0x2d: {  	s3 =	simm.s32 $0x108;
	s8 =	sld [smem:$0x3FA5]  }
0x2e: {  	s3 =	simm.s32 @!p0 $0x1082;
	s9 =	sld [smem:$0x3FA6]  }
0x2f: {  	lr =	sadd.s32 s0, s3;
	s0 =	sld [smem:$0x3F9D]  }
0x30: {  	s3 =	sld [smem:$0x3FA0]  }
0x31: {  	[smem:$0x3FA9] =	sst s10  }
0x32: {  	s10 =	sld [smem:$0x3FA7];
	_ =	sdelay $0x3  }
0x33: {  	p0 =	seq.s32 s10, $0x1;
	s10 =	sld [smem:$0x3FA9];
	_ =	sdelay $0x3  }
0x34: {  	[smem:$0x3FA9] =	sst s10  }
0x35: {  	s10 =	sld [smem:$0x3FA8];
	_ =	sdelay $0x3  }
0x36: {  	p1 =	seq.s32 s10, $0x1;
	s10 =	sld [smem:$0x3FA9];
	_ =	sdelay $0x3  }
0x37: {  	[smem:$0x3FA9] =	sst s10  }
0x38: {  	s10 =	sld [smem:$0x3FAA]  }
0x39: {  	_ = 	snop;
	(pc) =	sbr.ind lr, $3  }
0x3a: {  	_ = 	snop  }
0x3b: {  	_ = 	snop  }
0x3c: {  	p2 =	seq.s32 s10, $0x1;
	s10 =	sld [smem:$0x3FA9]  }
0x3d: {  	_ =	shalt  }
0x3e: {  	_ =	shalt  }
0x3f: {  	_ =	shalt  }
0x40: {  	_ =	shalt  }
0x41: {  	_ =	shalt  }
0x42: {  	_ =	shalt  }
0x43: {  	_ =	shalt  }
0x44: {  	_ =	shalt  }
0x45: {  	_ =	shalt  }
0x46: {  	_ =	shalt  }
0x47: {  	_ =	shalt  }
0x48: {  	_ =	shalt  }
0x49: {  	_ =	shalt  }
0x4a: {  	_ =	shalt  }
0x4b: {  	_ =	shalt  }
0x4c: {  	_ =	shalt  }
0x4d: {  	_ =	shalt  }
0x4e: {  	_ =	shalt  }
0x4f: {  	_ =	shalt  }
0x50: {  	_ =	shalt  }
0x51: {  	_ =	shalt  }
0x52: {  	_ =	shalt  }
0x53: {  	_ =	shalt  }
0x54: {  	_ =	shalt  }
0x55: {  	_ =	shalt  }
0x56: {  	_ =	shalt  }
0x57: {  	_ =	shalt  }
0x58: {  	_ =	shalt  }
0x59: {  	_ =	shalt  }
0x5a: {  	_ =	shalt  }
0x5b: {  	_ =	shalt  }
0x5c: {  	_ =	shalt  }
0x5d: {  	_ =	shalt  }
0x5e: {  	_ =	shalt  }
0x5f: {  	_ =	shalt  }
0x60: {  	_ =	shalt  }
0x61: {  	_ =	shalt  }
0x62: {  	_ =	shalt  }
0x63: {  	_ =	shalt  }
0x64: {  	_ =	shalt  }
0x65: {  	_ =	shalt  }
0x66: {  	_ =	shalt  }
0x67: {  	_ =	shalt  }
0x68: {  	_ =	shalt  }
0x69: {  	_ =	shalt  }
0x6a: {  	_ =	shalt  }
0x6b: {  	_ =	shalt  }
0x6c: {  	_ =	shalt  }
0x6d: {  	_ =	shalt  }
0x6e: {  	_ =	shalt  }
0x6f: {  	_ =	shalt  }
0x70: {  	_ =	shalt  }
0x71: {  	_ =	shalt  }
0x72: {  	_ =	shalt  }
0x73: {  	_ =	shalt  }
0x74: {  	_ =	shalt  }
0x75: {  	_ =	shalt  }
0x76: {  	_ =	shalt  }
0x77: {  	_ =	shalt  }
0x78: {  	_ =	shalt  }
0x79: {  	_ =	shalt  }
0x7a: {  	_ =	shalt  }
0x7b: {  	_ =	shalt  }
0x7c: {  	_ =	shalt  }
0x7d: {  	_ =	shalt  }
0x7e: {  	_ =	shalt  }
0x7f: {  	_ =	shalt  }
0x80: {  	_ =	shalt  }
0x81: {  	_ =	shalt  }
0x82: {  	_ =	shalt  }
0x83: {  	_ =	shalt  }
0x84: {  	_ =	shalt  }
0x85: {  	_ =	shalt  }
0x86: {  	_ =	shalt  }
0x87: {  	_ =	shalt  }
.Lfunc_end0:
.L_simem_size_0:
called_computation.3_lowered:
.L_overlay_start_0:
0x88: {  	s2 =	sld [smem:$0x3FD9]  }
0x89: {  	s3 =	sld [smem:$0x3FFE];
	_ =	sdelay $0x1  }
0x8a: {  	s1 =	srdreg.scid  }
0x8b: {  	s0 =	sand.u32 $0x1, s1  }
0x8c: {  	s16 =	sshll.u32 s0, $0xA;
	s2 =	sadd.s32 s3, s2  }
0x8d: {  	s2 =	sadd.s32 s2, s16  }
0x8e: {  	[smem:$0x3FB5] =	sst s2  }
0x8f: {  	_ = 	snop  }
0x90: {  	(tm) =	ssettm $0x1  }
0x91: {  	s17 =	sld [smem:$0x3FFB];
	_ =	sdelay $0x3  }
0x92: {  	_ =	strace s17  }
0x93: {  	s2 =	sld [smem:$0x3FFC];
	_ =	sdelay $0x3  }
0x94: {  	_ =	strace s2  }
0x95: {  	s2 =	sld [smem:$0x3FFD];
	_ =	sdelay $0x3  }
0x96: {  	_ =	strace s2  }
0x97: {  	_ =	strace $0x8FFFFFFF  }
0x98: {  	s18 =	sld [smem:$0x3FDB];
	_ =	sdelay $0x1  }
0x99: {  	s19 =	simm.s32 $_scs_section_size  }
0x9a: {  	s4 =	simm.s32 $_size__tile_overlayer_lowered;
	s5 =	simm.s32 $_tile_overlayer_lowered  }
0x9b: {  	s22 =	simm.s32 $0x1BFF;
	s21 =	sshll.u32 s5, $0x1;
	s2 =	sadd.s32 s19, s18  }
0x9c: {  	s6 =	simm.s32 $0x0;
	s20 =	sshll.u32 s4, $0x1;
	s4 =	sadd.s32 s21, s2  }
0x9d: {  	[timem:s6], [sflag:s22] =	dma.local [hbm:s4], s20  }
0x9e: {  	_ =	swait.ge [sflag:s22], s20  }
0x9f: {  	s3 =	ssub.s32 $0x0, s20;
	[sflag:s22] =	ssyncset.done $0x0  }
0xa0: {  	[sflag:s22] =	ssyncadd.s32 s3;
	_ =	sdelay $0x1  }
0xa1: {  	s23 =	simm.s32 $0x1B8B  }
0xa2: {  	_ =	swait.ge [sflag:s23], $0x1  }
0xa3: {  	[sflag:s23] =	ssyncset.done $0x0  }
0xa4: {  	s25 =	simm.s32 $0x1B8E;
	s24 =	sld [smem:$0x3FFE];
	[sflag:s23] =	ssyncadd.s32 $0xFFFFFFFF  }
0xa5: {  	s26 =	simm.s32 $execute0_lowered;
	[smem:$0x3FD2] =	sst s25  }
0xa6: {  	s4 =	sshll.u32 s26, $0x1;
	_ =	strace $0x8000004F;
	[dreg:$0x1] =	wrdreg $0xFFFFFFFF  }
0xa7: {  	s28 =	simm.s32 $_size_execute0_lowered;
	s2 =	sadd.s32 s2, s4;
	[dreg:$0x0] =	wrdreg $0x0  }
0xa8: {  	s4 =	sshll.u32 s28, $0x1;
	[dreg:$0x2] =	wrdreg s2  }
0xa9: {  	[dreg:$0x3] =	wrdreg s4  }
0xaa: {  	[dreg:$0x4] =	wrdreg $0xC0  }
0xab: {  	_ =	task [dreg:s6], $0x5FFFF  }
0xac: {  	[dreg:$0x1] =	wrdreg $0xFFFFFFFF  }
0xad: {  	[dreg:$0x0] =	wrdreg $0x60  }
0xae: {  	[dreg:$0x2] =	wrdreg s24  }
0xaf: {  	[dreg:$0x3] =	wrdreg $0x41000  }
0xb0: {  	[dreg:$0x4] =	wrdreg $0x9  }
0xb1: {  	_ =	task.clear_ibuf [dreg:s6], $0x5FFFF;
	_ =	strace $0x9000004F  }
0xb2: {  	s29 =	simm.s32 $0x9;
	_ =	strace $0x80000051  }
0xb3: {  	_ =	swait.ge [sflag:s29], $0x1  }
0xb4: {  	[sflag:s29] =	ssyncadd.s32 $0xFFFFFFFF  }
0xb5: {  	_ =	strace $0x90000051  }
0xb6: {  	_ =	sfence  }
0xb7: {  	s30 =	sld [smem:$0x0];
	_ =	sdelay $0x2  }
0xb8: {  	s31 =	sshll.u32 s1, $0xD;
	s1 =	sshrl.u32 s1, $0x2  }
0xb9: {  	s3 =	sand.u32 $0x4000, s31;
	s1 =	sadd.s32 s1, s30  }
0xba: {  	s0 =	sor.u32 s3, s0;
	s1 =	sshll.u32 s1, $0x11  }
0xbb: {  	s0 =	sor.u32 s1, s0  }
0xbc: {  	s0 =	sadd.s32 $0x8F2B, s0  }
0xbd: {  	[sflag:s0] =	ssyncadd.remote.s32 $0x1  }
0xbe: {  	_ =	sfence.sel $0xFFFF  }
0xbf: {  	[dreg:$0x0] =	wrdreg $0xFFFFFFFF;
	(pc) =	sbr.abs _section_cstart, $3  }
0xc0: {  	[dreg:$0x1] =	wrdreg $0xFFFFFFFF  }
0xc1: {  	_ =	task.clear_ibuf [dreg:s6], $0x2FFFF;
	_ =	strace $0x9FFFFFFF  }
0xc2: {  	(tm) =	ssettm $0x7FFFFFFF  }
0xc3: {  	_ =	shalt  }
tec
execute0_lowered:
.L_overlay_start_1:
0x0: {  	(tag) =	ssettag $0x1  }
0x1: {  	s8 =	rddreg [dreg:$0x0]  }
0x2: {  	s1 =	rddreg [dreg:$0x1]  }
0x3: {  	s2 =	srdreg.scid;
	s0 =	rddreg [dreg:$0x2]  }
0x4: {  	s3 =	simm.s32 $0x0;
	s15 =	simm.s32 $0x100;
	s16 =	simm.s32 $0x1  }
0x5: {  	s17 =	simm.s32 $0x0;
	s9 =	sand.u32 $0x1, s2;
	s2 =	stileid.u32  }
0x6: {  	[smem:$0x7FF] =	sst s3;
	s4 =	sadd.s32 $0x12A00, s8;
	s7 =	smul.u32 $0x140000, s9  }
0x7: {  	s5 =	sadd.s32 $0x63200, s8;
	s6 =	sadd.s32 $0x6200, s8;
	s10 =	smul.u32 $0x14000, s2  }
0x8: {  	_ =	strace $0x80000050;
	s26 =	ssub.s32 $0x2, s9;
	s13 =	smul.u32 $0x50000, s2  }
0x9: {  	s28 =	sshll.u32 s9, $0x4;
	s30 =	sshll.u32 s2, $0x6;
	s12 =	sshrl.u32 s26, $0x1  }
0xa: {  	s31 =	sor.u32 s2, s28;
	s7 =	sadd.s32 s10, s7;
	s12 =	ssub.s32 s26, s12  }
0xb: {  	s29 =	sshrl.u32 s13, $0x2;
	s9 =	smul.u32 $0x2800, s31;
	s11 =	sshrl.u32 s7, $0x3  }
0xc: {  	s13 =	simm.s32 $0x2;
	s7 =	sadd.s32 $0x10200, s8;
	s11 =	sadd.s32 s11, s8  }
0xd: {  	s14 =	sadd.s32 s29, s1;
	s8 =	sor.u32 $0x1C02, s30;
	s10 =	sadd.s32 $0x6D200, s11  }
0xe: {  	s11 =	smax.u32 s12, $0x1;
	s12 =	sshrl.u32 s14, $0x3;
	s14 =	simm.s32 $0x80  }
.LBB2_1:
0xf: {  	[spmem:s12], [sflag:s8] =	dma.local [hbm:s7], $0x2800  }
0x10: {  	s18 =	sand.u32 $0x3C00, s3  }
0x11: {  	s19 =	sand.u32 $0x380, s3;
	_ =	swait.ge [sflag:s13], $0x2800;
	s18 =	sadd.s32 s9, s18  }
0x12: {  	[sflag:s13] =	ssyncset.done $0x0;
	s18 =	sor.u32 s19, s18  }
0x13: {  	[sflag:s13] =	ssyncadd.s32 $0xFFFFD800;
	s18 =	sshrl.u32 s18, $0x3  }
0x14: {  	[bflag:$0x0] =	sbarrier.arrive $0xFFFF;
	s29 =	sadd.s32 s5, s18  }
0x15: {  	[tilespmem:s3], [sflag:$0x2] =	stream.linear.gather [hbm4b:s29+s3], $0x80, $0x38;
	[tilespmem:$0x18100] =	vst v63  }
0x16: {  	_ =	swait.ge [sflag:s13], $0x80  }
0x17: {  	[sflag:s13] =	ssyncset.done $0x0  }
0x18: {  	[sflag:s13] =	ssyncadd.s32 $0xFFFFFF80  }
0x19: {  	[tilespmem:s15], [sflag:$0x1] =	stream.indirect.gather [hbm4b:s4+s14], $0x80, s3, s14, $0xb8;
	[tilespmem:$0x18100] =	vst v63  }
0x1a: {  	_ =	swait.ge [sflag:s16], $0x4000  }
0x1b: {  	[sflag:s16] =	ssyncset.done $0x0  }
0x1c: {  	s18 =	sadd.s32 s6, s18;
	[sflag:s16] =	ssyncadd.s32 $0xFFFFC000  }
0x1d: {  	[tilespmem:s14], [sflag:$0x2] =	stream.linear.gather [hbm4b:s18+s3], $0x80, $0x38;
	[tilespmem:$0x18100] =	vst v63  }
0x1e: {  	_ =	swait.ge [sflag:s13], $0x80  }
0x1f: {  	s30 =	simm.s32 $0x80;
	[sflag:s13] =	ssyncset.done $0x0  }
0x20: {  	s31 =	sand.u32 $0x3C00, s30;
	[sflag:s13] =	ssyncadd.s32 $0xFFFFFF80  }
0x21: {  	[spmem:s1] =	stream.indirect.scatter.add.f32 [tilespmem:s15], [sflag:$0x2], $0x80, s14, s14, $0xb8;
	[tilespmem:$0x18100] =	vst v63  }
0x22: {  	s20 =	sand.u32 $0x380, s30;
	s19 =	sadd.s32 s9, s31;
	_ =	swait.ge [sflag:s13], $0x4000  }
0x23: {  	s19 =	sor.u32 s20, s19;
	s18 =	simm.s32 $0x100;
	[sflag:s13] =	ssyncset.done $0x0  }
.LBB2_2:
0x24: {  	s19 =	sshrl.u32 s19, $0x3  }
0x25: {  	[sflag:s13] =	ssyncadd.s32 $0xFFFFC000;
	s20 =	smov.u32 s18;
	s21 =	sadd.s32 $0x80, s18  }
0x26: {  	p0 =	sne.s32 s18, $0x2780;
	s18 =	sadd.s32 s5, s19  }
0x27: {  	[tilespmem:s3], [sflag:$0x2] =	stream.linear.gather [hbm4b:s18+s3], $0x80, $0x38;
	[tilespmem:$0x18100] =	vst v63  }
0x28: {  	_ =	swait.ge [sflag:s13], $0x80  }
0x29: {  	[sflag:s13] =	ssyncset.done $0x0  }
0x2a: {  	[sflag:s13] =	ssyncadd.s32 $0xFFFFFF80  }
0x2b: {  	[tilespmem:s15], [sflag:$0x1] =	stream.indirect.gather [hbm4b:s4+s14], $0x80, s3, s14, $0xb8;
	[tilespmem:$0x18100] =	vst v63  }
0x2c: {  	_ =	swait.ge [sflag:s16], $0x4000  }
0x2d: {  	[sflag:s16] =	ssyncset.done $0x0  }
0x2e: {  	s18 =	sadd.s32 s6, s19;
	[sflag:s16] =	ssyncadd.s32 $0xFFFFC000  }
0x2f: {  	[tilespmem:s14], [sflag:$0x2] =	stream.linear.gather [hbm4b:s18+s3], $0x80, $0x38;
	[tilespmem:$0x18100] =	vst v63  }
0x30: {  	_ =	swait.ge [sflag:s13], $0x80  }
.Ltmp0:
0x31: {  	[sflag:s13] =	ssyncset.done $0x0;
	(pc) =	sbr.rel @p0 .LBB2_2-.Ltmp0, $4  }
0x32: {  	s18 =	sand.u32 $0x3C00, s20;
	[sflag:s13] =	ssyncadd.s32 $0xFFFFFF80  }
0x33: {  	[spmem:s1] =	stream.indirect.scatter.add.f32 [tilespmem:s15], [sflag:$0x2], $0x80, s14, s14, $0xb8;
	[tilespmem:$0x18100] =	vst v63  }
0x34: {  	s19 =	sand.u32 $0x380, s20;
	s18 =	sadd.s32 s9, s18;
	_ =	swait.ge [sflag:s13], $0x4000  }
0x35: {  	s19 =	sor.u32 s19, s18;
	s18 =	smov.u32 s21;
	[sflag:s13] =	ssyncset.done $0x0  }
0x36: {  	s18 =	sshrl.u32 s19, $0x3  }
0x37: {  	[sflag:s13] =	ssyncadd.s32 $0xFFFFC000;
	s19 =	sadd.s32 s5, s18  }
0x38: {  	[tilespmem:s3], [sflag:$0x2] =	stream.linear.gather [hbm4b:s19+s3], $0x80, $0x38;
	[tilespmem:$0x18100] =	vst v63  }
0x39: {  	_ =	swait.ge [sflag:s13], $0x80  }
0x3a: {  	[sflag:s13] =	ssyncset.done $0x0  }
0x3b: {  	[sflag:s13] =	ssyncadd.s32 $0xFFFFFF80  }
0x3c: {  	[tilespmem:s15], [sflag:$0x1] =	stream.indirect.gather [hbm4b:s4+s14], $0x80, s3, s14, $0xb8;
	[tilespmem:$0x18100] =	vst v63  }
0x3d: {  	_ =	swait.ge [sflag:s16], $0x4000  }
0x3e: {  	[sflag:s16] =	ssyncset.done $0x0  }
0x3f: {  	s18 =	sadd.s32 s6, s18;
	[sflag:s16] =	ssyncadd.s32 $0xFFFFC000  }
0x40: {  	[tilespmem:s14], [sflag:$0x2] =	stream.linear.gather [hbm4b:s18+s3], $0x80, $0x38;
	[tilespmem:$0x18100] =	vst v63  }
0x41: {  	_ =	swait.ge [sflag:s13], $0x80  }
0x42: {  	[sflag:s13] =	ssyncset.done $0x0  }
0x43: {  	[sflag:s13] =	ssyncadd.s32 $0xFFFFFF80  }
0x44: {  	[spmem:s1] =	stream.indirect.scatter.add.f32 [tilespmem:s15], [sflag:$0x2], $0x80, s14, s14, $0xb8;
	[tilespmem:$0x18100] =	vst v63  }
0x45: {  	_ =	swait.ge [sflag:s13], $0x4000  }
0x46: {  	s17 =	sadd.s32 $0x1, s17;
	[sflag:s13] =	ssyncset.done $0x0  }
0x47: {  	p0 =	sne.s32 s17, s11;
	[sflag:s13] =	ssyncadd.s32 $0xFFFFC000  }
.Ltmp1:
0x48: {  	[bflag:$0x0] =	sbarrier.arrive $0xFFFF;
	(pc) =	sbr.rel @p0 .LBB2_1-.Ltmp1, $4  }
0x49: {  	[hbm:s10], [sflag:s8] =	dma.local [spmem:s12], $0x2800  }
0x4a: {  	_ =	swait.ge [sflag:s13], $0x2800  }
0x4b: {  	[sflag:s13] =	ssyncset.done $0x0  }
0x4c: {  	[sflag:s13] =	ssyncadd.s32 $0xFFFFD800  }
0x4d: {  	_ =	sfence.sel $0x180000  }
0x4e: {  	[bflag:$0x0] =	sbarrier.arrive $0xFFFF  }
0x4f: {  	p0 =	sne.s32 s2, $0x0;
	_ =	strace $0x90000050  }
0x50: {  	s0 =	sadd.s32 @!p0 $0x100000, s0;
	[bflag:$0x2] =	sbarrier.arrive $0xFFFF  }
0x51: {  	[sflag:s0] =	ssyncadd.tile.s32 @!p0 $0x1;
	_ =	shalt  }
.Lfunc_end2:
_tile_overlayer_lowered:
.L_overlay_start_2:
0x52: {  	(tag) =	ssettag $0x2  }
0x53: {  	s0 =	rddreg [dreg:$0x0];
	s2 =	stileid.u32  }
0x54: {  	s1 =	rddreg [dreg:$0x1];
	p0 =	sne.s32 s2, $0x0  }
0x55: {  	s3 =	rddreg [dreg:$0x2];
	[bflag:$0x3] =	sbarrier.arrive $0xFFFF;
	s2 =	simm.s32 @!p0 $0x1C02  }
0x56: {  	[timem:s3], [sflag:s2] =	dma.local @!p0 [hbm:s0], s1  }
0x57: {  	s0 =	simm.s32 @!p0 $0x2  }
0x58: {  	_ =	swait.ge @!p0 [sflag:s0], s1  }
0x59: {  	s1 =	ssub.s32 @!p0 $0x0, s1;
	[sflag:s0] =	ssyncset.done @!p0 $0x0  }
0x5a: {  	[sflag:s0] =	ssyncadd.s32 @!p0 s1  }
0x5b: {  	[bflag:$0x3] =	sbarrier.arrive $0xFFFF  }
0x5c: {  	_ =	shalt  }

// kernel: kernel.32.cloned.1.call-start
scs
__scs_entry_jumppad:
0x0: {  	(pc) =	sbr.rel $0x88, $3  }
0x1: {  	(tag) =	ssettag $0x0;
	lr =	simm.s32 $0x1  }
0x2: {  	[smem:$0x3F8E] =	sst lr;
	_ =	strace $0xD0000000  }
0x3: {  	_ = 	snop  }
0x4: {  	_ = 	snop  }
0x5: {  	_ = 	snop  }
0x6: {  	_ = 	snop  }
0x7: {  	_ = 	snop  }
__scs_overlays_trampoline_lowered:
0x8: {  	[smem:$0x3F9D] =	sst s0  }
0x9: {  	[smem:$0x3F9E] =	sst s1  }
0xa: {  	[smem:$0x3F9F] =	sst s2  }
0xb: {  	[smem:$0x3FA0] =	sst s3  }
0xc: {  	[smem:$0x3FA1] =	sst s4  }
0xd: {  	[smem:$0x3FA2] =	sst s5  }
0xe: {  	[smem:$0x3FA3] =	sst s6  }
0xf: {  	[smem:$0x3FA4] =	sst s7  }
0x10: {  	[smem:$0x3FA5] =	sst s8  }
0x11: {  	[smem:$0x3FA6] =	sst s9;
	s0 =	simm.s32 @!p0 $0x0  }
0x12: {  	s1 =	sld [smem:$0x3F8C];
	s0 =	simm.s32 @p0 $0x1  }
0x13: {  	[smem:$0x3FA7] =	sst s0;
	s0 =	simm.s32 @!p1 $0x0  }
0x14: {  	s2 =	sld [smem:$0x3F8B];
	s0 =	simm.s32 @p1 $0x1  }
0x15: {  	[smem:$0x3FA8] =	sst s0;
	s0 =	simm.s32 @!p2 $0x0  }
0x16: {  	s3 =	sld [smem:$0x3FDB];
	s0 =	simm.s32 @p2 $0x1  }
0x17: {  	s4 =	simm.s32 $0x1BF5;
	[smem:$0x3FAA] =	sst s0  }
0x18: {  	s0 =	sld [smem:$0x3F8D];
	_ =	swait.ge [sflag:s4], $0x0  }
0x19: {  	s7 =	sld [smem:$0x3F8E]  }
0x1a: {  	s8 =	sadd.s32 $0xFFFFE003, lr  }
0x1b: {  	s9 =	sadd.s32 $0xFFFFFEF7, lr;
	s5 =	simm.s32 $0xFFFFFFFF;
	p2 =	slt.u32 s8, $0xFFFFF086  }
0x1c: {  	p1 =	slt.u32 s9, $0xF7A;
	s5 =	simm.s32 @!p2 $0x0  }
0x1d: {  	s5 =	simm.s32 @p1 $0x1;
	p0 =	seq.s32 s7, s2  }
0x1e: {  	s7 =	smul.u32 @!p0 $0xF7A, s2;
	p2 =	seq.s32 @!p0 s5, $0x0  }
0x1f: {  	s9 =	smul.u32 $0xF7A, s1;
	s8 =	simm.s32 @!p0 $0x1BF5;
	p2 =	por !p2, p0  }
0x20: {  	[sflag:s8] =	ssyncset.s32 @!p0 $0xFFFFF086;
	s6 =	sadd.s32 @!p0 s3, s7;
	s7 =	simm.s32 @!p0 $0x108  }
0x21: {  	s3 =	sadd.s32 s3, s9;
	s6 =	sadd.s32 @!p0 $0x88, s6;
	s7 =	simm.s32 @p2 $0x1082  }
0x22: {  	[simem:s7], [sflag:s8] =	dma.local @!p0 [hbm:s6], $0xF7A  }
0x23: {  	s9 =	sor.u32 $0xD0000000, s2;
	s6 =	simm.s32 $0x108;
	_ =	swait.ge @!p0 [sflag:s8], $0x0  }
0x24: {  	s3 =	sadd.s32 $0x88, s3;
	s6 =	simm.s32 @!p1 $0x1082;
	[sflag:s4] =	ssyncset.s32 $0xFFFFF086  }
0x25: {  	[simem:s6], [sflag:s4] =	dma.local [hbm:s3], $0xF7A  }
0x26: {  	[smem:$0x3F8E] =	sst s1;
	(tag) =	ssettag s2;
	_ =	strace s9  }
0x27: {  	s1 =	sld [smem:$0x3F9E]  }
0x28: {  	s2 =	sld [smem:$0x3F9F]  }
0x29: {  	s4 =	sld [smem:$0x3FA1]  }
0x2a: {  	p0 =	seq.s32 s5, $0x0;
	s5 =	sld [smem:$0x3FA2]  }
0x2b: {  	s6 =	sld [smem:$0x3FA3]  }
0x2c: {  	s7 =	sld [smem:$0x3FA4]  }
0x2d: {  	s3 =	simm.s32 $0x108;
	s8 =	sld [smem:$0x3FA5]  }
0x2e: {  	s3 =	simm.s32 @!p0 $0x1082;
	s9 =	sld [smem:$0x3FA6]  }
0x2f: {  	lr =	sadd.s32 s0, s3;
	s0 =	sld [smem:$0x3F9D]  }
0x30: {  	s3 =	sld [smem:$0x3FA0]  }
0x31: {  	[smem:$0x3FA9] =	sst s10  }
0x32: {  	s10 =	sld [smem:$0x3FA7];
	_ =	sdelay $0x3  }
0x33: {  	p0 =	seq.s32 s10, $0x1;
	s10 =	sld [smem:$0x3FA9];
	_ =	sdelay $0x3  }
0x34: {  	[smem:$0x3FA9] =	sst s10  }
0x35: {  	s10 =	sld [smem:$0x3FA8];
	_ =	sdelay $0x3  }
0x36: {  	p1 =	seq.s32 s10, $0x1;
	s10 =	sld [smem:$0x3FA9];
	_ =	sdelay $0x3  }
0x37: {  	[smem:$0x3FA9] =	sst s10  }
0x38: {  	s10 =	sld [smem:$0x3FAA]  }
0x39: {  	_ = 	snop;
	(pc) =	sbr.ind lr, $3  }
0x3a: {  	_ = 	snop  }
0x3b: {  	_ = 	snop  }
0x3c: {  	p2 =	seq.s32 s10, $0x1;
	s10 =	sld [smem:$0x3FA9]  }
0x3d: {  	_ =	shalt  }
0x3e: {  	_ =	shalt  }
0x3f: {  	_ =	shalt  }
0x40: {  	_ =	shalt  }
0x41: {  	_ =	shalt  }
0x42: {  	_ =	shalt  }
0x43: {  	_ =	shalt  }
0x44: {  	_ =	shalt  }
0x45: {  	_ =	shalt  }
0x46: {  	_ =	shalt  }
0x47: {  	_ =	shalt  }
0x48: {  	_ =	shalt  }
0x49: {  	_ =	shalt  }
0x4a: {  	_ =	shalt  }
0x4b: {  	_ =	shalt  }
0x4c: {  	_ =	shalt  }
0x4d: {  	_ =	shalt  }
0x4e: {  	_ =	shalt  }
0x4f: {  	_ =	shalt  }
0x50: {  	_ =	shalt  }
0x51: {  	_ =	shalt  }
0x52: {  	_ =	shalt  }
0x53: {  	_ =	shalt  }
0x54: {  	_ =	shalt  }
0x55: {  	_ =	shalt  }
0x56: {  	_ =	shalt  }
0x57: {  	_ =	shalt  }
0x58: {  	_ =	shalt  }
0x59: {  	_ =	shalt  }
0x5a: {  	_ =	shalt  }
0x5b: {  	_ =	shalt  }
0x5c: {  	_ =	shalt  }
0x5d: {  	_ =	shalt  }
0x5e: {  	_ =	shalt  }
0x5f: {  	_ =	shalt  }
0x60: {  	_ =	shalt  }
0x61: {  	_ =	shalt  }
0x62: {  	_ =	shalt  }
0x63: {  	_ =	shalt  }
0x64: {  	_ =	shalt  }
0x65: {  	_ =	shalt  }
0x66: {  	_ =	shalt  }
0x67: {  	_ =	shalt  }
0x68: {  	_ =	shalt  }
0x69: {  	_ =	shalt  }
0x6a: {  	_ =	shalt  }
0x6b: {  	_ =	shalt  }
0x6c: {  	_ =	shalt  }
0x6d: {  	_ =	shalt  }
0x6e: {  	_ =	shalt  }
0x6f: {  	_ =	shalt  }
0x70: {  	_ =	shalt  }
0x71: {  	_ =	shalt  }
0x72: {  	_ =	shalt  }
0x73: {  	_ =	shalt  }
0x74: {  	_ =	shalt  }
0x75: {  	_ =	shalt  }
0x76: {  	_ =	shalt  }
0x77: {  	_ =	shalt  }
0x78: {  	_ =	shalt  }
0x79: {  	_ =	shalt  }
0x7a: {  	_ =	shalt  }
0x7b: {  	_ =	shalt  }
0x7c: {  	_ =	shalt  }
0x7d: {  	_ =	shalt  }
0x7e: {  	_ =	shalt  }
0x7f: {  	_ =	shalt  }
0x80: {  	_ =	shalt  }
0x81: {  	_ =	shalt  }
0x82: {  	_ =	shalt  }
0x83: {  	_ =	shalt  }
0x84: {  	_ =	shalt  }
0x85: {  	_ =	shalt  }
0x86: {  	_ =	shalt  }
0x87: {  	_ =	shalt  }
.Lfunc_end0:
.L_simem_size_0:
called_computation.4_lowered:
.L_overlay_start_0:
0x88: {  	s2 =	sld [smem:$0x3FD9]  }
0x89: {  	s3 =	sld [smem:$0x3FFE];
	_ =	sdelay $0x1  }
0x8a: {  	s1 =	srdreg.scid  }
0x8b: {  	s0 =	sand.u32 $0x1, s1  }
0x8c: {  	s17 =	sshll.u32 s0, $0xA;
	s2 =	sadd.s32 s3, s2  }
0x8d: {  	s2 =	sadd.s32 s2, s17  }
0x8e: {  	[smem:$0x3FB5] =	sst s2  }
0x8f: {  	_ = 	snop  }
0x90: {  	(tm) =	ssettm $0x1  }
0x91: {  	s18 =	sld [smem:$0x3FFB];
	_ =	sdelay $0x3  }
0x92: {  	_ =	strace s18  }
0x93: {  	s2 =	sld [smem:$0x3FFC];
	_ =	sdelay $0x3  }
0x94: {  	_ =	strace s2  }
0x95: {  	s2 =	sld [smem:$0x3FFD];
	_ =	sdelay $0x3  }
0x96: {  	_ =	strace s2  }
0x97: {  	_ =	strace $0x8FFFFFFF  }
0x98: {  	s19 =	sld [smem:$0x3FDB];
	_ =	sdelay $0x1  }
0x99: {  	s20 =	simm.s32 $_scs_section_size  }
0x9a: {  	s4 =	simm.s32 $_size__tile_overlayer_lowered;
	s5 =	simm.s32 $_tile_overlayer_lowered  }
0x9b: {  	s6 =	simm.s32 $0x1BFF;
	s21 =	sshll.u32 s5, $0x1;
	s3 =	sadd.s32 s20, s19  }
0x9c: {  	s22 =	simm.s32 $0x0;
	s4 =	sshll.u32 s4, $0x1;
	s5 =	sadd.s32 s21, s3  }
0x9d: {  	[timem:s22], [sflag:s6] =	dma.local [hbm:s5], s4  }
0x9e: {  	_ =	swait.ge [sflag:s6], s4  }
0x9f: {  	s4 =	ssub.s32 $0x0, s4;
	[sflag:s6] =	ssyncset.done $0x0  }
0xa0: {  	[sflag:s6] =	ssyncadd.s32 s4;
	_ =	sdelay $0x1  }
0xa1: {  	s23 =	simm.s32 $0x1B8B  }
0xa2: {  	_ =	swait.ge [sflag:s23], $0x1  }
0xa3: {  	[sflag:s23] =	ssyncset.done $0x0  }
0xa4: {  	[sflag:s23] =	ssyncadd.s32 $0xFFFFFFFF  }
0xa5: {  	s4 =	sld [smem:$0x0]  }
0xa6: {  	s5 =	sand.u32 $0xFFFFFFFE, s1  }
0xa7: {  	p0 =	sne.s32 s1, s5  }
0xa8: {  	s5 =	sshll.u32 @p0 s5, $0xE  }
0xa9: {  	s5 =	sadd.s32 @p0 $0x11B8D, s5;
	s6 =	sshll.u32 @p0 s4, $0x11  }
0xaa: {  	s5 =	sor.u32 @p0 s6, s5  }
0xab: {  	[sflag:s5] =	ssyncadd.remote.s32 @p0 $0x1;
	_ =	sdelay $0x1  }
0xac: {  	s5 =	simm.s32 @p0 $0x1B8D  }
0xad: {  	_ =	swait.eq @p0 [sflag:s5], $0x1  }
0xae: {  	[sflag:s5] =	ssyncadd.s32 @p0 $0xFFFFFFFF  }
0xaf: {  	s6 =	sshll.u32 @!p0 s1, $0xE  }
0xb0: {  	s6 =	sor.u32 @!p0 $0x4000, s6;
	s5 =	simm.s32 @!p0 $0x1B8D  }
0xb1: {  	s4 =	sshll.u32 @!p0 s4, $0x11;
	s6 =	sadd.s32 @!p0 $0x11B8D, s6;
	_ =	swait.eq @!p0 [sflag:s5], $0x1  }
0xb2: {  	s4 =	sor.u32 @!p0 s4, s6;
	[sflag:s5] =	ssyncadd.s32 @!p0 $0xFFFFFFFF  }
0xb3: {  	s25 =	simm.s32 $0x1B8E;
	s24 =	sld [smem:$0x3FFE];
	[sflag:s4] =	ssyncadd.remote.s32 @!p0 $0x1  }
0xb4: {  	s26 =	simm.s32 $execute0_lowered;
	[smem:$0x3FD2] =	sst s25  }
0xb5: {  	s5 =	sshll.u32 s26, $0x1;
	_ =	strace $0x80000055;
	[dreg:$0x1] =	wrdreg $0xFFFFFFFF  }
0xb6: {  	s28 =	simm.s32 $_size_execute0_lowered;
	s3 =	sadd.s32 s3, s5;
	[dreg:$0x0] =	wrdreg $0x0  }
0xb7: {  	s5 =	sshll.u32 s28, $0x1;
	[dreg:$0x2] =	wrdreg s3  }
0xb8: {  	[dreg:$0x3] =	wrdreg s5  }
0xb9: {  	[dreg:$0x4] =	wrdreg $0xC0  }
0xba: {  	_ =	task [dreg:s22], $0x5FFFF  }
0xbb: {  	[dreg:$0x1] =	wrdreg $0xFFFFFFFF  }
0xbc: {  	[dreg:$0x0] =	wrdreg $0x60  }
0xbd: {  	[dreg:$0x2] =	wrdreg s24  }
0xbe: {  	[dreg:$0x3] =	wrdreg $0x41000  }
0xbf: {  	[dreg:$0x4] =	wrdreg $0x9  }
0xc0: {  	_ =	task.clear_ibuf [dreg:s22], $0x5FFFF;
	_ =	strace $0x90000055  }
0xc1: {  	s29 =	simm.s32 $0x9;
	_ =	strace $0x80000057  }
0xc2: {  	_ =	swait.ge [sflag:s29], $0x1  }
0xc3: {  	[sflag:s29] =	ssyncadd.s32 $0xFFFFFFFF  }
0xc4: {  	_ =	strace $0x90000057  }
0xc5: {  	_ =	sfence  }
0xc6: {  	s30 =	sld [smem:$0x0];
	_ =	sdelay $0x2  }
0xc7: {  	s31 =	sshll.u32 s1, $0xD;
	s1 =	sshrl.u32 s1, $0x2  }
0xc8: {  	s4 =	sand.u32 $0x4000, s31;
	s1 =	sadd.s32 s1, s30  }
0xc9: {  	s0 =	sor.u32 s4, s0;
	s1 =	sshll.u32 s1, $0x11  }
0xca: {  	s0 =	sor.u32 s1, s0  }
0xcb: {  	s0 =	sadd.s32 $0x8F2B, s0  }
0xcc: {  	[sflag:s0] =	ssyncadd.remote.s32 $0x1  }
0xcd: {  	_ =	sfence.sel $0xFFFF  }
0xce: {  	[dreg:$0x0] =	wrdreg $0xFFFFFFFF;
	(pc) =	sbr.abs _section_cstart, $3  }
0xcf: {  	[dreg:$0x1] =	wrdreg $0xFFFFFFFF  }
0xd0: {  	_ =	task.clear_ibuf [dreg:s22], $0x2FFFF;
	_ =	strace $0x9FFFFFFF  }
0xd1: {  	(tm) =	ssettm $0x7FFFFFFF  }
tec
execute0_lowered:
.L_overlay_start_1:
0x0: {  	(tag) =	ssettag $0x1  }
0x1: {  	s8 =	rddreg [dreg:$0x0]  }
0x2: {  	s1 =	rddreg [dreg:$0x1]  }
0x3: {  	s2 =	srdreg.scid;
	s0 =	rddreg [dreg:$0x2]  }
0x4: {  	s3 =	simm.s32 $0x0;
	s15 =	simm.s32 $0x100;
	s16 =	simm.s32 $0x1  }
0x5: {  	s17 =	simm.s32 $0x0;
	s9 =	sand.u32 $0x1, s2;
	s2 =	stileid.u32  }
0x6: {  	[smem:$0x7FF] =	sst s3;
	s4 =	sadd.s32 $0x95200, s8;
	s7 =	smul.u32 $0x140000, s9  }
0x7: {  	s5 =	sadd.s32 $0x63200, s8;
	s6 =	sadd.s32 $0x6200, s8;
	s10 =	smul.u32 $0x14000, s2  }
0x8: {  	_ =	strace $0x80000056;
	s26 =	ssub.s32 $0x2, s9;
	s13 =	smul.u32 $0x50000, s2  }
0x9: {  	s28 =	sshll.u32 s9, $0x4;
	s30 =	sshll.u32 s2, $0x6;
	s12 =	sshrl.u32 s26, $0x1  }
0xa: {  	s31 =	sor.u32 s2, s28;
	s7 =	sadd.s32 s10, s7;
	s12 =	ssub.s32 s26, s12  }
0xb: {  	s29 =	sshrl.u32 s13, $0x2;
	s9 =	smul.u32 $0x2800, s31;
	s11 =	sshrl.u32 s7, $0x3  }
0xc: {  	s13 =	simm.s32 $0x2;
	s7 =	sadd.s32 $0x10200, s8;
	s11 =	sadd.s32 s11, s8  }
0xd: {  	s14 =	sadd.s32 s29, s1;
	s8 =	sor.u32 $0x1C02, s30;
	s10 =	sadd.s32 $0x10D200, s11  }
0xe: {  	s11 =	smax.u32 s12, $0x1;
	s12 =	sshrl.u32 s14, $0x3;
	s14 =	simm.s32 $0x80  }
.LBB2_1:
0xf: {  	[spmem:s12], [sflag:s8] =	dma.local [hbm:s7], $0x2800  }
0x10: {  	s18 =	sand.u32 $0x3C00, s3  }
0x11: {  	s19 =	sand.u32 $0x380, s3;
	_ =	swait.ge [sflag:s13], $0x2800;
	s18 =	sadd.s32 s9, s18  }
0x12: {  	[sflag:s13] =	ssyncset.done $0x0;
	s18 =	sor.u32 s19, s18  }
0x13: {  	[sflag:s13] =	ssyncadd.s32 $0xFFFFD800;
	s18 =	sshrl.u32 s18, $0x3  }
0x14: {  	[bflag:$0x0] =	sbarrier.arrive $0xFFFF;
	s29 =	sadd.s32 s5, s18  }
0x15: {  	[tilespmem:s3], [sflag:$0x2] =	stream.linear.gather [hbm4b:s29+s3], $0x80, $0x38;
	[tilespmem:$0x18100] =	vst v63  }
0x16: {  	_ =	swait.ge [sflag:s13], $0x80  }
0x17: {  	[sflag:s13] =	ssyncset.done $0x0  }
0x18: {  	[sflag:s13] =	ssyncadd.s32 $0xFFFFFF80  }
0x19: {  	[tilespmem:s15], [sflag:$0x1] =	stream.indirect.gather [hbm4b:s4+s14], $0x80, s3, s14, $0xb8;
	[tilespmem:$0x18100] =	vst v63  }
0x1a: {  	_ =	swait.ge [sflag:s16], $0x4000  }
0x1b: {  	[sflag:s16] =	ssyncset.done $0x0  }
0x1c: {  	s18 =	sadd.s32 s6, s18;
	[sflag:s16] =	ssyncadd.s32 $0xFFFFC000  }
0x1d: {  	[tilespmem:s14], [sflag:$0x2] =	stream.linear.gather [hbm4b:s18+s3], $0x80, $0x38;
	[tilespmem:$0x18100] =	vst v63  }
0x1e: {  	_ =	swait.ge [sflag:s13], $0x80  }
0x1f: {  	s30 =	simm.s32 $0x80;
	[sflag:s13] =	ssyncset.done $0x0  }
0x20: {  	s31 =	sand.u32 $0x3C00, s30;
	[sflag:s13] =	ssyncadd.s32 $0xFFFFFF80  }
0x21: {  	[spmem:s1] =	stream.indirect.scatter.add.f32 [tilespmem:s15], [sflag:$0x2], $0x80, s14, s14, $0xb8;
	[tilespmem:$0x18100] =	vst v63  }
0x22: {  	s20 =	sand.u32 $0x380, s30;
	s19 =	sadd.s32 s9, s31;
	_ =	swait.ge [sflag:s13], $0x4000  }
0x23: {  	s19 =	sor.u32 s20, s19;
	s18 =	simm.s32 $0x100;
	[sflag:s13] =	ssyncset.done $0x0  }
.LBB2_2:
0x24: {  	s19 =	sshrl.u32 s19, $0x3  }
0x25: {  	[sflag:s13] =	ssyncadd.s32 $0xFFFFC000;
	s20 =	smov.u32 s18;
	s21 =	sadd.s32 $0x80, s18  }
0x26: {  	p0 =	sne.s32 s18, $0x2780;
	s18 =	sadd.s32 s5, s19  }
0x27: {  	[tilespmem:s3], [sflag:$0x2] =	stream.linear.gather [hbm4b:s18+s3], $0x80, $0x38;
	[tilespmem:$0x18100] =	vst v63  }
0x28: {  	_ =	swait.ge [sflag:s13], $0x80  }
0x29: {  	[sflag:s13] =	ssyncset.done $0x0  }
0x2a: {  	[sflag:s13] =	ssyncadd.s32 $0xFFFFFF80  }
0x2b: {  	[tilespmem:s15], [sflag:$0x1] =	stream.indirect.gather [hbm4b:s4+s14], $0x80, s3, s14, $0xb8;
	[tilespmem:$0x18100] =	vst v63  }
0x2c: {  	_ =	swait.ge [sflag:s16], $0x4000  }
0x2d: {  	[sflag:s16] =	ssyncset.done $0x0  }
0x2e: {  	s18 =	sadd.s32 s6, s19;
	[sflag:s16] =	ssyncadd.s32 $0xFFFFC000  }
0x2f: {  	[tilespmem:s14], [sflag:$0x2] =	stream.linear.gather [hbm4b:s18+s3], $0x80, $0x38;
	[tilespmem:$0x18100] =	vst v63  }
0x30: {  	_ =	swait.ge [sflag:s13], $0x80  }
.Ltmp0:
0x31: {  	[sflag:s13] =	ssyncset.done $0x0;
	(pc) =	sbr.rel @p0 .LBB2_2-.Ltmp0, $4  }
0x32: {  	s18 =	sand.u32 $0x3C00, s20;
	[sflag:s13] =	ssyncadd.s32 $0xFFFFFF80  }
0x33: {  	[spmem:s1] =	stream.indirect.scatter.add.f32 [tilespmem:s15], [sflag:$0x2], $0x80, s14, s14, $0xb8;
	[tilespmem:$0x18100] =	vst v63  }
0x34: {  	s19 =	sand.u32 $0x380, s20;
	s18 =	sadd.s32 s9, s18;
	_ =	swait.ge [sflag:s13], $0x4000  }
0x35: {  	s19 =	sor.u32 s19, s18;
	s18 =	smov.u32 s21;
	[sflag:s13] =	ssyncset.done $0x0  }
0x36: {  	s18 =	sshrl.u32 s19, $0x3  }
0x37: {  	[sflag:s13] =	ssyncadd.s32 $0xFFFFC000;
	s19 =	sadd.s32 s5, s18  }
0x38: {  	[tilespmem:s3], [sflag:$0x2] =	stream.linear.gather [hbm4b:s19+s3], $0x80, $0x38;
	[tilespmem:$0x18100] =	vst v63  }
0x39: {  	_ =	swait.ge [sflag:s13], $0x80  }
0x3a: {  	[sflag:s13] =	ssyncset.done $0x0  }
0x3b: {  	[sflag:s13] =	ssyncadd.s32 $0xFFFFFF80  }
0x3c: {  	[tilespmem:s15], [sflag:$0x1] =	stream.indirect.gather [hbm4b:s4+s14], $0x80, s3, s14, $0xb8;
	[tilespmem:$0x18100] =	vst v63  }
0x3d: {  	_ =	swait.ge [sflag:s16], $0x4000  }
0x3e: {  	[sflag:s16] =	ssyncset.done $0x0  }
0x3f: {  	s18 =	sadd.s32 s6, s18;
	[sflag:s16] =	ssyncadd.s32 $0xFFFFC000  }
0x40: {  	[tilespmem:s14], [sflag:$0x2] =	stream.linear.gather [hbm4b:s18+s3], $0x80, $0x38;
	[tilespmem:$0x18100] =	vst v63  }
0x41: {  	_ =	swait.ge [sflag:s13], $0x80  }
0x42: {  	[sflag:s13] =	ssyncset.done $0x0  }
0x43: {  	[sflag:s13] =	ssyncadd.s32 $0xFFFFFF80  }
0x44: {  	[spmem:s1] =	stream.indirect.scatter.add.f32 [tilespmem:s15], [sflag:$0x2], $0x80, s14, s14, $0xb8;
	[tilespmem:$0x18100] =	vst v63  }
0x45: {  	_ =	swait.ge [sflag:s13], $0x4000  }
0x46: {  	s17 =	sadd.s32 $0x1, s17;
	[sflag:s13] =	ssyncset.done $0x0  }
0x47: {  	p0 =	sne.s32 s17, s11;
	[sflag:s13] =	ssyncadd.s32 $0xFFFFC000  }
.Ltmp1:
0x48: {  	[bflag:$0x0] =	sbarrier.arrive $0xFFFF;
	(pc) =	sbr.rel @p0 .LBB2_1-.Ltmp1, $4  }
0x49: {  	[hbm:s10], [sflag:s8] =	dma.local [spmem:s12], $0x2800  }
0x4a: {  	_ =	swait.ge [sflag:s13], $0x2800  }
0x4b: {  	[sflag:s13] =	ssyncset.done $0x0  }
0x4c: {  	[sflag:s13] =	ssyncadd.s32 $0xFFFFD800  }
0x4d: {  	_ =	sfence.sel $0x180000  }
0x4e: {  	[bflag:$0x0] =	sbarrier.arrive $0xFFFF  }
0x4f: {  	p0 =	sne.s32 s2, $0x0;
	_ =	strace $0x90000056  }
0x50: {  	s0 =	sadd.s32 @!p0 $0x100000, s0;
	[bflag:$0x2] =	sbarrier.arrive $0xFFFF  }
0x51: {  	[sflag:s0] =	ssyncadd.tile.s32 @!p0 $0x1;
	_ =	shalt  }
.Lfunc_end2:
_tile_overlayer_lowered:
.L_overlay_start_2:
0x52: {  	(tag) =	ssettag $0x2  }
0x53: {  	s0 =	rddreg [dreg:$0x0];
	s2 =	stileid.u32  }
0x54: {  	s1 =	rddreg [dreg:$0x1];
	p0 =	sne.s32 s2, $0x0  }
0x55: {  	s3 =	rddreg [dreg:$0x2];
	[bflag:$0x3] =	sbarrier.arrive $0xFFFF;
	s2 =	simm.s32 @!p0 $0x1C02  }
0x56: {  	[timem:s3], [sflag:s2] =	dma.local @!p0 [hbm:s0], s1  }
0x57: {  	s0 =	simm.s32 @!p0 $0x2  }
0x58: {  	_ =	swait.ge @!p0 [sflag:s0], s1  }
0x59: {  	s1 =	ssub.s32 @!p0 $0x0, s1;
	[sflag:s0] =	ssyncset.done @!p0 $0x0  }
0x5a: {  	[sflag:s0] =	ssyncadd.s32 @!p0 s1  }
0x5b: {  	[bflag:$0x3] =	sbarrier.arrive $0xFFFF  }
0x5c: {  	_ =	shalt  }

// kernel: kernel.35.cloned.1.call-start
scs
__scs_entry_jumppad:
0x0: {  	(pc) =	sbr.rel $0x88, $3  }
0x1: {  	(tag) =	ssettag $0x0;
	lr =	simm.s32 $0x1  }
0x2: {  	[smem:$0x3F8E] =	sst lr;
	_ =	strace $0xD0000000  }
0x3: {  	_ = 	snop  }
0x4: {  	_ = 	snop  }
0x5: {  	_ = 	snop  }
0x6: {  	_ = 	snop  }
0x7: {  	_ = 	snop  }
__scs_overlays_trampoline_lowered:
0x8: {  	[smem:$0x3F9D] =	sst s0  }
0x9: {  	[smem:$0x3F9E] =	sst s1  }
0xa: {  	[smem:$0x3F9F] =	sst s2  }
0xb: {  	[smem:$0x3FA0] =	sst s3  }
0xc: {  	[smem:$0x3FA1] =	sst s4  }
0xd: {  	[smem:$0x3FA2] =	sst s5  }
0xe: {  	[smem:$0x3FA3] =	sst s6  }
0xf: {  	[smem:$0x3FA4] =	sst s7  }
0x10: {  	[smem:$0x3FA5] =	sst s8  }
0x11: {  	[smem:$0x3FA6] =	sst s9;
	s0 =	simm.s32 @!p0 $0x0  }
0x12: {  	s1 =	sld [smem:$0x3F8C];
	s0 =	simm.s32 @p0 $0x1  }
0x13: {  	[smem:$0x3FA7] =	sst s0;
	s0 =	simm.s32 @!p1 $0x0  }
0x14: {  	s2 =	sld [smem:$0x3F8B];
	s0 =	simm.s32 @p1 $0x1  }
0x15: {  	[smem:$0x3FA8] =	sst s0;
	s0 =	simm.s32 @!p2 $0x0  }
0x16: {  	s3 =	sld [smem:$0x3FDB];
	s0 =	simm.s32 @p2 $0x1  }
0x17: {  	s4 =	simm.s32 $0x1BF5;
	[smem:$0x3FAA] =	sst s0  }
0x18: {  	s0 =	sld [smem:$0x3F8D];
	_ =	swait.ge [sflag:s4], $0x0  }
0x19: {  	s7 =	sld [smem:$0x3F8E]  }
0x1a: {  	s8 =	sadd.s32 $0xFFFFE003, lr  }
0x1b: {  	s9 =	sadd.s32 $0xFFFFFEF7, lr;
	s5 =	simm.s32 $0xFFFFFFFF;
	p2 =	slt.u32 s8, $0xFFFFF086  }
0x1c: {  	p1 =	slt.u32 s9, $0xF7A;
	s5 =	simm.s32 @!p2 $0x0  }
0x1d: {  	s5 =	simm.s32 @p1 $0x1;
	p0 =	seq.s32 s7, s2  }
0x1e: {  	s7 =	smul.u32 @!p0 $0xF7A, s2;
	p2 =	seq.s32 @!p0 s5, $0x0  }
0x1f: {  	s9 =	smul.u32 $0xF7A, s1;
	s8 =	simm.s32 @!p0 $0x1BF5;
	p2 =	por !p2, p0  }
0x20: {  	[sflag:s8] =	ssyncset.s32 @!p0 $0xFFFFF086;
	s6 =	sadd.s32 @!p0 s3, s7;
	s7 =	simm.s32 @!p0 $0x108  }
0x21: {  	s3 =	sadd.s32 s3, s9;
	s6 =	sadd.s32 @!p0 $0x88, s6;
	s7 =	simm.s32 @p2 $0x1082  }
0x22: {  	[simem:s7], [sflag:s8] =	dma.local @!p0 [hbm:s6], $0xF7A  }
0x23: {  	s9 =	sor.u32 $0xD0000000, s2;
	s6 =	simm.s32 $0x108;
	_ =	swait.ge @!p0 [sflag:s8], $0x0  }
0x24: {  	s3 =	sadd.s32 $0x88, s3;
	s6 =	simm.s32 @!p1 $0x1082;
	[sflag:s4] =	ssyncset.s32 $0xFFFFF086  }
0x25: {  	[simem:s6], [sflag:s4] =	dma.local [hbm:s3], $0xF7A  }
0x26: {  	[smem:$0x3F8E] =	sst s1;
	(tag) =	ssettag s2;
	_ =	strace s9  }
0x27: {  	s1 =	sld [smem:$0x3F9E]  }
0x28: {  	s2 =	sld [smem:$0x3F9F]  }
0x29: {  	s4 =	sld [smem:$0x3FA1]  }
0x2a: {  	p0 =	seq.s32 s5, $0x0;
	s5 =	sld [smem:$0x3FA2]  }
0x2b: {  	s6 =	sld [smem:$0x3FA3]  }
0x2c: {  	s7 =	sld [smem:$0x3FA4]  }
0x2d: {  	s3 =	simm.s32 $0x108;
	s8 =	sld [smem:$0x3FA5]  }
0x2e: {  	s3 =	simm.s32 @!p0 $0x1082;
	s9 =	sld [smem:$0x3FA6]  }
0x2f: {  	lr =	sadd.s32 s0, s3;
	s0 =	sld [smem:$0x3F9D]  }
0x30: {  	s3 =	sld [smem:$0x3FA0]  }
0x31: {  	[smem:$0x3FA9] =	sst s10  }
0x32: {  	s10 =	sld [smem:$0x3FA7];
	_ =	sdelay $0x3  }
0x33: {  	p0 =	seq.s32 s10, $0x1;
	s10 =	sld [smem:$0x3FA9];
	_ =	sdelay $0x3  }
0x34: {  	[smem:$0x3FA9] =	sst s10  }
0x35: {  	s10 =	sld [smem:$0x3FA8];
	_ =	sdelay $0x3  }
0x36: {  	p1 =	seq.s32 s10, $0x1;
	s10 =	sld [smem:$0x3FA9];
	_ =	sdelay $0x3  }
0x37: {  	[smem:$0x3FA9] =	sst s10  }
0x38: {  	s10 =	sld [smem:$0x3FAA]  }
0x39: {  	_ = 	snop;
	(pc) =	sbr.ind lr, $3  }
0x3a: {  	_ = 	snop  }
0x3b: {  	_ = 	snop  }
0x3c: {  	p2 =	seq.s32 s10, $0x1;
	s10 =	sld [smem:$0x3FA9]  }
0x3d: {  	_ =	shalt  }
0x3e: {  	_ =	shalt  }
0x3f: {  	_ =	shalt  }
0x40: {  	_ =	shalt  }
0x41: {  	_ =	shalt  }
0x42: {  	_ =	shalt  }
0x43: {  	_ =	shalt  }
0x44: {  	_ =	shalt  }
0x45: {  	_ =	shalt  }
0x46: {  	_ =	shalt  }
0x47: {  	_ =	shalt  }
0x48: {  	_ =	shalt  }
0x49: {  	_ =	shalt  }
0x4a: {  	_ =	shalt  }
0x4b: {  	_ =	shalt  }
0x4c: {  	_ =	shalt  }
0x4d: {  	_ =	shalt  }
0x4e: {  	_ =	shalt  }
0x4f: {  	_ =	shalt  }
0x50: {  	_ =	shalt  }
0x51: {  	_ =	shalt  }
0x52: {  	_ =	shalt  }
0x53: {  	_ =	shalt  }
0x54: {  	_ =	shalt  }
0x55: {  	_ =	shalt  }
0x56: {  	_ =	shalt  }
0x57: {  	_ =	shalt  }
0x58: {  	_ =	shalt  }
0x59: {  	_ =	shalt  }
0x5a: {  	_ =	shalt  }
0x5b: {  	_ =	shalt  }
0x5c: {  	_ =	shalt  }
0x5d: {  	_ =	shalt  }
0x5e: {  	_ =	shalt  }
0x5f: {  	_ =	shalt  }
0x60: {  	_ =	shalt  }
0x61: {  	_ =	shalt  }
0x62: {  	_ =	shalt  }
0x63: {  	_ =	shalt  }
0x64: {  	_ =	shalt  }
0x65: {  	_ =	shalt  }
0x66: {  	_ =	shalt  }
0x67: {  	_ =	shalt  }
0x68: {  	_ =	shalt  }
0x69: {  	_ =	shalt  }
0x6a: {  	_ =	shalt  }
0x6b: {  	_ =	shalt  }
0x6c: {  	_ =	shalt  }
0x6d: {  	_ =	shalt  }
0x6e: {  	_ =	shalt  }
0x6f: {  	_ =	shalt  }
0x70: {  	_ =	shalt  }
0x71: {  	_ =	shalt  }
0x72: {  	_ =	shalt  }
0x73: {  	_ =	shalt  }
0x74: {  	_ =	shalt  }
0x75: {  	_ =	shalt  }
0x76: {  	_ =	shalt  }
0x77: {  	_ =	shalt  }
0x78: {  	_ =	shalt  }
0x79: {  	_ =	shalt  }
0x7a: {  	_ =	shalt  }
0x7b: {  	_ =	shalt  }
0x7c: {  	_ =	shalt  }
0x7d: {  	_ =	shalt  }
0x7e: {  	_ =	shalt  }
0x7f: {  	_ =	shalt  }
0x80: {  	_ =	shalt  }
0x81: {  	_ =	shalt  }
0x82: {  	_ =	shalt  }
0x83: {  	_ =	shalt  }
0x84: {  	_ =	shalt  }
0x85: {  	_ =	shalt  }
0x86: {  	_ =	shalt  }
0x87: {  	_ =	shalt  }
.Lfunc_end0:
.L_simem_size_0:
called_computation.5_lowered:
.L_overlay_start_0:
0x88: {  	s2 =	sld [smem:$0x3FD9]  }
0x89: {  	s3 =	sld [smem:$0x3FFE];
	_ =	sdelay $0x1  }
0x8a: {  	s1 =	srdreg.scid  }
0x8b: {  	s0 =	sand.u32 $0x1, s1  }
0x8c: {  	s16 =	sshll.u32 s0, $0xA;
	s2 =	sadd.s32 s3, s2  }
0x8d: {  	s2 =	sadd.s32 s2, s16  }
0x8e: {  	[smem:$0x3FB5] =	sst s2  }
0x8f: {  	_ = 	snop  }
0x90: {  	(tm) =	ssettm $0x1  }
0x91: {  	s17 =	sld [smem:$0x3FFB];
	_ =	sdelay $0x3  }
0x92: {  	_ =	strace s17  }
0x93: {  	s2 =	sld [smem:$0x3FFC];
	_ =	sdelay $0x3  }
0x94: {  	_ =	strace s2  }
0x95: {  	s2 =	sld [smem:$0x3FFD];
	_ =	sdelay $0x3  }
0x96: {  	_ =	strace s2  }
0x97: {  	_ =	strace $0x8FFFFFFF  }
0x98: {  	s18 =	sld [smem:$0x3FDB];
	_ =	sdelay $0x1  }
0x99: {  	s19 =	simm.s32 $_scs_section_size  }
0x9a: {  	s4 =	simm.s32 $_size__tile_overlayer_lowered;
	s5 =	simm.s32 $_tile_overlayer_lowered  }
0x9b: {  	s22 =	simm.s32 $0x1BFF;
	s21 =	sshll.u32 s5, $0x1;
	s2 =	sadd.s32 s19, s18  }
0x9c: {  	s6 =	simm.s32 $0x0;
	s20 =	sshll.u32 s4, $0x1;
	s4 =	sadd.s32 s21, s2  }
0x9d: {  	[timem:s6], [sflag:s22] =	dma.local [hbm:s4], s20  }
0x9e: {  	_ =	swait.ge [sflag:s22], s20  }
0x9f: {  	s3 =	ssub.s32 $0x0, s20;
	[sflag:s22] =	ssyncset.done $0x0  }
0xa0: {  	[sflag:s22] =	ssyncadd.s32 s3;
	_ =	sdelay $0x1  }
0xa1: {  	s23 =	simm.s32 $0x1B8B  }
0xa2: {  	_ =	swait.ge [sflag:s23], $0x1  }
0xa3: {  	[sflag:s23] =	ssyncset.done $0x0  }
0xa4: {  	s25 =	simm.s32 $0x1B8E;
	s24 =	sld [smem:$0x3FFE];
	[sflag:s23] =	ssyncadd.s32 $0xFFFFFFFF  }
0xa5: {  	s26 =	simm.s32 $execute0_lowered;
	[smem:$0x3FD2] =	sst s25  }
0xa6: {  	s4 =	sshll.u32 s26, $0x1;
	_ =	strace $0x80000052;
	[dreg:$0x1] =	wrdreg $0xFFFFFFFF  }
0xa7: {  	s28 =	simm.s32 $_size_execute0_lowered;
	s2 =	sadd.s32 s2, s4;
	[dreg:$0x0] =	wrdreg $0x0  }
0xa8: {  	s4 =	sshll.u32 s28, $0x1;
	[dreg:$0x2] =	wrdreg s2  }
0xa9: {  	[dreg:$0x3] =	wrdreg s4  }
0xaa: {  	[dreg:$0x4] =	wrdreg $0xC0  }
0xab: {  	_ =	task [dreg:s6], $0x5FFFF  }
0xac: {  	[dreg:$0x1] =	wrdreg $0xFFFFFFFF  }
0xad: {  	[dreg:$0x0] =	wrdreg $0x60  }
0xae: {  	[dreg:$0x2] =	wrdreg s24  }
0xaf: {  	[dreg:$0x3] =	wrdreg $0x41000  }
0xb0: {  	[dreg:$0x4] =	wrdreg $0xA  }
0xb1: {  	_ =	task.clear_ibuf [dreg:s6], $0x5FFFF;
	_ =	strace $0x90000052  }
0xb2: {  	s29 =	simm.s32 $0xA;
	_ =	strace $0x80000054  }
0xb3: {  	_ =	swait.ge [sflag:s29], $0x1  }
0xb4: {  	[sflag:s29] =	ssyncadd.s32 $0xFFFFFFFF  }
0xb5: {  	_ =	strace $0x90000054  }
0xb6: {  	_ =	sfence  }
0xb7: {  	s30 =	sld [smem:$0x0];
	_ =	sdelay $0x2  }
0xb8: {  	s31 =	sshll.u32 s1, $0xD;
	s1 =	sshrl.u32 s1, $0x2  }
0xb9: {  	s3 =	sand.u32 $0x4000, s31;
	s1 =	sadd.s32 s1, s30  }
0xba: {  	s0 =	sor.u32 s3, s0;
	s1 =	sshll.u32 s1, $0x11  }
0xbb: {  	s0 =	sor.u32 s1, s0  }
0xbc: {  	s0 =	sadd.s32 $0x8F2B, s0  }
0xbd: {  	[sflag:s0] =	ssyncadd.remote.s32 $0x1  }
0xbe: {  	_ =	sfence.sel $0xFFFF  }
0xbf: {  	[dreg:$0x0] =	wrdreg $0xFFFFFFFF;
	(pc) =	sbr.abs _section_cstart, $3  }
0xc0: {  	[dreg:$0x1] =	wrdreg $0xFFFFFFFF  }
0xc1: {  	_ =	task.clear_ibuf [dreg:s6], $0x2FFFF;
	_ =	strace $0x9FFFFFFF  }
0xc2: {  	(tm) =	ssettm $0x7FFFFFFF  }
0xc3: {  	_ =	shalt  }
tec
execute0_lowered:
.L_overlay_start_1:
0x0: {  	(tag) =	ssettag $0x1  }
0x1: {  	s8 =	rddreg [dreg:$0x0]  }
0x2: {  	s1 =	rddreg [dreg:$0x1]  }
0x3: {  	s2 =	srdreg.scid;
	s0 =	rddreg [dreg:$0x2]  }
0x4: {  	s3 =	simm.s32 $0x0;
	s15 =	simm.s32 $0x100;
	s16 =	simm.s32 $0x1  }
0x5: {  	s17 =	simm.s32 $0x0;
	s9 =	sand.u32 $0x1, s2;
	s2 =	stileid.u32  }
0x6: {  	[smem:$0x7FF] =	sst s3;
	s4 =	sadd.s32 $0x6D200, s8;
	s7 =	smul.u32 $0x140000, s9  }
0x7: {  	s5 =	sadd.s32 $0x63200, s8;
	s6 =	sadd.s32 $0x6200, s8;
	s10 =	smul.u32 $0x14000, s2  }
0x8: {  	_ =	strace $0x80000053;
	s26 =	ssub.s32 $0x2, s9;
	s13 =	smul.u32 $0x50000, s2  }
0x9: {  	s28 =	sshll.u32 s9, $0x4;
	s30 =	sshll.u32 s2, $0x6;
	s12 =	sshrl.u32 s26, $0x1  }
0xa: {  	s31 =	sor.u32 s2, s28;
	s7 =	sadd.s32 s10, s7;
	s12 =	ssub.s32 s26, s12  }
0xb: {  	s29 =	sshrl.u32 s13, $0x2;
	s9 =	smul.u32 $0x2800, s31;
	s11 =	sshrl.u32 s7, $0x3  }
0xc: {  	s13 =	simm.s32 $0x2;
	s7 =	sadd.s32 $0x10200, s8;
	s11 =	sadd.s32 s11, s8  }
0xd: {  	s14 =	sadd.s32 s29, s1;
	s8 =	sor.u32 $0x1C02, s30;
	s10 =	sadd.s32 $0xBD200, s11  }
0xe: {  	s11 =	smax.u32 s12, $0x1;
	s12 =	sshrl.u32 s14, $0x3;
	s14 =	simm.s32 $0x80  }
.LBB2_1:
0xf: {  	[spmem:s12], [sflag:s8] =	dma.local [hbm:s7], $0x2800  }
0x10: {  	s18 =	sand.u32 $0x3C00, s3  }
0x11: {  	s19 =	sand.u32 $0x380, s3;
	_ =	swait.ge [sflag:s13], $0x2800;
	s18 =	sadd.s32 s9, s18  }
0x12: {  	[sflag:s13] =	ssyncset.done $0x0;
	s18 =	sor.u32 s19, s18  }
0x13: {  	[sflag:s13] =	ssyncadd.s32 $0xFFFFD800;
	s18 =	sshrl.u32 s18, $0x3  }
0x14: {  	[bflag:$0x0] =	sbarrier.arrive $0xFFFF;
	s29 =	sadd.s32 s5, s18  }
0x15: {  	[tilespmem:s3], [sflag:$0x2] =	stream.linear.gather [hbm4b:s29+s3], $0x80, $0x38;
	[tilespmem:$0x18100] =	vst v63  }
0x16: {  	_ =	swait.ge [sflag:s13], $0x80  }
0x17: {  	[sflag:s13] =	ssyncset.done $0x0  }
0x18: {  	[sflag:s13] =	ssyncadd.s32 $0xFFFFFF80  }
0x19: {  	[tilespmem:s15], [sflag:$0x1] =	stream.indirect.gather [hbm4b:s4+s14], $0x80, s3, s14, $0xb8;
	[tilespmem:$0x18100] =	vst v63  }
0x1a: {  	_ =	swait.ge [sflag:s16], $0x4000  }
0x1b: {  	[sflag:s16] =	ssyncset.done $0x0  }
0x1c: {  	s18 =	sadd.s32 s6, s18;
	[sflag:s16] =	ssyncadd.s32 $0xFFFFC000  }
0x1d: {  	[tilespmem:s14], [sflag:$0x2] =	stream.linear.gather [hbm4b:s18+s3], $0x80, $0x38;
	[tilespmem:$0x18100] =	vst v63  }
0x1e: {  	_ =	swait.ge [sflag:s13], $0x80  }
0x1f: {  	s30 =	simm.s32 $0x80;
	[sflag:s13] =	ssyncset.done $0x0  }
0x20: {  	s31 =	sand.u32 $0x3C00, s30;
	[sflag:s13] =	ssyncadd.s32 $0xFFFFFF80  }
0x21: {  	[spmem:s1] =	stream.indirect.scatter.add.f32 [tilespmem:s15], [sflag:$0x2], $0x80, s14, s14, $0xb8;
	[tilespmem:$0x18100] =	vst v63  }
0x22: {  	s20 =	sand.u32 $0x380, s30;
	s19 =	sadd.s32 s9, s31;
	_ =	swait.ge [sflag:s13], $0x4000  }
0x23: {  	s19 =	sor.u32 s20, s19;
	s18 =	simm.s32 $0x100;
	[sflag:s13] =	ssyncset.done $0x0  }
.LBB2_2:
0x24: {  	s19 =	sshrl.u32 s19, $0x3  }
0x25: {  	[sflag:s13] =	ssyncadd.s32 $0xFFFFC000;
	s20 =	smov.u32 s18;
	s21 =	sadd.s32 $0x80, s18  }
0x26: {  	p0 =	sne.s32 s18, $0x2780;
	s18 =	sadd.s32 s5, s19  }
0x27: {  	[tilespmem:s3], [sflag:$0x2] =	stream.linear.gather [hbm4b:s18+s3], $0x80, $0x38;
	[tilespmem:$0x18100] =	vst v63  }
0x28: {  	_ =	swait.ge [sflag:s13], $0x80  }
0x29: {  	[sflag:s13] =	ssyncset.done $0x0  }
0x2a: {  	[sflag:s13] =	ssyncadd.s32 $0xFFFFFF80  }
0x2b: {  	[tilespmem:s15], [sflag:$0x1] =	stream.indirect.gather [hbm4b:s4+s14], $0x80, s3, s14, $0xb8;
	[tilespmem:$0x18100] =	vst v63  }
0x2c: {  	_ =	swait.ge [sflag:s16], $0x4000  }
0x2d: {  	[sflag:s16] =	ssyncset.done $0x0  }
0x2e: {  	s18 =	sadd.s32 s6, s19;
	[sflag:s16] =	ssyncadd.s32 $0xFFFFC000  }
0x2f: {  	[tilespmem:s14], [sflag:$0x2] =	stream.linear.gather [hbm4b:s18+s3], $0x80, $0x38;
	[tilespmem:$0x18100] =	vst v63  }
0x30: {  	_ =	swait.ge [sflag:s13], $0x80  }
.Ltmp0:
0x31: {  	[sflag:s13] =	ssyncset.done $0x0;
	(pc) =	sbr.rel @p0 .LBB2_2-.Ltmp0, $4  }
0x32: {  	s18 =	sand.u32 $0x3C00, s20;
	[sflag:s13] =	ssyncadd.s32 $0xFFFFFF80  }
0x33: {  	[spmem:s1] =	stream.indirect.scatter.add.f32 [tilespmem:s15], [sflag:$0x2], $0x80, s14, s14, $0xb8;
	[tilespmem:$0x18100] =	vst v63  }
0x34: {  	s19 =	sand.u32 $0x380, s20;
	s18 =	sadd.s32 s9, s18;
	_ =	swait.ge [sflag:s13], $0x4000  }
0x35: {  	s19 =	sor.u32 s19, s18;
	s18 =	smov.u32 s21;
	[sflag:s13] =	ssyncset.done $0x0  }
0x36: {  	s18 =	sshrl.u32 s19, $0x3  }
0x37: {  	[sflag:s13] =	ssyncadd.s32 $0xFFFFC000;
	s19 =	sadd.s32 s5, s18  }
0x38: {  	[tilespmem:s3], [sflag:$0x2] =	stream.linear.gather [hbm4b:s19+s3], $0x80, $0x38;
	[tilespmem:$0x18100] =	vst v63  }
0x39: {  	_ =	swait.ge [sflag:s13], $0x80  }
0x3a: {  	[sflag:s13] =	ssyncset.done $0x0  }
0x3b: {  	[sflag:s13] =	ssyncadd.s32 $0xFFFFFF80  }
0x3c: {  	[tilespmem:s15], [sflag:$0x1] =	stream.indirect.gather [hbm4b:s4+s14], $0x80, s3, s14, $0xb8;
	[tilespmem:$0x18100] =	vst v63  }
0x3d: {  	_ =	swait.ge [sflag:s16], $0x4000  }
0x3e: {  	[sflag:s16] =	ssyncset.done $0x0  }
0x3f: {  	s18 =	sadd.s32 s6, s18;
	[sflag:s16] =	ssyncadd.s32 $0xFFFFC000  }
0x40: {  	[tilespmem:s14], [sflag:$0x2] =	stream.linear.gather [hbm4b:s18+s3], $0x80, $0x38;
	[tilespmem:$0x18100] =	vst v63  }
0x41: {  	_ =	swait.ge [sflag:s13], $0x80  }
0x42: {  	[sflag:s13] =	ssyncset.done $0x0  }
0x43: {  	[sflag:s13] =	ssyncadd.s32 $0xFFFFFF80  }
0x44: {  	[spmem:s1] =	stream.indirect.scatter.add.f32 [tilespmem:s15], [sflag:$0x2], $0x80, s14, s14, $0xb8;
	[tilespmem:$0x18100] =	vst v63  }
0x45: {  	_ =	swait.ge [sflag:s13], $0x4000  }
0x46: {  	s17 =	sadd.s32 $0x1, s17;
	[sflag:s13] =	ssyncset.done $0x0  }
0x47: {  	p0 =	sne.s32 s17, s11;
	[sflag:s13] =	ssyncadd.s32 $0xFFFFC000  }
.Ltmp1:
0x48: {  	[bflag:$0x0] =	sbarrier.arrive $0xFFFF;
	(pc) =	sbr.rel @p0 .LBB2_1-.Ltmp1, $4  }
0x49: {  	[hbm:s10], [sflag:s8] =	dma.local [spmem:s12], $0x2800  }
0x4a: {  	_ =	swait.ge [sflag:s13], $0x2800  }
0x4b: {  	[sflag:s13] =	ssyncset.done $0x0  }
0x4c: {  	[sflag:s13] =	ssyncadd.s32 $0xFFFFD800  }
0x4d: {  	_ =	sfence.sel $0x180000  }
0x4e: {  	[bflag:$0x0] =	sbarrier.arrive $0xFFFF  }
0x4f: {  	p0 =	sne.s32 s2, $0x0;
	_ =	strace $0x90000053  }
0x50: {  	s0 =	sadd.s32 @!p0 $0x100000, s0;
	[bflag:$0x2] =	sbarrier.arrive $0xFFFF  }
0x51: {  	[sflag:s0] =	ssyncadd.tile.s32 @!p0 $0x1;
	_ =	shalt  }
.Lfunc_end2:
_tile_overlayer_lowered:
.L_overlay_start_2:
0x52: {  	(tag) =	ssettag $0x2  }
0x53: {  	s0 =	rddreg [dreg:$0x0];
	s2 =	stileid.u32  }
0x54: {  	s1 =	rddreg [dreg:$0x1];
	p0 =	sne.s32 s2, $0x0  }
0x55: {  	s3 =	rddreg [dreg:$0x2];
	[bflag:$0x3] =	sbarrier.arrive $0xFFFF;
	s2 =	simm.s32 @!p0 $0x1C02  }
0x56: {  	[timem:s3], [sflag:s2] =	dma.local @!p0 [hbm:s0], s1  }
0x57: {  	s0 =	simm.s32 @!p0 $0x2  }
0x58: {  	_ =	swait.ge @!p0 [sflag:s0], s1  }
0x59: {  	s1 =	ssub.s32 @!p0 $0x0, s1;
	[sflag:s0] =	ssyncset.done @!p0 $0x0  }
0x5a: {  	[sflag:s0] =	ssyncadd.s32 @!p0 s1  }
0x5b: {  	[bflag:$0x3] =	sbarrier.arrive $0xFFFF  }
0x5c: {  	_ =	shalt  }

// kernel: kernel.38.cloned.1.call-start
scs
__scs_entry_jumppad:
0x0: {  	(pc) =	sbr.rel $0x88, $3  }
0x1: {  	(tag) =	ssettag $0x0;
	lr =	simm.s32 $0x1  }
0x2: {  	[smem:$0x3F8E] =	sst lr;
	_ =	strace $0xD0000000  }
0x3: {  	_ = 	snop  }
0x4: {  	_ = 	snop  }
0x5: {  	_ = 	snop  }
0x6: {  	_ = 	snop  }
0x7: {  	_ = 	snop  }
__scs_overlays_trampoline_lowered:
0x8: {  	[smem:$0x3F9D] =	sst s0  }
0x9: {  	[smem:$0x3F9E] =	sst s1  }
0xa: {  	[smem:$0x3F9F] =	sst s2  }
0xb: {  	[smem:$0x3FA0] =	sst s3  }
0xc: {  	[smem:$0x3FA1] =	sst s4  }
0xd: {  	[smem:$0x3FA2] =	sst s5  }
0xe: {  	[smem:$0x3FA3] =	sst s6  }
0xf: {  	[smem:$0x3FA4] =	sst s7  }
0x10: {  	[smem:$0x3FA5] =	sst s8  }
0x11: {  	[smem:$0x3FA6] =	sst s9;
	s0 =	simm.s32 @!p0 $0x0  }
0x12: {  	s1 =	sld [smem:$0x3F8C];
	s0 =	simm.s32 @p0 $0x1  }
0x13: {  	[smem:$0x3FA7] =	sst s0;
	s0 =	simm.s32 @!p1 $0x0  }
0x14: {  	s2 =	sld [smem:$0x3F8B];
	s0 =	simm.s32 @p1 $0x1  }
0x15: {  	[smem:$0x3FA8] =	sst s0;
	s0 =	simm.s32 @!p2 $0x0  }
0x16: {  	s3 =	sld [smem:$0x3FDB];
	s0 =	simm.s32 @p2 $0x1  }
0x17: {  	s4 =	simm.s32 $0x1BF5;
	[smem:$0x3FAA] =	sst s0  }
0x18: {  	s0 =	sld [smem:$0x3F8D];
	_ =	swait.ge [sflag:s4], $0x0  }
0x19: {  	s7 =	sld [smem:$0x3F8E]  }
0x1a: {  	s8 =	sadd.s32 $0xFFFFE003, lr  }
0x1b: {  	s9 =	sadd.s32 $0xFFFFFEF7, lr;
	s5 =	simm.s32 $0xFFFFFFFF;
	p2 =	slt.u32 s8, $0xFFFFF086  }
0x1c: {  	p1 =	slt.u32 s9, $0xF7A;
	s5 =	simm.s32 @!p2 $0x0  }
0x1d: {  	s5 =	simm.s32 @p1 $0x1;
	p0 =	seq.s32 s7, s2  }
0x1e: {  	s7 =	smul.u32 @!p0 $0xF7A, s2;
	p2 =	seq.s32 @!p0 s5, $0x0  }
0x1f: {  	s9 =	smul.u32 $0xF7A, s1;
	s8 =	simm.s32 @!p0 $0x1BF5;
	p2 =	por !p2, p0  }
0x20: {  	[sflag:s8] =	ssyncset.s32 @!p0 $0xFFFFF086;
	s6 =	sadd.s32 @!p0 s3, s7;
	s7 =	simm.s32 @!p0 $0x108  }
0x21: {  	s3 =	sadd.s32 s3, s9;
	s6 =	sadd.s32 @!p0 $0x88, s6;
	s7 =	simm.s32 @p2 $0x1082  }
0x22: {  	[simem:s7], [sflag:s8] =	dma.local @!p0 [hbm:s6], $0xF7A  }
0x23: {  	s9 =	sor.u32 $0xD0000000, s2;
	s6 =	simm.s32 $0x108;
	_ =	swait.ge @!p0 [sflag:s8], $0x0  }
0x24: {  	s3 =	sadd.s32 $0x88, s3;
	s6 =	simm.s32 @!p1 $0x1082;
	[sflag:s4] =	ssyncset.s32 $0xFFFFF086  }
0x25: {  	[simem:s6], [sflag:s4] =	dma.local [hbm:s3], $0xF7A  }
0x26: {  	[smem:$0x3F8E] =	sst s1;
	(tag) =	ssettag s2;
	_ =	strace s9  }
0x27: {  	s1 =	sld [smem:$0x3F9E]  }
0x28: {  	s2 =	sld [smem:$0x3F9F]  }
0x29: {  	s4 =	sld [smem:$0x3FA1]  }
0x2a: {  	p0 =	seq.s32 s5, $0x0;
	s5 =	sld [smem:$0x3FA2]  }
0x2b: {  	s6 =	sld [smem:$0x3FA3]  }
0x2c: {  	s7 =	sld [smem:$0x3FA4]  }
0x2d: {  	s3 =	simm.s32 $0x108;
	s8 =	sld [smem:$0x3FA5]  }
0x2e: {  	s3 =	simm.s32 @!p0 $0x1082;
	s9 =	sld [smem:$0x3FA6]  }
0x2f: {  	lr =	sadd.s32 s0, s3;
	s0 =	sld [smem:$0x3F9D]  }
0x30: {  	s3 =	sld [smem:$0x3FA0]  }
0x31: {  	[smem:$0x3FA9] =	sst s10  }
0x32: {  	s10 =	sld [smem:$0x3FA7];
	_ =	sdelay $0x3  }
0x33: {  	p0 =	seq.s32 s10, $0x1;
	s10 =	sld [smem:$0x3FA9];
	_ =	sdelay $0x3  }
0x34: {  	[smem:$0x3FA9] =	sst s10  }
0x35: {  	s10 =	sld [smem:$0x3FA8];
	_ =	sdelay $0x3  }
0x36: {  	p1 =	seq.s32 s10, $0x1;
	s10 =	sld [smem:$0x3FA9];
	_ =	sdelay $0x3  }
0x37: {  	[smem:$0x3FA9] =	sst s10  }
0x38: {  	s10 =	sld [smem:$0x3FAA]  }
0x39: {  	_ = 	snop;
	(pc) =	sbr.ind lr, $3  }
0x3a: {  	_ = 	snop  }
0x3b: {  	_ = 	snop  }
0x3c: {  	p2 =	seq.s32 s10, $0x1;
	s10 =	sld [smem:$0x3FA9]  }
0x3d: {  	_ =	shalt  }
0x3e: {  	_ =	shalt  }
0x3f: {  	_ =	shalt  }
0x40: {  	_ =	shalt  }
0x41: {  	_ =	shalt  }
0x42: {  	_ =	shalt  }
0x43: {  	_ =	shalt  }
0x44: {  	_ =	shalt  }
0x45: {  	_ =	shalt  }
0x46: {  	_ =	shalt  }
0x47: {  	_ =	shalt  }
0x48: {  	_ =	shalt  }
0x49: {  	_ =	shalt  }
0x4a: {  	_ =	shalt  }
0x4b: {  	_ =	shalt  }
0x4c: {  	_ =	shalt  }
0x4d: {  	_ =	shalt  }
0x4e: {  	_ =	shalt  }
0x4f: {  	_ =	shalt  }
0x50: {  	_ =	shalt  }
0x51: {  	_ =	shalt  }
0x52: {  	_ =	shalt  }
0x53: {  	_ =	shalt  }
0x54: {  	_ =	shalt  }
0x55: {  	_ =	shalt  }
0x56: {  	_ =	shalt  }
0x57: {  	_ =	shalt  }
0x58: {  	_ =	shalt  }
0x59: {  	_ =	shalt  }
0x5a: {  	_ =	shalt  }
0x5b: {  	_ =	shalt  }
0x5c: {  	_ =	shalt  }
0x5d: {  	_ =	shalt  }
0x5e: {  	_ =	shalt  }
0x5f: {  	_ =	shalt  }
0x60: {  	_ =	shalt  }
0x61: {  	_ =	shalt  }
0x62: {  	_ =	shalt  }
0x63: {  	_ =	shalt  }
0x64: {  	_ =	shalt  }
0x65: {  	_ =	shalt  }
0x66: {  	_ =	shalt  }
0x67: {  	_ =	shalt  }
0x68: {  	_ =	shalt  }
0x69: {  	_ =	shalt  }
0x6a: {  	_ =	shalt  }
0x6b: {  	_ =	shalt  }
0x6c: {  	_ =	shalt  }
0x6d: {  	_ =	shalt  }
0x6e: {  	_ =	shalt  }
0x6f: {  	_ =	shalt  }
0x70: {  	_ =	shalt  }
0x71: {  	_ =	shalt  }
0x72: {  	_ =	shalt  }
0x73: {  	_ =	shalt  }
0x74: {  	_ =	shalt  }
0x75: {  	_ =	shalt  }
0x76: {  	_ =	shalt  }
0x77: {  	_ =	shalt  }
0x78: {  	_ =	shalt  }
0x79: {  	_ =	shalt  }
0x7a: {  	_ =	shalt  }
0x7b: {  	_ =	shalt  }
0x7c: {  	_ =	shalt  }
0x7d: {  	_ =	shalt  }
0x7e: {  	_ =	shalt  }
0x7f: {  	_ =	shalt  }
0x80: {  	_ =	shalt  }
0x81: {  	_ =	shalt  }
0x82: {  	_ =	shalt  }
0x83: {  	_ =	shalt  }
0x84: {  	_ =	shalt  }
0x85: {  	_ =	shalt  }
0x86: {  	_ =	shalt  }
0x87: {  	_ =	shalt  }
.Lfunc_end0:
.L_simem_size_0:
called_computation.6_lowered:
.L_overlay_start_0:
0x88: {  	s2 =	sld [smem:$0x3FD9]  }
0x89: {  	s3 =	sld [smem:$0x3FFE];
	_ =	sdelay $0x1  }
0x8a: {  	s1 =	srdreg.scid  }
0x8b: {  	s0 =	sand.u32 $0x1, s1  }
0x8c: {  	s17 =	sshll.u32 s0, $0xA;
	s2 =	sadd.s32 s3, s2  }
0x8d: {  	s2 =	sadd.s32 s2, s17  }
0x8e: {  	[smem:$0x3FB5] =	sst s2  }
0x8f: {  	_ = 	snop  }
0x90: {  	(tm) =	ssettm $0x1  }
0x91: {  	s18 =	sld [smem:$0x3FFB];
	_ =	sdelay $0x3  }
0x92: {  	_ =	strace s18  }
0x93: {  	s2 =	sld [smem:$0x3FFC];
	_ =	sdelay $0x3  }
0x94: {  	_ =	strace s2  }
0x95: {  	s2 =	sld [smem:$0x3FFD];
	_ =	sdelay $0x3  }
0x96: {  	_ =	strace s2  }
0x97: {  	_ =	strace $0x8FFFFFFF  }
0x98: {  	s19 =	sld [smem:$0x3FDB];
	_ =	sdelay $0x1  }
0x99: {  	s20 =	simm.s32 $_scs_section_size  }
0x9a: {  	s4 =	simm.s32 $_size__tile_overlayer_lowered;
	s5 =	simm.s32 $_tile_overlayer_lowered  }
0x9b: {  	s6 =	simm.s32 $0x1BFF;
	s21 =	sshll.u32 s5, $0x1;
	s3 =	sadd.s32 s20, s19  }
0x9c: {  	s22 =	simm.s32 $0x0;
	s4 =	sshll.u32 s4, $0x1;
	s5 =	sadd.s32 s21, s3  }
0x9d: {  	[timem:s22], [sflag:s6] =	dma.local [hbm:s5], s4  }
0x9e: {  	_ =	swait.ge [sflag:s6], s4  }
0x9f: {  	s4 =	ssub.s32 $0x0, s4;
	[sflag:s6] =	ssyncset.done $0x0  }
0xa0: {  	[sflag:s6] =	ssyncadd.s32 s4;
	_ =	sdelay $0x1  }
0xa1: {  	s23 =	simm.s32 $0x1B8B  }
0xa2: {  	_ =	swait.ge [sflag:s23], $0x1  }
0xa3: {  	[sflag:s23] =	ssyncset.done $0x0  }
0xa4: {  	[sflag:s23] =	ssyncadd.s32 $0xFFFFFFFF  }
0xa5: {  	s4 =	sld [smem:$0x0]  }
0xa6: {  	s5 =	sand.u32 $0xFFFFFFFE, s1  }
0xa7: {  	p0 =	sne.s32 s1, s5  }
0xa8: {  	s5 =	sshll.u32 @p0 s5, $0xE  }
0xa9: {  	s5 =	sadd.s32 @p0 $0x11B8D, s5;
	s6 =	sshll.u32 @p0 s4, $0x11  }
0xaa: {  	s5 =	sor.u32 @p0 s6, s5  }
0xab: {  	[sflag:s5] =	ssyncadd.remote.s32 @p0 $0x1;
	_ =	sdelay $0x1  }
0xac: {  	s5 =	simm.s32 @p0 $0x1B8D  }
0xad: {  	_ =	swait.eq @p0 [sflag:s5], $0x1  }
0xae: {  	[sflag:s5] =	ssyncadd.s32 @p0 $0xFFFFFFFF  }
0xaf: {  	s6 =	sshll.u32 @!p0 s1, $0xE  }
0xb0: {  	s6 =	sor.u32 @!p0 $0x4000, s6;
	s5 =	simm.s32 @!p0 $0x1B8D  }
0xb1: {  	s4 =	sshll.u32 @!p0 s4, $0x11;
	s6 =	sadd.s32 @!p0 $0x11B8D, s6;
	_ =	swait.eq @!p0 [sflag:s5], $0x1  }
0xb2: {  	s4 =	sor.u32 @!p0 s4, s6;
	[sflag:s5] =	ssyncadd.s32 @!p0 $0xFFFFFFFF  }
0xb3: {  	s25 =	simm.s32 $0x1B8E;
	s24 =	sld [smem:$0x3FFE];
	[sflag:s4] =	ssyncadd.remote.s32 @!p0 $0x1  }
0xb4: {  	s26 =	simm.s32 $execute0_lowered;
	[smem:$0x3FD2] =	sst s25  }
0xb5: {  	s5 =	sshll.u32 s26, $0x1;
	_ =	strace $0x80000061;
	[dreg:$0x1] =	wrdreg $0xFFFFFFFF  }
0xb6: {  	s28 =	simm.s32 $_size_execute0_lowered;
	s3 =	sadd.s32 s3, s5;
	[dreg:$0x0] =	wrdreg $0x0  }
0xb7: {  	s5 =	sshll.u32 s28, $0x1;
	[dreg:$0x2] =	wrdreg s3  }
0xb8: {  	[dreg:$0x3] =	wrdreg s5  }
0xb9: {  	[dreg:$0x4] =	wrdreg $0xC0  }
0xba: {  	_ =	task [dreg:s22], $0x5FFFF  }
0xbb: {  	[dreg:$0x1] =	wrdreg $0xFFFFFFFF  }
0xbc: {  	[dreg:$0x0] =	wrdreg $0x60  }
0xbd: {  	[dreg:$0x2] =	wrdreg s24  }
0xbe: {  	[dreg:$0x3] =	wrdreg $0x41000  }
0xbf: {  	[dreg:$0x4] =	wrdreg $0x9  }
0xc0: {  	_ =	task.clear_ibuf [dreg:s22], $0x5FFFF;
	_ =	strace $0x90000061  }
0xc1: {  	s29 =	simm.s32 $0x9;
	_ =	strace $0x80000063  }
0xc2: {  	_ =	swait.ge [sflag:s29], $0x1  }
0xc3: {  	[sflag:s29] =	ssyncadd.s32 $0xFFFFFFFF  }
0xc4: {  	_ =	strace $0x90000063  }
0xc5: {  	_ =	sfence  }
0xc6: {  	s30 =	sld [smem:$0x0];
	_ =	sdelay $0x2  }
0xc7: {  	s31 =	sshll.u32 s1, $0xD;
	s1 =	sshrl.u32 s1, $0x2  }
0xc8: {  	s4 =	sand.u32 $0x4000, s31;
	s1 =	sadd.s32 s1, s30  }
0xc9: {  	s0 =	sor.u32 s4, s0;
	s1 =	sshll.u32 s1, $0x11  }
0xca: {  	s0 =	sor.u32 s1, s0  }
0xcb: {  	s0 =	sadd.s32 $0x8F2B, s0  }
0xcc: {  	[sflag:s0] =	ssyncadd.remote.s32 $0x1  }
0xcd: {  	_ =	sfence.sel $0xFFFF  }
0xce: {  	[dreg:$0x0] =	wrdreg $0xFFFFFFFF;
	(pc) =	sbr.abs _section_cstart, $3  }
0xcf: {  	[dreg:$0x1] =	wrdreg $0xFFFFFFFF  }
0xd0: {  	_ =	task.clear_ibuf [dreg:s22], $0x2FFFF;
	_ =	strace $0x9FFFFFFF  }
0xd1: {  	(tm) =	ssettm $0x7FFFFFFF  }
tec
execute0_lowered:
.L_overlay_start_1:
0x0: {  	(tag) =	ssettag $0x1  }
0x1: {  	s8 =	rddreg [dreg:$0x0]  }
0x2: {  	s1 =	rddreg [dreg:$0x1]  }
0x3: {  	s2 =	srdreg.scid;
	s0 =	rddreg [dreg:$0x2]  }
0x4: {  	s3 =	simm.s32 $0x0;
	s15 =	simm.s32 $0x100;
	s16 =	simm.s32 $0x1  }
0x5: {  	s17 =	simm.s32 $0x0;
	s9 =	sand.u32 $0x1, s2;
	s2 =	stileid.u32  }
0x6: {  	[smem:$0x7FF] =	sst s3;
	s4 =	sadd.s32 $0x95200, s8;
	s7 =	smul.u32 $0x140000, s9  }
0x7: {  	s5 =	sadd.s32 $0x63200, s8;
	s6 =	sadd.s32 $0x6200, s8;
	s10 =	smul.u32 $0x14000, s2  }
0x8: {  	_ =	strace $0x80000062;
	s26 =	ssub.s32 $0x2, s9;
	s13 =	smul.u32 $0x50000, s2  }
0x9: {  	s28 =	sshll.u32 s9, $0x4;
	s30 =	sshll.u32 s2, $0x6;
	s12 =	sshrl.u32 s26, $0x1  }
0xa: {  	s31 =	sor.u32 s2, s28;
	s7 =	sadd.s32 s10, s7;
	s12 =	ssub.s32 s26, s12  }
0xb: {  	s29 =	sshrl.u32 s13, $0x2;
	s9 =	smul.u32 $0x2800, s31;
	s11 =	sshrl.u32 s7, $0x3  }
0xc: {  	s13 =	simm.s32 $0x2;
	s7 =	sadd.s32 $0x10200, s8;
	s11 =	sadd.s32 s11, s8  }
0xd: {  	s14 =	sadd.s32 s29, s1;
	s8 =	sor.u32 $0x1C02, s30;
	s10 =	sadd.s32 $0x24D200, s11  }
0xe: {  	s11 =	smax.u32 s12, $0x1;
	s12 =	sshrl.u32 s14, $0x3;
	s14 =	simm.s32 $0x80  }
.LBB2_1:
0xf: {  	[spmem:s12], [sflag:s8] =	dma.local [hbm:s7], $0x2800  }
0x10: {  	s18 =	sand.u32 $0x3C00, s3  }
0x11: {  	s19 =	sand.u32 $0x380, s3;
	_ =	swait.ge [sflag:s13], $0x2800;
	s18 =	sadd.s32 s9, s18  }
0x12: {  	[sflag:s13] =	ssyncset.done $0x0;
	s18 =	sor.u32 s19, s18  }
0x13: {  	[sflag:s13] =	ssyncadd.s32 $0xFFFFD800;
	s18 =	sshrl.u32 s18, $0x3  }
0x14: {  	[bflag:$0x0] =	sbarrier.arrive $0xFFFF;
	s29 =	sadd.s32 s5, s18  }
0x15: {  	[tilespmem:s3], [sflag:$0x2] =	stream.linear.gather [hbm4b:s29+s3], $0x80, $0x38;
	[tilespmem:$0x18100] =	vst v63  }
0x16: {  	_ =	swait.ge [sflag:s13], $0x80  }
0x17: {  	[sflag:s13] =	ssyncset.done $0x0  }
0x18: {  	[sflag:s13] =	ssyncadd.s32 $0xFFFFFF80  }
0x19: {  	[tilespmem:s15], [sflag:$0x1] =	stream.indirect.gather [hbm4b:s4+s14], $0x80, s3, s14, $0xb8;
	[tilespmem:$0x18100] =	vst v63  }
0x1a: {  	_ =	swait.ge [sflag:s16], $0x4000  }
0x1b: {  	[sflag:s16] =	ssyncset.done $0x0  }
0x1c: {  	s18 =	sadd.s32 s6, s18;
	[sflag:s16] =	ssyncadd.s32 $0xFFFFC000  }
0x1d: {  	[tilespmem:s14], [sflag:$0x2] =	stream.linear.gather [hbm4b:s18+s3], $0x80, $0x38;
	[tilespmem:$0x18100] =	vst v63  }
0x1e: {  	_ =	swait.ge [sflag:s13], $0x80  }
0x1f: {  	s30 =	simm.s32 $0x80;
	[sflag:s13] =	ssyncset.done $0x0  }
0x20: {  	s31 =	sand.u32 $0x3C00, s30;
	[sflag:s13] =	ssyncadd.s32 $0xFFFFFF80  }
0x21: {  	[spmem:s1] =	stream.indirect.scatter.add.f32 [tilespmem:s15], [sflag:$0x2], $0x80, s14, s14, $0xb8;
	[tilespmem:$0x18100] =	vst v63  }
0x22: {  	s20 =	sand.u32 $0x380, s30;
	s19 =	sadd.s32 s9, s31;
	_ =	swait.ge [sflag:s13], $0x4000  }
0x23: {  	s19 =	sor.u32 s20, s19;
	s18 =	simm.s32 $0x100;
	[sflag:s13] =	ssyncset.done $0x0  }
.LBB2_2:
0x24: {  	s19 =	sshrl.u32 s19, $0x3  }
0x25: {  	[sflag:s13] =	ssyncadd.s32 $0xFFFFC000;
	s20 =	smov.u32 s18;
	s21 =	sadd.s32 $0x80, s18  }
0x26: {  	p0 =	sne.s32 s18, $0x2780;
	s18 =	sadd.s32 s5, s19  }
0x27: {  	[tilespmem:s3], [sflag:$0x2] =	stream.linear.gather [hbm4b:s18+s3], $0x80, $0x38;
	[tilespmem:$0x18100] =	vst v63  }
0x28: {  	_ =	swait.ge [sflag:s13], $0x80  }
0x29: {  	[sflag:s13] =	ssyncset.done $0x0  }
0x2a: {  	[sflag:s13] =	ssyncadd.s32 $0xFFFFFF80  }
0x2b: {  	[tilespmem:s15], [sflag:$0x1] =	stream.indirect.gather [hbm4b:s4+s14], $0x80, s3, s14, $0xb8;
	[tilespmem:$0x18100] =	vst v63  }
0x2c: {  	_ =	swait.ge [sflag:s16], $0x4000  }
0x2d: {  	[sflag:s16] =	ssyncset.done $0x0  }
0x2e: {  	s18 =	sadd.s32 s6, s19;
	[sflag:s16] =	ssyncadd.s32 $0xFFFFC000  }
0x2f: {  	[tilespmem:s14], [sflag:$0x2] =	stream.linear.gather [hbm4b:s18+s3], $0x80, $0x38;
	[tilespmem:$0x18100] =	vst v63  }
0x30: {  	_ =	swait.ge [sflag:s13], $0x80  }
.Ltmp0:
0x31: {  	[sflag:s13] =	ssyncset.done $0x0;
	(pc) =	sbr.rel @p0 .LBB2_2-.Ltmp0, $4  }
0x32: {  	s18 =	sand.u32 $0x3C00, s20;
	[sflag:s13] =	ssyncadd.s32 $0xFFFFFF80  }
0x33: {  	[spmem:s1] =	stream.indirect.scatter.add.f32 [tilespmem:s15], [sflag:$0x2], $0x80, s14, s14, $0xb8;
	[tilespmem:$0x18100] =	vst v63  }
0x34: {  	s19 =	sand.u32 $0x380, s20;
	s18 =	sadd.s32 s9, s18;
	_ =	swait.ge [sflag:s13], $0x4000  }
0x35: {  	s19 =	sor.u32 s19, s18;
	s18 =	smov.u32 s21;
	[sflag:s13] =	ssyncset.done $0x0  }
0x36: {  	s18 =	sshrl.u32 s19, $0x3  }
0x37: {  	[sflag:s13] =	ssyncadd.s32 $0xFFFFC000;
	s19 =	sadd.s32 s5, s18  }
0x38: {  	[tilespmem:s3], [sflag:$0x2] =	stream.linear.gather [hbm4b:s19+s3], $0x80, $0x38;
	[tilespmem:$0x18100] =	vst v63  }
0x39: {  	_ =	swait.ge [sflag:s13], $0x80  }
0x3a: {  	[sflag:s13] =	ssyncset.done $0x0  }
0x3b: {  	[sflag:s13] =	ssyncadd.s32 $0xFFFFFF80  }
0x3c: {  	[tilespmem:s15], [sflag:$0x1] =	stream.indirect.gather [hbm4b:s4+s14], $0x80, s3, s14, $0xb8;
	[tilespmem:$0x18100] =	vst v63  }
0x3d: {  	_ =	swait.ge [sflag:s16], $0x4000  }
0x3e: {  	[sflag:s16] =	ssyncset.done $0x0  }
0x3f: {  	s18 =	sadd.s32 s6, s18;
	[sflag:s16] =	ssyncadd.s32 $0xFFFFC000  }
0x40: {  	[tilespmem:s14], [sflag:$0x2] =	stream.linear.gather [hbm4b:s18+s3], $0x80, $0x38;
	[tilespmem:$0x18100] =	vst v63  }
0x41: {  	_ =	swait.ge [sflag:s13], $0x80  }
0x42: {  	[sflag:s13] =	ssyncset.done $0x0  }
0x43: {  	[sflag:s13] =	ssyncadd.s32 $0xFFFFFF80  }
0x44: {  	[spmem:s1] =	stream.indirect.scatter.add.f32 [tilespmem:s15], [sflag:$0x2], $0x80, s14, s14, $0xb8;
	[tilespmem:$0x18100] =	vst v63  }
0x45: {  	_ =	swait.ge [sflag:s13], $0x4000  }
0x46: {  	s17 =	sadd.s32 $0x1, s17;
	[sflag:s13] =	ssyncset.done $0x0  }
0x47: {  	p0 =	sne.s32 s17, s11;
	[sflag:s13] =	ssyncadd.s32 $0xFFFFC000  }
.Ltmp1:
0x48: {  	[bflag:$0x0] =	sbarrier.arrive $0xFFFF;
	(pc) =	sbr.rel @p0 .LBB2_1-.Ltmp1, $4  }
0x49: {  	[hbm:s10], [sflag:s8] =	dma.local [spmem:s12], $0x2800  }
0x4a: {  	_ =	swait.ge [sflag:s13], $0x2800  }
0x4b: {  	[sflag:s13] =	ssyncset.done $0x0  }
0x4c: {  	[sflag:s13] =	ssyncadd.s32 $0xFFFFD800  }
0x4d: {  	_ =	sfence.sel $0x180000  }
0x4e: {  	[bflag:$0x0] =	sbarrier.arrive $0xFFFF  }
0x4f: {  	p0 =	sne.s32 s2, $0x0;
	_ =	strace $0x90000062  }
0x50: {  	s0 =	sadd.s32 @!p0 $0x100000, s0;
	[bflag:$0x2] =	sbarrier.arrive $0xFFFF  }
0x51: {  	[sflag:s0] =	ssyncadd.tile.s32 @!p0 $0x1;
	_ =	shalt  }
.Lfunc_end2:
_tile_overlayer_lowered:
.L_overlay_start_2:
0x52: {  	(tag) =	ssettag $0x2  }
0x53: {  	s0 =	rddreg [dreg:$0x0];
	s2 =	stileid.u32  }
0x54: {  	s1 =	rddreg [dreg:$0x1];
	p0 =	sne.s32 s2, $0x0  }
0x55: {  	s3 =	rddreg [dreg:$0x2];
	[bflag:$0x3] =	sbarrier.arrive $0xFFFF;
	s2 =	simm.s32 @!p0 $0x1C02  }
0x56: {  	[timem:s3], [sflag:s2] =	dma.local @!p0 [hbm:s0], s1  }
0x57: {  	s0 =	simm.s32 @!p0 $0x2  }
0x58: {  	_ =	swait.ge @!p0 [sflag:s0], s1  }
0x59: {  	s1 =	ssub.s32 @!p0 $0x0, s1;
	[sflag:s0] =	ssyncset.done @!p0 $0x0  }
0x5a: {  	[sflag:s0] =	ssyncadd.s32 @!p0 s1  }
0x5b: {  	[bflag:$0x3] =	sbarrier.arrive $0xFFFF  }
0x5c: {  	_ =	shalt  }

// kernel: kernel.41.cloned.1.call-start
scs
__scs_entry_jumppad:
0x0: {  	(pc) =	sbr.rel $0x88, $3  }
0x1: {  	(tag) =	ssettag $0x0;
	lr =	simm.s32 $0x1  }
0x2: {  	[smem:$0x3F8E] =	sst lr;
	_ =	strace $0xD0000000  }
0x3: {  	_ = 	snop  }
0x4: {  	_ = 	snop  }
0x5: {  	_ = 	snop  }
0x6: {  	_ = 	snop  }
0x7: {  	_ = 	snop  }
__scs_overlays_trampoline_lowered:
0x8: {  	[smem:$0x3F9D] =	sst s0  }
0x9: {  	[smem:$0x3F9E] =	sst s1  }
0xa: {  	[smem:$0x3F9F] =	sst s2  }
0xb: {  	[smem:$0x3FA0] =	sst s3  }
0xc: {  	[smem:$0x3FA1] =	sst s4  }
0xd: {  	[smem:$0x3FA2] =	sst s5  }
0xe: {  	[smem:$0x3FA3] =	sst s6  }
0xf: {  	[smem:$0x3FA4] =	sst s7  }
0x10: {  	[smem:$0x3FA5] =	sst s8  }
0x11: {  	[smem:$0x3FA6] =	sst s9;
	s0 =	simm.s32 @!p0 $0x0  }
0x12: {  	s1 =	sld [smem:$0x3F8C];
	s0 =	simm.s32 @p0 $0x1  }
0x13: {  	[smem:$0x3FA7] =	sst s0;
	s0 =	simm.s32 @!p1 $0x0  }
0x14: {  	s2 =	sld [smem:$0x3F8B];
	s0 =	simm.s32 @p1 $0x1  }
0x15: {  	[smem:$0x3FA8] =	sst s0;
	s0 =	simm.s32 @!p2 $0x0  }
0x16: {  	s3 =	sld [smem:$0x3FDB];
	s0 =	simm.s32 @p2 $0x1  }
0x17: {  	s4 =	simm.s32 $0x1BF5;
	[smem:$0x3FAA] =	sst s0  }
0x18: {  	s0 =	sld [smem:$0x3F8D];
	_ =	swait.ge [sflag:s4], $0x0  }
0x19: {  	s7 =	sld [smem:$0x3F8E]  }
0x1a: {  	s8 =	sadd.s32 $0xFFFFE003, lr  }
0x1b: {  	s9 =	sadd.s32 $0xFFFFFEF7, lr;
	s5 =	simm.s32 $0xFFFFFFFF;
	p2 =	slt.u32 s8, $0xFFFFF086  }
0x1c: {  	p1 =	slt.u32 s9, $0xF7A;
	s5 =	simm.s32 @!p2 $0x0  }
0x1d: {  	s5 =	simm.s32 @p1 $0x1;
	p0 =	seq.s32 s7, s2  }
0x1e: {  	s7 =	smul.u32 @!p0 $0xF7A, s2;
	p2 =	seq.s32 @!p0 s5, $0x0  }
0x1f: {  	s9 =	smul.u32 $0xF7A, s1;
	s8 =	simm.s32 @!p0 $0x1BF5;
	p2 =	por !p2, p0  }
0x20: {  	[sflag:s8] =	ssyncset.s32 @!p0 $0xFFFFF086;
	s6 =	sadd.s32 @!p0 s3, s7;
	s7 =	simm.s32 @!p0 $0x108  }
0x21: {  	s3 =	sadd.s32 s3, s9;
	s6 =	sadd.s32 @!p0 $0x88, s6;
	s7 =	simm.s32 @p2 $0x1082  }
0x22: {  	[simem:s7], [sflag:s8] =	dma.local @!p0 [hbm:s6], $0xF7A  }
0x23: {  	s9 =	sor.u32 $0xD0000000, s2;
	s6 =	simm.s32 $0x108;
	_ =	swait.ge @!p0 [sflag:s8], $0x0  }
0x24: {  	s3 =	sadd.s32 $0x88, s3;
	s6 =	simm.s32 @!p1 $0x1082;
	[sflag:s4] =	ssyncset.s32 $0xFFFFF086  }
0x25: {  	[simem:s6], [sflag:s4] =	dma.local [hbm:s3], $0xF7A  }
0x26: {  	[smem:$0x3F8E] =	sst s1;
	(tag) =	ssettag s2;
	_ =	strace s9  }
0x27: {  	s1 =	sld [smem:$0x3F9E]  }
0x28: {  	s2 =	sld [smem:$0x3F9F]  }
0x29: {  	s4 =	sld [smem:$0x3FA1]  }
0x2a: {  	p0 =	seq.s32 s5, $0x0;
	s5 =	sld [smem:$0x3FA2]  }
0x2b: {  	s6 =	sld [smem:$0x3FA3]  }
0x2c: {  	s7 =	sld [smem:$0x3FA4]  }
0x2d: {  	s3 =	simm.s32 $0x108;
	s8 =	sld [smem:$0x3FA5]  }
0x2e: {  	s3 =	simm.s32 @!p0 $0x1082;
	s9 =	sld [smem:$0x3FA6]  }
0x2f: {  	lr =	sadd.s32 s0, s3;
	s0 =	sld [smem:$0x3F9D]  }
0x30: {  	s3 =	sld [smem:$0x3FA0]  }
0x31: {  	[smem:$0x3FA9] =	sst s10  }
0x32: {  	s10 =	sld [smem:$0x3FA7];
	_ =	sdelay $0x3  }
0x33: {  	p0 =	seq.s32 s10, $0x1;
	s10 =	sld [smem:$0x3FA9];
	_ =	sdelay $0x3  }
0x34: {  	[smem:$0x3FA9] =	sst s10  }
0x35: {  	s10 =	sld [smem:$0x3FA8];
	_ =	sdelay $0x3  }
0x36: {  	p1 =	seq.s32 s10, $0x1;
	s10 =	sld [smem:$0x3FA9];
	_ =	sdelay $0x3  }
0x37: {  	[smem:$0x3FA9] =	sst s10  }
0x38: {  	s10 =	sld [smem:$0x3FAA]  }
0x39: {  	_ = 	snop;
	(pc) =	sbr.ind lr, $3  }
0x3a: {  	_ = 	snop  }
0x3b: {  	_ = 	snop  }
0x3c: {  	p2 =	seq.s32 s10, $0x1;
	s10 =	sld [smem:$0x3FA9]  }
0x3d: {  	_ =	shalt  }
0x3e: {  	_ =	shalt  }
0x3f: {  	_ =	shalt  }
0x40: {  	_ =	shalt  }
0x41: {  	_ =	shalt  }
0x42: {  	_ =	shalt  }
0x43: {  	_ =	shalt  }
0x44: {  	_ =	shalt  }
0x45: {  	_ =	shalt  }
0x46: {  	_ =	shalt  }
0x47: {  	_ =	shalt  }
0x48: {  	_ =	shalt  }
0x49: {  	_ =	shalt  }
0x4a: {  	_ =	shalt  }
0x4b: {  	_ =	shalt  }
0x4c: {  	_ =	shalt  }
0x4d: {  	_ =	shalt  }
0x4e: {  	_ =	shalt  }
0x4f: {  	_ =	shalt  }
0x50: {  	_ =	shalt  }
0x51: {  	_ =	shalt  }
0x52: {  	_ =	shalt  }
0x53: {  	_ =	shalt  }
0x54: {  	_ =	shalt  }
0x55: {  	_ =	shalt  }
0x56: {  	_ =	shalt  }
0x57: {  	_ =	shalt  }
0x58: {  	_ =	shalt  }
0x59: {  	_ =	shalt  }
0x5a: {  	_ =	shalt  }
0x5b: {  	_ =	shalt  }
0x5c: {  	_ =	shalt  }
0x5d: {  	_ =	shalt  }
0x5e: {  	_ =	shalt  }
0x5f: {  	_ =	shalt  }
0x60: {  	_ =	shalt  }
0x61: {  	_ =	shalt  }
0x62: {  	_ =	shalt  }
0x63: {  	_ =	shalt  }
0x64: {  	_ =	shalt  }
0x65: {  	_ =	shalt  }
0x66: {  	_ =	shalt  }
0x67: {  	_ =	shalt  }
0x68: {  	_ =	shalt  }
0x69: {  	_ =	shalt  }
0x6a: {  	_ =	shalt  }
0x6b: {  	_ =	shalt  }
0x6c: {  	_ =	shalt  }
0x6d: {  	_ =	shalt  }
0x6e: {  	_ =	shalt  }
0x6f: {  	_ =	shalt  }
0x70: {  	_ =	shalt  }
0x71: {  	_ =	shalt  }
0x72: {  	_ =	shalt  }
0x73: {  	_ =	shalt  }
0x74: {  	_ =	shalt  }
0x75: {  	_ =	shalt  }
0x76: {  	_ =	shalt  }
0x77: {  	_ =	shalt  }
0x78: {  	_ =	shalt  }
0x79: {  	_ =	shalt  }
0x7a: {  	_ =	shalt  }
0x7b: {  	_ =	shalt  }
0x7c: {  	_ =	shalt  }
0x7d: {  	_ =	shalt  }
0x7e: {  	_ =	shalt  }
0x7f: {  	_ =	shalt  }
0x80: {  	_ =	shalt  }
0x81: {  	_ =	shalt  }
0x82: {  	_ =	shalt  }
0x83: {  	_ =	shalt  }
0x84: {  	_ =	shalt  }
0x85: {  	_ =	shalt  }
0x86: {  	_ =	shalt  }
0x87: {  	_ =	shalt  }
.Lfunc_end0:
.L_simem_size_0:
called_computation.7_lowered:
.L_overlay_start_0:
0x88: {  	s2 =	sld [smem:$0x3FD9]  }
0x89: {  	s3 =	sld [smem:$0x3FFE];
	_ =	sdelay $0x1  }
0x8a: {  	s1 =	srdreg.scid  }
0x8b: {  	s0 =	sand.u32 $0x1, s1  }
0x8c: {  	s17 =	sshll.u32 s0, $0xA;
	s2 =	sadd.s32 s3, s2  }
0x8d: {  	s2 =	sadd.s32 s2, s17  }
0x8e: {  	[smem:$0x3FB5] =	sst s2  }
0x8f: {  	_ = 	snop  }
0x90: {  	(tm) =	ssettm $0x1  }
0x91: {  	s18 =	sld [smem:$0x3FFB];
	_ =	sdelay $0x3  }
0x92: {  	_ =	strace s18  }
0x93: {  	s2 =	sld [smem:$0x3FFC];
	_ =	sdelay $0x3  }
0x94: {  	_ =	strace s2  }
0x95: {  	s2 =	sld [smem:$0x3FFD];
	_ =	sdelay $0x3  }
0x96: {  	_ =	strace s2  }
0x97: {  	_ =	strace $0x8FFFFFFF  }
0x98: {  	s19 =	sld [smem:$0x3FDB];
	_ =	sdelay $0x1  }
0x99: {  	s20 =	simm.s32 $_scs_section_size  }
0x9a: {  	s4 =	simm.s32 $_size__tile_overlayer_lowered;
	s5 =	simm.s32 $_tile_overlayer_lowered  }
0x9b: {  	s6 =	simm.s32 $0x1BFF;
	s21 =	sshll.u32 s5, $0x1;
	s3 =	sadd.s32 s20, s19  }
0x9c: {  	s22 =	simm.s32 $0x0;
	s4 =	sshll.u32 s4, $0x1;
	s5 =	sadd.s32 s21, s3  }
0x9d: {  	[timem:s22], [sflag:s6] =	dma.local [hbm:s5], s4  }
0x9e: {  	_ =	swait.ge [sflag:s6], s4  }
0x9f: {  	s4 =	ssub.s32 $0x0, s4;
	[sflag:s6] =	ssyncset.done $0x0  }
0xa0: {  	[sflag:s6] =	ssyncadd.s32 s4;
	_ =	sdelay $0x1  }
0xa1: {  	s23 =	simm.s32 $0x1B8B  }
0xa2: {  	_ =	swait.ge [sflag:s23], $0x1  }
0xa3: {  	[sflag:s23] =	ssyncset.done $0x0  }
0xa4: {  	[sflag:s23] =	ssyncadd.s32 $0xFFFFFFFF  }
0xa5: {  	s4 =	sld [smem:$0x0]  }
0xa6: {  	s5 =	sand.u32 $0xFFFFFFFE, s1  }
0xa7: {  	p0 =	sne.s32 s1, s5  }
0xa8: {  	s5 =	sshll.u32 @p0 s5, $0xE  }
0xa9: {  	s5 =	sadd.s32 @p0 $0x11B8D, s5;
	s6 =	sshll.u32 @p0 s4, $0x11  }
0xaa: {  	s5 =	sor.u32 @p0 s6, s5  }
0xab: {  	[sflag:s5] =	ssyncadd.remote.s32 @p0 $0x1;
	_ =	sdelay $0x1  }
0xac: {  	s5 =	simm.s32 @p0 $0x1B8D  }
0xad: {  	_ =	swait.eq @p0 [sflag:s5], $0x1  }
0xae: {  	[sflag:s5] =	ssyncadd.s32 @p0 $0xFFFFFFFF  }
0xaf: {  	s6 =	sshll.u32 @!p0 s1, $0xE  }
0xb0: {  	s6 =	sor.u32 @!p0 $0x4000, s6;
	s5 =	simm.s32 @!p0 $0x1B8D  }
0xb1: {  	s4 =	sshll.u32 @!p0 s4, $0x11;
	s6 =	sadd.s32 @!p0 $0x11B8D, s6;
	_ =	swait.eq @!p0 [sflag:s5], $0x1  }
0xb2: {  	s4 =	sor.u32 @!p0 s4, s6;
	[sflag:s5] =	ssyncadd.s32 @!p0 $0xFFFFFFFF  }
0xb3: {  	s25 =	simm.s32 $0x1B8E;
	s24 =	sld [smem:$0x3FFE];
	[sflag:s4] =	ssyncadd.remote.s32 @!p0 $0x1  }
0xb4: {  	s26 =	simm.s32 $execute0_lowered;
	[smem:$0x3FD2] =	sst s25  }
0xb5: {  	s5 =	sshll.u32 s26, $0x1;
	_ =	strace $0x8000005E;
	[dreg:$0x1] =	wrdreg $0xFFFFFFFF  }
0xb6: {  	s28 =	simm.s32 $_size_execute0_lowered;
	s3 =	sadd.s32 s3, s5;
	[dreg:$0x0] =	wrdreg $0x0  }
0xb7: {  	s5 =	sshll.u32 s28, $0x1;
	[dreg:$0x2] =	wrdreg s3  }
0xb8: {  	[dreg:$0x3] =	wrdreg s5  }
0xb9: {  	[dreg:$0x4] =	wrdreg $0xC0  }
0xba: {  	_ =	task [dreg:s22], $0x5FFFF  }
0xbb: {  	[dreg:$0x1] =	wrdreg $0xFFFFFFFF  }
0xbc: {  	[dreg:$0x0] =	wrdreg $0x60  }
0xbd: {  	[dreg:$0x2] =	wrdreg s24  }
0xbe: {  	[dreg:$0x3] =	wrdreg $0x41000  }
0xbf: {  	[dreg:$0x4] =	wrdreg $0xA  }
0xc0: {  	_ =	task.clear_ibuf [dreg:s22], $0x5FFFF;
	_ =	strace $0x9000005E  }
0xc1: {  	s29 =	simm.s32 $0xA;
	_ =	strace $0x80000060  }
0xc2: {  	_ =	swait.ge [sflag:s29], $0x1  }
0xc3: {  	[sflag:s29] =	ssyncadd.s32 $0xFFFFFFFF  }
0xc4: {  	_ =	strace $0x90000060  }
0xc5: {  	_ =	sfence  }
0xc6: {  	s30 =	sld [smem:$0x0];
	_ =	sdelay $0x2  }
0xc7: {  	s31 =	sshll.u32 s1, $0xD;
	s1 =	sshrl.u32 s1, $0x2  }
0xc8: {  	s4 =	sand.u32 $0x4000, s31;
	s1 =	sadd.s32 s1, s30  }
0xc9: {  	s0 =	sor.u32 s4, s0;
	s1 =	sshll.u32 s1, $0x11  }
0xca: {  	s0 =	sor.u32 s1, s0  }
0xcb: {  	s0 =	sadd.s32 $0x8F2B, s0  }
0xcc: {  	[sflag:s0] =	ssyncadd.remote.s32 $0x1  }
0xcd: {  	_ =	sfence.sel $0xFFFF  }
0xce: {  	[dreg:$0x0] =	wrdreg $0xFFFFFFFF;
	(pc) =	sbr.abs _section_cstart, $3  }
0xcf: {  	[dreg:$0x1] =	wrdreg $0xFFFFFFFF  }
0xd0: {  	_ =	task.clear_ibuf [dreg:s22], $0x2FFFF;
	_ =	strace $0x9FFFFFFF  }
0xd1: {  	(tm) =	ssettm $0x7FFFFFFF  }
tec
execute0_lowered:
.L_overlay_start_1:
0x0: {  	(tag) =	ssettag $0x1  }
0x1: {  	s8 =	rddreg [dreg:$0x0]  }
0x2: {  	s1 =	rddreg [dreg:$0x1]  }
0x3: {  	s2 =	srdreg.scid;
	s0 =	rddreg [dreg:$0x2]  }
0x4: {  	s3 =	simm.s32 $0x0;
	s15 =	simm.s32 $0x100;
	s16 =	simm.s32 $0x1  }
0x5: {  	s17 =	simm.s32 $0x0;
	s9 =	sand.u32 $0x1, s2;
	s2 =	stileid.u32  }
0x6: {  	[smem:$0x7FF] =	sst s3;
	s4 =	sadd.s32 $0x6D200, s8;
	s7 =	smul.u32 $0x140000, s9  }
0x7: {  	s5 =	sadd.s32 $0x63200, s8;
	s6 =	sadd.s32 $0x6200, s8;
	s10 =	smul.u32 $0x14000, s2  }
0x8: {  	_ =	strace $0x8000005F;
	s26 =	ssub.s32 $0x2, s9;
	s13 =	smul.u32 $0x50000, s2  }
0x9: {  	s28 =	sshll.u32 s9, $0x4;
	s30 =	sshll.u32 s2, $0x6;
	s12 =	sshrl.u32 s26, $0x1  }
0xa: {  	s31 =	sor.u32 s2, s28;
	s7 =	sadd.s32 s10, s7;
	s12 =	ssub.s32 s26, s12  }
0xb: {  	s29 =	sshrl.u32 s13, $0x2;
	s9 =	smul.u32 $0x2800, s31;
	s11 =	sshrl.u32 s7, $0x3  }
0xc: {  	s13 =	simm.s32 $0x2;
	s7 =	sadd.s32 $0x10200, s8;
	s11 =	sadd.s32 s11, s8  }
0xd: {  	s14 =	sadd.s32 s29, s1;
	s8 =	sor.u32 $0x1C02, s30;
	s10 =	sadd.s32 $0x1FD200, s11  }
0xe: {  	s11 =	smax.u32 s12, $0x1;
	s12 =	sshrl.u32 s14, $0x3;
	s14 =	simm.s32 $0x80  }
.LBB2_1:
0xf: {  	[spmem:s12], [sflag:s8] =	dma.local [hbm:s7], $0x2800  }
0x10: {  	s18 =	sand.u32 $0x3C00, s3  }
0x11: {  	s19 =	sand.u32 $0x380, s3;
	_ =	swait.ge [sflag:s13], $0x2800;
	s18 =	sadd.s32 s9, s18  }
0x12: {  	[sflag:s13] =	ssyncset.done $0x0;
	s18 =	sor.u32 s19, s18  }
0x13: {  	[sflag:s13] =	ssyncadd.s32 $0xFFFFD800;
	s18 =	sshrl.u32 s18, $0x3  }
0x14: {  	[bflag:$0x0] =	sbarrier.arrive $0xFFFF;
	s29 =	sadd.s32 s5, s18  }
0x15: {  	[tilespmem:s3], [sflag:$0x2] =	stream.linear.gather [hbm4b:s29+s3], $0x80, $0x38;
	[tilespmem:$0x18100] =	vst v63  }
0x16: {  	_ =	swait.ge [sflag:s13], $0x80  }
0x17: {  	[sflag:s13] =	ssyncset.done $0x0  }
0x18: {  	[sflag:s13] =	ssyncadd.s32 $0xFFFFFF80  }
0x19: {  	[tilespmem:s15], [sflag:$0x1] =	stream.indirect.gather [hbm4b:s4+s14], $0x80, s3, s14, $0xb8;
	[tilespmem:$0x18100] =	vst v63  }
0x1a: {  	_ =	swait.ge [sflag:s16], $0x4000  }
0x1b: {  	[sflag:s16] =	ssyncset.done $0x0  }
0x1c: {  	s18 =	sadd.s32 s6, s18;
	[sflag:s16] =	ssyncadd.s32 $0xFFFFC000  }
0x1d: {  	[tilespmem:s14], [sflag:$0x2] =	stream.linear.gather [hbm4b:s18+s3], $0x80, $0x38;
	[tilespmem:$0x18100] =	vst v63  }
0x1e: {  	_ =	swait.ge [sflag:s13], $0x80  }
0x1f: {  	s30 =	simm.s32 $0x80;
	[sflag:s13] =	ssyncset.done $0x0  }
0x20: {  	s31 =	sand.u32 $0x3C00, s30;
	[sflag:s13] =	ssyncadd.s32 $0xFFFFFF80  }
0x21: {  	[spmem:s1] =	stream.indirect.scatter.add.f32 [tilespmem:s15], [sflag:$0x2], $0x80, s14, s14, $0xb8;
	[tilespmem:$0x18100] =	vst v63  }
0x22: {  	s20 =	sand.u32 $0x380, s30;
	s19 =	sadd.s32 s9, s31;
	_ =	swait.ge [sflag:s13], $0x4000  }
0x23: {  	s19 =	sor.u32 s20, s19;
	s18 =	simm.s32 $0x100;
	[sflag:s13] =	ssyncset.done $0x0  }
.LBB2_2:
0x24: {  	s19 =	sshrl.u32 s19, $0x3  }
0x25: {  	[sflag:s13] =	ssyncadd.s32 $0xFFFFC000;
	s20 =	smov.u32 s18;
	s21 =	sadd.s32 $0x80, s18  }
0x26: {  	p0 =	sne.s32 s18, $0x2780;
	s18 =	sadd.s32 s5, s19  }
0x27: {  	[tilespmem:s3], [sflag:$0x2] =	stream.linear.gather [hbm4b:s18+s3], $0x80, $0x38;
	[tilespmem:$0x18100] =	vst v63  }
0x28: {  	_ =	swait.ge [sflag:s13], $0x80  }
0x29: {  	[sflag:s13] =	ssyncset.done $0x0  }
0x2a: {  	[sflag:s13] =	ssyncadd.s32 $0xFFFFFF80  }
0x2b: {  	[tilespmem:s15], [sflag:$0x1] =	stream.indirect.gather [hbm4b:s4+s14], $0x80, s3, s14, $0xb8;
	[tilespmem:$0x18100] =	vst v63  }
0x2c: {  	_ =	swait.ge [sflag:s16], $0x4000  }
0x2d: {  	[sflag:s16] =	ssyncset.done $0x0  }
0x2e: {  	s18 =	sadd.s32 s6, s19;
	[sflag:s16] =	ssyncadd.s32 $0xFFFFC000  }
0x2f: {  	[tilespmem:s14], [sflag:$0x2] =	stream.linear.gather [hbm4b:s18+s3], $0x80, $0x38;
	[tilespmem:$0x18100] =	vst v63  }
0x30: {  	_ =	swait.ge [sflag:s13], $0x80  }
.Ltmp0:
0x31: {  	[sflag:s13] =	ssyncset.done $0x0;
	(pc) =	sbr.rel @p0 .LBB2_2-.Ltmp0, $4  }
0x32: {  	s18 =	sand.u32 $0x3C00, s20;
	[sflag:s13] =	ssyncadd.s32 $0xFFFFFF80  }
0x33: {  	[spmem:s1] =	stream.indirect.scatter.add.f32 [tilespmem:s15], [sflag:$0x2], $0x80, s14, s14, $0xb8;
	[tilespmem:$0x18100] =	vst v63  }
0x34: {  	s19 =	sand.u32 $0x380, s20;
	s18 =	sadd.s32 s9, s18;
	_ =	swait.ge [sflag:s13], $0x4000  }
0x35: {  	s19 =	sor.u32 s19, s18;
	s18 =	smov.u32 s21;
	[sflag:s13] =	ssyncset.done $0x0  }
0x36: {  	s18 =	sshrl.u32 s19, $0x3  }
0x37: {  	[sflag:s13] =	ssyncadd.s32 $0xFFFFC000;
	s19 =	sadd.s32 s5, s18  }
0x38: {  	[tilespmem:s3], [sflag:$0x2] =	stream.linear.gather [hbm4b:s19+s3], $0x80, $0x38;
	[tilespmem:$0x18100] =	vst v63  }
0x39: {  	_ =	swait.ge [sflag:s13], $0x80  }
0x3a: {  	[sflag:s13] =	ssyncset.done $0x0  }
0x3b: {  	[sflag:s13] =	ssyncadd.s32 $0xFFFFFF80  }
0x3c: {  	[tilespmem:s15], [sflag:$0x1] =	stream.indirect.gather [hbm4b:s4+s14], $0x80, s3, s14, $0xb8;
	[tilespmem:$0x18100] =	vst v63  }
0x3d: {  	_ =	swait.ge [sflag:s16], $0x4000  }
0x3e: {  	[sflag:s16] =	ssyncset.done $0x0  }
0x3f: {  	s18 =	sadd.s32 s6, s18;
	[sflag:s16] =	ssyncadd.s32 $0xFFFFC000  }
0x40: {  	[tilespmem:s14], [sflag:$0x2] =	stream.linear.gather [hbm4b:s18+s3], $0x80, $0x38;
	[tilespmem:$0x18100] =	vst v63  }
0x41: {  	_ =	swait.ge [sflag:s13], $0x80  }
0x42: {  	[sflag:s13] =	ssyncset.done $0x0  }
0x43: {  	[sflag:s13] =	ssyncadd.s32 $0xFFFFFF80  }
0x44: {  	[spmem:s1] =	stream.indirect.scatter.add.f32 [tilespmem:s15], [sflag:$0x2], $0x80, s14, s14, $0xb8;
	[tilespmem:$0x18100] =	vst v63  }
0x45: {  	_ =	swait.ge [sflag:s13], $0x4000  }
0x46: {  	s17 =	sadd.s32 $0x1, s17;
	[sflag:s13] =	ssyncset.done $0x0  }
0x47: {  	p0 =	sne.s32 s17, s11;
	[sflag:s13] =	ssyncadd.s32 $0xFFFFC000  }
.Ltmp1:
0x48: {  	[bflag:$0x0] =	sbarrier.arrive $0xFFFF;
	(pc) =	sbr.rel @p0 .LBB2_1-.Ltmp1, $4  }
0x49: {  	[hbm:s10], [sflag:s8] =	dma.local [spmem:s12], $0x2800  }
0x4a: {  	_ =	swait.ge [sflag:s13], $0x2800  }
0x4b: {  	[sflag:s13] =	ssyncset.done $0x0  }
0x4c: {  	[sflag:s13] =	ssyncadd.s32 $0xFFFFD800  }
0x4d: {  	_ =	sfence.sel $0x180000  }
0x4e: {  	[bflag:$0x0] =	sbarrier.arrive $0xFFFF  }
0x4f: {  	p0 =	sne.s32 s2, $0x0;
	_ =	strace $0x9000005F  }
0x50: {  	s0 =	sadd.s32 @!p0 $0x100000, s0;
	[bflag:$0x2] =	sbarrier.arrive $0xFFFF  }
0x51: {  	[sflag:s0] =	ssyncadd.tile.s32 @!p0 $0x1;
	_ =	shalt  }
.Lfunc_end2:
_tile_overlayer_lowered:
.L_overlay_start_2:
0x52: {  	(tag) =	ssettag $0x2  }
0x53: {  	s0 =	rddreg [dreg:$0x0];
	s2 =	stileid.u32  }
0x54: {  	s1 =	rddreg [dreg:$0x1];
	p0 =	sne.s32 s2, $0x0  }
0x55: {  	s3 =	rddreg [dreg:$0x2];
	[bflag:$0x3] =	sbarrier.arrive $0xFFFF;
	s2 =	simm.s32 @!p0 $0x1C02  }
0x56: {  	[timem:s3], [sflag:s2] =	dma.local @!p0 [hbm:s0], s1  }
0x57: {  	s0 =	simm.s32 @!p0 $0x2  }
0x58: {  	_ =	swait.ge @!p0 [sflag:s0], s1  }
0x59: {  	s1 =	ssub.s32 @!p0 $0x0, s1;
	[sflag:s0] =	ssyncset.done @!p0 $0x0  }
0x5a: {  	[sflag:s0] =	ssyncadd.s32 @!p0 s1  }
0x5b: {  	[bflag:$0x3] =	sbarrier.arrive $0xFFFF  }
0x5c: {  	_ =	shalt  }

// kernel: kernel.44.cloned.1.call-start
scs
__scs_entry_jumppad:
0x0: {  	(pc) =	sbr.rel $0x88, $3  }
0x1: {  	(tag) =	ssettag $0x0;
	lr =	simm.s32 $0x1  }
0x2: {  	[smem:$0x3F8E] =	sst lr;
	_ =	strace $0xD0000000  }
0x3: {  	_ = 	snop  }
0x4: {  	_ = 	snop  }
0x5: {  	_ = 	snop  }
0x6: {  	_ = 	snop  }
0x7: {  	_ = 	snop  }
__scs_overlays_trampoline_lowered:
0x8: {  	[smem:$0x3F9D] =	sst s0  }
0x9: {  	[smem:$0x3F9E] =	sst s1  }
0xa: {  	[smem:$0x3F9F] =	sst s2  }
0xb: {  	[smem:$0x3FA0] =	sst s3  }
0xc: {  	[smem:$0x3FA1] =	sst s4  }
0xd: {  	[smem:$0x3FA2] =	sst s5  }
0xe: {  	[smem:$0x3FA3] =	sst s6  }
0xf: {  	[smem:$0x3FA4] =	sst s7  }
0x10: {  	[smem:$0x3FA5] =	sst s8  }
0x11: {  	[smem:$0x3FA6] =	sst s9;
	s0 =	simm.s32 @!p0 $0x0  }
0x12: {  	s1 =	sld [smem:$0x3F8C];
	s0 =	simm.s32 @p0 $0x1  }
0x13: {  	[smem:$0x3FA7] =	sst s0;
	s0 =	simm.s32 @!p1 $0x0  }
0x14: {  	s2 =	sld [smem:$0x3F8B];
	s0 =	simm.s32 @p1 $0x1  }
0x15: {  	[smem:$0x3FA8] =	sst s0;
	s0 =	simm.s32 @!p2 $0x0  }
0x16: {  	s3 =	sld [smem:$0x3FDB];
	s0 =	simm.s32 @p2 $0x1  }
0x17: {  	s4 =	simm.s32 $0x1BF5;
	[smem:$0x3FAA] =	sst s0  }
0x18: {  	s0 =	sld [smem:$0x3F8D];
	_ =	swait.ge [sflag:s4], $0x0  }
0x19: {  	s7 =	sld [smem:$0x3F8E]  }
0x1a: {  	s8 =	sadd.s32 $0xFFFFE003, lr  }
0x1b: {  	s9 =	sadd.s32 $0xFFFFFEF7, lr;
	s5 =	simm.s32 $0xFFFFFFFF;
	p2 =	slt.u32 s8, $0xFFFFF086  }
0x1c: {  	p1 =	slt.u32 s9, $0xF7A;
	s5 =	simm.s32 @!p2 $0x0  }
0x1d: {  	s5 =	simm.s32 @p1 $0x1;
	p0 =	seq.s32 s7, s2  }
0x1e: {  	s7 =	smul.u32 @!p0 $0xF7A, s2;
	p2 =	seq.s32 @!p0 s5, $0x0  }
0x1f: {  	s9 =	smul.u32 $0xF7A, s1;
	s8 =	simm.s32 @!p0 $0x1BF5;
	p2 =	por !p2, p0  }
0x20: {  	[sflag:s8] =	ssyncset.s32 @!p0 $0xFFFFF086;
	s6 =	sadd.s32 @!p0 s3, s7;
	s7 =	simm.s32 @!p0 $0x108  }
0x21: {  	s3 =	sadd.s32 s3, s9;
	s6 =	sadd.s32 @!p0 $0x88, s6;
	s7 =	simm.s32 @p2 $0x1082  }
0x22: {  	[simem:s7], [sflag:s8] =	dma.local @!p0 [hbm:s6], $0xF7A  }
0x23: {  	s9 =	sor.u32 $0xD0000000, s2;
	s6 =	simm.s32 $0x108;
	_ =	swait.ge @!p0 [sflag:s8], $0x0  }
0x24: {  	s3 =	sadd.s32 $0x88, s3;
	s6 =	simm.s32 @!p1 $0x1082;
	[sflag:s4] =	ssyncset.s32 $0xFFFFF086  }
0x25: {  	[simem:s6], [sflag:s4] =	dma.local [hbm:s3], $0xF7A  }
0x26: {  	[smem:$0x3F8E] =	sst s1;
	(tag) =	ssettag s2;
	_ =	strace s9  }
0x27: {  	s1 =	sld [smem:$0x3F9E]  }
0x28: {  	s2 =	sld [smem:$0x3F9F]  }
0x29: {  	s4 =	sld [smem:$0x3FA1]  }
0x2a: {  	p0 =	seq.s32 s5, $0x0;
	s5 =	sld [smem:$0x3FA2]  }
0x2b: {  	s6 =	sld [smem:$0x3FA3]  }
0x2c: {  	s7 =	sld [smem:$0x3FA4]  }
0x2d: {  	s3 =	simm.s32 $0x108;
	s8 =	sld [smem:$0x3FA5]  }
0x2e: {  	s3 =	simm.s32 @!p0 $0x1082;
	s9 =	sld [smem:$0x3FA6]  }
0x2f: {  	lr =	sadd.s32 s0, s3;
	s0 =	sld [smem:$0x3F9D]  }
0x30: {  	s3 =	sld [smem:$0x3FA0]  }
0x31: {  	[smem:$0x3FA9] =	sst s10  }
0x32: {  	s10 =	sld [smem:$0x3FA7];
	_ =	sdelay $0x3  }
0x33: {  	p0 =	seq.s32 s10, $0x1;
	s10 =	sld [smem:$0x3FA9];
	_ =	sdelay $0x3  }
0x34: {  	[smem:$0x3FA9] =	sst s10  }
0x35: {  	s10 =	sld [smem:$0x3FA8];
	_ =	sdelay $0x3  }
0x36: {  	p1 =	seq.s32 s10, $0x1;
	s10 =	sld [smem:$0x3FA9];
	_ =	sdelay $0x3  }
0x37: {  	[smem:$0x3FA9] =	sst s10  }
0x38: {  	s10 =	sld [smem:$0x3FAA]  }
0x39: {  	_ = 	snop;
	(pc) =	sbr.ind lr, $3  }
0x3a: {  	_ = 	snop  }
0x3b: {  	_ = 	snop  }
0x3c: {  	p2 =	seq.s32 s10, $0x1;
	s10 =	sld [smem:$0x3FA9]  }
0x3d: {  	_ =	shalt  }
0x3e: {  	_ =	shalt  }
0x3f: {  	_ =	shalt  }
0x40: {  	_ =	shalt  }
0x41: {  	_ =	shalt  }
0x42: {  	_ =	shalt  }
0x43: {  	_ =	shalt  }
0x44: {  	_ =	shalt  }
0x45: {  	_ =	shalt  }
0x46: {  	_ =	shalt  }
0x47: {  	_ =	shalt  }
0x48: {  	_ =	shalt  }
0x49: {  	_ =	shalt  }
0x4a: {  	_ =	shalt  }
0x4b: {  	_ =	shalt  }
0x4c: {  	_ =	shalt  }
0x4d: {  	_ =	shalt  }
0x4e: {  	_ =	shalt  }
0x4f: {  	_ =	shalt  }
0x50: {  	_ =	shalt  }
0x51: {  	_ =	shalt  }
0x52: {  	_ =	shalt  }
0x53: {  	_ =	shalt  }
0x54: {  	_ =	shalt  }
0x55: {  	_ =	shalt  }
0x56: {  	_ =	shalt  }
0x57: {  	_ =	shalt  }
0x58: {  	_ =	shalt  }
0x59: {  	_ =	shalt  }
0x5a: {  	_ =	shalt  }
0x5b: {  	_ =	shalt  }
0x5c: {  	_ =	shalt  }
0x5d: {  	_ =	shalt  }
0x5e: {  	_ =	shalt  }
0x5f: {  	_ =	shalt  }
0x60: {  	_ =	shalt  }
0x61: {  	_ =	shalt  }
0x62: {  	_ =	shalt  }
0x63: {  	_ =	shalt  }
0x64: {  	_ =	shalt  }
0x65: {  	_ =	shalt  }
0x66: {  	_ =	shalt  }
0x67: {  	_ =	shalt  }
0x68: {  	_ =	shalt  }
0x69: {  	_ =	shalt  }
0x6a: {  	_ =	shalt  }
0x6b: {  	_ =	shalt  }
0x6c: {  	_ =	shalt  }
0x6d: {  	_ =	shalt  }
0x6e: {  	_ =	shalt  }
0x6f: {  	_ =	shalt  }
0x70: {  	_ =	shalt  }
0x71: {  	_ =	shalt  }
0x72: {  	_ =	shalt  }
0x73: {  	_ =	shalt  }
0x74: {  	_ =	shalt  }
0x75: {  	_ =	shalt  }
0x76: {  	_ =	shalt  }
0x77: {  	_ =	shalt  }
0x78: {  	_ =	shalt  }
0x79: {  	_ =	shalt  }
0x7a: {  	_ =	shalt  }
0x7b: {  	_ =	shalt  }
0x7c: {  	_ =	shalt  }
0x7d: {  	_ =	shalt  }
0x7e: {  	_ =	shalt  }
0x7f: {  	_ =	shalt  }
0x80: {  	_ =	shalt  }
0x81: {  	_ =	shalt  }
0x82: {  	_ =	shalt  }
0x83: {  	_ =	shalt  }
0x84: {  	_ =	shalt  }
0x85: {  	_ =	shalt  }
0x86: {  	_ =	shalt  }
0x87: {  	_ =	shalt  }
.Lfunc_end0:
.L_simem_size_0:
called_computation.8_lowered:
.L_overlay_start_0:
0x88: {  	s2 =	sld [smem:$0x3FD9]  }
0x89: {  	s3 =	sld [smem:$0x3FFE];
	_ =	sdelay $0x1  }
0x8a: {  	s1 =	srdreg.scid  }
0x8b: {  	s0 =	sand.u32 $0x1, s1  }
0x8c: {  	s17 =	sshll.u32 s0, $0xA;
	s2 =	sadd.s32 s3, s2  }
0x8d: {  	s2 =	sadd.s32 s2, s17  }
0x8e: {  	[smem:$0x3FB5] =	sst s2  }
0x8f: {  	_ = 	snop  }
0x90: {  	(tm) =	ssettm $0x1  }
0x91: {  	s18 =	sld [smem:$0x3FFB];
	_ =	sdelay $0x3  }
0x92: {  	_ =	strace s18  }
0x93: {  	s2 =	sld [smem:$0x3FFC];
	_ =	sdelay $0x3  }
0x94: {  	_ =	strace s2  }
0x95: {  	s2 =	sld [smem:$0x3FFD];
	_ =	sdelay $0x3  }
0x96: {  	_ =	strace s2  }
0x97: {  	_ =	strace $0x8FFFFFFF  }
0x98: {  	s19 =	sld [smem:$0x3FDB];
	_ =	sdelay $0x1  }
0x99: {  	s20 =	simm.s32 $_scs_section_size  }
0x9a: {  	s4 =	simm.s32 $_size__tile_overlayer_lowered;
	s5 =	simm.s32 $_tile_overlayer_lowered  }
0x9b: {  	s6 =	simm.s32 $0x1BFF;
	s21 =	sshll.u32 s5, $0x1;
	s3 =	sadd.s32 s20, s19  }
0x9c: {  	s22 =	simm.s32 $0x0;
	s4 =	sshll.u32 s4, $0x1;
	s5 =	sadd.s32 s21, s3  }
0x9d: {  	[timem:s22], [sflag:s6] =	dma.local [hbm:s5], s4  }
0x9e: {  	_ =	swait.ge [sflag:s6], s4  }
0x9f: {  	s4 =	ssub.s32 $0x0, s4;
	[sflag:s6] =	ssyncset.done $0x0  }
0xa0: {  	[sflag:s6] =	ssyncadd.s32 s4;
	_ =	sdelay $0x1  }
0xa1: {  	s23 =	simm.s32 $0x1B8B  }
0xa2: {  	_ =	swait.ge [sflag:s23], $0x1  }
0xa3: {  	[sflag:s23] =	ssyncset.done $0x0  }
0xa4: {  	[sflag:s23] =	ssyncadd.s32 $0xFFFFFFFF  }
0xa5: {  	s4 =	sld [smem:$0x0]  }
0xa6: {  	s5 =	sand.u32 $0xFFFFFFFE, s1  }
0xa7: {  	p0 =	sne.s32 s1, s5  }
0xa8: {  	s5 =	sshll.u32 @p0 s5, $0xE  }
0xa9: {  	s5 =	sadd.s32 @p0 $0x11B8D, s5;
	s6 =	sshll.u32 @p0 s4, $0x11  }
0xaa: {  	s5 =	sor.u32 @p0 s6, s5  }
0xab: {  	[sflag:s5] =	ssyncadd.remote.s32 @p0 $0x1;
	_ =	sdelay $0x1  }
0xac: {  	s5 =	simm.s32 @p0 $0x1B8D  }
0xad: {  	_ =	swait.eq @p0 [sflag:s5], $0x1  }
0xae: {  	[sflag:s5] =	ssyncadd.s32 @p0 $0xFFFFFFFF  }
0xaf: {  	s6 =	sshll.u32 @!p0 s1, $0xE  }
0xb0: {  	s6 =	sor.u32 @!p0 $0x4000, s6;
	s5 =	simm.s32 @!p0 $0x1B8D  }
0xb1: {  	s4 =	sshll.u32 @!p0 s4, $0x11;
	s6 =	sadd.s32 @!p0 $0x11B8D, s6;
	_ =	swait.eq @!p0 [sflag:s5], $0x1  }
0xb2: {  	s4 =	sor.u32 @!p0 s4, s6;
	[sflag:s5] =	ssyncadd.s32 @!p0 $0xFFFFFFFF  }
0xb3: {  	s25 =	simm.s32 $0x1B8E;
	s24 =	sld [smem:$0x3FFE];
	[sflag:s4] =	ssyncadd.remote.s32 @!p0 $0x1  }
0xb4: {  	s26 =	simm.s32 $execute0_lowered;
	[smem:$0x3FD2] =	sst s25  }
0xb5: {  	s5 =	sshll.u32 s26, $0x1;
	_ =	strace $0x8000005B;
	[dreg:$0x1] =	wrdreg $0xFFFFFFFF  }
0xb6: {  	s28 =	simm.s32 $_size_execute0_lowered;
	s3 =	sadd.s32 s3, s5;
	[dreg:$0x0] =	wrdreg $0x0  }
0xb7: {  	s5 =	sshll.u32 s28, $0x1;
	[dreg:$0x2] =	wrdreg s3  }
0xb8: {  	[dreg:$0x3] =	wrdreg s5  }
0xb9: {  	[dreg:$0x4] =	wrdreg $0xC0  }
0xba: {  	_ =	task [dreg:s22], $0x5FFFF  }
0xbb: {  	[dreg:$0x1] =	wrdreg $0xFFFFFFFF  }
0xbc: {  	[dreg:$0x0] =	wrdreg $0x60  }
0xbd: {  	[dreg:$0x2] =	wrdreg s24  }
0xbe: {  	[dreg:$0x3] =	wrdreg $0x41000  }
0xbf: {  	[dreg:$0x4] =	wrdreg $0xB  }
0xc0: {  	_ =	task.clear_ibuf [dreg:s22], $0x5FFFF;
	_ =	strace $0x9000005B  }
0xc1: {  	s29 =	simm.s32 $0xB;
	_ =	strace $0x8000005D  }
0xc2: {  	_ =	swait.ge [sflag:s29], $0x1  }
0xc3: {  	[sflag:s29] =	ssyncadd.s32 $0xFFFFFFFF  }
0xc4: {  	_ =	strace $0x9000005D  }
0xc5: {  	_ =	sfence  }
0xc6: {  	s30 =	sld [smem:$0x0];
	_ =	sdelay $0x2  }
0xc7: {  	s31 =	sshll.u32 s1, $0xD;
	s1 =	sshrl.u32 s1, $0x2  }
0xc8: {  	s4 =	sand.u32 $0x4000, s31;
	s1 =	sadd.s32 s1, s30  }
0xc9: {  	s0 =	sor.u32 s4, s0;
	s1 =	sshll.u32 s1, $0x11  }
0xca: {  	s0 =	sor.u32 s1, s0  }
0xcb: {  	s0 =	sadd.s32 $0x8F2B, s0  }
0xcc: {  	[sflag:s0] =	ssyncadd.remote.s32 $0x1  }
0xcd: {  	_ =	sfence.sel $0xFFFF  }
0xce: {  	[dreg:$0x0] =	wrdreg $0xFFFFFFFF;
	(pc) =	sbr.abs _section_cstart, $3  }
0xcf: {  	[dreg:$0x1] =	wrdreg $0xFFFFFFFF  }
0xd0: {  	_ =	task.clear_ibuf [dreg:s22], $0x2FFFF;
	_ =	strace $0x9FFFFFFF  }
0xd1: {  	(tm) =	ssettm $0x7FFFFFFF  }
tec
execute0_lowered:
.L_overlay_start_1:
0x0: {  	(tag) =	ssettag $0x1  }
0x1: {  	s8 =	rddreg [dreg:$0x0]  }
0x2: {  	s1 =	rddreg [dreg:$0x1]  }
0x3: {  	s2 =	srdreg.scid;
	s0 =	rddreg [dreg:$0x2]  }
0x4: {  	s3 =	simm.s32 $0x0;
	s15 =	simm.s32 $0x100;
	s16 =	simm.s32 $0x1  }
0x5: {  	s17 =	simm.s32 $0x0;
	s9 =	sand.u32 $0x1, s2;
	s2 =	stileid.u32  }
0x6: {  	[smem:$0x7FF] =	sst s3;
	s4 =	sadd.s32 $0x3AA00, s8;
	s7 =	smul.u32 $0x140000, s9  }
0x7: {  	s5 =	sadd.s32 $0x63200, s8;
	s6 =	sadd.s32 $0x6200, s8;
	s10 =	smul.u32 $0x14000, s2  }
0x8: {  	_ =	strace $0x8000005C;
	s26 =	ssub.s32 $0x2, s9;
	s13 =	smul.u32 $0x50000, s2  }
0x9: {  	s28 =	sshll.u32 s9, $0x4;
	s30 =	sshll.u32 s2, $0x6;
	s12 =	sshrl.u32 s26, $0x1  }
0xa: {  	s31 =	sor.u32 s2, s28;
	s7 =	sadd.s32 s10, s7;
	s12 =	ssub.s32 s26, s12  }
0xb: {  	s29 =	sshrl.u32 s13, $0x2;
	s9 =	smul.u32 $0x2800, s31;
	s11 =	sshrl.u32 s7, $0x3  }
0xc: {  	s13 =	simm.s32 $0x2;
	s7 =	sadd.s32 $0x10200, s8;
	s11 =	sadd.s32 s11, s8  }
0xd: {  	s14 =	sadd.s32 s29, s1;
	s8 =	sor.u32 $0x1C02, s30;
	s10 =	sadd.s32 $0x1AD200, s11  }
0xe: {  	s11 =	smax.u32 s12, $0x1;
	s12 =	sshrl.u32 s14, $0x3;
	s14 =	simm.s32 $0x80  }
.LBB2_1:
0xf: {  	[spmem:s12], [sflag:s8] =	dma.local [hbm:s7], $0x2800  }
0x10: {  	s18 =	sand.u32 $0x3C00, s3  }
0x11: {  	s19 =	sand.u32 $0x380, s3;
	_ =	swait.ge [sflag:s13], $0x2800;
	s18 =	sadd.s32 s9, s18  }
0x12: {  	[sflag:s13] =	ssyncset.done $0x0;
	s18 =	sor.u32 s19, s18  }
0x13: {  	[sflag:s13] =	ssyncadd.s32 $0xFFFFD800;
	s18 =	sshrl.u32 s18, $0x3  }
0x14: {  	[bflag:$0x0] =	sbarrier.arrive $0xFFFF;
	s29 =	sadd.s32 s5, s18  }
0x15: {  	[tilespmem:s3], [sflag:$0x2] =	stream.linear.gather [hbm4b:s29+s3], $0x80, $0x38;
	[tilespmem:$0x18100] =	vst v63  }
0x16: {  	_ =	swait.ge [sflag:s13], $0x80  }
0x17: {  	[sflag:s13] =	ssyncset.done $0x0  }
0x18: {  	[sflag:s13] =	ssyncadd.s32 $0xFFFFFF80  }
0x19: {  	[tilespmem:s15], [sflag:$0x1] =	stream.indirect.gather [hbm4b:s4+s14], $0x80, s3, s14, $0xb8;
	[tilespmem:$0x18100] =	vst v63  }
0x1a: {  	_ =	swait.ge [sflag:s16], $0x4000  }
0x1b: {  	[sflag:s16] =	ssyncset.done $0x0  }
0x1c: {  	s18 =	sadd.s32 s6, s18;
	[sflag:s16] =	ssyncadd.s32 $0xFFFFC000  }
0x1d: {  	[tilespmem:s14], [sflag:$0x2] =	stream.linear.gather [hbm4b:s18+s3], $0x80, $0x38;
	[tilespmem:$0x18100] =	vst v63  }
0x1e: {  	_ =	swait.ge [sflag:s13], $0x80  }
0x1f: {  	s30 =	simm.s32 $0x80;
	[sflag:s13] =	ssyncset.done $0x0  }
0x20: {  	s31 =	sand.u32 $0x3C00, s30;
	[sflag:s13] =	ssyncadd.s32 $0xFFFFFF80  }
0x21: {  	[spmem:s1] =	stream.indirect.scatter.add.f32 [tilespmem:s15], [sflag:$0x2], $0x80, s14, s14, $0xb8;
	[tilespmem:$0x18100] =	vst v63  }
0x22: {  	s20 =	sand.u32 $0x380, s30;
	s19 =	sadd.s32 s9, s31;
	_ =	swait.ge [sflag:s13], $0x4000  }
0x23: {  	s19 =	sor.u32 s20, s19;
	s18 =	simm.s32 $0x100;
	[sflag:s13] =	ssyncset.done $0x0  }
.LBB2_2:
0x24: {  	s19 =	sshrl.u32 s19, $0x3  }
0x25: {  	[sflag:s13] =	ssyncadd.s32 $0xFFFFC000;
	s20 =	smov.u32 s18;
	s21 =	sadd.s32 $0x80, s18  }
0x26: {  	p0 =	sne.s32 s18, $0x2780;
	s18 =	sadd.s32 s5, s19  }
0x27: {  	[tilespmem:s3], [sflag:$0x2] =	stream.linear.gather [hbm4b:s18+s3], $0x80, $0x38;
	[tilespmem:$0x18100] =	vst v63  }
0x28: {  	_ =	swait.ge [sflag:s13], $0x80  }
0x29: {  	[sflag:s13] =	ssyncset.done $0x0  }
0x2a: {  	[sflag:s13] =	ssyncadd.s32 $0xFFFFFF80  }
0x2b: {  	[tilespmem:s15], [sflag:$0x1] =	stream.indirect.gather [hbm4b:s4+s14], $0x80, s3, s14, $0xb8;
	[tilespmem:$0x18100] =	vst v63  }
0x2c: {  	_ =	swait.ge [sflag:s16], $0x4000  }
0x2d: {  	[sflag:s16] =	ssyncset.done $0x0  }
0x2e: {  	s18 =	sadd.s32 s6, s19;
	[sflag:s16] =	ssyncadd.s32 $0xFFFFC000  }
0x2f: {  	[tilespmem:s14], [sflag:$0x2] =	stream.linear.gather [hbm4b:s18+s3], $0x80, $0x38;
	[tilespmem:$0x18100] =	vst v63  }
0x30: {  	_ =	swait.ge [sflag:s13], $0x80  }
.Ltmp0:
0x31: {  	[sflag:s13] =	ssyncset.done $0x0;
	(pc) =	sbr.rel @p0 .LBB2_2-.Ltmp0, $4  }
0x32: {  	s18 =	sand.u32 $0x3C00, s20;
	[sflag:s13] =	ssyncadd.s32 $0xFFFFFF80  }
0x33: {  	[spmem:s1] =	stream.indirect.scatter.add.f32 [tilespmem:s15], [sflag:$0x2], $0x80, s14, s14, $0xb8;
	[tilespmem:$0x18100] =	vst v63  }
0x34: {  	s19 =	sand.u32 $0x380, s20;
	s18 =	sadd.s32 s9, s18;
	_ =	swait.ge [sflag:s13], $0x4000  }
0x35: {  	s19 =	sor.u32 s19, s18;
	s18 =	smov.u32 s21;
	[sflag:s13] =	ssyncset.done $0x0  }
0x36: {  	s18 =	sshrl.u32 s19, $0x3  }
0x37: {  	[sflag:s13] =	ssyncadd.s32 $0xFFFFC000;
	s19 =	sadd.s32 s5, s18  }
0x38: {  	[tilespmem:s3], [sflag:$0x2] =	stream.linear.gather [hbm4b:s19+s3], $0x80, $0x38;
	[tilespmem:$0x18100] =	vst v63  }
0x39: {  	_ =	swait.ge [sflag:s13], $0x80  }
0x3a: {  	[sflag:s13] =	ssyncset.done $0x0  }
0x3b: {  	[sflag:s13] =	ssyncadd.s32 $0xFFFFFF80  }
0x3c: {  	[tilespmem:s15], [sflag:$0x1] =	stream.indirect.gather [hbm4b:s4+s14], $0x80, s3, s14, $0xb8;
	[tilespmem:$0x18100] =	vst v63  }
0x3d: {  	_ =	swait.ge [sflag:s16], $0x4000  }
0x3e: {  	[sflag:s16] =	ssyncset.done $0x0  }
0x3f: {  	s18 =	sadd.s32 s6, s18;
	[sflag:s16] =	ssyncadd.s32 $0xFFFFC000  }
0x40: {  	[tilespmem:s14], [sflag:$0x2] =	stream.linear.gather [hbm4b:s18+s3], $0x80, $0x38;
	[tilespmem:$0x18100] =	vst v63  }
0x41: {  	_ =	swait.ge [sflag:s13], $0x80  }
0x42: {  	[sflag:s13] =	ssyncset.done $0x0  }
0x43: {  	[sflag:s13] =	ssyncadd.s32 $0xFFFFFF80  }
0x44: {  	[spmem:s1] =	stream.indirect.scatter.add.f32 [tilespmem:s15], [sflag:$0x2], $0x80, s14, s14, $0xb8;
	[tilespmem:$0x18100] =	vst v63  }
0x45: {  	_ =	swait.ge [sflag:s13], $0x4000  }
0x46: {  	s17 =	sadd.s32 $0x1, s17;
	[sflag:s13] =	ssyncset.done $0x0  }
0x47: {  	p0 =	sne.s32 s17, s11;
	[sflag:s13] =	ssyncadd.s32 $0xFFFFC000  }
.Ltmp1:
0x48: {  	[bflag:$0x0] =	sbarrier.arrive $0xFFFF;
	(pc) =	sbr.rel @p0 .LBB2_1-.Ltmp1, $4  }
0x49: {  	[hbm:s10], [sflag:s8] =	dma.local [spmem:s12], $0x2800  }
0x4a: {  	_ =	swait.ge [sflag:s13], $0x2800  }
0x4b: {  	[sflag:s13] =	ssyncset.done $0x0  }
0x4c: {  	[sflag:s13] =	ssyncadd.s32 $0xFFFFD800  }
0x4d: {  	_ =	sfence.sel $0x180000  }
0x4e: {  	[bflag:$0x0] =	sbarrier.arrive $0xFFFF  }
0x4f: {  	p0 =	sne.s32 s2, $0x0;
	_ =	strace $0x9000005C  }
0x50: {  	s0 =	sadd.s32 @!p0 $0x100000, s0;
	[bflag:$0x2] =	sbarrier.arrive $0xFFFF  }
0x51: {  	[sflag:s0] =	ssyncadd.tile.s32 @!p0 $0x1;
	_ =	shalt  }
.Lfunc_end2:
_tile_overlayer_lowered:
.L_overlay_start_2:
0x52: {  	(tag) =	ssettag $0x2  }
0x53: {  	s0 =	rddreg [dreg:$0x0];
	s2 =	stileid.u32  }
0x54: {  	s1 =	rddreg [dreg:$0x1];
	p0 =	sne.s32 s2, $0x0  }
0x55: {  	s3 =	rddreg [dreg:$0x2];
	[bflag:$0x3] =	sbarrier.arrive $0xFFFF;
	s2 =	simm.s32 @!p0 $0x1C02  }
0x56: {  	[timem:s3], [sflag:s2] =	dma.local @!p0 [hbm:s0], s1  }
0x57: {  	s0 =	simm.s32 @!p0 $0x2  }
0x58: {  	_ =	swait.ge @!p0 [sflag:s0], s1  }
0x59: {  	s1 =	ssub.s32 @!p0 $0x0, s1;
	[sflag:s0] =	ssyncset.done @!p0 $0x0  }
0x5a: {  	[sflag:s0] =	ssyncadd.s32 @!p0 s1  }
0x5b: {  	[bflag:$0x3] =	sbarrier.arrive $0xFFFF  }
0x5c: {  	_ =	shalt  }

// kernel: kernel.47.cloned.1.call-start
scs
__scs_entry_jumppad:
0x0: {  	(pc) =	sbr.rel $0x88, $3  }
0x1: {  	(tag) =	ssettag $0x0;
	lr =	simm.s32 $0x1  }
0x2: {  	[smem:$0x3F8E] =	sst lr;
	_ =	strace $0xD0000000  }
0x3: {  	_ = 	snop  }
0x4: {  	_ = 	snop  }
0x5: {  	_ = 	snop  }
0x6: {  	_ = 	snop  }
0x7: {  	_ = 	snop  }
__scs_overlays_trampoline_lowered:
0x8: {  	[smem:$0x3F9D] =	sst s0  }
0x9: {  	[smem:$0x3F9E] =	sst s1  }
0xa: {  	[smem:$0x3F9F] =	sst s2  }
0xb: {  	[smem:$0x3FA0] =	sst s3  }
0xc: {  	[smem:$0x3FA1] =	sst s4  }
0xd: {  	[smem:$0x3FA2] =	sst s5  }
0xe: {  	[smem:$0x3FA3] =	sst s6  }
0xf: {  	[smem:$0x3FA4] =	sst s7  }
0x10: {  	[smem:$0x3FA5] =	sst s8  }
0x11: {  	[smem:$0x3FA6] =	sst s9;
	s0 =	simm.s32 @!p0 $0x0  }
0x12: {  	s1 =	sld [smem:$0x3F8C];
	s0 =	simm.s32 @p0 $0x1  }
0x13: {  	[smem:$0x3FA7] =	sst s0;
	s0 =	simm.s32 @!p1 $0x0  }
0x14: {  	s2 =	sld [smem:$0x3F8B];
	s0 =	simm.s32 @p1 $0x1  }
0x15: {  	[smem:$0x3FA8] =	sst s0;
	s0 =	simm.s32 @!p2 $0x0  }
0x16: {  	s3 =	sld [smem:$0x3FDB];
	s0 =	simm.s32 @p2 $0x1  }
0x17: {  	s4 =	simm.s32 $0x1BF5;
	[smem:$0x3FAA] =	sst s0  }
0x18: {  	s0 =	sld [smem:$0x3F8D];
	_ =	swait.ge [sflag:s4], $0x0  }
0x19: {  	s7 =	sld [smem:$0x3F8E]  }
0x1a: {  	s8 =	sadd.s32 $0xFFFFE003, lr  }
0x1b: {  	s9 =	sadd.s32 $0xFFFFFEF7, lr;
	s5 =	simm.s32 $0xFFFFFFFF;
	p2 =	slt.u32 s8, $0xFFFFF086  }
0x1c: {  	p1 =	slt.u32 s9, $0xF7A;
	s5 =	simm.s32 @!p2 $0x0  }
0x1d: {  	s5 =	simm.s32 @p1 $0x1;
	p0 =	seq.s32 s7, s2  }
0x1e: {  	s7 =	smul.u32 @!p0 $0xF7A, s2;
	p2 =	seq.s32 @!p0 s5, $0x0  }
0x1f: {  	s9 =	smul.u32 $0xF7A, s1;
	s8 =	simm.s32 @!p0 $0x1BF5;
	p2 =	por !p2, p0  }
0x20: {  	[sflag:s8] =	ssyncset.s32 @!p0 $0xFFFFF086;
	s6 =	sadd.s32 @!p0 s3, s7;
	s7 =	simm.s32 @!p0 $0x108  }
0x21: {  	s3 =	sadd.s32 s3, s9;
	s6 =	sadd.s32 @!p0 $0x88, s6;
	s7 =	simm.s32 @p2 $0x1082  }
0x22: {  	[simem:s7], [sflag:s8] =	dma.local @!p0 [hbm:s6], $0xF7A  }
0x23: {  	s9 =	sor.u32 $0xD0000000, s2;
	s6 =	simm.s32 $0x108;
	_ =	swait.ge @!p0 [sflag:s8], $0x0  }
0x24: {  	s3 =	sadd.s32 $0x88, s3;
	s6 =	simm.s32 @!p1 $0x1082;
	[sflag:s4] =	ssyncset.s32 $0xFFFFF086  }
0x25: {  	[simem:s6], [sflag:s4] =	dma.local [hbm:s3], $0xF7A  }
0x26: {  	[smem:$0x3F8E] =	sst s1;
	(tag) =	ssettag s2;
	_ =	strace s9  }
0x27: {  	s1 =	sld [smem:$0x3F9E]  }
0x28: {  	s2 =	sld [smem:$0x3F9F]  }
0x29: {  	s4 =	sld [smem:$0x3FA1]  }
0x2a: {  	p0 =	seq.s32 s5, $0x0;
	s5 =	sld [smem:$0x3FA2]  }
0x2b: {  	s6 =	sld [smem:$0x3FA3]  }
0x2c: {  	s7 =	sld [smem:$0x3FA4]  }
0x2d: {  	s3 =	simm.s32 $0x108;
	s8 =	sld [smem:$0x3FA5]  }
0x2e: {  	s3 =	simm.s32 @!p0 $0x1082;
	s9 =	sld [smem:$0x3FA6]  }
0x2f: {  	lr =	sadd.s32 s0, s3;
	s0 =	sld [smem:$0x3F9D]  }
0x30: {  	s3 =	sld [smem:$0x3FA0]  }
0x31: {  	[smem:$0x3FA9] =	sst s10  }
0x32: {  	s10 =	sld [smem:$0x3FA7];
	_ =	sdelay $0x3  }
0x33: {  	p0 =	seq.s32 s10, $0x1;
	s10 =	sld [smem:$0x3FA9];
	_ =	sdelay $0x3  }
0x34: {  	[smem:$0x3FA9] =	sst s10  }
0x35: {  	s10 =	sld [smem:$0x3FA8];
	_ =	sdelay $0x3  }
0x36: {  	p1 =	seq.s32 s10, $0x1;
	s10 =	sld [smem:$0x3FA9];
	_ =	sdelay $0x3  }
0x37: {  	[smem:$0x3FA9] =	sst s10  }
0x38: {  	s10 =	sld [smem:$0x3FAA]  }
0x39: {  	_ = 	snop;
	(pc) =	sbr.ind lr, $3  }
0x3a: {  	_ = 	snop  }
0x3b: {  	_ = 	snop  }
0x3c: {  	p2 =	seq.s32 s10, $0x1;
	s10 =	sld [smem:$0x3FA9]  }
0x3d: {  	_ =	shalt  }
0x3e: {  	_ =	shalt  }
0x3f: {  	_ =	shalt  }
0x40: {  	_ =	shalt  }
0x41: {  	_ =	shalt  }
0x42: {  	_ =	shalt  }
0x43: {  	_ =	shalt  }
0x44: {  	_ =	shalt  }
0x45: {  	_ =	shalt  }
0x46: {  	_ =	shalt  }
0x47: {  	_ =	shalt  }
0x48: {  	_ =	shalt  }
0x49: {  	_ =	shalt  }
0x4a: {  	_ =	shalt  }
0x4b: {  	_ =	shalt  }
0x4c: {  	_ =	shalt  }
0x4d: {  	_ =	shalt  }
0x4e: {  	_ =	shalt  }
0x4f: {  	_ =	shalt  }
0x50: {  	_ =	shalt  }
0x51: {  	_ =	shalt  }
0x52: {  	_ =	shalt  }
0x53: {  	_ =	shalt  }
0x54: {  	_ =	shalt  }
0x55: {  	_ =	shalt  }
0x56: {  	_ =	shalt  }
0x57: {  	_ =	shalt  }
0x58: {  	_ =	shalt  }
0x59: {  	_ =	shalt  }
0x5a: {  	_ =	shalt  }
0x5b: {  	_ =	shalt  }
0x5c: {  	_ =	shalt  }
0x5d: {  	_ =	shalt  }
0x5e: {  	_ =	shalt  }
0x5f: {  	_ =	shalt  }
0x60: {  	_ =	shalt  }
0x61: {  	_ =	shalt  }
0x62: {  	_ =	shalt  }
0x63: {  	_ =	shalt  }
0x64: {  	_ =	shalt  }
0x65: {  	_ =	shalt  }
0x66: {  	_ =	shalt  }
0x67: {  	_ =	shalt  }
0x68: {  	_ =	shalt  }
0x69: {  	_ =	shalt  }
0x6a: {  	_ =	shalt  }
0x6b: {  	_ =	shalt  }
0x6c: {  	_ =	shalt  }
0x6d: {  	_ =	shalt  }
0x6e: {  	_ =	shalt  }
0x6f: {  	_ =	shalt  }
0x70: {  	_ =	shalt  }
0x71: {  	_ =	shalt  }
0x72: {  	_ =	shalt  }
0x73: {  	_ =	shalt  }
0x74: {  	_ =	shalt  }
0x75: {  	_ =	shalt  }
0x76: {  	_ =	shalt  }
0x77: {  	_ =	shalt  }
0x78: {  	_ =	shalt  }
0x79: {  	_ =	shalt  }
0x7a: {  	_ =	shalt  }
0x7b: {  	_ =	shalt  }
0x7c: {  	_ =	shalt  }
0x7d: {  	_ =	shalt  }
0x7e: {  	_ =	shalt  }
0x7f: {  	_ =	shalt  }
0x80: {  	_ =	shalt  }
0x81: {  	_ =	shalt  }
0x82: {  	_ =	shalt  }
0x83: {  	_ =	shalt  }
0x84: {  	_ =	shalt  }
0x85: {  	_ =	shalt  }
0x86: {  	_ =	shalt  }
0x87: {  	_ =	shalt  }
.Lfunc_end0:
.L_simem_size_0:
called_computation.9_lowered:
.L_overlay_start_0:
0x88: {  	s2 =	sld [smem:$0x3FD9]  }
0x89: {  	s3 =	sld [smem:$0x3FFE];
	_ =	sdelay $0x1  }
0x8a: {  	s1 =	srdreg.scid  }
0x8b: {  	s0 =	sand.u32 $0x1, s1  }
0x8c: {  	s16 =	sshll.u32 s0, $0xA;
	s2 =	sadd.s32 s3, s2  }
0x8d: {  	s2 =	sadd.s32 s2, s16  }
0x8e: {  	[smem:$0x3FB5] =	sst s2  }
0x8f: {  	_ = 	snop  }
0x90: {  	(tm) =	ssettm $0x1  }
0x91: {  	s17 =	sld [smem:$0x3FFB];
	_ =	sdelay $0x3  }
0x92: {  	_ =	strace s17  }
0x93: {  	s2 =	sld [smem:$0x3FFC];
	_ =	sdelay $0x3  }
0x94: {  	_ =	strace s2  }
0x95: {  	s2 =	sld [smem:$0x3FFD];
	_ =	sdelay $0x3  }
0x96: {  	_ =	strace s2  }
0x97: {  	_ =	strace $0x8FFFFFFF  }
0x98: {  	s18 =	sld [smem:$0x3FDB];
	_ =	sdelay $0x1  }
0x99: {  	s19 =	simm.s32 $_scs_section_size  }
0x9a: {  	s4 =	simm.s32 $_size__tile_overlayer_lowered;
	s5 =	simm.s32 $_tile_overlayer_lowered  }
0x9b: {  	s22 =	simm.s32 $0x1BFF;
	s21 =	sshll.u32 s5, $0x1;
	s2 =	sadd.s32 s19, s18  }
0x9c: {  	s6 =	simm.s32 $0x0;
	s20 =	sshll.u32 s4, $0x1;
	s4 =	sadd.s32 s21, s2  }
0x9d: {  	[timem:s6], [sflag:s22] =	dma.local [hbm:s4], s20  }
0x9e: {  	_ =	swait.ge [sflag:s22], s20  }
0x9f: {  	s3 =	ssub.s32 $0x0, s20;
	[sflag:s22] =	ssyncset.done $0x0  }
0xa0: {  	[sflag:s22] =	ssyncadd.s32 s3;
	_ =	sdelay $0x1  }
0xa1: {  	s23 =	simm.s32 $0x1B8B  }
0xa2: {  	_ =	swait.ge [sflag:s23], $0x1  }
0xa3: {  	[sflag:s23] =	ssyncset.done $0x0  }
0xa4: {  	s25 =	simm.s32 $0x1B8E;
	s24 =	sld [smem:$0x3FFE];
	[sflag:s23] =	ssyncadd.s32 $0xFFFFFFFF  }
0xa5: {  	s26 =	simm.s32 $execute0_lowered;
	[smem:$0x3FD2] =	sst s25  }
0xa6: {  	s4 =	sshll.u32 s26, $0x1;
	_ =	strace $0x80000058;
	[dreg:$0x1] =	wrdreg $0xFFFFFFFF  }
0xa7: {  	s28 =	simm.s32 $_size_execute0_lowered;
	s2 =	sadd.s32 s2, s4;
	[dreg:$0x0] =	wrdreg $0x0  }
0xa8: {  	s4 =	sshll.u32 s28, $0x1;
	[dreg:$0x2] =	wrdreg s2  }
0xa9: {  	[dreg:$0x3] =	wrdreg s4  }
0xaa: {  	[dreg:$0x4] =	wrdreg $0xC0  }
0xab: {  	_ =	task [dreg:s6], $0x5FFFF  }
0xac: {  	[dreg:$0x1] =	wrdreg $0xFFFFFFFF  }
0xad: {  	[dreg:$0x0] =	wrdreg $0x60  }
0xae: {  	[dreg:$0x2] =	wrdreg s24  }
0xaf: {  	[dreg:$0x3] =	wrdreg $0x41000  }
0xb0: {  	[dreg:$0x4] =	wrdreg $0xC  }
0xb1: {  	_ =	task.clear_ibuf [dreg:s6], $0x5FFFF;
	_ =	strace $0x90000058  }
0xb2: {  	s29 =	simm.s32 $0xC;
	_ =	strace $0x8000005A  }
0xb3: {  	_ =	swait.ge [sflag:s29], $0x1  }
0xb4: {  	[sflag:s29] =	ssyncadd.s32 $0xFFFFFFFF  }
0xb5: {  	_ =	strace $0x9000005A  }
0xb6: {  	_ =	sfence  }
0xb7: {  	s30 =	sld [smem:$0x0];
	_ =	sdelay $0x2  }
0xb8: {  	s31 =	sshll.u32 s1, $0xD;
	s1 =	sshrl.u32 s1, $0x2  }
0xb9: {  	s3 =	sand.u32 $0x4000, s31;
	s1 =	sadd.s32 s1, s30  }
0xba: {  	s0 =	sor.u32 s3, s0;
	s1 =	sshll.u32 s1, $0x11  }
0xbb: {  	s0 =	sor.u32 s1, s0  }
0xbc: {  	s0 =	sadd.s32 $0x8F2B, s0  }
0xbd: {  	[sflag:s0] =	ssyncadd.remote.s32 $0x1  }
0xbe: {  	_ =	sfence.sel $0xFFFF  }
0xbf: {  	[dreg:$0x0] =	wrdreg $0xFFFFFFFF;
	(pc) =	sbr.abs _section_cstart, $3  }
0xc0: {  	[dreg:$0x1] =	wrdreg $0xFFFFFFFF  }
0xc1: {  	_ =	task.clear_ibuf [dreg:s6], $0x2FFFF;
	_ =	strace $0x9FFFFFFF  }
0xc2: {  	(tm) =	ssettm $0x7FFFFFFF  }
0xc3: {  	_ =	shalt  }
tec
execute0_lowered:
.L_overlay_start_1:
0x0: {  	(tag) =	ssettag $0x1  }
0x1: {  	s8 =	rddreg [dreg:$0x0]  }
0x2: {  	s1 =	rddreg [dreg:$0x1]  }
0x3: {  	s2 =	srdreg.scid;
	s0 =	rddreg [dreg:$0x2]  }
0x4: {  	s3 =	simm.s32 $0x0;
	s15 =	simm.s32 $0x100;
	s16 =	simm.s32 $0x1  }
0x5: {  	s17 =	simm.s32 $0x0;
	s9 =	sand.u32 $0x1, s2;
	s2 =	stileid.u32  }
0x6: {  	[smem:$0x7FF] =	sst s3;
	s4 =	sadd.s32 $0x12A00, s8;
	s7 =	smul.u32 $0x140000, s9  }
0x7: {  	s5 =	sadd.s32 $0x63200, s8;
	s6 =	sadd.s32 $0x6200, s8;
	s10 =	smul.u32 $0x14000, s2  }
0x8: {  	_ =	strace $0x80000059;
	s26 =	ssub.s32 $0x2, s9;
	s13 =	smul.u32 $0x50000, s2  }
0x9: {  	s28 =	sshll.u32 s9, $0x4;
	s30 =	sshll.u32 s2, $0x6;
	s12 =	sshrl.u32 s26, $0x1  }
0xa: {  	s31 =	sor.u32 s2, s28;
	s7 =	sadd.s32 s10, s7;
	s12 =	ssub.s32 s26, s12  }
0xb: {  	s29 =	sshrl.u32 s13, $0x2;
	s9 =	smul.u32 $0x2800, s31;
	s11 =	sshrl.u32 s7, $0x3  }
0xc: {  	s13 =	simm.s32 $0x2;
	s7 =	sadd.s32 $0x10200, s8;
	s11 =	sadd.s32 s11, s8  }
0xd: {  	s14 =	sadd.s32 s29, s1;
	s8 =	sor.u32 $0x1C02, s30;
	s10 =	sadd.s32 $0xBD200, s11  }
0xe: {  	s11 =	smax.u32 s12, $0x1;
	s12 =	sshrl.u32 s14, $0x3;
	s14 =	simm.s32 $0x80  }
.LBB2_1:
0xf: {  	[spmem:s12], [sflag:s8] =	dma.local [hbm:s7], $0x2800  }
0x10: {  	s18 =	sand.u32 $0x3C00, s3  }
0x11: {  	s19 =	sand.u32 $0x380, s3;
	_ =	swait.ge [sflag:s13], $0x2800;
	s18 =	sadd.s32 s9, s18  }
0x12: {  	[sflag:s13] =	ssyncset.done $0x0;
	s18 =	sor.u32 s19, s18  }
0x13: {  	[sflag:s13] =	ssyncadd.s32 $0xFFFFD800;
	s18 =	sshrl.u32 s18, $0x3  }
0x14: {  	[bflag:$0x0] =	sbarrier.arrive $0xFFFF;
	s29 =	sadd.s32 s5, s18  }
0x15: {  	[tilespmem:s3], [sflag:$0x2] =	stream.linear.gather [hbm4b:s29+s3], $0x80, $0x38;
	[tilespmem:$0x18100] =	vst v63  }
0x16: {  	_ =	swait.ge [sflag:s13], $0x80  }
0x17: {  	[sflag:s13] =	ssyncset.done $0x0  }
0x18: {  	[sflag:s13] =	ssyncadd.s32 $0xFFFFFF80  }
0x19: {  	[tilespmem:s15], [sflag:$0x1] =	stream.indirect.gather [hbm4b:s4+s14], $0x80, s3, s14, $0xb8;
	[tilespmem:$0x18100] =	vst v63  }
0x1a: {  	_ =	swait.ge [sflag:s16], $0x4000  }
0x1b: {  	[sflag:s16] =	ssyncset.done $0x0  }
0x1c: {  	s18 =	sadd.s32 s6, s18;
	[sflag:s16] =	ssyncadd.s32 $0xFFFFC000  }
0x1d: {  	[tilespmem:s14], [sflag:$0x2] =	stream.linear.gather [hbm4b:s18+s3], $0x80, $0x38;
	[tilespmem:$0x18100] =	vst v63  }
0x1e: {  	_ =	swait.ge [sflag:s13], $0x80  }
0x1f: {  	s30 =	simm.s32 $0x80;
	[sflag:s13] =	ssyncset.done $0x0  }
0x20: {  	s31 =	sand.u32 $0x3C00, s30;
	[sflag:s13] =	ssyncadd.s32 $0xFFFFFF80  }
0x21: {  	[spmem:s1] =	stream.indirect.scatter.add.f32 [tilespmem:s15], [sflag:$0x2], $0x80, s14, s14, $0xb8;
	[tilespmem:$0x18100] =	vst v63  }
0x22: {  	s20 =	sand.u32 $0x380, s30;
	s19 =	sadd.s32 s9, s31;
	_ =	swait.ge [sflag:s13], $0x4000  }
0x23: {  	s19 =	sor.u32 s20, s19;
	s18 =	simm.s32 $0x100;
	[sflag:s13] =	ssyncset.done $0x0  }
.LBB2_2:
0x24: {  	s19 =	sshrl.u32 s19, $0x3  }
0x25: {  	[sflag:s13] =	ssyncadd.s32 $0xFFFFC000;
	s20 =	smov.u32 s18;
	s21 =	sadd.s32 $0x80, s18  }
0x26: {  	p0 =	sne.s32 s18, $0x2780;
	s18 =	sadd.s32 s5, s19  }
0x27: {  	[tilespmem:s3], [sflag:$0x2] =	stream.linear.gather [hbm4b:s18+s3], $0x80, $0x38;
	[tilespmem:$0x18100] =	vst v63  }
0x28: {  	_ =	swait.ge [sflag:s13], $0x80  }
0x29: {  	[sflag:s13] =	ssyncset.done $0x0  }
0x2a: {  	[sflag:s13] =	ssyncadd.s32 $0xFFFFFF80  }
0x2b: {  	[tilespmem:s15], [sflag:$0x1] =	stream.indirect.gather [hbm4b:s4+s14], $0x80, s3, s14, $0xb8;
	[tilespmem:$0x18100] =	vst v63  }
0x2c: {  	_ =	swait.ge [sflag:s16], $0x4000  }
0x2d: {  	[sflag:s16] =	ssyncset.done $0x0  }
0x2e: {  	s18 =	sadd.s32 s6, s19;
	[sflag:s16] =	ssyncadd.s32 $0xFFFFC000  }
0x2f: {  	[tilespmem:s14], [sflag:$0x2] =	stream.linear.gather [hbm4b:s18+s3], $0x80, $0x38;
	[tilespmem:$0x18100] =	vst v63  }
0x30: {  	_ =	swait.ge [sflag:s13], $0x80  }
.Ltmp0:
0x31: {  	[sflag:s13] =	ssyncset.done $0x0;
	(pc) =	sbr.rel @p0 .LBB2_2-.Ltmp0, $4  }
0x32: {  	s18 =	sand.u32 $0x3C00, s20;
	[sflag:s13] =	ssyncadd.s32 $0xFFFFFF80  }
0x33: {  	[spmem:s1] =	stream.indirect.scatter.add.f32 [tilespmem:s15], [sflag:$0x2], $0x80, s14, s14, $0xb8;
	[tilespmem:$0x18100] =	vst v63  }
0x34: {  	s19 =	sand.u32 $0x380, s20;
	s18 =	sadd.s32 s9, s18;
	_ =	swait.ge [sflag:s13], $0x4000  }
0x35: {  	s19 =	sor.u32 s19, s18;
	s18 =	smov.u32 s21;
	[sflag:s13] =	ssyncset.done $0x0  }
0x36: {  	s18 =	sshrl.u32 s19, $0x3  }
0x37: {  	[sflag:s13] =	ssyncadd.s32 $0xFFFFC000;
	s19 =	sadd.s32 s5, s18  }
0x38: {  	[tilespmem:s3], [sflag:$0x2] =	stream.linear.gather [hbm4b:s19+s3], $0x80, $0x38;
	[tilespmem:$0x18100] =	vst v63  }
0x39: {  	_ =	swait.ge [sflag:s13], $0x80  }
0x3a: {  	[sflag:s13] =	ssyncset.done $0x0  }
0x3b: {  	[sflag:s13] =	ssyncadd.s32 $0xFFFFFF80  }
0x3c: {  	[tilespmem:s15], [sflag:$0x1] =	stream.indirect.gather [hbm4b:s4+s14], $0x80, s3, s14, $0xb8;
	[tilespmem:$0x18100] =	vst v63  }
0x3d: {  	_ =	swait.ge [sflag:s16], $0x4000  }
0x3e: {  	[sflag:s16] =	ssyncset.done $0x0  }
0x3f: {  	s18 =	sadd.s32 s6, s18;
	[sflag:s16] =	ssyncadd.s32 $0xFFFFC000  }
0x40: {  	[tilespmem:s14], [sflag:$0x2] =	stream.linear.gather [hbm4b:s18+s3], $0x80, $0x38;
	[tilespmem:$0x18100] =	vst v63  }
0x41: {  	_ =	swait.ge [sflag:s13], $0x80  }
0x42: {  	[sflag:s13] =	ssyncset.done $0x0  }
0x43: {  	[sflag:s13] =	ssyncadd.s32 $0xFFFFFF80  }
0x44: {  	[spmem:s1] =	stream.indirect.scatter.add.f32 [tilespmem:s15], [sflag:$0x2], $0x80, s14, s14, $0xb8;
	[tilespmem:$0x18100] =	vst v63  }
0x45: {  	_ =	swait.ge [sflag:s13], $0x4000  }
0x46: {  	s17 =	sadd.s32 $0x1, s17;
	[sflag:s13] =	ssyncset.done $0x0  }
0x47: {  	p0 =	sne.s32 s17, s11;
	[sflag:s13] =	ssyncadd.s32 $0xFFFFC000  }
.Ltmp1:
0x48: {  	[bflag:$0x0] =	sbarrier.arrive $0xFFFF;
	(pc) =	sbr.rel @p0 .LBB2_1-.Ltmp1, $4  }
0x49: {  	[hbm:s10], [sflag:s8] =	dma.local [spmem:s12], $0x2800  }
0x4a: {  	_ =	swait.ge [sflag:s13], $0x2800  }
0x4b: {  	[sflag:s13] =	ssyncset.done $0x0  }
0x4c: {  	[sflag:s13] =	ssyncadd.s32 $0xFFFFD800  }
0x4d: {  	_ =	sfence.sel $0x180000  }
0x4e: {  	[bflag:$0x0] =	sbarrier.arrive $0xFFFF  }
0x4f: {  	p0 =	sne.s32 s2, $0x0;
	_ =	strace $0x90000059  }
0x50: {  	s0 =	sadd.s32 @!p0 $0x100000, s0;
	[bflag:$0x2] =	sbarrier.arrive $0xFFFF  }
0x51: {  	[sflag:s0] =	ssyncadd.tile.s32 @!p0 $0x1;
	_ =	shalt  }
.Lfunc_end2:
_tile_overlayer_lowered:
.L_overlay_start_2:
0x52: {  	(tag) =	ssettag $0x2  }
0x53: {  	s0 =	rddreg [dreg:$0x0];
	s2 =	stileid.u32  }
0x54: {  	s1 =	rddreg [dreg:$0x1];
	p0 =	sne.s32 s2, $0x0  }
0x55: {  	s3 =	rddreg [dreg:$0x2];
	[bflag:$0x3] =	sbarrier.arrive $0xFFFF;
	s2 =	simm.s32 @!p0 $0x1C02  }
0x56: {  	[timem:s3], [sflag:s2] =	dma.local @!p0 [hbm:s0], s1  }
0x57: {  	s0 =	simm.s32 @!p0 $0x2  }
0x58: {  	_ =	swait.ge @!p0 [sflag:s0], s1  }
0x59: {  	s1 =	ssub.s32 @!p0 $0x0, s1;
	[sflag:s0] =	ssyncset.done @!p0 $0x0  }
0x5a: {  	[sflag:s0] =	ssyncadd.s32 @!p0 s1  }
0x5b: {  	[bflag:$0x3] =	sbarrier.arrive $0xFFFF  }
0x5c: {  	_ =	shalt  }

</sc_bundles>
